<compile_context>
chip_gen: v7x
topology: tpu7x:2x2x1
jax: 0.10.2.dev20260603
libtpu: 0.0.44.dev20260713+nightly
codegen_flags: <defaults>
</compile_context>

<pallas_src>
import functools

import jax
import jax.numpy as jnp
from jax import lax
from jax.experimental import pallas as pl
from jax.experimental.pallas import tpu as pltpu
from jax.experimental.pallas import tpu_sc as plsc

_B, _C, _N = 8, 128, 65536
_K = 2048
_H1, _H2 = 64, 64
_OUT = 144
_NT = 4096
_L = 16
_NBINS = 1024
_CAND = 4096
_PAD_KEY = 0x3FFFFFFF


def _imp_body(h_ref, W1_ref, b1_ref, W2_ref, b2_ref, Wa_ref, ba_ref, out_ref):
    hb = h_ref[0]
    f1 = jax.lax.dot(W1_ref[...], hb, preferred_element_type=jnp.float32)
    f1 = f1 + b1_ref[...].T
    f1 = jnp.where(f1 >= 0, f1, 0.1 * f1)
    f2 = jax.lax.dot(W2_ref[...], f1, preferred_element_type=jnp.float32)
    f2 = f2 + b2_ref[...].T
    f2 = jnp.where(f2 >= 0, f2, 0.1 * f2)
    a = jax.lax.dot(Wa_ref[...], f2, preferred_element_type=jnp.float32)
    a = a + ba_ref[...]
    out_ref[...] = jnp.clip(jax.nn.sigmoid(a), 0.0, 1.0)[None]


def _importance(h, W1, b1, W2, b2, Wa, ba):
    grid = (_B, _N // _NT)
    return pl.pallas_call(
        _imp_body,
        grid=grid,
        in_specs=[
            pl.BlockSpec((1, _C, _NT), lambda b, n: (b, 0, n)),
            pl.BlockSpec((_H1, _C), lambda b, n: (0, 0)),
            pl.BlockSpec((1, _H1), lambda b, n: (0, 0)),
            pl.BlockSpec((_H2, _H1), lambda b, n: (0, 0)),
            pl.BlockSpec((1, _H2), lambda b, n: (0, 0)),
            pl.BlockSpec((1, _H2), lambda b, n: (0, 0)),
            pl.BlockSpec((1, 1), lambda b, n: (0, 0)),
        ],
        out_specs=pl.BlockSpec((1, 1, _NT), lambda b, n: (b, 0, n)),
        out_shape=jax.ShapeDtypeStruct((_B, 1, _N), jnp.float32),
    )(h, W1, b1.reshape(1, _H1), W2, b2.reshape(1, _H2), Wa,
      ba.reshape(1, 1)).reshape(_B, _N)


_U = 4


def _sc_topk_body(imp_hbm, inds_hbm, row_v, histp, histp2, hist_v, cka,
                  cia, ckb, cib):
    cid = lax.axis_index("c")
    sid = lax.axis_index("s")
    row = cid * (_B // 2) + sid

    @pl.when(sid < _B // 2)
    def _():
        pltpu.sync_copy(imp_hbm.at[row], row_v)
        zeros = jnp.zeros((_L,), jnp.int32)

        def zero_partials(g, _):
            for u in range(_U):
                histp[pl.ds((g * _U + u) * _L, _L)] = zeros
            return 0

        def hist_step(g, _):
            for u in range(_U):
                i = g * _U + u
                bits = lax.bitcast_convert_type(row_v[pl.ds(i * _L, _L)],
                                                jnp.int32)
                b = jnp.minimum(bits >> 20, _NBINS - 1)
                cnt, last = plsc.scan_count(b)
                plsc.addupdate_scatter(histp, [u * _NBINS + b], cnt,
                                       mask=last)
            return 0

        lax.fori_loop(0, _U * _NBINS // _L // _U, zero_partials, 0)
        lax.fori_loop(0, _N // _L // _U, hist_step, 0)

        def merged(i):
            hvec = histp[pl.ds(i * _L, _L)]
            for u in range(1, _U):
                hvec = hvec + histp[pl.ds(u * _NBINS + i * _L, _L)]
            return hvec

        lane = lax.iota(jnp.int32, _L)

        def find_desc(nvregs, load_vec, quota):
            def step(j, carry):
                above, found, bsel, absel, csel = carry
                i = nvregs - 1 - j
                hvec = load_vec(i)
                sfx = lax.rev(plsc.cumsum(lax.rev(hvec, (0,))), (0,))
                incl = sfx + above
                strict = incl - hvec
                npass = jnp.sum((incl >= quota).astype(jnp.int32))
                asel = jnp.sum(jnp.where(lane == npass - 1, strict, 0))
                hsel = jnp.sum(jnp.where(lane == npass - 1, hvec, 0))
                take = jnp.logical_and(jnp.logical_not(found), npass > 0)
                bsel = jnp.where(take, i * _L + npass - 1, bsel)
                absel = jnp.where(take, asel, absel)
                csel = jnp.where(take, hsel, csel)
                found = jnp.logical_or(found, npass > 0)
                return above + jnp.sum(hvec), found, bsel, absel, csel

            _, _, bsel, absel, csel = lax.fori_loop(
                0, nvregs, step,
                (jnp.int32(0), jnp.bool_(False), jnp.int32(0),
                 jnp.int32(0), jnp.int32(0)))
            return bsel, absel, csel

        bstar, above12, count12 = find_desc(_NBINS // _L, merged, _K)
        quota2 = _K - above12

        def zero_p2(g, _):
            for u in range(_U):
                histp2[pl.ds((g * _U + u) * _L, _L)] = zeros
            return 0

        def hist2_step(g, _):
            for u in range(_U):
                i = g * _U + u
                bits = lax.bitcast_convert_type(row_v[pl.ds(i * _L, _L)],
                                                jnp.int32)
                inbin = (bits >> 20) == bstar
                d2 = (bits >> 8) & 0xFFF
                cnt, last = plsc.scan_count(d2, mask=inbin)
                plsc.addupdate_scatter(histp2, [u * 4096 + d2], cnt,
                                       mask=jnp.logical_and(last, inbin))
            return 0

        def merged2(i):
            hvec = histp2[pl.ds(i * _L, _L)]
            for u in range(1, _U):
                hvec = hvec + histp2[pl.ds(u * 4096 + i * _L, _L)]
            return hvec

        def merged3(i):
            hvec = hist_v[pl.ds(i * _L, _L)]
            for u in range(1, _U):
                hvec = hvec + hist_v[pl.ds(u * 256 + i * _L, _L)]
            return hvec

        def zero_p3(g, _):
            for u in range(_U):
                hist_v[pl.ds((g * _U + u) * _L, _L)] = zeros
            return 0

        def refine(_):
            lax.fori_loop(0, 4096 // _L, zero_p2, 0)
            lax.fori_loop(0, _N // _L // _U, hist2_step, 0)
            b2star, above2, _c2 = find_desc(4096 // _L, merged2, quota2)
            quota3 = quota2 - above2
            pref24 = (bstar << 12) | b2star

            def hist3_step(g, _):
                for u in range(_U):
                    i = g * _U + u
                    bits = lax.bitcast_convert_type(
                        row_v[pl.ds(i * _L, _L)], jnp.int32)
                    inbin = (bits >> 8) == pref24
                    d3 = bits & 0xFF
                    cnt, last = plsc.scan_count(d3, mask=inbin)
                    plsc.addupdate_scatter(
                        hist_v, [u * 256 + d3], cnt,
                        mask=jnp.logical_and(last, inbin))
                return 0

            lax.fori_loop(0, _NBINS // _L // _U, zero_p3, 0)
            lax.fori_loop(0, _N // _L // _U, hist3_step, 0)
            b3star, _a3, _c3 = find_desc(256 // _L, merged3, quota3)
            return (pref24 << 8) | b3star

        thresh = lax.cond(above12 + count12 > _CAND - _U * _L,
                          refine, lambda _: bstar << 20, 0)

        def pad_step(i, _):
            cka[pl.ds(i * _L, _L)] = jnp.full((_L,), _PAD_KEY, jnp.int32)
            return 0

        lax.fori_loop(0, _CAND // _L, pad_step, 0)

        def compact_step(g, off):
            def do_store(off):
                keys, masks, pops = [], [], []
                for u in range(_U):
                    i = g * _U + u
                    bits = lax.bitcast_convert_type(
                        row_v[pl.ds(i * _L, _L)], jnp.int32)
                    m = bits >= thresh
                    keys.append(_PAD_KEY - bits)
                    masks.append(m)
                    pops.append(jnp.sum(m.astype(jnp.int32)))
                for u in range(_U):
                    i = g * _U + u
                    plsc.store_compressed(cka.at[pl.ds(off, _L)],
                                          keys[u], mask=masks[u])
                    plsc.store_compressed(cia.at[pl.ds(off, _L)],
                                          i * _L + lane, mask=masks[u])
                    off = off + pops[u]
                return off

            return lax.cond(off <= _CAND - _U * _L, do_store,
                            lambda o: o, off)

        ncand = lax.fori_loop(0, _N // _L // _U, compact_step, jnp.int32(0))
        ngrp = (ncand + _U * _L - 1) // (_U * _L)

        for shift, (sk, si, dk, di) in zip(
                (0, 10, 20), ((cka, cia, ckb, cib),
                              (ckb, cib, cka, cia),
                              (cka, cia, ckb, cib))):
            lax.fori_loop(0, _U * _NBINS // _L // _U, zero_partials, 0)

            def dig_hist(g, _, sk=sk, shift=shift):
                for u in range(_U):
                    i = g * _U + u
                    d = (sk[pl.ds(i * _L, _L)] >> shift) & (_NBINS - 1)
                    cnt, last = plsc.scan_count(d)
                    plsc.addupdate_scatter(histp, [u * _NBINS + d], cnt,
                                           mask=last)
                return 0

            lax.fori_loop(0, ngrp, dig_hist, 0)

            def excl_step(i, carry):
                hvec = merged(i)
                hist_v[pl.ds(i * _L, _L)] = (plsc.cumsum(hvec) - hvec
                                             + carry)
                return carry + jnp.sum(hvec)

            lax.fori_loop(0, _NBINS // _L, excl_step, jnp.int32(0))

            def permute(g, _, sk=sk, si=si, dk=dk, di=di, shift=shift):
                for u in range(_U):
                    i = g * _U + u
                    k = sk[pl.ds(i * _L, _L)]
                    v = si[pl.ds(i * _L, _L)]
                    d = (k >> shift) & (_NBINS - 1)
                    cnt, last = plsc.scan_count(d)
                    pos = plsc.load_gather(hist_v, [d]) + cnt - 1
                    plsc.store_scatter(dk, [pos], k)
                    plsc.store_scatter(di, [pos], v)
                    plsc.addupdate_scatter(hist_v, [d], cnt, mask=last)
                return 0

            lax.fori_loop(0, ngrp, permute, 0)

        pltpu.sync_copy(cib.at[pl.ds(0, _K)], inds_hbm.at[row])


def _sc_topk(imp):
    mesh = plsc.VectorSubcoreMesh(core_axis_name="c", subcore_axis_name="s",
                                  num_cores=2, num_subcores=16)
    return pl.kernel(
        _sc_topk_body,
        out_type=jax.ShapeDtypeStruct((_B, _K), jnp.int32),
        mesh=mesh,
        compiler_params=pltpu.CompilerParams(needs_layout_passes=False),
        scratch_types=[
            pltpu.VMEM((_N,), jnp.float32),
            pltpu.VMEM((_U * _NBINS,), jnp.int32),
            pltpu.VMEM((_U * 4096,), jnp.int32),
            pltpu.VMEM((_NBINS,), jnp.int32),
            pltpu.VMEM((_CAND,), jnp.int32),
            pltpu.VMEM((_CAND,), jnp.int32),
            pltpu.VMEM((_CAND,), jnp.int32),
            pltpu.VMEM((_CAND,), jnp.int32),
        ],
    )(imp)


def _fc_body(hs_ref, Wfc_ref, bfc_ref, out_ref):
    hs = hs_ref[0]
    y = jax.lax.dot_general(
        hs, Wfc_ref[...],
        dimension_numbers=(((0,), (1,)), ((), ())),
        preferred_element_type=jnp.float32,
    )
    out_ref[...] = (y + bfc_ref[...])[None]


def _fc(h_sub, Wfc, bfc):
    return pl.pallas_call(
        _fc_body,
        grid=(_B,),
        in_specs=[
            pl.BlockSpec((1, _C, _K), lambda b: (b, 0, 0)),
            pl.BlockSpec((_OUT, _C), lambda b: (0, 0)),
            pl.BlockSpec((1, _OUT), lambda b: (0, 0)),
        ],
        out_specs=pl.BlockSpec((1, _K, _OUT), lambda b: (b, 0, 0)),
        out_shape=jax.ShapeDtypeStruct((_B, _K, _OUT), jnp.float32),
    )(h_sub, Wfc, bfc.reshape(1, _OUT))


def kernel(h, W1, b1, W2, b2, Wa, ba, Wfc, bfc):
    importance = _importance(h, W1, b1, W2, b2, Wa, ba)
    inds = _sc_topk(importance)
    h_sub = jnp.take_along_axis(h, inds[:, None, :], axis=2,
                                mode="clip")
    x = _fc(h_sub, Wfc, bfc)
    x = x.reshape(_B, _K, 3, 6, 8)
    return (x, inds, importance)

# --- scband reference (transcript-rebuilt; emitter-appended) ---
"""Pipeline reference for scband-pointnet2-msg-46789373723401 (READ-ONLY COPY).

The authoritative reference and input builder live on the scoring server;
editing this copy changes nothing except your own understanding.
"""

import jax, jax.numpy as jnp
import numpy as np

B, C, N = 8, 128, 65536
K = 2048
H1, H2 = 64, 64
OUT_DIM = (3, 6, 8)
OUT = int(np.prod(OUT_DIM))


def leaky_relu(x, slope=0.1):
    return jnp.where(x >= 0, x, slope * x)


def setup_inputs(seed: int = 0) -> dict:
    key = jax.random.key(seed)
    ks = jax.random.split(key, 8)
    h = jax.random.normal(ks[0], (B, C, N), dtype=jnp.float32)
    W1 = jax.random.normal(ks[1], (H1, C), dtype=jnp.float32) * (1.0 / np.sqrt(C))
    b1 = jnp.zeros((H1,), dtype=jnp.float32)
    W2 = jax.random.normal(ks[2], (H2, H1), dtype=jnp.float32) * (1.0 / np.sqrt(H1))
    b2 = jnp.zeros((H2,), dtype=jnp.float32)
    Wa = jax.random.normal(ks[3], (1, H2), dtype=jnp.float32) * (1.0 / np.sqrt(H2))
    ba = jnp.zeros((1,), dtype=jnp.float32)
    Wfc = jax.random.normal(ks[4], (OUT, C), dtype=jnp.float32) * (1.0 / np.sqrt(C))
    bfc = jnp.zeros((OUT,), dtype=jnp.float32)
    return {"h": h, "W1": W1, "b1": b1, "W2": W2, "b2": b2,
            "Wa": Wa, "ba": ba, "Wfc": Wfc, "bfc": bfc}


def reference(h, W1, b1, W2, b2, Wa, ba, Wfc, bfc):
    # h: (B, C, N) per-point features (output of FP stack)
    ht = jnp.transpose(h, (0, 2, 1))  # (B, N, C)
    # ImportanceSamplingModule: Linear->LeakyReLU(0.1) x2, then Linear->Sigmoid
    f = leaky_relu(ht @ W1.T + b1)
    f = leaky_relu(f @ W2.T + b2)
    a = jax.nn.sigmoid(f @ Wa.T + ba)[..., 0]  # (B, N)
    importance = jnp.clip(a, 0.0, 1.0)
    # top-k over points (sorted=True)
    att, inds = jax.lax.top_k(importance, K)
    inds = jnp.clip(inds, 0, importance.shape[1] - 1)
    # gather_operation: gather selected feature columns (B, C, K)
    h_sub = jnp.take_along_axis(h, inds[:, None, :], axis=2)
    # FC_layer: conv1d with kernel size 1 == per-point linear, no activation
    x = jnp.transpose(h_sub, (0, 2, 1)) @ Wfc.T + bfc  # (B, K, OUT)
    x = x.reshape(B, K, *OUT_DIM)
    return (x, inds, importance)

if __name__ == "__main__":
    import jax
    _d = setup_inputs()
    print(jax.jit(kernel)(*tuple(_d.values())))

</pallas_src>

<mosaic_0001>
#map = affine_map<(d0, d1) -> (0, 0)>
module attributes {stable_mosaic.version = 14 : i64} {
  func.func @_sc_topk_body(%arg0: i32, %arg1: i32, %arg2: memref<8x65536xf32, #tpu.memory_space<hbm>>, %arg3: memref<8x2048xi32, #tpu.memory_space<hbm>>, %arg4: memref<65536xf32, #tpu.memory_space<vmem>>, %arg5: memref<4096xi32, #tpu.memory_space<vmem>>, %arg6: memref<16384xi32, #tpu.memory_space<vmem>>, %arg7: memref<1024xi32, #tpu.memory_space<vmem>>, %arg8: memref<4096xi32, #tpu.memory_space<vmem>>, %arg9: memref<4096xi32, #tpu.memory_space<vmem>>, %arg10: memref<4096xi32, #tpu.memory_space<vmem>>, %arg11: memref<4096xi32, #tpu.memory_space<vmem>>) attributes {dimension_semantics = [#tpu.dimension_semantics<core_parallel>, #tpu.dimension_semantics<subcore_parallel>], iteration_bounds = array<i64: 2, 16>, scalar_prefetch = 0 : i64, scratch_operands = 8 : i64, tpu.core_type = #tpu.core_type<sc_vector_subcore>, window_params = [{transform_indices = #map}, {transform_indices = #map}]} {
    %mul3A = arith.constant 4 : i32
    %mul3A_0 = arith.muli %arg0, %mul3A : i32
    %add3A = arith.addi %mul3A_0, %arg1 : i32
    %lt3A = arith.constant 4 : i32
    %lt3A_1 = arith.cmpi slt, %arg1, %lt3A : i32
    %convert_element_type3A = arith.extui %lt3A_1 : i1 to i32
    %cond3A = arith.constant 0 : i32
    %cond3A_2 = arith.cmpi ne, %convert_element_type3A, %cond3A : i32
    scf.if %cond3A_2 {
      "tpu.region"() ({
        %run_scoped3A = tpu.sem_alloc : memref<!tpu.dma_semaphore, #tpu.memory_space<semaphore_mem>>
        %dma_start3A = arith.constant 0 : i32
        %dma_start3A_184 = tpu.memref_slice %arg2[%add3A, %dma_start3A] : memref<8x65536xf32, #tpu.memory_space<hbm>> -> memref<1x65536xf32, #tpu.memory_space<hbm>>
        %dma_start3A_185 = tpu.memref_squeeze %dma_start3A_184 : memref<1x65536xf32, #tpu.memory_space<hbm>> -> memref<65536xf32, #tpu.memory_space<hbm>>
        %dma_start3A_186 = arith.constant 0 : i32
        %dma_start3A_187 = tpu.memref_slice %arg2[%add3A, %dma_start3A_186] : memref<8x65536xf32, #tpu.memory_space<hbm>> -> memref<1x65536xf32, #tpu.memory_space<hbm>>
        %dma_start3A_188 = tpu.memref_squeeze %dma_start3A_187 : memref<1x65536xf32, #tpu.memory_space<hbm>> -> memref<65536xf32, #tpu.memory_space<hbm>>
        tpu.enqueue_dma source(%dma_start3A_188 : memref<65536xf32, #tpu.memory_space<hbm>>) target(%arg4 : memref<65536xf32, #tpu.memory_space<vmem>>) target_semaphore(%run_scoped3A : memref<!tpu.dma_semaphore, #tpu.memory_space<semaphore_mem>>)
        %dma_wait3A = arith.constant 0 : i32
        %dma_wait3A_189 = tpu.memref_slice %arg2[%add3A, %dma_wait3A] : memref<8x65536xf32, #tpu.memory_space<hbm>> -> memref<1x65536xf32, #tpu.memory_space<hbm>>
        %dma_wait3A_190 = tpu.memref_squeeze %dma_wait3A_189 : memref<1x65536xf32, #tpu.memory_space<hbm>> -> memref<65536xf32, #tpu.memory_space<hbm>>
        %dma_wait3A_191 = arith.constant 0 : i32
        %dma_wait3A_192 = tpu.memref_slice %arg2[%add3A, %dma_wait3A_191] : memref<8x65536xf32, #tpu.memory_space<hbm>> -> memref<1x65536xf32, #tpu.memory_space<hbm>>
        %dma_wait3A_193 = tpu.memref_squeeze %dma_wait3A_192 : memref<1x65536xf32, #tpu.memory_space<hbm>> -> memref<65536xf32, #tpu.memory_space<hbm>>
        tpu.wait_dma2 semaphore(%run_scoped3A : memref<!tpu.dma_semaphore, #tpu.memory_space<semaphore_mem>>) src(%dma_wait3A_193 : memref<65536xf32, #tpu.memory_space<hbm>>) dst(%arg4 : memref<65536xf32, #tpu.memory_space<vmem>>)
        tpu.yield
      }) : () -> ()
      %broadcast_in_dim3A = arith.constant 0 : i32
      %broadcast_in_dim3A_3 = vector.broadcast %broadcast_in_dim3A : i32 to vector<16xi32>
      %scan3A = arith.constant 0 : i32
      %scan3A_4 = arith.constant 0 : i32
      %scan3A_5 = arith.constant 64 : i32
      %scan3A_6 = arith.addi %scan3A_4, %scan3A_5 : i32
      %scan3A_7 = arith.constant 1 : i32
      %scan3A_8 = scf.for %scan3A_184 = %scan3A_4 to %scan3A_6 step %scan3A_7 iter_args(%scan3A_185 = %scan3A) -> (i32)  : i32 {
        %mul3A_186 = arith.constant 4 : i32
        %mul3A_187 = arith.muli %scan3A_184, %mul3A_186 : i32
        %add3A_188 = arith.constant 0 : i32
        %add3A_189 = arith.addi %mul3A_187, %add3A_188 : i32
        %mul3A_190 = arith.constant 16 : i32
        %mul3A_191 = arith.muli %add3A_189, %mul3A_190 : i32
        %swap3A = arith.index_cast %mul3A_191 : i32 to index
        %swap3A_192 = tpu.vector_load %arg5[%swap3A] {strides = array<i32>} : memref<4096xi32, #tpu.memory_space<vmem>>, vector<16xi32>,
        tpu.vector_store %arg5[%swap3A], %broadcast_in_dim3A_3 {strides = array<i32>} : memref<4096xi32, #tpu.memory_space<vmem>>, vector<16xi32>,
        %mul3A_193 = arith.constant 4 : i32
        %mul3A_194 = arith.muli %scan3A_184, %mul3A_193 : i32
        %add3A_195 = arith.constant 1 : i32
        %add3A_196 = arith.addi %mul3A_194, %add3A_195 : i32
        %mul3A_197 = arith.constant 16 : i32
        %mul3A_198 = arith.muli %add3A_196, %mul3A_197 : i32
        %swap3A_199 = arith.index_cast %mul3A_198 : i32 to index
        %swap3A_200 = tpu.vector_load %arg5[%swap3A_199] {strides = array<i32>} : memref<4096xi32, #tpu.memory_space<vmem>>, vector<16xi32>,
        tpu.vector_store %arg5[%swap3A_199], %broadcast_in_dim3A_3 {strides = array<i32>} : memref<4096xi32, #tpu.memory_space<vmem>>, vector<16xi32>,
        %mul3A_201 = arith.constant 4 : i32
        %mul3A_202 = arith.muli %scan3A_184, %mul3A_201 : i32
        %add3A_203 = arith.constant 2 : i32
        %add3A_204 = arith.addi %mul3A_202, %add3A_203 : i32
        %mul3A_205 = arith.constant 16 : i32
        %mul3A_206 = arith.muli %add3A_204, %mul3A_205 : i32
        %swap3A_207 = arith.index_cast %mul3A_206 : i32 to index
        %swap3A_208 = tpu.vector_load %arg5[%swap3A_207] {strides = array<i32>} : memref<4096xi32, #tpu.memory_space<vmem>>, vector<16xi32>,
        tpu.vector_store %arg5[%swap3A_207], %broadcast_in_dim3A_3 {strides = array<i32>} : memref<4096xi32, #tpu.memory_space<vmem>>, vector<16xi32>,
        %mul3A_209 = arith.constant 4 : i32
        %mul3A_210 = arith.muli %scan3A_184, %mul3A_209 : i32
        %add3A_211 = arith.constant 3 : i32
        %add3A_212 = arith.addi %mul3A_210, %add3A_211 : i32
        %mul3A_213 = arith.constant 16 : i32
        %mul3A_214 = arith.muli %add3A_212, %mul3A_213 : i32
        %swap3A_215 = arith.index_cast %mul3A_214 : i32 to index
        %swap3A_216 = tpu.vector_load %arg5[%swap3A_215] {strides = array<i32>} : memref<4096xi32, #tpu.memory_space<vmem>>, vector<16xi32>,
        tpu.vector_store %arg5[%swap3A_215], %broadcast_in_dim3A_3 {strides = array<i32>} : memref<4096xi32, #tpu.memory_space<vmem>>, vector<16xi32>,
        %scan3A_217 = arith.constant 0 : i32
        scf.yield %scan3A_217 : i32
      }
      %scan3A_9 = arith.constant 64 : i32
      %scan3A_10 = arith.constant 0 : i32
      %scan3A_11 = arith.constant 0 : i32
      %scan3A_12 = arith.constant 1024 : i32
      %scan3A_13 = arith.addi %scan3A_11, %scan3A_12 : i32
      %scan3A_14 = arith.constant 1 : i32
      %scan3A_15 = scf.for %scan3A_184 = %scan3A_11 to %scan3A_13 step %scan3A_14 iter_args(%scan3A_185 = %scan3A_10) -> (i32)  : i32 {
        %mul3A_186 = arith.constant 4 : i32
        %mul3A_187 = arith.muli %scan3A_184, %mul3A_186 : i32
        %add3A_188 = arith.constant 0 : i32
        %add3A_189 = arith.addi %mul3A_187, %add3A_188 : i32
        %mul3A_190 = arith.constant 16 : i32
        %mul3A_191 = arith.muli %add3A_189, %mul3A_190 : i32
        %get3A = arith.index_cast %mul3A_191 : i32 to index
        %get3A_192 = tpu.vector_load %arg4[%get3A] {strides = array<i32>} : memref<65536xf32, #tpu.memory_space<vmem>>, vector<16xf32>,
        %bitcast_convert_type3A = tpu.bitcast %get3A_192 : vector<16xf32> -> vector<16xi32>
        %shift_right_arithmetic3A = arith.constant 20 : i32
        %shift_right_arithmetic3A_193 = vector.broadcast %shift_right_arithmetic3A : i32 to vector<16xi32>
        %shift_right_arithmetic3A_194 = arith.shrsi %bitcast_convert_type3A, %shift_right_arithmetic3A_193 : vector<16xi32>
        %min3A = arith.constant 1023 : i32
        %min3A_195 = vector.broadcast %min3A : i32 to vector<16xi32>
        %min3A_196 = arith.minsi %shift_right_arithmetic3A_194, %min3A_195 : vector<16xi32>
        %broadcast_in_dim3A_197 = arith.constant true
        %broadcast_in_dim3A_198 = vector.broadcast %broadcast_in_dim3A_197 : i1 to vector<16xi1>
        %unique3A, %unique3A_199 = tpu.scan_count mask(%broadcast_in_dim3A_198 : vector<16xi1>) value(%min3A_196 : vector<16xi32>) : vector<16xi1>, vector<16xi32>
        %add3A_200 = arith.constant 0 : i32
        %add3A_201 = vector.broadcast %add3A_200 : i32 to vector<16xi32>
        %add3A_202 = arith.addi %add3A_201, %min3A_196 : vector<16xi32>
        tpu.vector_store_idx %arg5[%add3A_202], %unique3A_199 masked %unique3A {add = true} : memref<4096xi32, #tpu.memory_space<vmem>>[vector<16xi32>], vector<16xi32>, vector<16xi1>
        %mul3A_203 = arith.constant 4 : i32
        %mul3A_204 = arith.muli %scan3A_184, %mul3A_203 : i32
        %add3A_205 = arith.constant 1 : i32
        %add3A_206 = arith.addi %mul3A_204, %add3A_205 : i32
        %mul3A_207 = arith.constant 16 : i32
        %mul3A_208 = arith.muli %add3A_206, %mul3A_207 : i32
        %get3A_209 = arith.index_cast %mul3A_208 : i32 to index
        %get3A_210 = tpu.vector_load %arg4[%get3A_209] {strides = array<i32>} : memref<65536xf32, #tpu.memory_space<vmem>>, vector<16xf32>,
        %bitcast_convert_type3A_211 = tpu.bitcast %get3A_210 : vector<16xf32> -> vector<16xi32>
        %shift_right_arithmetic3A_212 = arith.constant 20 : i32
        %shift_right_arithmetic3A_213 = vector.broadcast %shift_right_arithmetic3A_212 : i32 to vector<16xi32>
        %shift_right_arithmetic3A_214 = arith.shrsi %bitcast_convert_type3A_211, %shift_right_arithmetic3A_213 : vector<16xi32>
        %min3A_215 = arith.constant 1023 : i32
        %min3A_216 = vector.broadcast %min3A_215 : i32 to vector<16xi32>
        %min3A_217 = arith.minsi %shift_right_arithmetic3A_214, %min3A_216 : vector<16xi32>
        %broadcast_in_dim3A_218 = arith.constant true
        %broadcast_in_dim3A_219 = vector.broadcast %broadcast_in_dim3A_218 : i1 to vector<16xi1>
        %unique3A_220, %unique3A_221 = tpu.scan_count mask(%broadcast_in_dim3A_219 : vector<16xi1>) value(%min3A_217 : vector<16xi32>) : vector<16xi1>, vector<16xi32>
        %add3A_222 = arith.constant 1024 : i32
        %add3A_223 = vector.broadcast %add3A_222 : i32 to vector<16xi32>
        %add3A_224 = arith.addi %add3A_223, %min3A_217 : vector<16xi32>
        tpu.vector_store_idx %arg5[%add3A_224], %unique3A_221 masked %unique3A_220 {add = true} : memref<4096xi32, #tpu.memory_space<vmem>>[vector<16xi32>], vector<16xi32>, vector<16xi1>
        %mul3A_225 = arith.constant 4 : i32
        %mul3A_226 = arith.muli %scan3A_184, %mul3A_225 : i32
        %add3A_227 = arith.constant 2 : i32
        %add3A_228 = arith.addi %mul3A_226, %add3A_227 : i32
        %mul3A_229 = arith.constant 16 : i32
        %mul3A_230 = arith.muli %add3A_228, %mul3A_229 : i32
        %get3A_231 = arith.index_cast %mul3A_230 : i32 to index
        %get3A_232 = tpu.vector_load %arg4[%get3A_231] {strides = array<i32>} : memref<65536xf32, #tpu.memory_space<vmem>>, vector<16xf32>,
        %bitcast_convert_type3A_233 = tpu.bitcast %get3A_232 : vector<16xf32> -> vector<16xi32>
        %shift_right_arithmetic3A_234 = arith.constant 20 : i32
        %shift_right_arithmetic3A_235 = vector.broadcast %shift_right_arithmetic3A_234 : i32 to vector<16xi32>
        %shift_right_arithmetic3A_236 = arith.shrsi %bitcast_convert_type3A_233, %shift_right_arithmetic3A_235 : vector<16xi32>
        %min3A_237 = arith.constant 1023 : i32
        %min3A_238 = vector.broadcast %min3A_237 : i32 to vector<16xi32>
        %min3A_239 = arith.minsi %shift_right_arithmetic3A_236, %min3A_238 : vector<16xi32>
        %broadcast_in_dim3A_240 = arith.constant true
        %broadcast_in_dim3A_241 = vector.broadcast %broadcast_in_dim3A_240 : i1 to vector<16xi1>
        %unique3A_242, %unique3A_243 = tpu.scan_count mask(%broadcast_in_dim3A_241 : vector<16xi1>) value(%min3A_239 : vector<16xi32>) : vector<16xi1>, vector<16xi32>
        %add3A_244 = arith.constant 2048 : i32
        %add3A_245 = vector.broadcast %add3A_244 : i32 to vector<16xi32>
        %add3A_246 = arith.addi %add3A_245, %min3A_239 : vector<16xi32>
        tpu.vector_store_idx %arg5[%add3A_246], %unique3A_243 masked %unique3A_242 {add = true} : memref<4096xi32, #tpu.memory_space<vmem>>[vector<16xi32>], vector<16xi32>, vector<16xi1>
        %mul3A_247 = arith.constant 4 : i32
        %mul3A_248 = arith.muli %scan3A_184, %mul3A_247 : i32
        %add3A_249 = arith.constant 3 : i32
        %add3A_250 = arith.addi %mul3A_248, %add3A_249 : i32
        %mul3A_251 = arith.constant 16 : i32
        %mul3A_252 = arith.muli %add3A_250, %mul3A_251 : i32
        %get3A_253 = arith.index_cast %mul3A_252 : i32 to index
        %get3A_254 = tpu.vector_load %arg4[%get3A_253] {strides = array<i32>} : memref<65536xf32, #tpu.memory_space<vmem>>, vector<16xf32>,
        %bitcast_convert_type3A_255 = tpu.bitcast %get3A_254 : vector<16xf32> -> vector<16xi32>
        %shift_right_arithmetic3A_256 = arith.constant 20 : i32
        %shift_right_arithmetic3A_257 = vector.broadcast %shift_right_arithmetic3A_256 : i32 to vector<16xi32>
        %shift_right_arithmetic3A_258 = arith.shrsi %bitcast_convert_type3A_255, %shift_right_arithmetic3A_257 : vector<16xi32>
        %min3A_259 = arith.constant 1023 : i32
        %min3A_260 = vector.broadcast %min3A_259 : i32 to vector<16xi32>
        %min3A_261 = arith.minsi %shift_right_arithmetic3A_258, %min3A_260 : vector<16xi32>
        %broadcast_in_dim3A_262 = arith.constant true
        %broadcast_in_dim3A_263 = vector.broadcast %broadcast_in_dim3A_262 : i1 to vector<16xi1>
        %unique3A_264, %unique3A_265 = tpu.scan_count mask(%broadcast_in_dim3A_263 : vector<16xi1>) value(%min3A_261 : vector<16xi32>) : vector<16xi1>, vector<16xi32>
        %add3A_266 = arith.constant 3072 : i32
        %add3A_267 = vector.broadcast %add3A_266 : i32 to vector<16xi32>
        %add3A_268 = arith.addi %add3A_267, %min3A_261 : vector<16xi32>
        tpu.vector_store_idx %arg5[%add3A_268], %unique3A_265 masked %unique3A_264 {add = true} : memref<4096xi32, #tpu.memory_space<vmem>>[vector<16xi32>], vector<16xi32>, vector<16xi1>
        %scan3A_269 = arith.constant 0 : i32
        scf.yield %scan3A_269 : i32
      }
      %scan3A_16 = arith.constant 1024 : i32
      %iota3A = tpu.iota {dimensions = array<i32: 0>} : vector<16xi32>
      %scan3A_17 = arith.constant 0 : i32
      %scan3A_18 = arith.constant false
      %scan3A_19 = arith.constant 0 : i32
      %scan3A_20 = arith.constant 0 : i32
      %scan3A_21 = arith.constant 0 : i32
      %scan3A_22 = arith.constant 0 : i32
      %scan3A_23 = arith.constant 64 : i32
      %scan3A_24 = arith.addi %scan3A_22, %scan3A_23 : i32
      %scan3A_25 = arith.constant 1 : i32
      %scan3A_26:5 = scf.for %scan3A_184 = %scan3A_22 to %scan3A_24 step %scan3A_25 iter_args(%scan3A_185 = %scan3A_17, %scan3A_186 = %scan3A_18, %scan3A_187 = %scan3A_19, %scan3A_188 = %scan3A_20, %scan3A_189 = %scan3A_21) -> (i32, i1, i32, i32, i32)  : i32 {
        %sub3A_190 = arith.constant 63 : i32
        %sub3A_191 = arith.subi %sub3A_190, %scan3A_184 : i32
        %mul3A_192 = arith.constant 16 : i32
        %mul3A_193 = arith.muli %sub3A_191, %mul3A_192 : i32
        %get3A = arith.index_cast %mul3A_193 : i32 to index
        %get3A_194 = tpu.vector_load %arg5[%get3A] {strides = array<i32>} : memref<4096xi32, #tpu.memory_space<vmem>>, vector<16xi32>,
        %mul3A_195 = arith.constant 16 : i32
        %mul3A_196 = arith.muli %sub3A_191, %mul3A_195 : i32
        %add3A_197 = arith.constant 1024 : i32
        %add3A_198 = arith.addi %add3A_197, %mul3A_196 : i32
        %get3A_199 = arith.index_cast %add3A_198 : i32 to index
        %get3A_200 = tpu.vector_load %arg5[%get3A_199] {strides = array<i32>} : memref<4096xi32, #tpu.memory_space<vmem>>, vector<16xi32>,
        %add3A_201 = arith.addi %get3A_194, %get3A_200 : vector<16xi32>
        %mul3A_202 = arith.constant 16 : i32
        %mul3A_203 = arith.muli %sub3A_191, %mul3A_202 : i32
        %add3A_204 = arith.constant 2048 : i32
        %add3A_205 = arith.addi %add3A_204, %mul3A_203 : i32
        %get3A_206 = arith.index_cast %add3A_205 : i32 to index
        %get3A_207 = tpu.vector_load %arg5[%get3A_206] {strides = array<i32>} : memref<4096xi32, #tpu.memory_space<vmem>>, vector<16xi32>,
        %add3A_208 = arith.addi %add3A_201, %get3A_207 : vector<16xi32>
        %mul3A_209 = arith.constant 16 : i32
        %mul3A_210 = arith.muli %sub3A_191, %mul3A_209 : i32
        %add3A_211 = arith.constant 3072 : i32
        %add3A_212 = arith.addi %add3A_211, %mul3A_210 : i32
        %get3A_213 = arith.index_cast %add3A_212 : i32 to index
        %get3A_214 = tpu.vector_load %arg5[%get3A_213] {strides = array<i32>} : memref<4096xi32, #tpu.memory_space<vmem>>, vector<16xi32>,
        %add3A_215 = arith.addi %add3A_208, %get3A_214 : vector<16xi32>
        %rev3A = arith.constant 15 : i32
        %rev3A_216 = vector.broadcast %rev3A : i32 to vector<16xi32>
        %rev3A_217 = tpu.iota {dimensions = array<i32: 0>} : vector<16xi32>
        %rev3A_218 = arith.subi %rev3A_216, %rev3A_217 : vector<16xi32>
        %rev3A_219 = tpu.dynamic_gather %add3A_215[%rev3A_218] in [0] : vector<16xi32>, vector<16xi32> -> vector<16xi32>
        %broadcast_in_dim3A_220 = arith.constant true
        %broadcast_in_dim3A_221 = vector.broadcast %broadcast_in_dim3A_220 : i1 to vector<16xi1>
        %masked_cumsum3A = tpu.scan <sum>, %rev3A_219 masked %broadcast_in_dim3A_221 : vector<16xi32>, vector<16xi1> -> vector<16xi32>
        %rev3A_222 = arith.constant 15 : i32
        %rev3A_223 = vector.broadcast %rev3A_222 : i32 to vector<16xi32>
        %rev3A_224 = tpu.iota {dimensions = array<i32: 0>} : vector<16xi32>
        %rev3A_225 = arith.subi %rev3A_223, %rev3A_224 : vector<16xi32>
        %rev3A_226 = tpu.dynamic_gather %masked_cumsum3A[%rev3A_225] in [0] : vector<16xi32>, vector<16xi32> -> vector<16xi32>
        %add3A_227 = vector.broadcast %scan3A_185 : i32 to vector<16xi32>
        %add3A_228 = arith.addi %rev3A_226, %add3A_227 : vector<16xi32>
        %sub3A_229 = arith.subi %add3A_228, %add3A_215 : vector<16xi32>
        %ge3A = arith.constant 2048 : i32
        %ge3A_230 = vector.broadcast %ge3A : i32 to vector<16xi32>
        %ge3A_231 = arith.cmpi sge, %add3A_228, %ge3A_230 : vector<16xi32>
        %convert_element_type3A_232 = arith.extui %ge3A_231 : vector<16xi1> to vector<16xi32>
        %reduce_sum3A = arith.constant true
        %reduce_sum3A_233 = vector.broadcast %reduce_sum3A : i1 to vector<16xi1>
        %reduce_sum3A_234 = tpu.scan <sum>, %convert_element_type3A_232 masked %reduce_sum3A_233 : vector<16xi32>, vector<16xi1> -> vector<16xi32>
        %reduce_sum3A_235 = vector.extract %reduce_sum3A_234[15] : i32 from vector<16xi32>
        %sub3A_236 = arith.constant 1 : i32
        %sub3A_237 = arith.subi %reduce_sum3A_235, %sub3A_236 : i32
        %eq3A = vector.broadcast %sub3A_237 : i32 to vector<16xi32>
        %eq3A_238 = arith.cmpi eq, %iota3A, %eq3A : vector<16xi32>
        %jit3A_239 = arith.constant 0 : i32
        %broadcast_in_dim3A_240 = vector.broadcast %jit3A_239 : i32 to vector<16xi32>
        %select_n3A_241 = arith.select %eq3A_238, %sub3A_229, %broadcast_in_dim3A_240 : vector<16xi1>, vector<16xi32>
        %reduce_sum3A_242 = arith.constant true
        %reduce_sum3A_243 = vector.broadcast %reduce_sum3A_242 : i1 to vector<16xi1>
        %reduce_sum3A_244 = tpu.scan <sum>, %select_n3A_241 masked %reduce_sum3A_243 : vector<16xi32>, vector<16xi1> -> vector<16xi32>
        %reduce_sum3A_245 = vector.extract %reduce_sum3A_244[15] : i32 from vector<16xi32>
        %sub3A_246 = arith.constant 1 : i32
        %sub3A_247 = arith.subi %reduce_sum3A_235, %sub3A_246 : i32
        %eq3A_248 = vector.broadcast %sub3A_247 : i32 to vector<16xi32>
        %eq3A_249 = arith.cmpi eq, %iota3A, %eq3A_248 : vector<16xi32>
        %jit3A_250 = arith.constant 0 : i32
        %broadcast_in_dim3A_251 = vector.broadcast %jit3A_250 : i32 to vector<16xi32>
        %select_n3A_252 = arith.select %eq3A_249, %add3A_215, %broadcast_in_dim3A_251 : vector<16xi1>, vector<16xi32>
        %reduce_sum3A_253 = arith.constant true
        %reduce_sum3A_254 = vector.broadcast %reduce_sum3A_253 : i1 to vector<16xi1>
        %reduce_sum3A_255 = tpu.scan <sum>, %select_n3A_252 masked %reduce_sum3A_254 : vector<16xi32>, vector<16xi1> -> vector<16xi32>
        %reduce_sum3A_256 = vector.extract %reduce_sum3A_255[15] : i32 from vector<16xi32>
        %not3A = arith.constant true
        %not3A_257 = arith.xori %scan3A_186, %not3A : i1
        %gt3A_258 = arith.constant 0 : i32
        %gt3A_259 = arith.cmpi sgt, %reduce_sum3A_235, %gt3A_258 : i32
        %and3A_260 = arith.andi %not3A_257, %gt3A_259 : i1
        %mul3A_261 = arith.constant 16 : i32
        %mul3A_262 = arith.muli %sub3A_191, %mul3A_261 : i32
        %add3A_263 = arith.addi %mul3A_262, %reduce_sum3A_235 : i32
        %sub3A_264 = arith.constant 1 : i32
        %sub3A_265 = arith.subi %add3A_263, %sub3A_264 : i32
        %select_n3A_266 = arith.select %and3A_260, %sub3A_265, %scan3A_187 : i32
        %select_n3A_267 = arith.select %and3A_260, %reduce_sum3A_245, %scan3A_188 : i32
        %select_n3A_268 = arith.select %and3A_260, %reduce_sum3A_256, %scan3A_189 : i32
        %gt3A_269 = arith.constant 0 : i32
        %gt3A_270 = arith.cmpi sgt, %reduce_sum3A_235, %gt3A_269 : i32
        %or3A = arith.ori %scan3A_186, %gt3A_270 : i1
        %reduce_sum3A_271 = arith.constant true
        %reduce_sum3A_272 = vector.broadcast %reduce_sum3A_271 : i1 to vector<16xi1>
        %reduce_sum3A_273 = tpu.scan <sum>, %add3A_215 masked %reduce_sum3A_272 : vector<16xi32>, vector<16xi1> -> vector<16xi32>
        %reduce_sum3A_274 = vector.extract %reduce_sum3A_273[15] : i32 from vector<16xi32>
        %add3A_275 = arith.addi %scan3A_185, %reduce_sum3A_274 : i32
        scf.yield %add3A_275, %or3A, %select_n3A_266, %select_n3A_267, %select_n3A_268 : i32, i1, i32, i32, i32
      }
      %scan3A_27 = arith.constant 64 : i32
      %sub3A = arith.constant 2048 : i32
      %sub3A_28 = arith.subi %sub3A, %scan3A_26#3 : i32
      %add3A_29 = arith.addi %scan3A_26#3, %scan3A_26#4 : i32
      %gt3A = arith.constant 4032 : i32
      %gt3A_30 = arith.cmpi sgt, %add3A_29, %gt3A : i32
      %convert_element_type3A_31 = arith.extui %gt3A_30 : i1 to i32
      %cond3A_32 = arith.constant 0 : i32
      %cond3A_33 = arith.constant 0 : i32
      %cond3A_34 = arith.cmpi ne, %convert_element_type3A_31, %cond3A_33 : i32
      %cond3A_35 = scf.if %cond3A_34 -> (i32) {
        %scan3A_184 = arith.constant 0 : i32
        %scan3A_185 = arith.constant 0 : i32
        %scan3A_186 = arith.constant 256 : i32
        %scan3A_187 = arith.addi %scan3A_185, %scan3A_186 : i32
        %scan3A_188 = arith.constant 1 : i32
        %scan3A_189 = scf.for %scan3A_239 = %scan3A_185 to %scan3A_187 step %scan3A_188 iter_args(%scan3A_240 = %scan3A_184) -> (i32)  : i32 {
          %mul3A_241 = arith.constant 4 : i32
          %mul3A_242 = arith.muli %scan3A_239, %mul3A_241 : i32
          %add3A_243 = arith.constant 0 : i32
          %add3A_244 = arith.addi %mul3A_242, %add3A_243 : i32
          %mul3A_245 = arith.constant 16 : i32
          %mul3A_246 = arith.muli %add3A_244, %mul3A_245 : i32
          %swap3A = arith.index_cast %mul3A_246 : i32 to index
          %swap3A_247 = tpu.vector_load %arg6[%swap3A] {strides = array<i32>} : memref<16384xi32, #tpu.memory_space<vmem>>, vector<16xi32>,
          tpu.vector_store %arg6[%swap3A], %broadcast_in_dim3A_3 {strides = array<i32>} : memref<16384xi32, #tpu.memory_space<vmem>>, vector<16xi32>,
          %mul3A_248 = arith.constant 4 : i32
          %mul3A_249 = arith.muli %scan3A_239, %mul3A_248 : i32
          %add3A_250 = arith.constant 1 : i32
          %add3A_251 = arith.addi %mul3A_249, %add3A_250 : i32
          %mul3A_252 = arith.constant 16 : i32
          %mul3A_253 = arith.muli %add3A_251, %mul3A_252 : i32
          %swap3A_254 = arith.index_cast %mul3A_253 : i32 to index
          %swap3A_255 = tpu.vector_load %arg6[%swap3A_254] {strides = array<i32>} : memref<16384xi32, #tpu.memory_space<vmem>>, vector<16xi32>,
          tpu.vector_store %arg6[%swap3A_254], %broadcast_in_dim3A_3 {strides = array<i32>} : memref<16384xi32, #tpu.memory_space<vmem>>, vector<16xi32>,
          %mul3A_256 = arith.constant 4 : i32
          %mul3A_257 = arith.muli %scan3A_239, %mul3A_256 : i32
          %add3A_258 = arith.constant 2 : i32
          %add3A_259 = arith.addi %mul3A_257, %add3A_258 : i32
          %mul3A_260 = arith.constant 16 : i32
          %mul3A_261 = arith.muli %add3A_259, %mul3A_260 : i32
          %swap3A_262 = arith.index_cast %mul3A_261 : i32 to index
          %swap3A_263 = tpu.vector_load %arg6[%swap3A_262] {strides = array<i32>} : memref<16384xi32, #tpu.memory_space<vmem>>, vector<16xi32>,
          tpu.vector_store %arg6[%swap3A_262], %broadcast_in_dim3A_3 {strides = array<i32>} : memref<16384xi32, #tpu.memory_space<vmem>>, vector<16xi32>,
          %mul3A_264 = arith.constant 4 : i32
          %mul3A_265 = arith.muli %scan3A_239, %mul3A_264 : i32
          %add3A_266 = arith.constant 3 : i32
          %add3A_267 = arith.addi %mul3A_265, %add3A_266 : i32
          %mul3A_268 = arith.constant 16 : i32
          %mul3A_269 = arith.muli %add3A_267, %mul3A_268 : i32
          %swap3A_270 = arith.index_cast %mul3A_269 : i32 to index
          %swap3A_271 = tpu.vector_load %arg6[%swap3A_270] {strides = array<i32>} : memref<16384xi32, #tpu.memory_space<vmem>>, vector<16xi32>,
          tpu.vector_store %arg6[%swap3A_270], %broadcast_in_dim3A_3 {strides = array<i32>} : memref<16384xi32, #tpu.memory_space<vmem>>, vector<16xi32>,
          %scan3A_272 = arith.constant 0 : i32
          scf.yield %scan3A_272 : i32
        }
        %scan3A_190 = arith.constant 256 : i32
        %scan3A_191 = arith.constant 0 : i32
        %scan3A_192 = arith.constant 0 : i32
        %scan3A_193 = arith.constant 1024 : i32
        %scan3A_194 = arith.addi %scan3A_192, %scan3A_193 : i32
        %scan3A_195 = arith.constant 1 : i32
        %scan3A_196 = scf.for %scan3A_239 = %scan3A_192 to %scan3A_194 step %scan3A_195 iter_args(%scan3A_240 = %scan3A_191) -> (i32)  : i32 {
          %mul3A_241 = arith.constant 4 : i32
          %mul3A_242 = arith.muli %scan3A_239, %mul3A_241 : i32
          %add3A_243 = arith.constant 0 : i32
          %add3A_244 = arith.addi %mul3A_242, %add3A_243 : i32
          %mul3A_245 = arith.constant 16 : i32
          %mul3A_246 = arith.muli %add3A_244, %mul3A_245 : i32
          %get3A = arith.index_cast %mul3A_246 : i32 to index
          %get3A_247 = tpu.vector_load %arg4[%get3A] {strides = array<i32>} : memref<65536xf32, #tpu.memory_space<vmem>>, vector<16xf32>,
          %bitcast_convert_type3A = tpu.bitcast %get3A_247 : vector<16xf32> -> vector<16xi32>
          %shift_right_arithmetic3A = arith.constant 20 : i32
          %shift_right_arithmetic3A_248 = vector.broadcast %shift_right_arithmetic3A : i32 to vector<16xi32>
          %shift_right_arithmetic3A_249 = arith.shrsi %bitcast_convert_type3A, %shift_right_arithmetic3A_248 : vector<16xi32>
          %eq3A = vector.broadcast %scan3A_26#2 : i32 to vector<16xi32>
          %eq3A_250 = arith.cmpi eq, %shift_right_arithmetic3A_249, %eq3A : vector<16xi32>
          %shift_right_arithmetic3A_251 = arith.constant 8 : i32
          %shift_right_arithmetic3A_252 = vector.broadcast %shift_right_arithmetic3A_251 : i32 to vector<16xi32>
          %shift_right_arithmetic3A_253 = arith.shrsi %bitcast_convert_type3A, %shift_right_arithmetic3A_252 : vector<16xi32>
          %and3A_254 = arith.constant 4095 : i32
          %and3A_255 = vector.broadcast %and3A_254 : i32 to vector<16xi32>
          %and3A_256 = arith.andi %shift_right_arithmetic3A_253, %and3A_255 : vector<16xi32>
          %unique3A, %unique3A_257 = tpu.scan_count mask(%eq3A_250 : vector<16xi1>) value(%and3A_256 : vector<16xi32>) : vector<16xi1>, vector<16xi32>
          %add3A_258 = arith.constant 0 : i32
          %add3A_259 = vector.broadcast %add3A_258 : i32 to vector<16xi32>
          %add3A_260 = arith.addi %add3A_259, %and3A_256 : vector<16xi32>
          %and3A_261 = arith.andi %unique3A, %eq3A_250 : vector<16xi1>
          tpu.vector_store_idx %arg6[%add3A_260], %unique3A_257 masked %and3A_261 {add = true} : memref<16384xi32, #tpu.memory_space<vmem>>[vector<16xi32>], vector<16xi32>, vector<16xi1>
          %mul3A_262 = arith.constant 4 : i32
          %mul3A_263 = arith.muli %scan3A_239, %mul3A_262 : i32
          %add3A_264 = arith.constant 1 : i32
          %add3A_265 = arith.addi %mul3A_263, %add3A_264 : i32
          %mul3A_266 = arith.constant 16 : i32
          %mul3A_267 = arith.muli %add3A_265, %mul3A_266 : i32
          %get3A_268 = arith.index_cast %mul3A_267 : i32 to index
          %get3A_269 = tpu.vector_load %arg4[%get3A_268] {strides = array<i32>} : memref<65536xf32, #tpu.memory_space<vmem>>, vector<16xf32>,
          %bitcast_convert_type3A_270 = tpu.bitcast %get3A_269 : vector<16xf32> -> vector<16xi32>
          %shift_right_arithmetic3A_271 = arith.constant 20 : i32
          %shift_right_arithmetic3A_272 = vector.broadcast %shift_right_arithmetic3A_271 : i32 to vector<16xi32>
          %shift_right_arithmetic3A_273 = arith.shrsi %bitcast_convert_type3A_270, %shift_right_arithmetic3A_272 : vector<16xi32>
          %eq3A_274 = vector.broadcast %scan3A_26#2 : i32 to vector<16xi32>
          %eq3A_275 = arith.cmpi eq, %shift_right_arithmetic3A_273, %eq3A_274 : vector<16xi32>
          %shift_right_arithmetic3A_276 = arith.constant 8 : i32
          %shift_right_arithmetic3A_277 = vector.broadcast %shift_right_arithmetic3A_276 : i32 to vector<16xi32>
          %shift_right_arithmetic3A_278 = arith.shrsi %bitcast_convert_type3A_270, %shift_right_arithmetic3A_277 : vector<16xi32>
          %and3A_279 = arith.constant 4095 : i32
          %and3A_280 = vector.broadcast %and3A_279 : i32 to vector<16xi32>
          %and3A_281 = arith.andi %shift_right_arithmetic3A_278, %and3A_280 : vector<16xi32>
          %unique3A_282, %unique3A_283 = tpu.scan_count mask(%eq3A_275 : vector<16xi1>) value(%and3A_281 : vector<16xi32>) : vector<16xi1>, vector<16xi32>
          %add3A_284 = arith.constant 4096 : i32
          %add3A_285 = vector.broadcast %add3A_284 : i32 to vector<16xi32>
          %add3A_286 = arith.addi %add3A_285, %and3A_281 : vector<16xi32>
          %and3A_287 = arith.andi %unique3A_282, %eq3A_275 : vector<16xi1>
          tpu.vector_store_idx %arg6[%add3A_286], %unique3A_283 masked %and3A_287 {add = true} : memref<16384xi32, #tpu.memory_space<vmem>>[vector<16xi32>], vector<16xi32>, vector<16xi1>
          %mul3A_288 = arith.constant 4 : i32
          %mul3A_289 = arith.muli %scan3A_239, %mul3A_288 : i32
          %add3A_290 = arith.constant 2 : i32
          %add3A_291 = arith.addi %mul3A_289, %add3A_290 : i32
          %mul3A_292 = arith.constant 16 : i32
          %mul3A_293 = arith.muli %add3A_291, %mul3A_292 : i32
          %get3A_294 = arith.index_cast %mul3A_293 : i32 to index
          %get3A_295 = tpu.vector_load %arg4[%get3A_294] {strides = array<i32>} : memref<65536xf32, #tpu.memory_space<vmem>>, vector<16xf32>,
          %bitcast_convert_type3A_296 = tpu.bitcast %get3A_295 : vector<16xf32> -> vector<16xi32>
          %shift_right_arithmetic3A_297 = arith.constant 20 : i32
          %shift_right_arithmetic3A_298 = vector.broadcast %shift_right_arithmetic3A_297 : i32 to vector<16xi32>
          %shift_right_arithmetic3A_299 = arith.shrsi %bitcast_convert_type3A_296, %shift_right_arithmetic3A_298 : vector<16xi32>
          %eq3A_300 = vector.broadcast %scan3A_26#2 : i32 to vector<16xi32>
          %eq3A_301 = arith.cmpi eq, %shift_right_arithmetic3A_299, %eq3A_300 : vector<16xi32>
          %shift_right_arithmetic3A_302 = arith.constant 8 : i32
          %shift_right_arithmetic3A_303 = vector.broadcast %shift_right_arithmetic3A_302 : i32 to vector<16xi32>
          %shift_right_arithmetic3A_304 = arith.shrsi %bitcast_convert_type3A_296, %shift_right_arithmetic3A_303 : vector<16xi32>
          %and3A_305 = arith.constant 4095 : i32
          %and3A_306 = vector.broadcast %and3A_305 : i32 to vector<16xi32>
          %and3A_307 = arith.andi %shift_right_arithmetic3A_304, %and3A_306 : vector<16xi32>
          %unique3A_308, %unique3A_309 = tpu.scan_count mask(%eq3A_301 : vector<16xi1>) value(%and3A_307 : vector<16xi32>) : vector<16xi1>, vector<16xi32>
          %add3A_310 = arith.constant 8192 : i32
          %add3A_311 = vector.broadcast %add3A_310 : i32 to vector<16xi32>
          %add3A_312 = arith.addi %add3A_311, %and3A_307 : vector<16xi32>
          %and3A_313 = arith.andi %unique3A_308, %eq3A_301 : vector<16xi1>
          tpu.vector_store_idx %arg6[%add3A_312], %unique3A_309 masked %and3A_313 {add = true} : memref<16384xi32, #tpu.memory_space<vmem>>[vector<16xi32>], vector<16xi32>, vector<16xi1>
          %mul3A_314 = arith.constant 4 : i32
          %mul3A_315 = arith.muli %scan3A_239, %mul3A_314 : i32
          %add3A_316 = arith.constant 3 : i32
          %add3A_317 = arith.addi %mul3A_315, %add3A_316 : i32
          %mul3A_318 = arith.constant 16 : i32
          %mul3A_319 = arith.muli %add3A_317, %mul3A_318 : i32
          %get3A_320 = arith.index_cast %mul3A_319 : i32 to index
          %get3A_321 = tpu.vector_load %arg4[%get3A_320] {strides = array<i32>} : memref<65536xf32, #tpu.memory_space<vmem>>, vector<16xf32>,
          %bitcast_convert_type3A_322 = tpu.bitcast %get3A_321 : vector<16xf32> -> vector<16xi32>
          %shift_right_arithmetic3A_323 = arith.constant 20 : i32
          %shift_right_arithmetic3A_324 = vector.broadcast %shift_right_arithmetic3A_323 : i32 to vector<16xi32>
          %shift_right_arithmetic3A_325 = arith.shrsi %bitcast_convert_type3A_322, %shift_right_arithmetic3A_324 : vector<16xi32>
          %eq3A_326 = vector.broadcast %scan3A_26#2 : i32 to vector<16xi32>
          %eq3A_327 = arith.cmpi eq, %shift_right_arithmetic3A_325, %eq3A_326 : vector<16xi32>
          %shift_right_arithmetic3A_328 = arith.constant 8 : i32
          %shift_right_arithmetic3A_329 = vector.broadcast %shift_right_arithmetic3A_328 : i32 to vector<16xi32>
          %shift_right_arithmetic3A_330 = arith.shrsi %bitcast_convert_type3A_322, %shift_right_arithmetic3A_329 : vector<16xi32>
          %and3A_331 = arith.constant 4095 : i32
          %and3A_332 = vector.broadcast %and3A_331 : i32 to vector<16xi32>
          %and3A_333 = arith.andi %shift_right_arithmetic3A_330, %and3A_332 : vector<16xi32>
          %unique3A_334, %unique3A_335 = tpu.scan_count mask(%eq3A_327 : vector<16xi1>) value(%and3A_333 : vector<16xi32>) : vector<16xi1>, vector<16xi32>
          %add3A_336 = arith.constant 12288 : i32
          %add3A_337 = vector.broadcast %add3A_336 : i32 to vector<16xi32>
          %add3A_338 = arith.addi %add3A_337, %and3A_333 : vector<16xi32>
          %and3A_339 = arith.andi %unique3A_334, %eq3A_327 : vector<16xi1>
          tpu.vector_store_idx %arg6[%add3A_338], %unique3A_335 masked %and3A_339 {add = true} : memref<16384xi32, #tpu.memory_space<vmem>>[vector<16xi32>], vector<16xi32>, vector<16xi1>
          %scan3A_340 = arith.constant 0 : i32
          scf.yield %scan3A_340 : i32
        }
        %scan3A_197 = arith.constant 1024 : i32
        %scan3A_198 = arith.constant 0 : i32
        %scan3A_199 = arith.constant false
        %scan3A_200 = arith.constant 0 : i32
        %scan3A_201 = arith.constant 0 : i32
        %scan3A_202 = arith.constant 0 : i32
        %scan3A_203 = arith.constant 0 : i32
        %scan3A_204 = arith.constant 256 : i32
        %scan3A_205 = arith.addi %scan3A_203, %scan3A_204 : i32
        %scan3A_206 = arith.constant 1 : i32
        %scan3A_207:5 = scf.for %scan3A_239 = %scan3A_203 to %scan3A_205 step %scan3A_206 iter_args(%scan3A_240 = %scan3A_198, %scan3A_241 = %scan3A_199, %scan3A_242 = %scan3A_200, %scan3A_243 = %scan3A_201, %scan3A_244 = %scan3A_202) -> (i32, i1, i32, i32, i32)  : i32 {
          %sub3A_245 = arith.constant 255 : i32
          %sub3A_246 = arith.subi %sub3A_245, %scan3A_239 : i32
          %mul3A_247 = arith.constant 16 : i32
          %mul3A_248 = arith.muli %sub3A_246, %mul3A_247 : i32
          %get3A = arith.index_cast %mul3A_248 : i32 to index
          %get3A_249 = tpu.vector_load %arg6[%get3A] {strides = array<i32>} : memref<16384xi32, #tpu.memory_space<vmem>>, vector<16xi32>,
          %mul3A_250 = arith.constant 16 : i32
          %mul3A_251 = arith.muli %sub3A_246, %mul3A_250 : i32
          %add3A_252 = arith.constant 4096 : i32
          %add3A_253 = arith.addi %add3A_252, %mul3A_251 : i32
          %get3A_254 = arith.index_cast %add3A_253 : i32 to index
          %get3A_255 = tpu.vector_load %arg6[%get3A_254] {strides = array<i32>} : memref<16384xi32, #tpu.memory_space<vmem>>, vector<16xi32>,
          %add3A_256 = arith.addi %get3A_249, %get3A_255 : vector<16xi32>
          %mul3A_257 = arith.constant 16 : i32
          %mul3A_258 = arith.muli %sub3A_246, %mul3A_257 : i32
          %add3A_259 = arith.constant 8192 : i32
          %add3A_260 = arith.addi %add3A_259, %mul3A_258 : i32
          %get3A_261 = arith.index_cast %add3A_260 : i32 to index
          %get3A_262 = tpu.vector_load %arg6[%get3A_261] {strides = array<i32>} : memref<16384xi32, #tpu.memory_space<vmem>>, vector<16xi32>,
          %add3A_263 = arith.addi %add3A_256, %get3A_262 : vector<16xi32>
          %mul3A_264 = arith.constant 16 : i32
          %mul3A_265 = arith.muli %sub3A_246, %mul3A_264 : i32
          %add3A_266 = arith.constant 12288 : i32
          %add3A_267 = arith.addi %add3A_266, %mul3A_265 : i32
          %get3A_268 = arith.index_cast %add3A_267 : i32 to index
          %get3A_269 = tpu.vector_load %arg6[%get3A_268] {strides = array<i32>} : memref<16384xi32, #tpu.memory_space<vmem>>, vector<16xi32>,
          %add3A_270 = arith.addi %add3A_263, %get3A_269 : vector<16xi32>
          %rev3A = arith.constant 15 : i32
          %rev3A_271 = vector.broadcast %rev3A : i32 to vector<16xi32>
          %rev3A_272 = tpu.iota {dimensions = array<i32: 0>} : vector<16xi32>
          %rev3A_273 = arith.subi %rev3A_271, %rev3A_272 : vector<16xi32>
          %rev3A_274 = tpu.dynamic_gather %add3A_270[%rev3A_273] in [0] : vector<16xi32>, vector<16xi32> -> vector<16xi32>
          %broadcast_in_dim3A_275 = arith.constant true
          %broadcast_in_dim3A_276 = vector.broadcast %broadcast_in_dim3A_275 : i1 to vector<16xi1>
          %masked_cumsum3A = tpu.scan <sum>, %rev3A_274 masked %broadcast_in_dim3A_276 : vector<16xi32>, vector<16xi1> -> vector<16xi32>
          %rev3A_277 = arith.constant 15 : i32
          %rev3A_278 = vector.broadcast %rev3A_277 : i32 to vector<16xi32>
          %rev3A_279 = tpu.iota {dimensions = array<i32: 0>} : vector<16xi32>
          %rev3A_280 = arith.subi %rev3A_278, %rev3A_279 : vector<16xi32>
          %rev3A_281 = tpu.dynamic_gather %masked_cumsum3A[%rev3A_280] in [0] : vector<16xi32>, vector<16xi32> -> vector<16xi32>
          %add3A_282 = vector.broadcast %scan3A_240 : i32 to vector<16xi32>
          %add3A_283 = arith.addi %rev3A_281, %add3A_282 : vector<16xi32>
          %sub3A_284 = arith.subi %add3A_283, %add3A_270 : vector<16xi32>
          %ge3A = vector.broadcast %sub3A_28 : i32 to vector<16xi32>
          %ge3A_285 = arith.cmpi sge, %add3A_283, %ge3A : vector<16xi32>
          %convert_element_type3A_286 = arith.extui %ge3A_285 : vector<16xi1> to vector<16xi32>
          %reduce_sum3A = arith.constant true
          %reduce_sum3A_287 = vector.broadcast %reduce_sum3A : i1 to vector<16xi1>
          %reduce_sum3A_288 = tpu.scan <sum>, %convert_element_type3A_286 masked %reduce_sum3A_287 : vector<16xi32>, vector<16xi1> -> vector<16xi32>
          %reduce_sum3A_289 = vector.extract %reduce_sum3A_288[15] : i32 from vector<16xi32>
          %sub3A_290 = arith.constant 1 : i32
          %sub3A_291 = arith.subi %reduce_sum3A_289, %sub3A_290 : i32
          %eq3A = vector.broadcast %sub3A_291 : i32 to vector<16xi32>
          %eq3A_292 = arith.cmpi eq, %iota3A, %eq3A : vector<16xi32>
          %jit3A_293 = arith.constant 0 : i32
          %broadcast_in_dim3A_294 = vector.broadcast %jit3A_293 : i32 to vector<16xi32>
          %select_n3A_295 = arith.select %eq3A_292, %sub3A_284, %broadcast_in_dim3A_294 : vector<16xi1>, vector<16xi32>
          %reduce_sum3A_296 = arith.constant true
          %reduce_sum3A_297 = vector.broadcast %reduce_sum3A_296 : i1 to vector<16xi1>
          %reduce_sum3A_298 = tpu.scan <sum>, %select_n3A_295 masked %reduce_sum3A_297 : vector<16xi32>, vector<16xi1> -> vector<16xi32>
          %reduce_sum3A_299 = vector.extract %reduce_sum3A_298[15] : i32 from vector<16xi32>
          %sub3A_300 = arith.constant 1 : i32
          %sub3A_301 = arith.subi %reduce_sum3A_289, %sub3A_300 : i32
          %eq3A_302 = vector.broadcast %sub3A_301 : i32 to vector<16xi32>
          %eq3A_303 = arith.cmpi eq, %iota3A, %eq3A_302 : vector<16xi32>
          %jit3A_304 = arith.constant 0 : i32
          %broadcast_in_dim3A_305 = vector.broadcast %jit3A_304 : i32 to vector<16xi32>
          %select_n3A_306 = arith.select %eq3A_303, %add3A_270, %broadcast_in_dim3A_305 : vector<16xi1>, vector<16xi32>
          %reduce_sum3A_307 = arith.constant true
          %reduce_sum3A_308 = vector.broadcast %reduce_sum3A_307 : i1 to vector<16xi1>
          %reduce_sum3A_309 = tpu.scan <sum>, %select_n3A_306 masked %reduce_sum3A_308 : vector<16xi32>, vector<16xi1> -> vector<16xi32>
          %reduce_sum3A_310 = vector.extract %reduce_sum3A_309[15] : i32 from vector<16xi32>
          %not3A = arith.constant true
          %not3A_311 = arith.xori %scan3A_241, %not3A : i1
          %gt3A_312 = arith.constant 0 : i32
          %gt3A_313 = arith.cmpi sgt, %reduce_sum3A_289, %gt3A_312 : i32
          %and3A_314 = arith.andi %not3A_311, %gt3A_313 : i1
          %mul3A_315 = arith.constant 16 : i32
          %mul3A_316 = arith.muli %sub3A_246, %mul3A_315 : i32
          %add3A_317 = arith.addi %mul3A_316, %reduce_sum3A_289 : i32
          %sub3A_318 = arith.constant 1 : i32
          %sub3A_319 = arith.subi %add3A_317, %sub3A_318 : i32
          %select_n3A_320 = arith.select %and3A_314, %sub3A_319, %scan3A_242 : i32
          %select_n3A_321 = arith.select %and3A_314, %reduce_sum3A_299, %scan3A_243 : i32
          %select_n3A_322 = arith.select %and3A_314, %reduce_sum3A_310, %scan3A_244 : i32
          %gt3A_323 = arith.constant 0 : i32
          %gt3A_324 = arith.cmpi sgt, %reduce_sum3A_289, %gt3A_323 : i32
          %or3A_325 = arith.ori %scan3A_241, %gt3A_324 : i1
          %reduce_sum3A_326 = arith.constant true
          %reduce_sum3A_327 = vector.broadcast %reduce_sum3A_326 : i1 to vector<16xi1>
          %reduce_sum3A_328 = tpu.scan <sum>, %add3A_270 masked %reduce_sum3A_327 : vector<16xi32>, vector<16xi1> -> vector<16xi32>
          %reduce_sum3A_329 = vector.extract %reduce_sum3A_328[15] : i32 from vector<16xi32>
          %add3A_330 = arith.addi %scan3A_240, %reduce_sum3A_329 : i32
          scf.yield %add3A_330, %or3A_325, %select_n3A_320, %select_n3A_321, %select_n3A_322 : i32, i1, i32, i32, i32
        }
        %scan3A_208 = arith.constant 256 : i32
        %sub3A_209 = arith.subi %sub3A_28, %scan3A_207#3 : i32
        %shift_left3A = arith.constant 12 : i32
        %shift_left3A_210 = arith.shli %scan3A_26#2, %shift_left3A : i32
        %or3A = arith.ori %shift_left3A_210, %scan3A_207#2 : i32
        %scan3A_211 = arith.constant 0 : i32
        %scan3A_212 = arith.constant 0 : i32
        %scan3A_213 = arith.constant 16 : i32
        %scan3A_214 = arith.addi %scan3A_212, %scan3A_213 : i32
        %scan3A_215 = arith.constant 1 : i32
        %scan3A_216 = scf.for %scan3A_239 = %scan3A_212 to %scan3A_214 step %scan3A_215 iter_args(%scan3A_240 = %scan3A_211) -> (i32)  : i32 {
          %mul3A_241 = arith.constant 4 : i32
          %mul3A_242 = arith.muli %scan3A_239, %mul3A_241 : i32
          %add3A_243 = arith.constant 0 : i32
          %add3A_244 = arith.addi %mul3A_242, %add3A_243 : i32
          %mul3A_245 = arith.constant 16 : i32
          %mul3A_246 = arith.muli %add3A_244, %mul3A_245 : i32
          %swap3A = arith.index_cast %mul3A_246 : i32 to index
          %swap3A_247 = tpu.vector_load %arg7[%swap3A] {strides = array<i32>} : memref<1024xi32, #tpu.memory_space<vmem>>, vector<16xi32>,
          tpu.vector_store %arg7[%swap3A], %broadcast_in_dim3A_3 {strides = array<i32>} : memref<1024xi32, #tpu.memory_space<vmem>>, vector<16xi32>,
          %mul3A_248 = arith.constant 4 : i32
          %mul3A_249 = arith.muli %scan3A_239, %mul3A_248 : i32
          %add3A_250 = arith.constant 1 : i32
          %add3A_251 = arith.addi %mul3A_249, %add3A_250 : i32
          %mul3A_252 = arith.constant 16 : i32
          %mul3A_253 = arith.muli %add3A_251, %mul3A_252 : i32
          %swap3A_254 = arith.index_cast %mul3A_253 : i32 to index
          %swap3A_255 = tpu.vector_load %arg7[%swap3A_254] {strides = array<i32>} : memref<1024xi32, #tpu.memory_space<vmem>>, vector<16xi32>,
          tpu.vector_store %arg7[%swap3A_254], %broadcast_in_dim3A_3 {strides = array<i32>} : memref<1024xi32, #tpu.memory_space<vmem>>, vector<16xi32>,
          %mul3A_256 = arith.constant 4 : i32
          %mul3A_257 = arith.muli %scan3A_239, %mul3A_256 : i32
          %add3A_258 = arith.constant 2 : i32
          %add3A_259 = arith.addi %mul3A_257, %add3A_258 : i32
          %mul3A_260 = arith.constant 16 : i32
          %mul3A_261 = arith.muli %add3A_259, %mul3A_260 : i32
          %swap3A_262 = arith.index_cast %mul3A_261 : i32 to index
          %swap3A_263 = tpu.vector_load %arg7[%swap3A_262] {strides = array<i32>} : memref<1024xi32, #tpu.memory_space<vmem>>, vector<16xi32>,
          tpu.vector_store %arg7[%swap3A_262], %broadcast_in_dim3A_3 {strides = array<i32>} : memref<1024xi32, #tpu.memory_space<vmem>>, vector<16xi32>,
          %mul3A_264 = arith.constant 4 : i32
          %mul3A_265 = arith.muli %scan3A_239, %mul3A_264 : i32
          %add3A_266 = arith.constant 3 : i32
          %add3A_267 = arith.addi %mul3A_265, %add3A_266 : i32
          %mul3A_268 = arith.constant 16 : i32
          %mul3A_269 = arith.muli %add3A_267, %mul3A_268 : i32
          %swap3A_270 = arith.index_cast %mul3A_269 : i32 to index
          %swap3A_271 = tpu.vector_load %arg7[%swap3A_270] {strides = array<i32>} : memref<1024xi32, #tpu.memory_space<vmem>>, vector<16xi32>,
          tpu.vector_store %arg7[%swap3A_270], %broadcast_in_dim3A_3 {strides = array<i32>} : memref<1024xi32, #tpu.memory_space<vmem>>, vector<16xi32>,
          %scan3A_272 = arith.constant 0 : i32
          scf.yield %scan3A_272 : i32
        }
        %scan3A_217 = arith.constant 16 : i32
        %scan3A_218 = arith.constant 0 : i32
        %scan3A_219 = arith.constant 0 : i32
        %scan3A_220 = arith.constant 1024 : i32
        %scan3A_221 = arith.addi %scan3A_219, %scan3A_220 : i32
        %scan3A_222 = arith.constant 1 : i32
        %scan3A_223 = scf.for %scan3A_239 = %scan3A_219 to %scan3A_221 step %scan3A_222 iter_args(%scan3A_240 = %scan3A_218) -> (i32)  : i32 {
          %mul3A_241 = arith.constant 4 : i32
          %mul3A_242 = arith.muli %scan3A_239, %mul3A_241 : i32
          %add3A_243 = arith.constant 0 : i32
          %add3A_244 = arith.addi %mul3A_242, %add3A_243 : i32
          %mul3A_245 = arith.constant 16 : i32
          %mul3A_246 = arith.muli %add3A_244, %mul3A_245 : i32
          %get3A = arith.index_cast %mul3A_246 : i32 to index
          %get3A_247 = tpu.vector_load %arg4[%get3A] {strides = array<i32>} : memref<65536xf32, #tpu.memory_space<vmem>>, vector<16xf32>,
          %bitcast_convert_type3A = tpu.bitcast %get3A_247 : vector<16xf32> -> vector<16xi32>
          %shift_right_arithmetic3A = arith.constant 8 : i32
          %shift_right_arithmetic3A_248 = vector.broadcast %shift_right_arithmetic3A : i32 to vector<16xi32>
          %shift_right_arithmetic3A_249 = arith.shrsi %bitcast_convert_type3A, %shift_right_arithmetic3A_248 : vector<16xi32>
          %eq3A = vector.broadcast %or3A : i32 to vector<16xi32>
          %eq3A_250 = arith.cmpi eq, %shift_right_arithmetic3A_249, %eq3A : vector<16xi32>
          %and3A_251 = arith.constant 255 : i32
          %and3A_252 = vector.broadcast %and3A_251 : i32 to vector<16xi32>
          %and3A_253 = arith.andi %bitcast_convert_type3A, %and3A_252 : vector<16xi32>
          %unique3A, %unique3A_254 = tpu.scan_count mask(%eq3A_250 : vector<16xi1>) value(%and3A_253 : vector<16xi32>) : vector<16xi1>, vector<16xi32>
          %add3A_255 = arith.constant 0 : i32
          %add3A_256 = vector.broadcast %add3A_255 : i32 to vector<16xi32>
          %add3A_257 = arith.addi %add3A_256, %and3A_253 : vector<16xi32>
          %and3A_258 = arith.andi %unique3A, %eq3A_250 : vector<16xi1>
          tpu.vector_store_idx %arg7[%add3A_257], %unique3A_254 masked %and3A_258 {add = true} : memref<1024xi32, #tpu.memory_space<vmem>>[vector<16xi32>], vector<16xi32>, vector<16xi1>
          %mul3A_259 = arith.constant 4 : i32
          %mul3A_260 = arith.muli %scan3A_239, %mul3A_259 : i32
          %add3A_261 = arith.constant 1 : i32
          %add3A_262 = arith.addi %mul3A_260, %add3A_261 : i32
          %mul3A_263 = arith.constant 16 : i32
          %mul3A_264 = arith.muli %add3A_262, %mul3A_263 : i32
          %get3A_265 = arith.index_cast %mul3A_264 : i32 to index
          %get3A_266 = tpu.vector_load %arg4[%get3A_265] {strides = array<i32>} : memref<65536xf32, #tpu.memory_space<vmem>>, vector<16xf32>,
          %bitcast_convert_type3A_267 = tpu.bitcast %get3A_266 : vector<16xf32> -> vector<16xi32>
          %shift_right_arithmetic3A_268 = arith.constant 8 : i32
          %shift_right_arithmetic3A_269 = vector.broadcast %shift_right_arithmetic3A_268 : i32 to vector<16xi32>
          %shift_right_arithmetic3A_270 = arith.shrsi %bitcast_convert_type3A_267, %shift_right_arithmetic3A_269 : vector<16xi32>
          %eq3A_271 = vector.broadcast %or3A : i32 to vector<16xi32>
          %eq3A_272 = arith.cmpi eq, %shift_right_arithmetic3A_270, %eq3A_271 : vector<16xi32>
          %and3A_273 = arith.constant 255 : i32
          %and3A_274 = vector.broadcast %and3A_273 : i32 to vector<16xi32>
          %and3A_275 = arith.andi %bitcast_convert_type3A_267, %and3A_274 : vector<16xi32>
          %unique3A_276, %unique3A_277 = tpu.scan_count mask(%eq3A_272 : vector<16xi1>) value(%and3A_275 : vector<16xi32>) : vector<16xi1>, vector<16xi32>
          %add3A_278 = arith.constant 256 : i32
          %add3A_279 = vector.broadcast %add3A_278 : i32 to vector<16xi32>
          %add3A_280 = arith.addi %add3A_279, %and3A_275 : vector<16xi32>
          %and3A_281 = arith.andi %unique3A_276, %eq3A_272 : vector<16xi1>
          tpu.vector_store_idx %arg7[%add3A_280], %unique3A_277 masked %and3A_281 {add = true} : memref<1024xi32, #tpu.memory_space<vmem>>[vector<16xi32>], vector<16xi32>, vector<16xi1>
          %mul3A_282 = arith.constant 4 : i32
          %mul3A_283 = arith.muli %scan3A_239, %mul3A_282 : i32
          %add3A_284 = arith.constant 2 : i32
          %add3A_285 = arith.addi %mul3A_283, %add3A_284 : i32
          %mul3A_286 = arith.constant 16 : i32
          %mul3A_287 = arith.muli %add3A_285, %mul3A_286 : i32
          %get3A_288 = arith.index_cast %mul3A_287 : i32 to index
          %get3A_289 = tpu.vector_load %arg4[%get3A_288] {strides = array<i32>} : memref<65536xf32, #tpu.memory_space<vmem>>, vector<16xf32>,
          %bitcast_convert_type3A_290 = tpu.bitcast %get3A_289 : vector<16xf32> -> vector<16xi32>
          %shift_right_arithmetic3A_291 = arith.constant 8 : i32
          %shift_right_arithmetic3A_292 = vector.broadcast %shift_right_arithmetic3A_291 : i32 to vector<16xi32>
          %shift_right_arithmetic3A_293 = arith.shrsi %bitcast_convert_type3A_290, %shift_right_arithmetic3A_292 : vector<16xi32>
          %eq3A_294 = vector.broadcast %or3A : i32 to vector<16xi32>
          %eq3A_295 = arith.cmpi eq, %shift_right_arithmetic3A_293, %eq3A_294 : vector<16xi32>
          %and3A_296 = arith.constant 255 : i32
          %and3A_297 = vector.broadcast %and3A_296 : i32 to vector<16xi32>
          %and3A_298 = arith.andi %bitcast_convert_type3A_290, %and3A_297 : vector<16xi32>
          %unique3A_299, %unique3A_300 = tpu.scan_count mask(%eq3A_295 : vector<16xi1>) value(%and3A_298 : vector<16xi32>) : vector<16xi1>, vector<16xi32>
          %add3A_301 = arith.constant 512 : i32
          %add3A_302 = vector.broadcast %add3A_301 : i32 to vector<16xi32>
          %add3A_303 = arith.addi %add3A_302, %and3A_298 : vector<16xi32>
          %and3A_304 = arith.andi %unique3A_299, %eq3A_295 : vector<16xi1>
          tpu.vector_store_idx %arg7[%add3A_303], %unique3A_300 masked %and3A_304 {add = true} : memref<1024xi32, #tpu.memory_space<vmem>>[vector<16xi32>], vector<16xi32>, vector<16xi1>
          %mul3A_305 = arith.constant 4 : i32
          %mul3A_306 = arith.muli %scan3A_239, %mul3A_305 : i32
          %add3A_307 = arith.constant 3 : i32
          %add3A_308 = arith.addi %mul3A_306, %add3A_307 : i32
          %mul3A_309 = arith.constant 16 : i32
          %mul3A_310 = arith.muli %add3A_308, %mul3A_309 : i32
          %get3A_311 = arith.index_cast %mul3A_310 : i32 to index
          %get3A_312 = tpu.vector_load %arg4[%get3A_311] {strides = array<i32>} : memref<65536xf32, #tpu.memory_space<vmem>>, vector<16xf32>,
          %bitcast_convert_type3A_313 = tpu.bitcast %get3A_312 : vector<16xf32> -> vector<16xi32>
          %shift_right_arithmetic3A_314 = arith.constant 8 : i32
          %shift_right_arithmetic3A_315 = vector.broadcast %shift_right_arithmetic3A_314 : i32 to vector<16xi32>
          %shift_right_arithmetic3A_316 = arith.shrsi %bitcast_convert_type3A_313, %shift_right_arithmetic3A_315 : vector<16xi32>
          %eq3A_317 = vector.broadcast %or3A : i32 to vector<16xi32>
          %eq3A_318 = arith.cmpi eq, %shift_right_arithmetic3A_316, %eq3A_317 : vector<16xi32>
          %and3A_319 = arith.constant 255 : i32
          %and3A_320 = vector.broadcast %and3A_319 : i32 to vector<16xi32>
          %and3A_321 = arith.andi %bitcast_convert_type3A_313, %and3A_320 : vector<16xi32>
          %unique3A_322, %unique3A_323 = tpu.scan_count mask(%eq3A_318 : vector<16xi1>) value(%and3A_321 : vector<16xi32>) : vector<16xi1>, vector<16xi32>
          %add3A_324 = arith.constant 768 : i32
          %add3A_325 = vector.broadcast %add3A_324 : i32 to vector<16xi32>
          %add3A_326 = arith.addi %add3A_325, %and3A_321 : vector<16xi32>
          %and3A_327 = arith.andi %unique3A_322, %eq3A_318 : vector<16xi1>
          tpu.vector_store_idx %arg7[%add3A_326], %unique3A_323 masked %and3A_327 {add = true} : memref<1024xi32, #tpu.memory_space<vmem>>[vector<16xi32>], vector<16xi32>, vector<16xi1>
          %scan3A_328 = arith.constant 0 : i32
          scf.yield %scan3A_328 : i32
        }
        %scan3A_224 = arith.constant 1024 : i32
        %scan3A_225 = arith.constant 0 : i32
        %scan3A_226 = arith.constant false
        %scan3A_227 = arith.constant 0 : i32
        %scan3A_228 = arith.constant 0 : i32
        %scan3A_229 = arith.constant 0 : i32
        %scan3A_230 = arith.constant 0 : i32
        %scan3A_231 = arith.constant 16 : i32
        %scan3A_232 = arith.addi %scan3A_230, %scan3A_231 : i32
        %scan3A_233 = arith.constant 1 : i32
        %scan3A_234:5 = scf.for %scan3A_239 = %scan3A_230 to %scan3A_232 step %scan3A_233 iter_args(%scan3A_240 = %scan3A_225, %scan3A_241 = %scan3A_226, %scan3A_242 = %scan3A_227, %scan3A_243 = %scan3A_228, %scan3A_244 = %scan3A_229) -> (i32, i1, i32, i32, i32)  : i32 {
          %sub3A_245 = arith.constant 15 : i32
          %sub3A_246 = arith.subi %sub3A_245, %scan3A_239 : i32
          %mul3A_247 = arith.constant 16 : i32
          %mul3A_248 = arith.muli %sub3A_246, %mul3A_247 : i32
          %get3A = arith.index_cast %mul3A_248 : i32 to index
          %get3A_249 = tpu.vector_load %arg7[%get3A] {strides = array<i32>} : memref<1024xi32, #tpu.memory_space<vmem>>, vector<16xi32>,
          %mul3A_250 = arith.constant 16 : i32
          %mul3A_251 = arith.muli %sub3A_246, %mul3A_250 : i32
          %add3A_252 = arith.constant 256 : i32
          %add3A_253 = arith.addi %add3A_252, %mul3A_251 : i32
          %get3A_254 = arith.index_cast %add3A_253 : i32 to index
          %get3A_255 = tpu.vector_load %arg7[%get3A_254] {strides = array<i32>} : memref<1024xi32, #tpu.memory_space<vmem>>, vector<16xi32>,
          %add3A_256 = arith.addi %get3A_249, %get3A_255 : vector<16xi32>
          %mul3A_257 = arith.constant 16 : i32
          %mul3A_258 = arith.muli %sub3A_246, %mul3A_257 : i32
          %add3A_259 = arith.constant 512 : i32
          %add3A_260 = arith.addi %add3A_259, %mul3A_258 : i32
          %get3A_261 = arith.index_cast %add3A_260 : i32 to index
          %get3A_262 = tpu.vector_load %arg7[%get3A_261] {strides = array<i32>} : memref<1024xi32, #tpu.memory_space<vmem>>, vector<16xi32>,
          %add3A_263 = arith.addi %add3A_256, %get3A_262 : vector<16xi32>
          %mul3A_264 = arith.constant 16 : i32
          %mul3A_265 = arith.muli %sub3A_246, %mul3A_264 : i32
          %add3A_266 = arith.constant 768 : i32
          %add3A_267 = arith.addi %add3A_266, %mul3A_265 : i32
          %get3A_268 = arith.index_cast %add3A_267 : i32 to index
          %get3A_269 = tpu.vector_load %arg7[%get3A_268] {strides = array<i32>} : memref<1024xi32, #tpu.memory_space<vmem>>, vector<16xi32>,
          %add3A_270 = arith.addi %add3A_263, %get3A_269 : vector<16xi32>
          %rev3A = arith.constant 15 : i32
          %rev3A_271 = vector.broadcast %rev3A : i32 to vector<16xi32>
          %rev3A_272 = tpu.iota {dimensions = array<i32: 0>} : vector<16xi32>
          %rev3A_273 = arith.subi %rev3A_271, %rev3A_272 : vector<16xi32>
          %rev3A_274 = tpu.dynamic_gather %add3A_270[%rev3A_273] in [0] : vector<16xi32>, vector<16xi32> -> vector<16xi32>
          %broadcast_in_dim3A_275 = arith.constant true
          %broadcast_in_dim3A_276 = vector.broadcast %broadcast_in_dim3A_275 : i1 to vector<16xi1>
          %masked_cumsum3A = tpu.scan <sum>, %rev3A_274 masked %broadcast_in_dim3A_276 : vector<16xi32>, vector<16xi1> -> vector<16xi32>
          %rev3A_277 = arith.constant 15 : i32
          %rev3A_278 = vector.broadcast %rev3A_277 : i32 to vector<16xi32>
          %rev3A_279 = tpu.iota {dimensions = array<i32: 0>} : vector<16xi32>
          %rev3A_280 = arith.subi %rev3A_278, %rev3A_279 : vector<16xi32>
          %rev3A_281 = tpu.dynamic_gather %masked_cumsum3A[%rev3A_280] in [0] : vector<16xi32>, vector<16xi32> -> vector<16xi32>
          %add3A_282 = vector.broadcast %scan3A_240 : i32 to vector<16xi32>
          %add3A_283 = arith.addi %rev3A_281, %add3A_282 : vector<16xi32>
          %sub3A_284 = arith.subi %add3A_283, %add3A_270 : vector<16xi32>
          %ge3A = vector.broadcast %sub3A_209 : i32 to vector<16xi32>
          %ge3A_285 = arith.cmpi sge, %add3A_283, %ge3A : vector<16xi32>
          %convert_element_type3A_286 = arith.extui %ge3A_285 : vector<16xi1> to vector<16xi32>
          %reduce_sum3A = arith.constant true
          %reduce_sum3A_287 = vector.broadcast %reduce_sum3A : i1 to vector<16xi1>
          %reduce_sum3A_288 = tpu.scan <sum>, %convert_element_type3A_286 masked %reduce_sum3A_287 : vector<16xi32>, vector<16xi1> -> vector<16xi32>
          %reduce_sum3A_289 = vector.extract %reduce_sum3A_288[15] : i32 from vector<16xi32>
          %sub3A_290 = arith.constant 1 : i32
          %sub3A_291 = arith.subi %reduce_sum3A_289, %sub3A_290 : i32
          %eq3A = vector.broadcast %sub3A_291 : i32 to vector<16xi32>
          %eq3A_292 = arith.cmpi eq, %iota3A, %eq3A : vector<16xi32>
          %jit3A_293 = arith.constant 0 : i32
          %broadcast_in_dim3A_294 = vector.broadcast %jit3A_293 : i32 to vector<16xi32>
          %select_n3A_295 = arith.select %eq3A_292, %sub3A_284, %broadcast_in_dim3A_294 : vector<16xi1>, vector<16xi32>
          %reduce_sum3A_296 = arith.constant true
          %reduce_sum3A_297 = vector.broadcast %reduce_sum3A_296 : i1 to vector<16xi1>
          %reduce_sum3A_298 = tpu.scan <sum>, %select_n3A_295 masked %reduce_sum3A_297 : vector<16xi32>, vector<16xi1> -> vector<16xi32>
          %reduce_sum3A_299 = vector.extract %reduce_sum3A_298[15] : i32 from vector<16xi32>
          %sub3A_300 = arith.constant 1 : i32
          %sub3A_301 = arith.subi %reduce_sum3A_289, %sub3A_300 : i32
          %eq3A_302 = vector.broadcast %sub3A_301 : i32 to vector<16xi32>
          %eq3A_303 = arith.cmpi eq, %iota3A, %eq3A_302 : vector<16xi32>
          %jit3A_304 = arith.constant 0 : i32
          %broadcast_in_dim3A_305 = vector.broadcast %jit3A_304 : i32 to vector<16xi32>
          %select_n3A_306 = arith.select %eq3A_303, %add3A_270, %broadcast_in_dim3A_305 : vector<16xi1>, vector<16xi32>
          %reduce_sum3A_307 = arith.constant true
          %reduce_sum3A_308 = vector.broadcast %reduce_sum3A_307 : i1 to vector<16xi1>
          %reduce_sum3A_309 = tpu.scan <sum>, %select_n3A_306 masked %reduce_sum3A_308 : vector<16xi32>, vector<16xi1> -> vector<16xi32>
          %reduce_sum3A_310 = vector.extract %reduce_sum3A_309[15] : i32 from vector<16xi32>
          %not3A = arith.constant true
          %not3A_311 = arith.xori %scan3A_241, %not3A : i1
          %gt3A_312 = arith.constant 0 : i32
          %gt3A_313 = arith.cmpi sgt, %reduce_sum3A_289, %gt3A_312 : i32
          %and3A_314 = arith.andi %not3A_311, %gt3A_313 : i1
          %mul3A_315 = arith.constant 16 : i32
          %mul3A_316 = arith.muli %sub3A_246, %mul3A_315 : i32
          %add3A_317 = arith.addi %mul3A_316, %reduce_sum3A_289 : i32
          %sub3A_318 = arith.constant 1 : i32
          %sub3A_319 = arith.subi %add3A_317, %sub3A_318 : i32
          %select_n3A_320 = arith.select %and3A_314, %sub3A_319, %scan3A_242 : i32
          %select_n3A_321 = arith.select %and3A_314, %reduce_sum3A_299, %scan3A_243 : i32
          %select_n3A_322 = arith.select %and3A_314, %reduce_sum3A_310, %scan3A_244 : i32
          %gt3A_323 = arith.constant 0 : i32
          %gt3A_324 = arith.cmpi sgt, %reduce_sum3A_289, %gt3A_323 : i32
          %or3A_325 = arith.ori %scan3A_241, %gt3A_324 : i1
          %reduce_sum3A_326 = arith.constant true
          %reduce_sum3A_327 = vector.broadcast %reduce_sum3A_326 : i1 to vector<16xi1>
          %reduce_sum3A_328 = tpu.scan <sum>, %add3A_270 masked %reduce_sum3A_327 : vector<16xi32>, vector<16xi1> -> vector<16xi32>
          %reduce_sum3A_329 = vector.extract %reduce_sum3A_328[15] : i32 from vector<16xi32>
          %add3A_330 = arith.addi %scan3A_240, %reduce_sum3A_329 : i32
          scf.yield %add3A_330, %or3A_325, %select_n3A_320, %select_n3A_321, %select_n3A_322 : i32, i1, i32, i32, i32
        }
        %scan3A_235 = arith.constant 16 : i32
        %shift_left3A_236 = arith.constant 8 : i32
        %shift_left3A_237 = arith.shli %or3A, %shift_left3A_236 : i32
        %or3A_238 = arith.ori %shift_left3A_237, %scan3A_234#2 : i32
        scf.yield %or3A_238 : i32
      } else {
        %shift_left3A = arith.constant 20 : i32
        %shift_left3A_184 = arith.shli %scan3A_26#2, %shift_left3A : i32
        scf.yield %shift_left3A_184 : i32
      }
      %scan3A_36 = arith.constant 0 : i32
      %scan3A_37 = arith.constant 0 : i32
      %scan3A_38 = arith.constant 256 : i32
      %scan3A_39 = arith.addi %scan3A_37, %scan3A_38 : i32
      %scan3A_40 = arith.constant 1 : i32
      %scan3A_41 = scf.for %scan3A_184 = %scan3A_37 to %scan3A_39 step %scan3A_40 iter_args(%scan3A_185 = %scan3A_36) -> (i32)  : i32 {
        %broadcast_in_dim3A_186 = arith.constant 1073741823 : i32
        %broadcast_in_dim3A_187 = vector.broadcast %broadcast_in_dim3A_186 : i32 to vector<16xi32>
        %mul3A_188 = arith.constant 16 : i32
        %mul3A_189 = arith.muli %scan3A_184, %mul3A_188 : i32
        %swap3A = arith.index_cast %mul3A_189 : i32 to index
        %swap3A_190 = tpu.vector_load %arg8[%swap3A] {strides = array<i32>} : memref<4096xi32, #tpu.memory_space<vmem>>, vector<16xi32>,
        tpu.vector_store %arg8[%swap3A], %broadcast_in_dim3A_187 {strides = array<i32>} : memref<4096xi32, #tpu.memory_space<vmem>>, vector<16xi32>,
        %scan3A_191 = arith.constant 0 : i32
        scf.yield %scan3A_191 : i32
      }
      %scan3A_42 = arith.constant 256 : i32
      %scan3A_43 = arith.constant 0 : i32
      %scan3A_44 = arith.constant 0 : i32
      %scan3A_45 = arith.constant 1024 : i32
      %scan3A_46 = arith.addi %scan3A_44, %scan3A_45 : i32
      %scan3A_47 = arith.constant 1 : i32
      %scan3A_48 = scf.for %scan3A_184 = %scan3A_44 to %scan3A_46 step %scan3A_47 iter_args(%scan3A_185 = %scan3A_43) -> (i32)  : i32 {
        %le3A = arith.constant 4032 : i32
        %le3A_186 = arith.cmpi sle, %scan3A_185, %le3A : i32
        %convert_element_type3A_187 = arith.extui %le3A_186 : i1 to i32
        %cond3A_188 = arith.constant 0 : i32
        %cond3A_189 = arith.cmpi ne, %convert_element_type3A_187, %cond3A_188 : i32
        %cond3A_190 = scf.if %cond3A_189 -> (i32) {
          %mul3A_191 = arith.constant 4 : i32
          %mul3A_192 = arith.muli %scan3A_184, %mul3A_191 : i32
          %add3A_193 = arith.constant 0 : i32
          %add3A_194 = arith.addi %mul3A_192, %add3A_193 : i32
          %mul3A_195 = arith.constant 16 : i32
          %mul3A_196 = arith.muli %add3A_194, %mul3A_195 : i32
          %get3A = arith.index_cast %mul3A_196 : i32 to index
          %get3A_197 = tpu.vector_load %arg4[%get3A] {strides = array<i32>} : memref<65536xf32, #tpu.memory_space<vmem>>, vector<16xf32>,
          %bitcast_convert_type3A = tpu.bitcast %get3A_197 : vector<16xf32> -> vector<16xi32>
          %ge3A = vector.broadcast %cond3A_35 : i32 to vector<16xi32>
          %ge3A_198 = arith.cmpi sge, %bitcast_convert_type3A, %ge3A : vector<16xi32>
          %sub3A_199 = arith.constant 1073741823 : i32
          %sub3A_200 = vector.broadcast %sub3A_199 : i32 to vector<16xi32>
          %sub3A_201 = arith.subi %sub3A_200, %bitcast_convert_type3A : vector<16xi32>
          %convert_element_type3A_202 = arith.extui %ge3A_198 : vector<16xi1> to vector<16xi32>
          %reduce_sum3A = arith.constant true
          %reduce_sum3A_203 = vector.broadcast %reduce_sum3A : i1 to vector<16xi1>
          %reduce_sum3A_204 = tpu.scan <sum>, %convert_element_type3A_202 masked %reduce_sum3A_203 : vector<16xi32>, vector<16xi1> -> vector<16xi32>
          %reduce_sum3A_205 = vector.extract %reduce_sum3A_204[15] : i32 from vector<16xi32>
          %mul3A_206 = arith.constant 4 : i32
          %mul3A_207 = arith.muli %scan3A_184, %mul3A_206 : i32
          %add3A_208 = arith.constant 1 : i32
          %add3A_209 = arith.addi %mul3A_207, %add3A_208 : i32
          %mul3A_210 = arith.constant 16 : i32
          %mul3A_211 = arith.muli %add3A_209, %mul3A_210 : i32
          %get3A_212 = arith.index_cast %mul3A_211 : i32 to index
          %get3A_213 = tpu.vector_load %arg4[%get3A_212] {strides = array<i32>} : memref<65536xf32, #tpu.memory_space<vmem>>, vector<16xf32>,
          %bitcast_convert_type3A_214 = tpu.bitcast %get3A_213 : vector<16xf32> -> vector<16xi32>
          %ge3A_215 = vector.broadcast %cond3A_35 : i32 to vector<16xi32>
          %ge3A_216 = arith.cmpi sge, %bitcast_convert_type3A_214, %ge3A_215 : vector<16xi32>
          %sub3A_217 = arith.constant 1073741823 : i32
          %sub3A_218 = vector.broadcast %sub3A_217 : i32 to vector<16xi32>
          %sub3A_219 = arith.subi %sub3A_218, %bitcast_convert_type3A_214 : vector<16xi32>
          %convert_element_type3A_220 = arith.extui %ge3A_216 : vector<16xi1> to vector<16xi32>
          %reduce_sum3A_221 = arith.constant true
          %reduce_sum3A_222 = vector.broadcast %reduce_sum3A_221 : i1 to vector<16xi1>
          %reduce_sum3A_223 = tpu.scan <sum>, %convert_element_type3A_220 masked %reduce_sum3A_222 : vector<16xi32>, vector<16xi1> -> vector<16xi32>
          %reduce_sum3A_224 = vector.extract %reduce_sum3A_223[15] : i32 from vector<16xi32>
          %mul3A_225 = arith.constant 4 : i32
          %mul3A_226 = arith.muli %scan3A_184, %mul3A_225 : i32
          %add3A_227 = arith.constant 2 : i32
          %add3A_228 = arith.addi %mul3A_226, %add3A_227 : i32
          %mul3A_229 = arith.constant 16 : i32
          %mul3A_230 = arith.muli %add3A_228, %mul3A_229 : i32
          %get3A_231 = arith.index_cast %mul3A_230 : i32 to index
          %get3A_232 = tpu.vector_load %arg4[%get3A_231] {strides = array<i32>} : memref<65536xf32, #tpu.memory_space<vmem>>, vector<16xf32>,
          %bitcast_convert_type3A_233 = tpu.bitcast %get3A_232 : vector<16xf32> -> vector<16xi32>
          %ge3A_234 = vector.broadcast %cond3A_35 : i32 to vector<16xi32>
          %ge3A_235 = arith.cmpi sge, %bitcast_convert_type3A_233, %ge3A_234 : vector<16xi32>
          %sub3A_236 = arith.constant 1073741823 : i32
          %sub3A_237 = vector.broadcast %sub3A_236 : i32 to vector<16xi32>
          %sub3A_238 = arith.subi %sub3A_237, %bitcast_convert_type3A_233 : vector<16xi32>
          %convert_element_type3A_239 = arith.extui %ge3A_235 : vector<16xi1> to vector<16xi32>
          %reduce_sum3A_240 = arith.constant true
          %reduce_sum3A_241 = vector.broadcast %reduce_sum3A_240 : i1 to vector<16xi1>
          %reduce_sum3A_242 = tpu.scan <sum>, %convert_element_type3A_239 masked %reduce_sum3A_241 : vector<16xi32>, vector<16xi1> -> vector<16xi32>
          %reduce_sum3A_243 = vector.extract %reduce_sum3A_242[15] : i32 from vector<16xi32>
          %mul3A_244 = arith.constant 4 : i32
          %mul3A_245 = arith.muli %scan3A_184, %mul3A_244 : i32
          %add3A_246 = arith.constant 3 : i32
          %add3A_247 = arith.addi %mul3A_245, %add3A_246 : i32
          %mul3A_248 = arith.constant 16 : i32
          %mul3A_249 = arith.muli %add3A_247, %mul3A_248 : i32
          %get3A_250 = arith.index_cast %mul3A_249 : i32 to index
          %get3A_251 = tpu.vector_load %arg4[%get3A_250] {strides = array<i32>} : memref<65536xf32, #tpu.memory_space<vmem>>, vector<16xf32>,
          %bitcast_convert_type3A_252 = tpu.bitcast %get3A_251 : vector<16xf32> -> vector<16xi32>
          %ge3A_253 = vector.broadcast %cond3A_35 : i32 to vector<16xi32>
          %ge3A_254 = arith.cmpi sge, %bitcast_convert_type3A_252, %ge3A_253 : vector<16xi32>
          %sub3A_255 = arith.constant 1073741823 : i32
          %sub3A_256 = vector.broadcast %sub3A_255 : i32 to vector<16xi32>
          %sub3A_257 = arith.subi %sub3A_256, %bitcast_convert_type3A_252 : vector<16xi32>
          %convert_element_type3A_258 = arith.extui %ge3A_254 : vector<16xi1> to vector<16xi32>
          %reduce_sum3A_259 = arith.constant true
          %reduce_sum3A_260 = vector.broadcast %reduce_sum3A_259 : i1 to vector<16xi1>
          %reduce_sum3A_261 = tpu.scan <sum>, %convert_element_type3A_258 masked %reduce_sum3A_260 : vector<16xi32>, vector<16xi1> -> vector<16xi32>
          %reduce_sum3A_262 = vector.extract %reduce_sum3A_261[15] : i32 from vector<16xi32>
          %mul3A_263 = arith.constant 4 : i32
          %mul3A_264 = arith.muli %scan3A_184, %mul3A_263 : i32
          %add3A_265 = arith.constant 0 : i32
          %add3A_266 = arith.addi %mul3A_264, %add3A_265 : i32
          %swap3A = arith.index_cast %scan3A_185 : i32 to index
          %swap3A_267 = tpu.vector_load %arg8[%swap3A] masked %ge3A_198 {strides = array<i32>} : memref<4096xi32, #tpu.memory_space<vmem>>, vector<16xi32>, vector<16xi1>
          tpu.vector_store %arg8[%swap3A], %sub3A_201 masked %ge3A_198 {strides = array<i32>} : memref<4096xi32, #tpu.memory_space<vmem>>, vector<16xi32>, vector<16xi1>
          %mul3A_268 = arith.constant 16 : i32
          %mul3A_269 = arith.muli %add3A_266, %mul3A_268 : i32
          %add3A_270 = vector.broadcast %mul3A_269 : i32 to vector<16xi32>
          %add3A_271 = arith.addi %add3A_270, %iota3A : vector<16xi32>
          %swap3A_272 = arith.index_cast %scan3A_185 : i32 to index
          %swap3A_273 = tpu.vector_load %arg9[%swap3A_272] masked %ge3A_198 {strides = array<i32>} : memref<4096xi32, #tpu.memory_space<vmem>>, vector<16xi32>, vector<16xi1>
          tpu.vector_store %arg9[%swap3A_272], %add3A_271 masked %ge3A_198 {strides = array<i32>} : memref<4096xi32, #tpu.memory_space<vmem>>, vector<16xi32>, vector<16xi1>
          %add3A_274 = arith.addi %scan3A_185, %reduce_sum3A_205 : i32
          %mul3A_275 = arith.constant 4 : i32
          %mul3A_276 = arith.muli %scan3A_184, %mul3A_275 : i32
          %add3A_277 = arith.constant 1 : i32
          %add3A_278 = arith.addi %mul3A_276, %add3A_277 : i32
          %swap3A_279 = arith.index_cast %add3A_274 : i32 to index
          %swap3A_280 = tpu.vector_load %arg8[%swap3A_279] masked %ge3A_216 {strides = array<i32>} : memref<4096xi32, #tpu.memory_space<vmem>>, vector<16xi32>, vector<16xi1>
          tpu.vector_store %arg8[%swap3A_279], %sub3A_219 masked %ge3A_216 {strides = array<i32>} : memref<4096xi32, #tpu.memory_space<vmem>>, vector<16xi32>, vector<16xi1>
          %mul3A_281 = arith.constant 16 : i32
          %mul3A_282 = arith.muli %add3A_278, %mul3A_281 : i32
          %add3A_283 = vector.broadcast %mul3A_282 : i32 to vector<16xi32>
          %add3A_284 = arith.addi %add3A_283, %iota3A : vector<16xi32>
          %swap3A_285 = arith.index_cast %add3A_274 : i32 to index
          %swap3A_286 = tpu.vector_load %arg9[%swap3A_285] masked %ge3A_216 {strides = array<i32>} : memref<4096xi32, #tpu.memory_space<vmem>>, vector<16xi32>, vector<16xi1>
          tpu.vector_store %arg9[%swap3A_285], %add3A_284 masked %ge3A_216 {strides = array<i32>} : memref<4096xi32, #tpu.memory_space<vmem>>, vector<16xi32>, vector<16xi1>
          %add3A_287 = arith.addi %add3A_274, %reduce_sum3A_224 : i32
          %mul3A_288 = arith.constant 4 : i32
          %mul3A_289 = arith.muli %scan3A_184, %mul3A_288 : i32
          %add3A_290 = arith.constant 2 : i32
          %add3A_291 = arith.addi %mul3A_289, %add3A_290 : i32
          %swap3A_292 = arith.index_cast %add3A_287 : i32 to index
          %swap3A_293 = tpu.vector_load %arg8[%swap3A_292] masked %ge3A_235 {strides = array<i32>} : memref<4096xi32, #tpu.memory_space<vmem>>, vector<16xi32>, vector<16xi1>
          tpu.vector_store %arg8[%swap3A_292], %sub3A_238 masked %ge3A_235 {strides = array<i32>} : memref<4096xi32, #tpu.memory_space<vmem>>, vector<16xi32>, vector<16xi1>
          %mul3A_294 = arith.constant 16 : i32
          %mul3A_295 = arith.muli %add3A_291, %mul3A_294 : i32
          %add3A_296 = vector.broadcast %mul3A_295 : i32 to vector<16xi32>
          %add3A_297 = arith.addi %add3A_296, %iota3A : vector<16xi32>
          %swap3A_298 = arith.index_cast %add3A_287 : i32 to index
          %swap3A_299 = tpu.vector_load %arg9[%swap3A_298] masked %ge3A_235 {strides = array<i32>} : memref<4096xi32, #tpu.memory_space<vmem>>, vector<16xi32>, vector<16xi1>
          tpu.vector_store %arg9[%swap3A_298], %add3A_297 masked %ge3A_235 {strides = array<i32>} : memref<4096xi32, #tpu.memory_space<vmem>>, vector<16xi32>, vector<16xi1>
          %add3A_300 = arith.addi %add3A_287, %reduce_sum3A_243 : i32
          %mul3A_301 = arith.constant 4 : i32
          %mul3A_302 = arith.muli %scan3A_184, %mul3A_301 : i32
          %add3A_303 = arith.constant 3 : i32
          %add3A_304 = arith.addi %mul3A_302, %add3A_303 : i32
          %swap3A_305 = arith.index_cast %add3A_300 : i32 to index
          %swap3A_306 = tpu.vector_load %arg8[%swap3A_305] masked %ge3A_254 {strides = array<i32>} : memref<4096xi32, #tpu.memory_space<vmem>>, vector<16xi32>, vector<16xi1>
          tpu.vector_store %arg8[%swap3A_305], %sub3A_257 masked %ge3A_254 {strides = array<i32>} : memref<4096xi32, #tpu.memory_space<vmem>>, vector<16xi32>, vector<16xi1>
          %mul3A_307 = arith.constant 16 : i32
          %mul3A_308 = arith.muli %add3A_304, %mul3A_307 : i32
          %add3A_309 = vector.broadcast %mul3A_308 : i32 to vector<16xi32>
          %add3A_310 = arith.addi %add3A_309, %iota3A : vector<16xi32>
          %swap3A_311 = arith.index_cast %add3A_300 : i32 to index
          %swap3A_312 = tpu.vector_load %arg9[%swap3A_311] masked %ge3A_254 {strides = array<i32>} : memref<4096xi32, #tpu.memory_space<vmem>>, vector<16xi32>, vector<16xi1>
          tpu.vector_store %arg9[%swap3A_311], %add3A_310 masked %ge3A_254 {strides = array<i32>} : memref<4096xi32, #tpu.memory_space<vmem>>, vector<16xi32>, vector<16xi1>
          %add3A_313 = arith.addi %add3A_300, %reduce_sum3A_262 : i32
          scf.yield %add3A_313 : i32
        } else {
          scf.yield %scan3A_185 : i32
        }
        scf.yield %cond3A_190 : i32
      }
      %scan3A_49 = arith.constant 1024 : i32
      %add3A_50 = arith.constant 64 : i32
      %add3A_51 = arith.addi %scan3A_48, %add3A_50 : i32
      %sub3A_52 = arith.constant 1 : i32
      %sub3A_53 = arith.subi %add3A_51, %sub3A_52 : i32
      %jit3A = arith.constant 64 : i32
      %div3A = arith.divsi %sub3A_53, %jit3A : i32
      %sign3A = arith.constant 0 : i32
      %sign3A_54 = arith.cmpi sgt, %sub3A_53, %sign3A : i32
      %sign3A_55 = arith.extui %sign3A_54 : i1 to i32
      %sign3A_56 = arith.constant 0 : i32
      %sign3A_57 = arith.cmpi slt, %sub3A_53, %sign3A_56 : i32
      %sign3A_58 = arith.extui %sign3A_57 : i1 to i32
      %sign3A_59 = arith.subi %sign3A_55, %sign3A_58 : i32
      %sign3A_60 = arith.constant 0 : i32
      %sign3A_61 = arith.cmpi sgt, %jit3A, %sign3A_60 : i32
      %sign3A_62 = arith.extui %sign3A_61 : i1 to i32
      %sign3A_63 = arith.constant 0 : i32
      %sign3A_64 = arith.cmpi slt, %jit3A, %sign3A_63 : i32
      %sign3A_65 = arith.extui %sign3A_64 : i1 to i32
      %sign3A_66 = arith.subi %sign3A_62, %sign3A_65 : i32
      %ne3A = arith.cmpi ne, %sign3A_59, %sign3A_66 : i32
      %rem3A = arith.remsi %sub3A_53, %jit3A : i32
      %ne3A_67 = arith.constant 0 : i32
      %ne3A_68 = arith.cmpi ne, %rem3A, %ne3A_67 : i32
      %and3A = arith.andi %ne3A, %ne3A_68 : i1
      %sub3A_69 = arith.constant 1 : i32
      %sub3A_70 = arith.subi %div3A, %sub3A_69 : i32
      %select_n3A = arith.select %and3A, %sub3A_70, %div3A : i32
      %scan3A_71 = arith.constant 0 : i32
      %scan3A_72 = arith.constant 0 : i32
      %scan3A_73 = arith.constant 64 : i32
      %scan3A_74 = arith.addi %scan3A_72, %scan3A_73 : i32
      %scan3A_75 = arith.constant 1 : i32
      %scan3A_76 = scf.for %scan3A_184 = %scan3A_72 to %scan3A_74 step %scan3A_75 iter_args(%scan3A_185 = %scan3A_71) -> (i32)  : i32 {
        %mul3A_186 = arith.constant 4 : i32
        %mul3A_187 = arith.muli %scan3A_184, %mul3A_186 : i32
        %add3A_188 = arith.constant 0 : i32
        %add3A_189 = arith.addi %mul3A_187, %add3A_188 : i32
        %mul3A_190 = arith.constant 16 : i32
        %mul3A_191 = arith.muli %add3A_189, %mul3A_190 : i32
        %swap3A = arith.index_cast %mul3A_191 : i32 to index
        %swap3A_192 = tpu.vector_load %arg5[%swap3A] {strides = array<i32>} : memref<4096xi32, #tpu.memory_space<vmem>>, vector<16xi32>,
        tpu.vector_store %arg5[%swap3A], %broadcast_in_dim3A_3 {strides = array<i32>} : memref<4096xi32, #tpu.memory_space<vmem>>, vector<16xi32>,
        %mul3A_193 = arith.constant 4 : i32
        %mul3A_194 = arith.muli %scan3A_184, %mul3A_193 : i32
        %add3A_195 = arith.constant 1 : i32
        %add3A_196 = arith.addi %mul3A_194, %add3A_195 : i32
        %mul3A_197 = arith.constant 16 : i32
        %mul3A_198 = arith.muli %add3A_196, %mul3A_197 : i32
        %swap3A_199 = arith.index_cast %mul3A_198 : i32 to index
        %swap3A_200 = tpu.vector_load %arg5[%swap3A_199] {strides = array<i32>} : memref<4096xi32, #tpu.memory_space<vmem>>, vector<16xi32>,
        tpu.vector_store %arg5[%swap3A_199], %broadcast_in_dim3A_3 {strides = array<i32>} : memref<4096xi32, #tpu.memory_space<vmem>>, vector<16xi32>,
        %mul3A_201 = arith.constant 4 : i32
        %mul3A_202 = arith.muli %scan3A_184, %mul3A_201 : i32
        %add3A_203 = arith.constant 2 : i32
        %add3A_204 = arith.addi %mul3A_202, %add3A_203 : i32
        %mul3A_205 = arith.constant 16 : i32
        %mul3A_206 = arith.muli %add3A_204, %mul3A_205 : i32
        %swap3A_207 = arith.index_cast %mul3A_206 : i32 to index
        %swap3A_208 = tpu.vector_load %arg5[%swap3A_207] {strides = array<i32>} : memref<4096xi32, #tpu.memory_space<vmem>>, vector<16xi32>,
        tpu.vector_store %arg5[%swap3A_207], %broadcast_in_dim3A_3 {strides = array<i32>} : memref<4096xi32, #tpu.memory_space<vmem>>, vector<16xi32>,
        %mul3A_209 = arith.constant 4 : i32
        %mul3A_210 = arith.muli %scan3A_184, %mul3A_209 : i32
        %add3A_211 = arith.constant 3 : i32
        %add3A_212 = arith.addi %mul3A_210, %add3A_211 : i32
        %mul3A_213 = arith.constant 16 : i32
        %mul3A_214 = arith.muli %add3A_212, %mul3A_213 : i32
        %swap3A_215 = arith.index_cast %mul3A_214 : i32 to index
        %swap3A_216 = tpu.vector_load %arg5[%swap3A_215] {strides = array<i32>} : memref<4096xi32, #tpu.memory_space<vmem>>, vector<16xi32>,
        tpu.vector_store %arg5[%swap3A_215], %broadcast_in_dim3A_3 {strides = array<i32>} : memref<4096xi32, #tpu.memory_space<vmem>>, vector<16xi32>,
        %scan3A_217 = arith.constant 0 : i32
        scf.yield %scan3A_217 : i32
      }
      %scan3A_77 = arith.constant 64 : i32
      %while3A = arith.constant 0 : i32
      %while3A_78 = arith.constant 0 : i32
      %while3A_79 = arith.subi %select_n3A, %while3A : i32
      %while3A_80 = arith.addi %while3A, %while3A_79 : i32
      %while3A_81 = arith.constant 1 : i32
      %while3A_82 = arith.divsi %while3A_79, %while3A_81 : i32
      %while3A_83 = arith.muli %while3A_82, %while3A_81 : i32
      %while3A_84 = arith.addi %while3A, %while3A_83 : i32
      %while3A_85 = arith.constant 1 : i32
      %while3A_86 = scf.for %while3A_184 = %while3A to %while3A_84 step %while3A_85 iter_args(%while3A_185 = %while3A_78) -> (i32)  : i32 {
        %mul3A_186 = arith.constant 4 : i32
        %mul3A_187 = arith.muli %while3A_184, %mul3A_186 : i32
        %add3A_188 = arith.constant 0 : i32
        %add3A_189 = arith.addi %mul3A_187, %add3A_188 : i32
        %mul3A_190 = arith.constant 16 : i32
        %mul3A_191 = arith.muli %add3A_189, %mul3A_190 : i32
        %get3A = arith.index_cast %mul3A_191 : i32 to index
        %get3A_192 = tpu.vector_load %arg8[%get3A] {strides = array<i32>} : memref<4096xi32, #tpu.memory_space<vmem>>, vector<16xi32>,
        %shift_right_arithmetic3A = arith.constant 0 : i32
        %shift_right_arithmetic3A_193 = vector.broadcast %shift_right_arithmetic3A : i32 to vector<16xi32>
        %shift_right_arithmetic3A_194 = arith.shrsi %get3A_192, %shift_right_arithmetic3A_193 : vector<16xi32>
        %and3A_195 = arith.constant 1023 : i32
        %and3A_196 = vector.broadcast %and3A_195 : i32 to vector<16xi32>
        %and3A_197 = arith.andi %shift_right_arithmetic3A_194, %and3A_196 : vector<16xi32>
        %broadcast_in_dim3A_198 = arith.constant true
        %broadcast_in_dim3A_199 = vector.broadcast %broadcast_in_dim3A_198 : i1 to vector<16xi1>
        %unique3A, %unique3A_200 = tpu.scan_count mask(%broadcast_in_dim3A_199 : vector<16xi1>) value(%and3A_197 : vector<16xi32>) : vector<16xi1>, vector<16xi32>
        %add3A_201 = arith.constant 0 : i32
        %add3A_202 = vector.broadcast %add3A_201 : i32 to vector<16xi32>
        %add3A_203 = arith.addi %add3A_202, %and3A_197 : vector<16xi32>
        tpu.vector_store_idx %arg5[%add3A_203], %unique3A_200 masked %unique3A {add = true} : memref<4096xi32, #tpu.memory_space<vmem>>[vector<16xi32>], vector<16xi32>, vector<16xi1>
        %mul3A_204 = arith.constant 4 : i32
        %mul3A_205 = arith.muli %while3A_184, %mul3A_204 : i32
        %add3A_206 = arith.constant 1 : i32
        %add3A_207 = arith.addi %mul3A_205, %add3A_206 : i32
        %mul3A_208 = arith.constant 16 : i32
        %mul3A_209 = arith.muli %add3A_207, %mul3A_208 : i32
        %get3A_210 = arith.index_cast %mul3A_209 : i32 to index
        %get3A_211 = tpu.vector_load %arg8[%get3A_210] {strides = array<i32>} : memref<4096xi32, #tpu.memory_space<vmem>>, vector<16xi32>,
        %shift_right_arithmetic3A_212 = arith.constant 0 : i32
        %shift_right_arithmetic3A_213 = vector.broadcast %shift_right_arithmetic3A_212 : i32 to vector<16xi32>
        %shift_right_arithmetic3A_214 = arith.shrsi %get3A_211, %shift_right_arithmetic3A_213 : vector<16xi32>
        %and3A_215 = arith.constant 1023 : i32
        %and3A_216 = vector.broadcast %and3A_215 : i32 to vector<16xi32>
        %and3A_217 = arith.andi %shift_right_arithmetic3A_214, %and3A_216 : vector<16xi32>
        %broadcast_in_dim3A_218 = arith.constant true
        %broadcast_in_dim3A_219 = vector.broadcast %broadcast_in_dim3A_218 : i1 to vector<16xi1>
        %unique3A_220, %unique3A_221 = tpu.scan_count mask(%broadcast_in_dim3A_219 : vector<16xi1>) value(%and3A_217 : vector<16xi32>) : vector<16xi1>, vector<16xi32>
        %add3A_222 = arith.constant 1024 : i32
        %add3A_223 = vector.broadcast %add3A_222 : i32 to vector<16xi32>
        %add3A_224 = arith.addi %add3A_223, %and3A_217 : vector<16xi32>
        tpu.vector_store_idx %arg5[%add3A_224], %unique3A_221 masked %unique3A_220 {add = true} : memref<4096xi32, #tpu.memory_space<vmem>>[vector<16xi32>], vector<16xi32>, vector<16xi1>
        %mul3A_225 = arith.constant 4 : i32
        %mul3A_226 = arith.muli %while3A_184, %mul3A_225 : i32
        %add3A_227 = arith.constant 2 : i32
        %add3A_228 = arith.addi %mul3A_226, %add3A_227 : i32
        %mul3A_229 = arith.constant 16 : i32
        %mul3A_230 = arith.muli %add3A_228, %mul3A_229 : i32
        %get3A_231 = arith.index_cast %mul3A_230 : i32 to index
        %get3A_232 = tpu.vector_load %arg8[%get3A_231] {strides = array<i32>} : memref<4096xi32, #tpu.memory_space<vmem>>, vector<16xi32>,
        %shift_right_arithmetic3A_233 = arith.constant 0 : i32
        %shift_right_arithmetic3A_234 = vector.broadcast %shift_right_arithmetic3A_233 : i32 to vector<16xi32>
        %shift_right_arithmetic3A_235 = arith.shrsi %get3A_232, %shift_right_arithmetic3A_234 : vector<16xi32>
        %and3A_236 = arith.constant 1023 : i32
        %and3A_237 = vector.broadcast %and3A_236 : i32 to vector<16xi32>
        %and3A_238 = arith.andi %shift_right_arithmetic3A_235, %and3A_237 : vector<16xi32>
        %broadcast_in_dim3A_239 = arith.constant true
        %broadcast_in_dim3A_240 = vector.broadcast %broadcast_in_dim3A_239 : i1 to vector<16xi1>
        %unique3A_241, %unique3A_242 = tpu.scan_count mask(%broadcast_in_dim3A_240 : vector<16xi1>) value(%and3A_238 : vector<16xi32>) : vector<16xi1>, vector<16xi32>
        %add3A_243 = arith.constant 2048 : i32
        %add3A_244 = vector.broadcast %add3A_243 : i32 to vector<16xi32>
        %add3A_245 = arith.addi %add3A_244, %and3A_238 : vector<16xi32>
        tpu.vector_store_idx %arg5[%add3A_245], %unique3A_242 masked %unique3A_241 {add = true} : memref<4096xi32, #tpu.memory_space<vmem>>[vector<16xi32>], vector<16xi32>, vector<16xi1>
        %mul3A_246 = arith.constant 4 : i32
        %mul3A_247 = arith.muli %while3A_184, %mul3A_246 : i32
        %add3A_248 = arith.constant 3 : i32
        %add3A_249 = arith.addi %mul3A_247, %add3A_248 : i32
        %mul3A_250 = arith.constant 16 : i32
        %mul3A_251 = arith.muli %add3A_249, %mul3A_250 : i32
        %get3A_252 = arith.index_cast %mul3A_251 : i32 to index
        %get3A_253 = tpu.vector_load %arg8[%get3A_252] {strides = array<i32>} : memref<4096xi32, #tpu.memory_space<vmem>>, vector<16xi32>,
        %shift_right_arithmetic3A_254 = arith.constant 0 : i32
        %shift_right_arithmetic3A_255 = vector.broadcast %shift_right_arithmetic3A_254 : i32 to vector<16xi32>
        %shift_right_arithmetic3A_256 = arith.shrsi %get3A_253, %shift_right_arithmetic3A_255 : vector<16xi32>
        %and3A_257 = arith.constant 1023 : i32
        %and3A_258 = vector.broadcast %and3A_257 : i32 to vector<16xi32>
        %and3A_259 = arith.andi %shift_right_arithmetic3A_256, %and3A_258 : vector<16xi32>
        %broadcast_in_dim3A_260 = arith.constant true
        %broadcast_in_dim3A_261 = vector.broadcast %broadcast_in_dim3A_260 : i1 to vector<16xi1>
        %unique3A_262, %unique3A_263 = tpu.scan_count mask(%broadcast_in_dim3A_261 : vector<16xi1>) value(%and3A_259 : vector<16xi32>) : vector<16xi1>, vector<16xi32>
        %add3A_264 = arith.constant 3072 : i32
        %add3A_265 = vector.broadcast %add3A_264 : i32 to vector<16xi32>
        %add3A_266 = arith.addi %add3A_265, %and3A_259 : vector<16xi32>
        tpu.vector_store_idx %arg5[%add3A_266], %unique3A_263 masked %unique3A_262 {add = true} : memref<4096xi32, #tpu.memory_space<vmem>>[vector<16xi32>], vector<16xi32>, vector<16xi1>
        %while3A_267 = arith.constant 0 : i32
        scf.yield %while3A_267 : i32
      }
      %while3A_87 = arith.constant 1 : i32
      %while3A_88 = scf.for %while3A_184 = %while3A_84 to %while3A_80 step %while3A_87 iter_args(%while3A_185 = %while3A_86) -> (i32)  : i32 {
        %mul3A_186 = arith.constant 4 : i32
        %mul3A_187 = arith.muli %while3A_184, %mul3A_186 : i32
        %add3A_188 = arith.constant 0 : i32
        %add3A_189 = arith.addi %mul3A_187, %add3A_188 : i32
        %mul3A_190 = arith.constant 16 : i32
        %mul3A_191 = arith.muli %add3A_189, %mul3A_190 : i32
        %get3A = arith.index_cast %mul3A_191 : i32 to index
        %get3A_192 = tpu.vector_load %arg8[%get3A] {strides = array<i32>} : memref<4096xi32, #tpu.memory_space<vmem>>, vector<16xi32>,
        %shift_right_arithmetic3A = arith.constant 0 : i32
        %shift_right_arithmetic3A_193 = vector.broadcast %shift_right_arithmetic3A : i32 to vector<16xi32>
        %shift_right_arithmetic3A_194 = arith.shrsi %get3A_192, %shift_right_arithmetic3A_193 : vector<16xi32>
        %and3A_195 = arith.constant 1023 : i32
        %and3A_196 = vector.broadcast %and3A_195 : i32 to vector<16xi32>
        %and3A_197 = arith.andi %shift_right_arithmetic3A_194, %and3A_196 : vector<16xi32>
        %broadcast_in_dim3A_198 = arith.constant true
        %broadcast_in_dim3A_199 = vector.broadcast %broadcast_in_dim3A_198 : i1 to vector<16xi1>
        %unique3A, %unique3A_200 = tpu.scan_count mask(%broadcast_in_dim3A_199 : vector<16xi1>) value(%and3A_197 : vector<16xi32>) : vector<16xi1>, vector<16xi32>
        %add3A_201 = arith.constant 0 : i32
        %add3A_202 = vector.broadcast %add3A_201 : i32 to vector<16xi32>
        %add3A_203 = arith.addi %add3A_202, %and3A_197 : vector<16xi32>
        tpu.vector_store_idx %arg5[%add3A_203], %unique3A_200 masked %unique3A {add = true} : memref<4096xi32, #tpu.memory_space<vmem>>[vector<16xi32>], vector<16xi32>, vector<16xi1>
        %mul3A_204 = arith.constant 4 : i32
        %mul3A_205 = arith.muli %while3A_184, %mul3A_204 : i32
        %add3A_206 = arith.constant 1 : i32
        %add3A_207 = arith.addi %mul3A_205, %add3A_206 : i32
        %mul3A_208 = arith.constant 16 : i32
        %mul3A_209 = arith.muli %add3A_207, %mul3A_208 : i32
        %get3A_210 = arith.index_cast %mul3A_209 : i32 to index
        %get3A_211 = tpu.vector_load %arg8[%get3A_210] {strides = array<i32>} : memref<4096xi32, #tpu.memory_space<vmem>>, vector<16xi32>,
        %shift_right_arithmetic3A_212 = arith.constant 0 : i32
        %shift_right_arithmetic3A_213 = vector.broadcast %shift_right_arithmetic3A_212 : i32 to vector<16xi32>
        %shift_right_arithmetic3A_214 = arith.shrsi %get3A_211, %shift_right_arithmetic3A_213 : vector<16xi32>
        %and3A_215 = arith.constant 1023 : i32
        %and3A_216 = vector.broadcast %and3A_215 : i32 to vector<16xi32>
        %and3A_217 = arith.andi %shift_right_arithmetic3A_214, %and3A_216 : vector<16xi32>
        %broadcast_in_dim3A_218 = arith.constant true
        %broadcast_in_dim3A_219 = vector.broadcast %broadcast_in_dim3A_218 : i1 to vector<16xi1>
        %unique3A_220, %unique3A_221 = tpu.scan_count mask(%broadcast_in_dim3A_219 : vector<16xi1>) value(%and3A_217 : vector<16xi32>) : vector<16xi1>, vector<16xi32>
        %add3A_222 = arith.constant 1024 : i32
        %add3A_223 = vector.broadcast %add3A_222 : i32 to vector<16xi32>
        %add3A_224 = arith.addi %add3A_223, %and3A_217 : vector<16xi32>
        tpu.vector_store_idx %arg5[%add3A_224], %unique3A_221 masked %unique3A_220 {add = true} : memref<4096xi32, #tpu.memory_space<vmem>>[vector<16xi32>], vector<16xi32>, vector<16xi1>
        %mul3A_225 = arith.constant 4 : i32
        %mul3A_226 = arith.muli %while3A_184, %mul3A_225 : i32
        %add3A_227 = arith.constant 2 : i32
        %add3A_228 = arith.addi %mul3A_226, %add3A_227 : i32
        %mul3A_229 = arith.constant 16 : i32
        %mul3A_230 = arith.muli %add3A_228, %mul3A_229 : i32
        %get3A_231 = arith.index_cast %mul3A_230 : i32 to index
        %get3A_232 = tpu.vector_load %arg8[%get3A_231] {strides = array<i32>} : memref<4096xi32, #tpu.memory_space<vmem>>, vector<16xi32>,
        %shift_right_arithmetic3A_233 = arith.constant 0 : i32
        %shift_right_arithmetic3A_234 = vector.broadcast %shift_right_arithmetic3A_233 : i32 to vector<16xi32>
        %shift_right_arithmetic3A_235 = arith.shrsi %get3A_232, %shift_right_arithmetic3A_234 : vector<16xi32>
        %and3A_236 = arith.constant 1023 : i32
        %and3A_237 = vector.broadcast %and3A_236 : i32 to vector<16xi32>
        %and3A_238 = arith.andi %shift_right_arithmetic3A_235, %and3A_237 : vector<16xi32>
        %broadcast_in_dim3A_239 = arith.constant true
        %broadcast_in_dim3A_240 = vector.broadcast %broadcast_in_dim3A_239 : i1 to vector<16xi1>
        %unique3A_241, %unique3A_242 = tpu.scan_count mask(%broadcast_in_dim3A_240 : vector<16xi1>) value(%and3A_238 : vector<16xi32>) : vector<16xi1>, vector<16xi32>
        %add3A_243 = arith.constant 2048 : i32
        %add3A_244 = vector.broadcast %add3A_243 : i32 to vector<16xi32>
        %add3A_245 = arith.addi %add3A_244, %and3A_238 : vector<16xi32>
        tpu.vector_store_idx %arg5[%add3A_245], %unique3A_242 masked %unique3A_241 {add = true} : memref<4096xi32, #tpu.memory_space<vmem>>[vector<16xi32>], vector<16xi32>, vector<16xi1>
        %mul3A_246 = arith.constant 4 : i32
        %mul3A_247 = arith.muli %while3A_184, %mul3A_246 : i32
        %add3A_248 = arith.constant 3 : i32
        %add3A_249 = arith.addi %mul3A_247, %add3A_248 : i32
        %mul3A_250 = arith.constant 16 : i32
        %mul3A_251 = arith.muli %add3A_249, %mul3A_250 : i32
        %get3A_252 = arith.index_cast %mul3A_251 : i32 to index
        %get3A_253 = tpu.vector_load %arg8[%get3A_252] {strides = array<i32>} : memref<4096xi32, #tpu.memory_space<vmem>>, vector<16xi32>,
        %shift_right_arithmetic3A_254 = arith.constant 0 : i32
        %shift_right_arithmetic3A_255 = vector.broadcast %shift_right_arithmetic3A_254 : i32 to vector<16xi32>
        %shift_right_arithmetic3A_256 = arith.shrsi %get3A_253, %shift_right_arithmetic3A_255 : vector<16xi32>
        %and3A_257 = arith.constant 1023 : i32
        %and3A_258 = vector.broadcast %and3A_257 : i32 to vector<16xi32>
        %and3A_259 = arith.andi %shift_right_arithmetic3A_256, %and3A_258 : vector<16xi32>
        %broadcast_in_dim3A_260 = arith.constant true
        %broadcast_in_dim3A_261 = vector.broadcast %broadcast_in_dim3A_260 : i1 to vector<16xi1>
        %unique3A_262, %unique3A_263 = tpu.scan_count mask(%broadcast_in_dim3A_261 : vector<16xi1>) value(%and3A_259 : vector<16xi32>) : vector<16xi1>, vector<16xi32>
        %add3A_264 = arith.constant 3072 : i32
        %add3A_265 = vector.broadcast %add3A_264 : i32 to vector<16xi32>
        %add3A_266 = arith.addi %add3A_265, %and3A_259 : vector<16xi32>
        tpu.vector_store_idx %arg5[%add3A_266], %unique3A_263 masked %unique3A_262 {add = true} : memref<4096xi32, #tpu.memory_space<vmem>>[vector<16xi32>], vector<16xi32>, vector<16xi1>
        %while3A_267 = arith.constant 0 : i32
        scf.yield %while3A_267 : i32
      }
      %scan3A_89 = arith.constant 0 : i32
      %scan3A_90 = arith.constant 0 : i32
      %scan3A_91 = arith.constant 64 : i32
      %scan3A_92 = arith.addi %scan3A_90, %scan3A_91 : i32
      %scan3A_93 = arith.constant 1 : i32
      %scan3A_94 = scf.for %scan3A_184 = %scan3A_90 to %scan3A_92 step %scan3A_93 iter_args(%scan3A_185 = %scan3A_89) -> (i32)  : i32 {
        %mul3A_186 = arith.constant 16 : i32
        %mul3A_187 = arith.muli %scan3A_184, %mul3A_186 : i32
        %get3A = arith.index_cast %mul3A_187 : i32 to index
        %get3A_188 = tpu.vector_load %arg5[%get3A] {strides = array<i32>} : memref<4096xi32, #tpu.memory_space<vmem>>, vector<16xi32>,
        %mul3A_189 = arith.constant 16 : i32
        %mul3A_190 = arith.muli %scan3A_184, %mul3A_189 : i32
        %add3A_191 = arith.constant 1024 : i32
        %add3A_192 = arith.addi %add3A_191, %mul3A_190 : i32
        %get3A_193 = arith.index_cast %add3A_192 : i32 to index
        %get3A_194 = tpu.vector_load %arg5[%get3A_193] {strides = array<i32>} : memref<4096xi32, #tpu.memory_space<vmem>>, vector<16xi32>,
        %add3A_195 = arith.addi %get3A_188, %get3A_194 : vector<16xi32>
        %mul3A_196 = arith.constant 16 : i32
        %mul3A_197 = arith.muli %scan3A_184, %mul3A_196 : i32
        %add3A_198 = arith.constant 2048 : i32
        %add3A_199 = arith.addi %add3A_198, %mul3A_197 : i32
        %get3A_200 = arith.index_cast %add3A_199 : i32 to index
        %get3A_201 = tpu.vector_load %arg5[%get3A_200] {strides = array<i32>} : memref<4096xi32, #tpu.memory_space<vmem>>, vector<16xi32>,
        %add3A_202 = arith.addi %add3A_195, %get3A_201 : vector<16xi32>
        %mul3A_203 = arith.constant 16 : i32
        %mul3A_204 = arith.muli %scan3A_184, %mul3A_203 : i32
        %add3A_205 = arith.constant 3072 : i32
        %add3A_206 = arith.addi %add3A_205, %mul3A_204 : i32
        %get3A_207 = arith.index_cast %add3A_206 : i32 to index
        %get3A_208 = tpu.vector_load %arg5[%get3A_207] {strides = array<i32>} : memref<4096xi32, #tpu.memory_space<vmem>>, vector<16xi32>,
        %add3A_209 = arith.addi %add3A_202, %get3A_208 : vector<16xi32>
        %broadcast_in_dim3A_210 = arith.constant true
        %broadcast_in_dim3A_211 = vector.broadcast %broadcast_in_dim3A_210 : i1 to vector<16xi1>
        %masked_cumsum3A = tpu.scan <sum>, %add3A_209 masked %broadcast_in_dim3A_211 : vector<16xi32>, vector<16xi1> -> vector<16xi32>
        %sub3A_212 = arith.subi %masked_cumsum3A, %add3A_209 : vector<16xi32>
        %add3A_213 = vector.broadcast %scan3A_185 : i32 to vector<16xi32>
        %add3A_214 = arith.addi %sub3A_212, %add3A_213 : vector<16xi32>
        %mul3A_215 = arith.constant 16 : i32
        %mul3A_216 = arith.muli %scan3A_184, %mul3A_215 : i32
        %swap3A = arith.index_cast %mul3A_216 : i32 to index
        %swap3A_217 = tpu.vector_load %arg7[%swap3A] {strides = array<i32>} : memref<1024xi32, #tpu.memory_space<vmem>>, vector<16xi32>,
        tpu.vector_store %arg7[%swap3A], %add3A_214 {strides = array<i32>} : memref<1024xi32, #tpu.memory_space<vmem>>, vector<16xi32>,
        %reduce_sum3A = arith.constant true
        %reduce_sum3A_218 = vector.broadcast %reduce_sum3A : i1 to vector<16xi1>
        %reduce_sum3A_219 = tpu.scan <sum>, %add3A_209 masked %reduce_sum3A_218 : vector<16xi32>, vector<16xi1> -> vector<16xi32>
        %reduce_sum3A_220 = vector.extract %reduce_sum3A_219[15] : i32 from vector<16xi32>
        %add3A_221 = arith.addi %scan3A_185, %reduce_sum3A_220 : i32
        scf.yield %add3A_221 : i32
      }
      %scan3A_95 = arith.constant 64 : i32
      %while3A_96 = arith.constant 0 : i32
      %while3A_97 = arith.constant 0 : i32
      %while3A_98 = arith.subi %select_n3A, %while3A_96 : i32
      %while3A_99 = arith.addi %while3A_96, %while3A_98 : i32
      %while3A_100 = arith.constant 1 : i32
      %while3A_101 = arith.divsi %while3A_98, %while3A_100 : i32
      %while3A_102 = arith.muli %while3A_101, %while3A_100 : i32
      %while3A_103 = arith.addi %while3A_96, %while3A_102 : i32
      %while3A_104 = arith.constant 1 : i32
      %while3A_105 = scf.for %while3A_184 = %while3A_96 to %while3A_103 step %while3A_104 iter_args(%while3A_185 = %while3A_97) -> (i32)  : i32 {
        %mul3A_186 = arith.constant 4 : i32
        %mul3A_187 = arith.muli %while3A_184, %mul3A_186 : i32
        %add3A_188 = arith.constant 0 : i32
        %add3A_189 = arith.addi %mul3A_187, %add3A_188 : i32
        %mul3A_190 = arith.constant 16 : i32
        %mul3A_191 = arith.muli %add3A_189, %mul3A_190 : i32
        %get3A = arith.index_cast %mul3A_191 : i32 to index
        %get3A_192 = tpu.vector_load %arg8[%get3A] {strides = array<i32>} : memref<4096xi32, #tpu.memory_space<vmem>>, vector<16xi32>,
        %mul3A_193 = arith.constant 16 : i32
        %mul3A_194 = arith.muli %add3A_189, %mul3A_193 : i32
        %get3A_195 = arith.index_cast %mul3A_194 : i32 to index
        %get3A_196 = tpu.vector_load %arg9[%get3A_195] {strides = array<i32>} : memref<4096xi32, #tpu.memory_space<vmem>>, vector<16xi32>,
        %shift_right_arithmetic3A = arith.constant 0 : i32
        %shift_right_arithmetic3A_197 = vector.broadcast %shift_right_arithmetic3A : i32 to vector<16xi32>
        %shift_right_arithmetic3A_198 = arith.shrsi %get3A_192, %shift_right_arithmetic3A_197 : vector<16xi32>
        %and3A_199 = arith.constant 1023 : i32
        %and3A_200 = vector.broadcast %and3A_199 : i32 to vector<16xi32>
        %and3A_201 = arith.andi %shift_right_arithmetic3A_198, %and3A_200 : vector<16xi32>
        %broadcast_in_dim3A_202 = arith.constant true
        %broadcast_in_dim3A_203 = vector.broadcast %broadcast_in_dim3A_202 : i1 to vector<16xi1>
        %unique3A, %unique3A_204 = tpu.scan_count mask(%broadcast_in_dim3A_203 : vector<16xi1>) value(%and3A_201 : vector<16xi32>) : vector<16xi1>, vector<16xi32>
        %gather3A = tpu.vector_load_idx %arg7[%and3A_201] : memref<1024xi32, #tpu.memory_space<vmem>>[vector<16xi32>], vector<16xi32>,
        %add3A_205 = arith.addi %gather3A, %unique3A_204 : vector<16xi32>
        %sub3A_206 = arith.constant 1 : i32
        %sub3A_207 = vector.broadcast %sub3A_206 : i32 to vector<16xi32>
        %sub3A_208 = arith.subi %add3A_205, %sub3A_207 : vector<16xi32>
        tpu.vector_store_idx %arg10[%sub3A_208], %get3A_192 : memref<4096xi32, #tpu.memory_space<vmem>>[vector<16xi32>], vector<16xi32>,
        tpu.vector_store_idx %arg11[%sub3A_208], %get3A_196 : memref<4096xi32, #tpu.memory_space<vmem>>[vector<16xi32>], vector<16xi32>,
        tpu.vector_store_idx %arg7[%and3A_201], %unique3A_204 masked %unique3A {add = true} : memref<1024xi32, #tpu.memory_space<vmem>>[vector<16xi32>], vector<16xi32>, vector<16xi1>
        %mul3A_209 = arith.constant 4 : i32
        %mul3A_210 = arith.muli %while3A_184, %mul3A_209 : i32
        %add3A_211 = arith.constant 1 : i32
        %add3A_212 = arith.addi %mul3A_210, %add3A_211 : i32
        %mul3A_213 = arith.constant 16 : i32
        %mul3A_214 = arith.muli %add3A_212, %mul3A_213 : i32
        %get3A_215 = arith.index_cast %mul3A_214 : i32 to index
        %get3A_216 = tpu.vector_load %arg8[%get3A_215] {strides = array<i32>} : memref<4096xi32, #tpu.memory_space<vmem>>, vector<16xi32>,
        %mul3A_217 = arith.constant 16 : i32
        %mul3A_218 = arith.muli %add3A_212, %mul3A_217 : i32
        %get3A_219 = arith.index_cast %mul3A_218 : i32 to index
        %get3A_220 = tpu.vector_load %arg9[%get3A_219] {strides = array<i32>} : memref<4096xi32, #tpu.memory_space<vmem>>, vector<16xi32>,
        %shift_right_arithmetic3A_221 = arith.constant 0 : i32
        %shift_right_arithmetic3A_222 = vector.broadcast %shift_right_arithmetic3A_221 : i32 to vector<16xi32>
        %shift_right_arithmetic3A_223 = arith.shrsi %get3A_216, %shift_right_arithmetic3A_222 : vector<16xi32>
        %and3A_224 = arith.constant 1023 : i32
        %and3A_225 = vector.broadcast %and3A_224 : i32 to vector<16xi32>
        %and3A_226 = arith.andi %shift_right_arithmetic3A_223, %and3A_225 : vector<16xi32>
        %broadcast_in_dim3A_227 = arith.constant true
        %broadcast_in_dim3A_228 = vector.broadcast %broadcast_in_dim3A_227 : i1 to vector<16xi1>
        %unique3A_229, %unique3A_230 = tpu.scan_count mask(%broadcast_in_dim3A_228 : vector<16xi1>) value(%and3A_226 : vector<16xi32>) : vector<16xi1>, vector<16xi32>
        %gather3A_231 = tpu.vector_load_idx %arg7[%and3A_226] : memref<1024xi32, #tpu.memory_space<vmem>>[vector<16xi32>], vector<16xi32>,
        %add3A_232 = arith.addi %gather3A_231, %unique3A_230 : vector<16xi32>
        %sub3A_233 = arith.constant 1 : i32
        %sub3A_234 = vector.broadcast %sub3A_233 : i32 to vector<16xi32>
        %sub3A_235 = arith.subi %add3A_232, %sub3A_234 : vector<16xi32>
        tpu.vector_store_idx %arg10[%sub3A_235], %get3A_216 : memref<4096xi32, #tpu.memory_space<vmem>>[vector<16xi32>], vector<16xi32>,
        tpu.vector_store_idx %arg11[%sub3A_235], %get3A_220 : memref<4096xi32, #tpu.memory_space<vmem>>[vector<16xi32>], vector<16xi32>,
        tpu.vector_store_idx %arg7[%and3A_226], %unique3A_230 masked %unique3A_229 {add = true} : memref<1024xi32, #tpu.memory_space<vmem>>[vector<16xi32>], vector<16xi32>, vector<16xi1>
        %mul3A_236 = arith.constant 4 : i32
        %mul3A_237 = arith.muli %while3A_184, %mul3A_236 : i32
        %add3A_238 = arith.constant 2 : i32
        %add3A_239 = arith.addi %mul3A_237, %add3A_238 : i32
        %mul3A_240 = arith.constant 16 : i32
        %mul3A_241 = arith.muli %add3A_239, %mul3A_240 : i32
        %get3A_242 = arith.index_cast %mul3A_241 : i32 to index
        %get3A_243 = tpu.vector_load %arg8[%get3A_242] {strides = array<i32>} : memref<4096xi32, #tpu.memory_space<vmem>>, vector<16xi32>,
        %mul3A_244 = arith.constant 16 : i32
        %mul3A_245 = arith.muli %add3A_239, %mul3A_244 : i32
        %get3A_246 = arith.index_cast %mul3A_245 : i32 to index
        %get3A_247 = tpu.vector_load %arg9[%get3A_246] {strides = array<i32>} : memref<4096xi32, #tpu.memory_space<vmem>>, vector<16xi32>,
        %shift_right_arithmetic3A_248 = arith.constant 0 : i32
        %shift_right_arithmetic3A_249 = vector.broadcast %shift_right_arithmetic3A_248 : i32 to vector<16xi32>
        %shift_right_arithmetic3A_250 = arith.shrsi %get3A_243, %shift_right_arithmetic3A_249 : vector<16xi32>
        %and3A_251 = arith.constant 1023 : i32
        %and3A_252 = vector.broadcast %and3A_251 : i32 to vector<16xi32>
        %and3A_253 = arith.andi %shift_right_arithmetic3A_250, %and3A_252 : vector<16xi32>
        %broadcast_in_dim3A_254 = arith.constant true
        %broadcast_in_dim3A_255 = vector.broadcast %broadcast_in_dim3A_254 : i1 to vector<16xi1>
        %unique3A_256, %unique3A_257 = tpu.scan_count mask(%broadcast_in_dim3A_255 : vector<16xi1>) value(%and3A_253 : vector<16xi32>) : vector<16xi1>, vector<16xi32>
        %gather3A_258 = tpu.vector_load_idx %arg7[%and3A_253] : memref<1024xi32, #tpu.memory_space<vmem>>[vector<16xi32>], vector<16xi32>,
        %add3A_259 = arith.addi %gather3A_258, %unique3A_257 : vector<16xi32>
        %sub3A_260 = arith.constant 1 : i32
        %sub3A_261 = vector.broadcast %sub3A_260 : i32 to vector<16xi32>
        %sub3A_262 = arith.subi %add3A_259, %sub3A_261 : vector<16xi32>
        tpu.vector_store_idx %arg10[%sub3A_262], %get3A_243 : memref<4096xi32, #tpu.memory_space<vmem>>[vector<16xi32>], vector<16xi32>,
        tpu.vector_store_idx %arg11[%sub3A_262], %get3A_247 : memref<4096xi32, #tpu.memory_space<vmem>>[vector<16xi32>], vector<16xi32>,
        tpu.vector_store_idx %arg7[%and3A_253], %unique3A_257 masked %unique3A_256 {add = true} : memref<1024xi32, #tpu.memory_space<vmem>>[vector<16xi32>], vector<16xi32>, vector<16xi1>
        %mul3A_263 = arith.constant 4 : i32
        %mul3A_264 = arith.muli %while3A_184, %mul3A_263 : i32
        %add3A_265 = arith.constant 3 : i32
        %add3A_266 = arith.addi %mul3A_264, %add3A_265 : i32
        %mul3A_267 = arith.constant 16 : i32
        %mul3A_268 = arith.muli %add3A_266, %mul3A_267 : i32
        %get3A_269 = arith.index_cast %mul3A_268 : i32 to index
        %get3A_270 = tpu.vector_load %arg8[%get3A_269] {strides = array<i32>} : memref<4096xi32, #tpu.memory_space<vmem>>, vector<16xi32>,
        %mul3A_271 = arith.constant 16 : i32
        %mul3A_272 = arith.muli %add3A_266, %mul3A_271 : i32
        %get3A_273 = arith.index_cast %mul3A_272 : i32 to index
        %get3A_274 = tpu.vector_load %arg9[%get3A_273] {strides = array<i32>} : memref<4096xi32, #tpu.memory_space<vmem>>, vector<16xi32>,
        %shift_right_arithmetic3A_275 = arith.constant 0 : i32
        %shift_right_arithmetic3A_276 = vector.broadcast %shift_right_arithmetic3A_275 : i32 to vector<16xi32>
        %shift_right_arithmetic3A_277 = arith.shrsi %get3A_270, %shift_right_arithmetic3A_276 : vector<16xi32>
        %and3A_278 = arith.constant 1023 : i32
        %and3A_279 = vector.broadcast %and3A_278 : i32 to vector<16xi32>
        %and3A_280 = arith.andi %shift_right_arithmetic3A_277, %and3A_279 : vector<16xi32>
        %broadcast_in_dim3A_281 = arith.constant true
        %broadcast_in_dim3A_282 = vector.broadcast %broadcast_in_dim3A_281 : i1 to vector<16xi1>
        %unique3A_283, %unique3A_284 = tpu.scan_count mask(%broadcast_in_dim3A_282 : vector<16xi1>) value(%and3A_280 : vector<16xi32>) : vector<16xi1>, vector<16xi32>
        %gather3A_285 = tpu.vector_load_idx %arg7[%and3A_280] : memref<1024xi32, #tpu.memory_space<vmem>>[vector<16xi32>], vector<16xi32>,
        %add3A_286 = arith.addi %gather3A_285, %unique3A_284 : vector<16xi32>
        %sub3A_287 = arith.constant 1 : i32
        %sub3A_288 = vector.broadcast %sub3A_287 : i32 to vector<16xi32>
        %sub3A_289 = arith.subi %add3A_286, %sub3A_288 : vector<16xi32>
        tpu.vector_store_idx %arg10[%sub3A_289], %get3A_270 : memref<4096xi32, #tpu.memory_space<vmem>>[vector<16xi32>], vector<16xi32>,
        tpu.vector_store_idx %arg11[%sub3A_289], %get3A_274 : memref<4096xi32, #tpu.memory_space<vmem>>[vector<16xi32>], vector<16xi32>,
        tpu.vector_store_idx %arg7[%and3A_280], %unique3A_284 masked %unique3A_283 {add = true} : memref<1024xi32, #tpu.memory_space<vmem>>[vector<16xi32>], vector<16xi32>, vector<16xi1>
        %while3A_290 = arith.constant 0 : i32
        scf.yield %while3A_290 : i32
      }
      %while3A_106 = arith.constant 1 : i32
      %while3A_107 = scf.for %while3A_184 = %while3A_103 to %while3A_99 step %while3A_106 iter_args(%while3A_185 = %while3A_105) -> (i32)  : i32 {
        %mul3A_186 = arith.constant 4 : i32
        %mul3A_187 = arith.muli %while3A_184, %mul3A_186 : i32
        %add3A_188 = arith.constant 0 : i32
        %add3A_189 = arith.addi %mul3A_187, %add3A_188 : i32
        %mul3A_190 = arith.constant 16 : i32
        %mul3A_191 = arith.muli %add3A_189, %mul3A_190 : i32
        %get3A = arith.index_cast %mul3A_191 : i32 to index
        %get3A_192 = tpu.vector_load %arg8[%get3A] {strides = array<i32>} : memref<4096xi32, #tpu.memory_space<vmem>>, vector<16xi32>,
        %mul3A_193 = arith.constant 16 : i32
        %mul3A_194 = arith.muli %add3A_189, %mul3A_193 : i32
        %get3A_195 = arith.index_cast %mul3A_194 : i32 to index
        %get3A_196 = tpu.vector_load %arg9[%get3A_195] {strides = array<i32>} : memref<4096xi32, #tpu.memory_space<vmem>>, vector<16xi32>,
        %shift_right_arithmetic3A = arith.constant 0 : i32
        %shift_right_arithmetic3A_197 = vector.broadcast %shift_right_arithmetic3A : i32 to vector<16xi32>
        %shift_right_arithmetic3A_198 = arith.shrsi %get3A_192, %shift_right_arithmetic3A_197 : vector<16xi32>
        %and3A_199 = arith.constant 1023 : i32
        %and3A_200 = vector.broadcast %and3A_199 : i32 to vector<16xi32>
        %and3A_201 = arith.andi %shift_right_arithmetic3A_198, %and3A_200 : vector<16xi32>
        %broadcast_in_dim3A_202 = arith.constant true
        %broadcast_in_dim3A_203 = vector.broadcast %broadcast_in_dim3A_202 : i1 to vector<16xi1>
        %unique3A, %unique3A_204 = tpu.scan_count mask(%broadcast_in_dim3A_203 : vector<16xi1>) value(%and3A_201 : vector<16xi32>) : vector<16xi1>, vector<16xi32>
        %gather3A = tpu.vector_load_idx %arg7[%and3A_201] : memref<1024xi32, #tpu.memory_space<vmem>>[vector<16xi32>], vector<16xi32>,
        %add3A_205 = arith.addi %gather3A, %unique3A_204 : vector<16xi32>
        %sub3A_206 = arith.constant 1 : i32
        %sub3A_207 = vector.broadcast %sub3A_206 : i32 to vector<16xi32>
        %sub3A_208 = arith.subi %add3A_205, %sub3A_207 : vector<16xi32>
        tpu.vector_store_idx %arg10[%sub3A_208], %get3A_192 : memref<4096xi32, #tpu.memory_space<vmem>>[vector<16xi32>], vector<16xi32>,
        tpu.vector_store_idx %arg11[%sub3A_208], %get3A_196 : memref<4096xi32, #tpu.memory_space<vmem>>[vector<16xi32>], vector<16xi32>,
        tpu.vector_store_idx %arg7[%and3A_201], %unique3A_204 masked %unique3A {add = true} : memref<1024xi32, #tpu.memory_space<vmem>>[vector<16xi32>], vector<16xi32>, vector<16xi1>
        %mul3A_209 = arith.constant 4 : i32
        %mul3A_210 = arith.muli %while3A_184, %mul3A_209 : i32
        %add3A_211 = arith.constant 1 : i32
        %add3A_212 = arith.addi %mul3A_210, %add3A_211 : i32
        %mul3A_213 = arith.constant 16 : i32
        %mul3A_214 = arith.muli %add3A_212, %mul3A_213 : i32
        %get3A_215 = arith.index_cast %mul3A_214 : i32 to index
        %get3A_216 = tpu.vector_load %arg8[%get3A_215] {strides = array<i32>} : memref<4096xi32, #tpu.memory_space<vmem>>, vector<16xi32>,
        %mul3A_217 = arith.constant 16 : i32
        %mul3A_218 = arith.muli %add3A_212, %mul3A_217 : i32
        %get3A_219 = arith.index_cast %mul3A_218 : i32 to index
        %get3A_220 = tpu.vector_load %arg9[%get3A_219] {strides = array<i32>} : memref<4096xi32, #tpu.memory_space<vmem>>, vector<16xi32>,
        %shift_right_arithmetic3A_221 = arith.constant 0 : i32
        %shift_right_arithmetic3A_222 = vector.broadcast %shift_right_arithmetic3A_221 : i32 to vector<16xi32>
        %shift_right_arithmetic3A_223 = arith.shrsi %get3A_216, %shift_right_arithmetic3A_222 : vector<16xi32>
        %and3A_224 = arith.constant 1023 : i32
        %and3A_225 = vector.broadcast %and3A_224 : i32 to vector<16xi32>
        %and3A_226 = arith.andi %shift_right_arithmetic3A_223, %and3A_225 : vector<16xi32>
        %broadcast_in_dim3A_227 = arith.constant true
        %broadcast_in_dim3A_228 = vector.broadcast %broadcast_in_dim3A_227 : i1 to vector<16xi1>
        %unique3A_229, %unique3A_230 = tpu.scan_count mask(%broadcast_in_dim3A_228 : vector<16xi1>) value(%and3A_226 : vector<16xi32>) : vector<16xi1>, vector<16xi32>
        %gather3A_231 = tpu.vector_load_idx %arg7[%and3A_226] : memref<1024xi32, #tpu.memory_space<vmem>>[vector<16xi32>], vector<16xi32>,
        %add3A_232 = arith.addi %gather3A_231, %unique3A_230 : vector<16xi32>
        %sub3A_233 = arith.constant 1 : i32
        %sub3A_234 = vector.broadcast %sub3A_233 : i32 to vector<16xi32>
        %sub3A_235 = arith.subi %add3A_232, %sub3A_234 : vector<16xi32>
        tpu.vector_store_idx %arg10[%sub3A_235], %get3A_216 : memref<4096xi32, #tpu.memory_space<vmem>>[vector<16xi32>], vector<16xi32>,
        tpu.vector_store_idx %arg11[%sub3A_235], %get3A_220 : memref<4096xi32, #tpu.memory_space<vmem>>[vector<16xi32>], vector<16xi32>,
        tpu.vector_store_idx %arg7[%and3A_226], %unique3A_230 masked %unique3A_229 {add = true} : memref<1024xi32, #tpu.memory_space<vmem>>[vector<16xi32>], vector<16xi32>, vector<16xi1>
        %mul3A_236 = arith.constant 4 : i32
        %mul3A_237 = arith.muli %while3A_184, %mul3A_236 : i32
        %add3A_238 = arith.constant 2 : i32
        %add3A_239 = arith.addi %mul3A_237, %add3A_238 : i32
        %mul3A_240 = arith.constant 16 : i32
        %mul3A_241 = arith.muli %add3A_239, %mul3A_240 : i32
        %get3A_242 = arith.index_cast %mul3A_241 : i32 to index
        %get3A_243 = tpu.vector_load %arg8[%get3A_242] {strides = array<i32>} : memref<4096xi32, #tpu.memory_space<vmem>>, vector<16xi32>,
        %mul3A_244 = arith.constant 16 : i32
        %mul3A_245 = arith.muli %add3A_239, %mul3A_244 : i32
        %get3A_246 = arith.index_cast %mul3A_245 : i32 to index
        %get3A_247 = tpu.vector_load %arg9[%get3A_246] {strides = array<i32>} : memref<4096xi32, #tpu.memory_space<vmem>>, vector<16xi32>,
        %shift_right_arithmetic3A_248 = arith.constant 0 : i32
        %shift_right_arithmetic3A_249 = vector.broadcast %shift_right_arithmetic3A_248 : i32 to vector<16xi32>
        %shift_right_arithmetic3A_250 = arith.shrsi %get3A_243, %shift_right_arithmetic3A_249 : vector<16xi32>
        %and3A_251 = arith.constant 1023 : i32
        %and3A_252 = vector.broadcast %and3A_251 : i32 to vector<16xi32>
        %and3A_253 = arith.andi %shift_right_arithmetic3A_250, %and3A_252 : vector<16xi32>
        %broadcast_in_dim3A_254 = arith.constant true
        %broadcast_in_dim3A_255 = vector.broadcast %broadcast_in_dim3A_254 : i1 to vector<16xi1>
        %unique3A_256, %unique3A_257 = tpu.scan_count mask(%broadcast_in_dim3A_255 : vector<16xi1>) value(%and3A_253 : vector<16xi32>) : vector<16xi1>, vector<16xi32>
        %gather3A_258 = tpu.vector_load_idx %arg7[%and3A_253] : memref<1024xi32, #tpu.memory_space<vmem>>[vector<16xi32>], vector<16xi32>,
        %add3A_259 = arith.addi %gather3A_258, %unique3A_257 : vector<16xi32>
        %sub3A_260 = arith.constant 1 : i32
        %sub3A_261 = vector.broadcast %sub3A_260 : i32 to vector<16xi32>
        %sub3A_262 = arith.subi %add3A_259, %sub3A_261 : vector<16xi32>
        tpu.vector_store_idx %arg10[%sub3A_262], %get3A_243 : memref<4096xi32, #tpu.memory_space<vmem>>[vector<16xi32>], vector<16xi32>,
        tpu.vector_store_idx %arg11[%sub3A_262], %get3A_247 : memref<4096xi32, #tpu.memory_space<vmem>>[vector<16xi32>], vector<16xi32>,
        tpu.vector_store_idx %arg7[%and3A_253], %unique3A_257 masked %unique3A_256 {add = true} : memref<1024xi32, #tpu.memory_space<vmem>>[vector<16xi32>], vector<16xi32>, vector<16xi1>
        %mul3A_263 = arith.constant 4 : i32
        %mul3A_264 = arith.muli %while3A_184, %mul3A_263 : i32
        %add3A_265 = arith.constant 3 : i32
        %add3A_266 = arith.addi %mul3A_264, %add3A_265 : i32
        %mul3A_267 = arith.constant 16 : i32
        %mul3A_268 = arith.muli %add3A_266, %mul3A_267 : i32
        %get3A_269 = arith.index_cast %mul3A_268 : i32 to index
        %get3A_270 = tpu.vector_load %arg8[%get3A_269] {strides = array<i32>} : memref<4096xi32, #tpu.memory_space<vmem>>, vector<16xi32>,
        %mul3A_271 = arith.constant 16 : i32
        %mul3A_272 = arith.muli %add3A_266, %mul3A_271 : i32
        %get3A_273 = arith.index_cast %mul3A_272 : i32 to index
        %get3A_274 = tpu.vector_load %arg9[%get3A_273] {strides = array<i32>} : memref<4096xi32, #tpu.memory_space<vmem>>, vector<16xi32>,
        %shift_right_arithmetic3A_275 = arith.constant 0 : i32
        %shift_right_arithmetic3A_276 = vector.broadcast %shift_right_arithmetic3A_275 : i32 to vector<16xi32>
        %shift_right_arithmetic3A_277 = arith.shrsi %get3A_270, %shift_right_arithmetic3A_276 : vector<16xi32>
        %and3A_278 = arith.constant 1023 : i32
        %and3A_279 = vector.broadcast %and3A_278 : i32 to vector<16xi32>
        %and3A_280 = arith.andi %shift_right_arithmetic3A_277, %and3A_279 : vector<16xi32>
        %broadcast_in_dim3A_281 = arith.constant true
        %broadcast_in_dim3A_282 = vector.broadcast %broadcast_in_dim3A_281 : i1 to vector<16xi1>
        %unique3A_283, %unique3A_284 = tpu.scan_count mask(%broadcast_in_dim3A_282 : vector<16xi1>) value(%and3A_280 : vector<16xi32>) : vector<16xi1>, vector<16xi32>
        %gather3A_285 = tpu.vector_load_idx %arg7[%and3A_280] : memref<1024xi32, #tpu.memory_space<vmem>>[vector<16xi32>], vector<16xi32>,
        %add3A_286 = arith.addi %gather3A_285, %unique3A_284 : vector<16xi32>
        %sub3A_287 = arith.constant 1 : i32
        %sub3A_288 = vector.broadcast %sub3A_287 : i32 to vector<16xi32>
        %sub3A_289 = arith.subi %add3A_286, %sub3A_288 : vector<16xi32>
        tpu.vector_store_idx %arg10[%sub3A_289], %get3A_270 : memref<4096xi32, #tpu.memory_space<vmem>>[vector<16xi32>], vector<16xi32>,
        tpu.vector_store_idx %arg11[%sub3A_289], %get3A_274 : memref<4096xi32, #tpu.memory_space<vmem>>[vector<16xi32>], vector<16xi32>,
        tpu.vector_store_idx %arg7[%and3A_280], %unique3A_284 masked %unique3A_283 {add = true} : memref<1024xi32, #tpu.memory_space<vmem>>[vector<16xi32>], vector<16xi32>, vector<16xi1>
        %while3A_290 = arith.constant 0 : i32
        scf.yield %while3A_290 : i32
      }
      %scan3A_108 = arith.constant 0 : i32
      %scan3A_109 = arith.constant 0 : i32
      %scan3A_110 = arith.constant 64 : i32
      %scan3A_111 = arith.addi %scan3A_109, %scan3A_110 : i32
      %scan3A_112 = arith.constant 1 : i32
      %scan3A_113 = scf.for %scan3A_184 = %scan3A_109 to %scan3A_111 step %scan3A_112 iter_args(%scan3A_185 = %scan3A_108) -> (i32)  : i32 {
        %mul3A_186 = arith.constant 4 : i32
        %mul3A_187 = arith.muli %scan3A_184, %mul3A_186 : i32
        %add3A_188 = arith.constant 0 : i32
        %add3A_189 = arith.addi %mul3A_187, %add3A_188 : i32
        %mul3A_190 = arith.constant 16 : i32
        %mul3A_191 = arith.muli %add3A_189, %mul3A_190 : i32
        %swap3A = arith.index_cast %mul3A_191 : i32 to index
        %swap3A_192 = tpu.vector_load %arg5[%swap3A] {strides = array<i32>} : memref<4096xi32, #tpu.memory_space<vmem>>, vector<16xi32>,
        tpu.vector_store %arg5[%swap3A], %broadcast_in_dim3A_3 {strides = array<i32>} : memref<4096xi32, #tpu.memory_space<vmem>>, vector<16xi32>,
        %mul3A_193 = arith.constant 4 : i32
        %mul3A_194 = arith.muli %scan3A_184, %mul3A_193 : i32
        %add3A_195 = arith.constant 1 : i32
        %add3A_196 = arith.addi %mul3A_194, %add3A_195 : i32
        %mul3A_197 = arith.constant 16 : i32
        %mul3A_198 = arith.muli %add3A_196, %mul3A_197 : i32
        %swap3A_199 = arith.index_cast %mul3A_198 : i32 to index
        %swap3A_200 = tpu.vector_load %arg5[%swap3A_199] {strides = array<i32>} : memref<4096xi32, #tpu.memory_space<vmem>>, vector<16xi32>,
        tpu.vector_store %arg5[%swap3A_199], %broadcast_in_dim3A_3 {strides = array<i32>} : memref<4096xi32, #tpu.memory_space<vmem>>, vector<16xi32>,
        %mul3A_201 = arith.constant 4 : i32
        %mul3A_202 = arith.muli %scan3A_184, %mul3A_201 : i32
        %add3A_203 = arith.constant 2 : i32
        %add3A_204 = arith.addi %mul3A_202, %add3A_203 : i32
        %mul3A_205 = arith.constant 16 : i32
        %mul3A_206 = arith.muli %add3A_204, %mul3A_205 : i32
        %swap3A_207 = arith.index_cast %mul3A_206 : i32 to index
        %swap3A_208 = tpu.vector_load %arg5[%swap3A_207] {strides = array<i32>} : memref<4096xi32, #tpu.memory_space<vmem>>, vector<16xi32>,
        tpu.vector_store %arg5[%swap3A_207], %broadcast_in_dim3A_3 {strides = array<i32>} : memref<4096xi32, #tpu.memory_space<vmem>>, vector<16xi32>,
        %mul3A_209 = arith.constant 4 : i32
        %mul3A_210 = arith.muli %scan3A_184, %mul3A_209 : i32
        %add3A_211 = arith.constant 3 : i32
        %add3A_212 = arith.addi %mul3A_210, %add3A_211 : i32
        %mul3A_213 = arith.constant 16 : i32
        %mul3A_214 = arith.muli %add3A_212, %mul3A_213 : i32
        %swap3A_215 = arith.index_cast %mul3A_214 : i32 to index
        %swap3A_216 = tpu.vector_load %arg5[%swap3A_215] {strides = array<i32>} : memref<4096xi32, #tpu.memory_space<vmem>>, vector<16xi32>,
        tpu.vector_store %arg5[%swap3A_215], %broadcast_in_dim3A_3 {strides = array<i32>} : memref<4096xi32, #tpu.memory_space<vmem>>, vector<16xi32>,
        %scan3A_217 = arith.constant 0 : i32
        scf.yield %scan3A_217 : i32
      }
      %scan3A_114 = arith.constant 64 : i32
      %while3A_115 = arith.constant 0 : i32
      %while3A_116 = arith.constant 0 : i32
      %while3A_117 = arith.subi %select_n3A, %while3A_115 : i32
      %while3A_118 = arith.addi %while3A_115, %while3A_117 : i32
      %while3A_119 = arith.constant 1 : i32
      %while3A_120 = arith.divsi %while3A_117, %while3A_119 : i32
      %while3A_121 = arith.muli %while3A_120, %while3A_119 : i32
      %while3A_122 = arith.addi %while3A_115, %while3A_121 : i32
      %while3A_123 = arith.constant 1 : i32
      %while3A_124 = scf.for %while3A_184 = %while3A_115 to %while3A_122 step %while3A_123 iter_args(%while3A_185 = %while3A_116) -> (i32)  : i32 {
        %mul3A_186 = arith.constant 4 : i32
        %mul3A_187 = arith.muli %while3A_184, %mul3A_186 : i32
        %add3A_188 = arith.constant 0 : i32
        %add3A_189 = arith.addi %mul3A_187, %add3A_188 : i32
        %mul3A_190 = arith.constant 16 : i32
        %mul3A_191 = arith.muli %add3A_189, %mul3A_190 : i32
        %get3A = arith.index_cast %mul3A_191 : i32 to index
        %get3A_192 = tpu.vector_load %arg10[%get3A] {strides = array<i32>} : memref<4096xi32, #tpu.memory_space<vmem>>, vector<16xi32>,
        %shift_right_arithmetic3A = arith.constant 10 : i32
        %shift_right_arithmetic3A_193 = vector.broadcast %shift_right_arithmetic3A : i32 to vector<16xi32>
        %shift_right_arithmetic3A_194 = arith.shrsi %get3A_192, %shift_right_arithmetic3A_193 : vector<16xi32>
        %and3A_195 = arith.constant 1023 : i32
        %and3A_196 = vector.broadcast %and3A_195 : i32 to vector<16xi32>
        %and3A_197 = arith.andi %shift_right_arithmetic3A_194, %and3A_196 : vector<16xi32>
        %broadcast_in_dim3A_198 = arith.constant true
        %broadcast_in_dim3A_199 = vector.broadcast %broadcast_in_dim3A_198 : i1 to vector<16xi1>
        %unique3A, %unique3A_200 = tpu.scan_count mask(%broadcast_in_dim3A_199 : vector<16xi1>) value(%and3A_197 : vector<16xi32>) : vector<16xi1>, vector<16xi32>
        %add3A_201 = arith.constant 0 : i32
        %add3A_202 = vector.broadcast %add3A_201 : i32 to vector<16xi32>
        %add3A_203 = arith.addi %add3A_202, %and3A_197 : vector<16xi32>
        tpu.vector_store_idx %arg5[%add3A_203], %unique3A_200 masked %unique3A {add = true} : memref<4096xi32, #tpu.memory_space<vmem>>[vector<16xi32>], vector<16xi32>, vector<16xi1>
        %mul3A_204 = arith.constant 4 : i32
        %mul3A_205 = arith.muli %while3A_184, %mul3A_204 : i32
        %add3A_206 = arith.constant 1 : i32
        %add3A_207 = arith.addi %mul3A_205, %add3A_206 : i32
        %mul3A_208 = arith.constant 16 : i32
        %mul3A_209 = arith.muli %add3A_207, %mul3A_208 : i32
        %get3A_210 = arith.index_cast %mul3A_209 : i32 to index
        %get3A_211 = tpu.vector_load %arg10[%get3A_210] {strides = array<i32>} : memref<4096xi32, #tpu.memory_space<vmem>>, vector<16xi32>,
        %shift_right_arithmetic3A_212 = arith.constant 10 : i32
        %shift_right_arithmetic3A_213 = vector.broadcast %shift_right_arithmetic3A_212 : i32 to vector<16xi32>
        %shift_right_arithmetic3A_214 = arith.shrsi %get3A_211, %shift_right_arithmetic3A_213 : vector<16xi32>
        %and3A_215 = arith.constant 1023 : i32
        %and3A_216 = vector.broadcast %and3A_215 : i32 to vector<16xi32>
        %and3A_217 = arith.andi %shift_right_arithmetic3A_214, %and3A_216 : vector<16xi32>
        %broadcast_in_dim3A_218 = arith.constant true
        %broadcast_in_dim3A_219 = vector.broadcast %broadcast_in_dim3A_218 : i1 to vector<16xi1>
        %unique3A_220, %unique3A_221 = tpu.scan_count mask(%broadcast_in_dim3A_219 : vector<16xi1>) value(%and3A_217 : vector<16xi32>) : vector<16xi1>, vector<16xi32>
        %add3A_222 = arith.constant 1024 : i32
        %add3A_223 = vector.broadcast %add3A_222 : i32 to vector<16xi32>
        %add3A_224 = arith.addi %add3A_223, %and3A_217 : vector<16xi32>
        tpu.vector_store_idx %arg5[%add3A_224], %unique3A_221 masked %unique3A_220 {add = true} : memref<4096xi32, #tpu.memory_space<vmem>>[vector<16xi32>], vector<16xi32>, vector<16xi1>
        %mul3A_225 = arith.constant 4 : i32
        %mul3A_226 = arith.muli %while3A_184, %mul3A_225 : i32
        %add3A_227 = arith.constant 2 : i32
        %add3A_228 = arith.addi %mul3A_226, %add3A_227 : i32
        %mul3A_229 = arith.constant 16 : i32
        %mul3A_230 = arith.muli %add3A_228, %mul3A_229 : i32
        %get3A_231 = arith.index_cast %mul3A_230 : i32 to index
        %get3A_232 = tpu.vector_load %arg10[%get3A_231] {strides = array<i32>} : memref<4096xi32, #tpu.memory_space<vmem>>, vector<16xi32>,
        %shift_right_arithmetic3A_233 = arith.constant 10 : i32
        %shift_right_arithmetic3A_234 = vector.broadcast %shift_right_arithmetic3A_233 : i32 to vector<16xi32>
        %shift_right_arithmetic3A_235 = arith.shrsi %get3A_232, %shift_right_arithmetic3A_234 : vector<16xi32>
        %and3A_236 = arith.constant 1023 : i32
        %and3A_237 = vector.broadcast %and3A_236 : i32 to vector<16xi32>
        %and3A_238 = arith.andi %shift_right_arithmetic3A_235, %and3A_237 : vector<16xi32>
        %broadcast_in_dim3A_239 = arith.constant true
        %broadcast_in_dim3A_240 = vector.broadcast %broadcast_in_dim3A_239 : i1 to vector<16xi1>
        %unique3A_241, %unique3A_242 = tpu.scan_count mask(%broadcast_in_dim3A_240 : vector<16xi1>) value(%and3A_238 : vector<16xi32>) : vector<16xi1>, vector<16xi32>
        %add3A_243 = arith.constant 2048 : i32
        %add3A_244 = vector.broadcast %add3A_243 : i32 to vector<16xi32>
        %add3A_245 = arith.addi %add3A_244, %and3A_238 : vector<16xi32>
        tpu.vector_store_idx %arg5[%add3A_245], %unique3A_242 masked %unique3A_241 {add = true} : memref<4096xi32, #tpu.memory_space<vmem>>[vector<16xi32>], vector<16xi32>, vector<16xi1>
        %mul3A_246 = arith.constant 4 : i32
        %mul3A_247 = arith.muli %while3A_184, %mul3A_246 : i32
        %add3A_248 = arith.constant 3 : i32
        %add3A_249 = arith.addi %mul3A_247, %add3A_248 : i32
        %mul3A_250 = arith.constant 16 : i32
        %mul3A_251 = arith.muli %add3A_249, %mul3A_250 : i32
        %get3A_252 = arith.index_cast %mul3A_251 : i32 to index
        %get3A_253 = tpu.vector_load %arg10[%get3A_252] {strides = array<i32>} : memref<4096xi32, #tpu.memory_space<vmem>>, vector<16xi32>,
        %shift_right_arithmetic3A_254 = arith.constant 10 : i32
        %shift_right_arithmetic3A_255 = vector.broadcast %shift_right_arithmetic3A_254 : i32 to vector<16xi32>
        %shift_right_arithmetic3A_256 = arith.shrsi %get3A_253, %shift_right_arithmetic3A_255 : vector<16xi32>
        %and3A_257 = arith.constant 1023 : i32
        %and3A_258 = vector.broadcast %and3A_257 : i32 to vector<16xi32>
        %and3A_259 = arith.andi %shift_right_arithmetic3A_256, %and3A_258 : vector<16xi32>
        %broadcast_in_dim3A_260 = arith.constant true
        %broadcast_in_dim3A_261 = vector.broadcast %broadcast_in_dim3A_260 : i1 to vector<16xi1>
        %unique3A_262, %unique3A_263 = tpu.scan_count mask(%broadcast_in_dim3A_261 : vector<16xi1>) value(%and3A_259 : vector<16xi32>) : vector<16xi1>, vector<16xi32>
        %add3A_264 = arith.constant 3072 : i32
        %add3A_265 = vector.broadcast %add3A_264 : i32 to vector<16xi32>
        %add3A_266 = arith.addi %add3A_265, %and3A_259 : vector<16xi32>
        tpu.vector_store_idx %arg5[%add3A_266], %unique3A_263 masked %unique3A_262 {add = true} : memref<4096xi32, #tpu.memory_space<vmem>>[vector<16xi32>], vector<16xi32>, vector<16xi1>
        %while3A_267 = arith.constant 0 : i32
        scf.yield %while3A_267 : i32
      }
      %while3A_125 = arith.constant 1 : i32
      %while3A_126 = scf.for %while3A_184 = %while3A_122 to %while3A_118 step %while3A_125 iter_args(%while3A_185 = %while3A_124) -> (i32)  : i32 {
        %mul3A_186 = arith.constant 4 : i32
        %mul3A_187 = arith.muli %while3A_184, %mul3A_186 : i32
        %add3A_188 = arith.constant 0 : i32
        %add3A_189 = arith.addi %mul3A_187, %add3A_188 : i32
        %mul3A_190 = arith.constant 16 : i32
        %mul3A_191 = arith.muli %add3A_189, %mul3A_190 : i32
        %get3A = arith.index_cast %mul3A_191 : i32 to index
        %get3A_192 = tpu.vector_load %arg10[%get3A] {strides = array<i32>} : memref<4096xi32, #tpu.memory_space<vmem>>, vector<16xi32>,
        %shift_right_arithmetic3A = arith.constant 10 : i32
        %shift_right_arithmetic3A_193 = vector.broadcast %shift_right_arithmetic3A : i32 to vector<16xi32>
        %shift_right_arithmetic3A_194 = arith.shrsi %get3A_192, %shift_right_arithmetic3A_193 : vector<16xi32>
        %and3A_195 = arith.constant 1023 : i32
        %and3A_196 = vector.broadcast %and3A_195 : i32 to vector<16xi32>
        %and3A_197 = arith.andi %shift_right_arithmetic3A_194, %and3A_196 : vector<16xi32>
        %broadcast_in_dim3A_198 = arith.constant true
        %broadcast_in_dim3A_199 = vector.broadcast %broadcast_in_dim3A_198 : i1 to vector<16xi1>
        %unique3A, %unique3A_200 = tpu.scan_count mask(%broadcast_in_dim3A_199 : vector<16xi1>) value(%and3A_197 : vector<16xi32>) : vector<16xi1>, vector<16xi32>
        %add3A_201 = arith.constant 0 : i32
        %add3A_202 = vector.broadcast %add3A_201 : i32 to vector<16xi32>
        %add3A_203 = arith.addi %add3A_202, %and3A_197 : vector<16xi32>
        tpu.vector_store_idx %arg5[%add3A_203], %unique3A_200 masked %unique3A {add = true} : memref<4096xi32, #tpu.memory_space<vmem>>[vector<16xi32>], vector<16xi32>, vector<16xi1>
        %mul3A_204 = arith.constant 4 : i32
        %mul3A_205 = arith.muli %while3A_184, %mul3A_204 : i32
        %add3A_206 = arith.constant 1 : i32
        %add3A_207 = arith.addi %mul3A_205, %add3A_206 : i32
        %mul3A_208 = arith.constant 16 : i32
        %mul3A_209 = arith.muli %add3A_207, %mul3A_208 : i32
        %get3A_210 = arith.index_cast %mul3A_209 : i32 to index
        %get3A_211 = tpu.vector_load %arg10[%get3A_210] {strides = array<i32>} : memref<4096xi32, #tpu.memory_space<vmem>>, vector<16xi32>,
        %shift_right_arithmetic3A_212 = arith.constant 10 : i32
        %shift_right_arithmetic3A_213 = vector.broadcast %shift_right_arithmetic3A_212 : i32 to vector<16xi32>
        %shift_right_arithmetic3A_214 = arith.shrsi %get3A_211, %shift_right_arithmetic3A_213 : vector<16xi32>
        %and3A_215 = arith.constant 1023 : i32
        %and3A_216 = vector.broadcast %and3A_215 : i32 to vector<16xi32>
        %and3A_217 = arith.andi %shift_right_arithmetic3A_214, %and3A_216 : vector<16xi32>
        %broadcast_in_dim3A_218 = arith.constant true
        %broadcast_in_dim3A_219 = vector.broadcast %broadcast_in_dim3A_218 : i1 to vector<16xi1>
        %unique3A_220, %unique3A_221 = tpu.scan_count mask(%broadcast_in_dim3A_219 : vector<16xi1>) value(%and3A_217 : vector<16xi32>) : vector<16xi1>, vector<16xi32>
        %add3A_222 = arith.constant 1024 : i32
        %add3A_223 = vector.broadcast %add3A_222 : i32 to vector<16xi32>
        %add3A_224 = arith.addi %add3A_223, %and3A_217 : vector<16xi32>
        tpu.vector_store_idx %arg5[%add3A_224], %unique3A_221 masked %unique3A_220 {add = true} : memref<4096xi32, #tpu.memory_space<vmem>>[vector<16xi32>], vector<16xi32>, vector<16xi1>
        %mul3A_225 = arith.constant 4 : i32
        %mul3A_226 = arith.muli %while3A_184, %mul3A_225 : i32
        %add3A_227 = arith.constant 2 : i32
        %add3A_228 = arith.addi %mul3A_226, %add3A_227 : i32
        %mul3A_229 = arith.constant 16 : i32
        %mul3A_230 = arith.muli %add3A_228, %mul3A_229 : i32
        %get3A_231 = arith.index_cast %mul3A_230 : i32 to index
        %get3A_232 = tpu.vector_load %arg10[%get3A_231] {strides = array<i32>} : memref<4096xi32, #tpu.memory_space<vmem>>, vector<16xi32>,
        %shift_right_arithmetic3A_233 = arith.constant 10 : i32
        %shift_right_arithmetic3A_234 = vector.broadcast %shift_right_arithmetic3A_233 : i32 to vector<16xi32>
        %shift_right_arithmetic3A_235 = arith.shrsi %get3A_232, %shift_right_arithmetic3A_234 : vector<16xi32>
        %and3A_236 = arith.constant 1023 : i32
        %and3A_237 = vector.broadcast %and3A_236 : i32 to vector<16xi32>
        %and3A_238 = arith.andi %shift_right_arithmetic3A_235, %and3A_237 : vector<16xi32>
        %broadcast_in_dim3A_239 = arith.constant true
        %broadcast_in_dim3A_240 = vector.broadcast %broadcast_in_dim3A_239 : i1 to vector<16xi1>
        %unique3A_241, %unique3A_242 = tpu.scan_count mask(%broadcast_in_dim3A_240 : vector<16xi1>) value(%and3A_238 : vector<16xi32>) : vector<16xi1>, vector<16xi32>
        %add3A_243 = arith.constant 2048 : i32
        %add3A_244 = vector.broadcast %add3A_243 : i32 to vector<16xi32>
        %add3A_245 = arith.addi %add3A_244, %and3A_238 : vector<16xi32>
        tpu.vector_store_idx %arg5[%add3A_245], %unique3A_242 masked %unique3A_241 {add = true} : memref<4096xi32, #tpu.memory_space<vmem>>[vector<16xi32>], vector<16xi32>, vector<16xi1>
        %mul3A_246 = arith.constant 4 : i32
        %mul3A_247 = arith.muli %while3A_184, %mul3A_246 : i32
        %add3A_248 = arith.constant 3 : i32
        %add3A_249 = arith.addi %mul3A_247, %add3A_248 : i32
        %mul3A_250 = arith.constant 16 : i32
        %mul3A_251 = arith.muli %add3A_249, %mul3A_250 : i32
        %get3A_252 = arith.index_cast %mul3A_251 : i32 to index
        %get3A_253 = tpu.vector_load %arg10[%get3A_252] {strides = array<i32>} : memref<4096xi32, #tpu.memory_space<vmem>>, vector<16xi32>,
        %shift_right_arithmetic3A_254 = arith.constant 10 : i32
        %shift_right_arithmetic3A_255 = vector.broadcast %shift_right_arithmetic3A_254 : i32 to vector<16xi32>
        %shift_right_arithmetic3A_256 = arith.shrsi %get3A_253, %shift_right_arithmetic3A_255 : vector<16xi32>
        %and3A_257 = arith.constant 1023 : i32
        %and3A_258 = vector.broadcast %and3A_257 : i32 to vector<16xi32>
        %and3A_259 = arith.andi %shift_right_arithmetic3A_256, %and3A_258 : vector<16xi32>
        %broadcast_in_dim3A_260 = arith.constant true
        %broadcast_in_dim3A_261 = vector.broadcast %broadcast_in_dim3A_260 : i1 to vector<16xi1>
        %unique3A_262, %unique3A_263 = tpu.scan_count mask(%broadcast_in_dim3A_261 : vector<16xi1>) value(%and3A_259 : vector<16xi32>) : vector<16xi1>, vector<16xi32>
        %add3A_264 = arith.constant 3072 : i32
        %add3A_265 = vector.broadcast %add3A_264 : i32 to vector<16xi32>
        %add3A_266 = arith.addi %add3A_265, %and3A_259 : vector<16xi32>
        tpu.vector_store_idx %arg5[%add3A_266], %unique3A_263 masked %unique3A_262 {add = true} : memref<4096xi32, #tpu.memory_space<vmem>>[vector<16xi32>], vector<16xi32>, vector<16xi1>
        %while3A_267 = arith.constant 0 : i32
        scf.yield %while3A_267 : i32
      }
      %scan3A_127 = arith.constant 0 : i32
      %scan3A_128 = arith.constant 0 : i32
      %scan3A_129 = arith.constant 64 : i32
      %scan3A_130 = arith.addi %scan3A_128, %scan3A_129 : i32
      %scan3A_131 = arith.constant 1 : i32
      %scan3A_132 = scf.for %scan3A_184 = %scan3A_128 to %scan3A_130 step %scan3A_131 iter_args(%scan3A_185 = %scan3A_127) -> (i32)  : i32 {
        %mul3A_186 = arith.constant 16 : i32
        %mul3A_187 = arith.muli %scan3A_184, %mul3A_186 : i32
        %get3A = arith.index_cast %mul3A_187 : i32 to index
        %get3A_188 = tpu.vector_load %arg5[%get3A] {strides = array<i32>} : memref<4096xi32, #tpu.memory_space<vmem>>, vector<16xi32>,
        %mul3A_189 = arith.constant 16 : i32
        %mul3A_190 = arith.muli %scan3A_184, %mul3A_189 : i32
        %add3A_191 = arith.constant 1024 : i32
        %add3A_192 = arith.addi %add3A_191, %mul3A_190 : i32
        %get3A_193 = arith.index_cast %add3A_192 : i32 to index
        %get3A_194 = tpu.vector_load %arg5[%get3A_193] {strides = array<i32>} : memref<4096xi32, #tpu.memory_space<vmem>>, vector<16xi32>,
        %add3A_195 = arith.addi %get3A_188, %get3A_194 : vector<16xi32>
        %mul3A_196 = arith.constant 16 : i32
        %mul3A_197 = arith.muli %scan3A_184, %mul3A_196 : i32
        %add3A_198 = arith.constant 2048 : i32
        %add3A_199 = arith.addi %add3A_198, %mul3A_197 : i32
        %get3A_200 = arith.index_cast %add3A_199 : i32 to index
        %get3A_201 = tpu.vector_load %arg5[%get3A_200] {strides = array<i32>} : memref<4096xi32, #tpu.memory_space<vmem>>, vector<16xi32>,
        %add3A_202 = arith.addi %add3A_195, %get3A_201 : vector<16xi32>
        %mul3A_203 = arith.constant 16 : i32
        %mul3A_204 = arith.muli %scan3A_184, %mul3A_203 : i32
        %add3A_205 = arith.constant 3072 : i32
        %add3A_206 = arith.addi %add3A_205, %mul3A_204 : i32
        %get3A_207 = arith.index_cast %add3A_206 : i32 to index
        %get3A_208 = tpu.vector_load %arg5[%get3A_207] {strides = array<i32>} : memref<4096xi32, #tpu.memory_space<vmem>>, vector<16xi32>,
        %add3A_209 = arith.addi %add3A_202, %get3A_208 : vector<16xi32>
        %broadcast_in_dim3A_210 = arith.constant true
        %broadcast_in_dim3A_211 = vector.broadcast %broadcast_in_dim3A_210 : i1 to vector<16xi1>
        %masked_cumsum3A = tpu.scan <sum>, %add3A_209 masked %broadcast_in_dim3A_211 : vector<16xi32>, vector<16xi1> -> vector<16xi32>
        %sub3A_212 = arith.subi %masked_cumsum3A, %add3A_209 : vector<16xi32>
        %add3A_213 = vector.broadcast %scan3A_185 : i32 to vector<16xi32>
        %add3A_214 = arith.addi %sub3A_212, %add3A_213 : vector<16xi32>
        %mul3A_215 = arith.constant 16 : i32
        %mul3A_216 = arith.muli %scan3A_184, %mul3A_215 : i32
        %swap3A = arith.index_cast %mul3A_216 : i32 to index
        %swap3A_217 = tpu.vector_load %arg7[%swap3A] {strides = array<i32>} : memref<1024xi32, #tpu.memory_space<vmem>>, vector<16xi32>,
        tpu.vector_store %arg7[%swap3A], %add3A_214 {strides = array<i32>} : memref<1024xi32, #tpu.memory_space<vmem>>, vector<16xi32>,
        %reduce_sum3A = arith.constant true
        %reduce_sum3A_218 = vector.broadcast %reduce_sum3A : i1 to vector<16xi1>
        %reduce_sum3A_219 = tpu.scan <sum>, %add3A_209 masked %reduce_sum3A_218 : vector<16xi32>, vector<16xi1> -> vector<16xi32>
        %reduce_sum3A_220 = vector.extract %reduce_sum3A_219[15] : i32 from vector<16xi32>
        %add3A_221 = arith.addi %scan3A_185, %reduce_sum3A_220 : i32
        scf.yield %add3A_221 : i32
      }
      %scan3A_133 = arith.constant 64 : i32
      %while3A_134 = arith.constant 0 : i32
      %while3A_135 = arith.constant 0 : i32
      %while3A_136 = arith.subi %select_n3A, %while3A_134 : i32
      %while3A_137 = arith.addi %while3A_134, %while3A_136 : i32
      %while3A_138 = arith.constant 1 : i32
      %while3A_139 = arith.divsi %while3A_136, %while3A_138 : i32
      %while3A_140 = arith.muli %while3A_139, %while3A_138 : i32
      %while3A_141 = arith.addi %while3A_134, %while3A_140 : i32
      %while3A_142 = arith.constant 1 : i32
      %while3A_143 = scf.for %while3A_184 = %while3A_134 to %while3A_141 step %while3A_142 iter_args(%while3A_185 = %while3A_135) -> (i32)  : i32 {
        %mul3A_186 = arith.constant 4 : i32
        %mul3A_187 = arith.muli %while3A_184, %mul3A_186 : i32
        %add3A_188 = arith.constant 0 : i32
        %add3A_189 = arith.addi %mul3A_187, %add3A_188 : i32
        %mul3A_190 = arith.constant 16 : i32
        %mul3A_191 = arith.muli %add3A_189, %mul3A_190 : i32
        %get3A = arith.index_cast %mul3A_191 : i32 to index
        %get3A_192 = tpu.vector_load %arg10[%get3A] {strides = array<i32>} : memref<4096xi32, #tpu.memory_space<vmem>>, vector<16xi32>,
        %mul3A_193 = arith.constant 16 : i32
        %mul3A_194 = arith.muli %add3A_189, %mul3A_193 : i32
        %get3A_195 = arith.index_cast %mul3A_194 : i32 to index
        %get3A_196 = tpu.vector_load %arg11[%get3A_195] {strides = array<i32>} : memref<4096xi32, #tpu.memory_space<vmem>>, vector<16xi32>,
        %shift_right_arithmetic3A = arith.constant 10 : i32
        %shift_right_arithmetic3A_197 = vector.broadcast %shift_right_arithmetic3A : i32 to vector<16xi32>
        %shift_right_arithmetic3A_198 = arith.shrsi %get3A_192, %shift_right_arithmetic3A_197 : vector<16xi32>
        %and3A_199 = arith.constant 1023 : i32
        %and3A_200 = vector.broadcast %and3A_199 : i32 to vector<16xi32>
        %and3A_201 = arith.andi %shift_right_arithmetic3A_198, %and3A_200 : vector<16xi32>
        %broadcast_in_dim3A_202 = arith.constant true
        %broadcast_in_dim3A_203 = vector.broadcast %broadcast_in_dim3A_202 : i1 to vector<16xi1>
        %unique3A, %unique3A_204 = tpu.scan_count mask(%broadcast_in_dim3A_203 : vector<16xi1>) value(%and3A_201 : vector<16xi32>) : vector<16xi1>, vector<16xi32>
        %gather3A = tpu.vector_load_idx %arg7[%and3A_201] : memref<1024xi32, #tpu.memory_space<vmem>>[vector<16xi32>], vector<16xi32>,
        %add3A_205 = arith.addi %gather3A, %unique3A_204 : vector<16xi32>
        %sub3A_206 = arith.constant 1 : i32
        %sub3A_207 = vector.broadcast %sub3A_206 : i32 to vector<16xi32>
        %sub3A_208 = arith.subi %add3A_205, %sub3A_207 : vector<16xi32>
        tpu.vector_store_idx %arg8[%sub3A_208], %get3A_192 : memref<4096xi32, #tpu.memory_space<vmem>>[vector<16xi32>], vector<16xi32>,
        tpu.vector_store_idx %arg9[%sub3A_208], %get3A_196 : memref<4096xi32, #tpu.memory_space<vmem>>[vector<16xi32>], vector<16xi32>,
        tpu.vector_store_idx %arg7[%and3A_201], %unique3A_204 masked %unique3A {add = true} : memref<1024xi32, #tpu.memory_space<vmem>>[vector<16xi32>], vector<16xi32>, vector<16xi1>
        %mul3A_209 = arith.constant 4 : i32
        %mul3A_210 = arith.muli %while3A_184, %mul3A_209 : i32
        %add3A_211 = arith.constant 1 : i32
        %add3A_212 = arith.addi %mul3A_210, %add3A_211 : i32
        %mul3A_213 = arith.constant 16 : i32
        %mul3A_214 = arith.muli %add3A_212, %mul3A_213 : i32
        %get3A_215 = arith.index_cast %mul3A_214 : i32 to index
        %get3A_216 = tpu.vector_load %arg10[%get3A_215] {strides = array<i32>} : memref<4096xi32, #tpu.memory_space<vmem>>, vector<16xi32>,
        %mul3A_217 = arith.constant 16 : i32
        %mul3A_218 = arith.muli %add3A_212, %mul3A_217 : i32
        %get3A_219 = arith.index_cast %mul3A_218 : i32 to index
        %get3A_220 = tpu.vector_load %arg11[%get3A_219] {strides = array<i32>} : memref<4096xi32, #tpu.memory_space<vmem>>, vector<16xi32>,
        %shift_right_arithmetic3A_221 = arith.constant 10 : i32
        %shift_right_arithmetic3A_222 = vector.broadcast %shift_right_arithmetic3A_221 : i32 to vector<16xi32>
        %shift_right_arithmetic3A_223 = arith.shrsi %get3A_216, %shift_right_arithmetic3A_222 : vector<16xi32>
        %and3A_224 = arith.constant 1023 : i32
        %and3A_225 = vector.broadcast %and3A_224 : i32 to vector<16xi32>
        %and3A_226 = arith.andi %shift_right_arithmetic3A_223, %and3A_225 : vector<16xi32>
        %broadcast_in_dim3A_227 = arith.constant true
        %broadcast_in_dim3A_228 = vector.broadcast %broadcast_in_dim3A_227 : i1 to vector<16xi1>
        %unique3A_229, %unique3A_230 = tpu.scan_count mask(%broadcast_in_dim3A_228 : vector<16xi1>) value(%and3A_226 : vector<16xi32>) : vector<16xi1>, vector<16xi32>
        %gather3A_231 = tpu.vector_load_idx %arg7[%and3A_226] : memref<1024xi32, #tpu.memory_space<vmem>>[vector<16xi32>], vector<16xi32>,
        %add3A_232 = arith.addi %gather3A_231, %unique3A_230 : vector<16xi32>
        %sub3A_233 = arith.constant 1 : i32
        %sub3A_234 = vector.broadcast %sub3A_233 : i32 to vector<16xi32>
        %sub3A_235 = arith.subi %add3A_232, %sub3A_234 : vector<16xi32>
        tpu.vector_store_idx %arg8[%sub3A_235], %get3A_216 : memref<4096xi32, #tpu.memory_space<vmem>>[vector<16xi32>], vector<16xi32>,
        tpu.vector_store_idx %arg9[%sub3A_235], %get3A_220 : memref<4096xi32, #tpu.memory_space<vmem>>[vector<16xi32>], vector<16xi32>,
        tpu.vector_store_idx %arg7[%and3A_226], %unique3A_230 masked %unique3A_229 {add = true} : memref<1024xi32, #tpu.memory_space<vmem>>[vector<16xi32>], vector<16xi32>, vector<16xi1>
        %mul3A_236 = arith.constant 4 : i32
        %mul3A_237 = arith.muli %while3A_184, %mul3A_236 : i32
        %add3A_238 = arith.constant 2 : i32
        %add3A_239 = arith.addi %mul3A_237, %add3A_238 : i32
        %mul3A_240 = arith.constant 16 : i32
        %mul3A_241 = arith.muli %add3A_239, %mul3A_240 : i32
        %get3A_242 = arith.index_cast %mul3A_241 : i32 to index
        %get3A_243 = tpu.vector_load %arg10[%get3A_242] {strides = array<i32>} : memref<4096xi32, #tpu.memory_space<vmem>>, vector<16xi32>,
        %mul3A_244 = arith.constant 16 : i32
        %mul3A_245 = arith.muli %add3A_239, %mul3A_244 : i32
        %get3A_246 = arith.index_cast %mul3A_245 : i32 to index
        %get3A_247 = tpu.vector_load %arg11[%get3A_246] {strides = array<i32>} : memref<4096xi32, #tpu.memory_space<vmem>>, vector<16xi32>,
        %shift_right_arithmetic3A_248 = arith.constant 10 : i32
        %shift_right_arithmetic3A_249 = vector.broadcast %shift_right_arithmetic3A_248 : i32 to vector<16xi32>
        %shift_right_arithmetic3A_250 = arith.shrsi %get3A_243, %shift_right_arithmetic3A_249 : vector<16xi32>
        %and3A_251 = arith.constant 1023 : i32
        %and3A_252 = vector.broadcast %and3A_251 : i32 to vector<16xi32>
        %and3A_253 = arith.andi %shift_right_arithmetic3A_250, %and3A_252 : vector<16xi32>
        %broadcast_in_dim3A_254 = arith.constant true
        %broadcast_in_dim3A_255 = vector.broadcast %broadcast_in_dim3A_254 : i1 to vector<16xi1>
        %unique3A_256, %unique3A_257 = tpu.scan_count mask(%broadcast_in_dim3A_255 : vector<16xi1>) value(%and3A_253 : vector<16xi32>) : vector<16xi1>, vector<16xi32>
        %gather3A_258 = tpu.vector_load_idx %arg7[%and3A_253] : memref<1024xi32, #tpu.memory_space<vmem>>[vector<16xi32>], vector<16xi32>,
        %add3A_259 = arith.addi %gather3A_258, %unique3A_257 : vector<16xi32>
        %sub3A_260 = arith.constant 1 : i32
        %sub3A_261 = vector.broadcast %sub3A_260 : i32 to vector<16xi32>
        %sub3A_262 = arith.subi %add3A_259, %sub3A_261 : vector<16xi32>
        tpu.vector_store_idx %arg8[%sub3A_262], %get3A_243 : memref<4096xi32, #tpu.memory_space<vmem>>[vector<16xi32>], vector<16xi32>,
        tpu.vector_store_idx %arg9[%sub3A_262], %get3A_247 : memref<4096xi32, #tpu.memory_space<vmem>>[vector<16xi32>], vector<16xi32>,
        tpu.vector_store_idx %arg7[%and3A_253], %unique3A_257 masked %unique3A_256 {add = true} : memref<1024xi32, #tpu.memory_space<vmem>>[vector<16xi32>], vector<16xi32>, vector<16xi1>
        %mul3A_263 = arith.constant 4 : i32
        %mul3A_264 = arith.muli %while3A_184, %mul3A_263 : i32
        %add3A_265 = arith.constant 3 : i32
        %add3A_266 = arith.addi %mul3A_264, %add3A_265 : i32
        %mul3A_267 = arith.constant 16 : i32
        %mul3A_268 = arith.muli %add3A_266, %mul3A_267 : i32
        %get3A_269 = arith.index_cast %mul3A_268 : i32 to index
        %get3A_270 = tpu.vector_load %arg10[%get3A_269] {strides = array<i32>} : memref<4096xi32, #tpu.memory_space<vmem>>, vector<16xi32>,
        %mul3A_271 = arith.constant 16 : i32
        %mul3A_272 = arith.muli %add3A_266, %mul3A_271 : i32
        %get3A_273 = arith.index_cast %mul3A_272 : i32 to index
        %get3A_274 = tpu.vector_load %arg11[%get3A_273] {strides = array<i32>} : memref<4096xi32, #tpu.memory_space<vmem>>, vector<16xi32>,
        %shift_right_arithmetic3A_275 = arith.constant 10 : i32
        %shift_right_arithmetic3A_276 = vector.broadcast %shift_right_arithmetic3A_275 : i32 to vector<16xi32>
        %shift_right_arithmetic3A_277 = arith.shrsi %get3A_270, %shift_right_arithmetic3A_276 : vector<16xi32>
        %and3A_278 = arith.constant 1023 : i32
        %and3A_279 = vector.broadcast %and3A_278 : i32 to vector<16xi32>
        %and3A_280 = arith.andi %shift_right_arithmetic3A_277, %and3A_279 : vector<16xi32>
        %broadcast_in_dim3A_281 = arith.constant true
        %broadcast_in_dim3A_282 = vector.broadcast %broadcast_in_dim3A_281 : i1 to vector<16xi1>
        %unique3A_283, %unique3A_284 = tpu.scan_count mask(%broadcast_in_dim3A_282 : vector<16xi1>) value(%and3A_280 : vector<16xi32>) : vector<16xi1>, vector<16xi32>
        %gather3A_285 = tpu.vector_load_idx %arg7[%and3A_280] : memref<1024xi32, #tpu.memory_space<vmem>>[vector<16xi32>], vector<16xi32>,
        %add3A_286 = arith.addi %gather3A_285, %unique3A_284 : vector<16xi32>
        %sub3A_287 = arith.constant 1 : i32
        %sub3A_288 = vector.broadcast %sub3A_287 : i32 to vector<16xi32>
        %sub3A_289 = arith.subi %add3A_286, %sub3A_288 : vector<16xi32>
        tpu.vector_store_idx %arg8[%sub3A_289], %get3A_270 : memref<4096xi32, #tpu.memory_space<vmem>>[vector<16xi32>], vector<16xi32>,
        tpu.vector_store_idx %arg9[%sub3A_289], %get3A_274 : memref<4096xi32, #tpu.memory_space<vmem>>[vector<16xi32>], vector<16xi32>,
        tpu.vector_store_idx %arg7[%and3A_280], %unique3A_284 masked %unique3A_283 {add = true} : memref<1024xi32, #tpu.memory_space<vmem>>[vector<16xi32>], vector<16xi32>, vector<16xi1>
        %while3A_290 = arith.constant 0 : i32
        scf.yield %while3A_290 : i32
      }
      %while3A_144 = arith.constant 1 : i32
      %while3A_145 = scf.for %while3A_184 = %while3A_141 to %while3A_137 step %while3A_144 iter_args(%while3A_185 = %while3A_143) -> (i32)  : i32 {
        %mul3A_186 = arith.constant 4 : i32
        %mul3A_187 = arith.muli %while3A_184, %mul3A_186 : i32
        %add3A_188 = arith.constant 0 : i32
        %add3A_189 = arith.addi %mul3A_187, %add3A_188 : i32
        %mul3A_190 = arith.constant 16 : i32
        %mul3A_191 = arith.muli %add3A_189, %mul3A_190 : i32
        %get3A = arith.index_cast %mul3A_191 : i32 to index
        %get3A_192 = tpu.vector_load %arg10[%get3A] {strides = array<i32>} : memref<4096xi32, #tpu.memory_space<vmem>>, vector<16xi32>,
        %mul3A_193 = arith.constant 16 : i32
        %mul3A_194 = arith.muli %add3A_189, %mul3A_193 : i32
        %get3A_195 = arith.index_cast %mul3A_194 : i32 to index
        %get3A_196 = tpu.vector_load %arg11[%get3A_195] {strides = array<i32>} : memref<4096xi32, #tpu.memory_space<vmem>>, vector<16xi32>,
        %shift_right_arithmetic3A = arith.constant 10 : i32
        %shift_right_arithmetic3A_197 = vector.broadcast %shift_right_arithmetic3A : i32 to vector<16xi32>
        %shift_right_arithmetic3A_198 = arith.shrsi %get3A_192, %shift_right_arithmetic3A_197 : vector<16xi32>
        %and3A_199 = arith.constant 1023 : i32
        %and3A_200 = vector.broadcast %and3A_199 : i32 to vector<16xi32>
        %and3A_201 = arith.andi %shift_right_arithmetic3A_198, %and3A_200 : vector<16xi32>
        %broadcast_in_dim3A_202 = arith.constant true
        %broadcast_in_dim3A_203 = vector.broadcast %broadcast_in_dim3A_202 : i1 to vector<16xi1>
        %unique3A, %unique3A_204 = tpu.scan_count mask(%broadcast_in_dim3A_203 : vector<16xi1>) value(%and3A_201 : vector<16xi32>) : vector<16xi1>, vector<16xi32>
        %gather3A = tpu.vector_load_idx %arg7[%and3A_201] : memref<1024xi32, #tpu.memory_space<vmem>>[vector<16xi32>], vector<16xi32>,
        %add3A_205 = arith.addi %gather3A, %unique3A_204 : vector<16xi32>
        %sub3A_206 = arith.constant 1 : i32
        %sub3A_207 = vector.broadcast %sub3A_206 : i32 to vector<16xi32>
        %sub3A_208 = arith.subi %add3A_205, %sub3A_207 : vector<16xi32>
        tpu.vector_store_idx %arg8[%sub3A_208], %get3A_192 : memref<4096xi32, #tpu.memory_space<vmem>>[vector<16xi32>], vector<16xi32>,
        tpu.vector_store_idx %arg9[%sub3A_208], %get3A_196 : memref<4096xi32, #tpu.memory_space<vmem>>[vector<16xi32>], vector<16xi32>,
        tpu.vector_store_idx %arg7[%and3A_201], %unique3A_204 masked %unique3A {add = true} : memref<1024xi32, #tpu.memory_space<vmem>>[vector<16xi32>], vector<16xi32>, vector<16xi1>
        %mul3A_209 = arith.constant 4 : i32
        %mul3A_210 = arith.muli %while3A_184, %mul3A_209 : i32
        %add3A_211 = arith.constant 1 : i32
        %add3A_212 = arith.addi %mul3A_210, %add3A_211 : i32
        %mul3A_213 = arith.constant 16 : i32
        %mul3A_214 = arith.muli %add3A_212, %mul3A_213 : i32
        %get3A_215 = arith.index_cast %mul3A_214 : i32 to index
        %get3A_216 = tpu.vector_load %arg10[%get3A_215] {strides = array<i32>} : memref<4096xi32, #tpu.memory_space<vmem>>, vector<16xi32>,
        %mul3A_217 = arith.constant 16 : i32
        %mul3A_218 = arith.muli %add3A_212, %mul3A_217 : i32
        %get3A_219 = arith.index_cast %mul3A_218 : i32 to index
        %get3A_220 = tpu.vector_load %arg11[%get3A_219] {strides = array<i32>} : memref<4096xi32, #tpu.memory_space<vmem>>, vector<16xi32>,
        %shift_right_arithmetic3A_221 = arith.constant 10 : i32
        %shift_right_arithmetic3A_222 = vector.broadcast %shift_right_arithmetic3A_221 : i32 to vector<16xi32>
        %shift_right_arithmetic3A_223 = arith.shrsi %get3A_216, %shift_right_arithmetic3A_222 : vector<16xi32>
        %and3A_224 = arith.constant 1023 : i32
        %and3A_225 = vector.broadcast %and3A_224 : i32 to vector<16xi32>
        %and3A_226 = arith.andi %shift_right_arithmetic3A_223, %and3A_225 : vector<16xi32>
        %broadcast_in_dim3A_227 = arith.constant true
        %broadcast_in_dim3A_228 = vector.broadcast %broadcast_in_dim3A_227 : i1 to vector<16xi1>
        %unique3A_229, %unique3A_230 = tpu.scan_count mask(%broadcast_in_dim3A_228 : vector<16xi1>) value(%and3A_226 : vector<16xi32>) : vector<16xi1>, vector<16xi32>
        %gather3A_231 = tpu.vector_load_idx %arg7[%and3A_226] : memref<1024xi32, #tpu.memory_space<vmem>>[vector<16xi32>], vector<16xi32>,
        %add3A_232 = arith.addi %gather3A_231, %unique3A_230 : vector<16xi32>
        %sub3A_233 = arith.constant 1 : i32
        %sub3A_234 = vector.broadcast %sub3A_233 : i32 to vector<16xi32>
        %sub3A_235 = arith.subi %add3A_232, %sub3A_234 : vector<16xi32>
        tpu.vector_store_idx %arg8[%sub3A_235], %get3A_216 : memref<4096xi32, #tpu.memory_space<vmem>>[vector<16xi32>], vector<16xi32>,
        tpu.vector_store_idx %arg9[%sub3A_235], %get3A_220 : memref<4096xi32, #tpu.memory_space<vmem>>[vector<16xi32>], vector<16xi32>,
        tpu.vector_store_idx %arg7[%and3A_226], %unique3A_230 masked %unique3A_229 {add = true} : memref<1024xi32, #tpu.memory_space<vmem>>[vector<16xi32>], vector<16xi32>, vector<16xi1>
        %mul3A_236 = arith.constant 4 : i32
        %mul3A_237 = arith.muli %while3A_184, %mul3A_236 : i32
        %add3A_238 = arith.constant 2 : i32
        %add3A_239 = arith.addi %mul3A_237, %add3A_238 : i32
        %mul3A_240 = arith.constant 16 : i32
        %mul3A_241 = arith.muli %add3A_239, %mul3A_240 : i32
        %get3A_242 = arith.index_cast %mul3A_241 : i32 to index
        %get3A_243 = tpu.vector_load %arg10[%get3A_242] {strides = array<i32>} : memref<4096xi32, #tpu.memory_space<vmem>>, vector<16xi32>,
        %mul3A_244 = arith.constant 16 : i32
        %mul3A_245 = arith.muli %add3A_239, %mul3A_244 : i32
        %get3A_246 = arith.index_cast %mul3A_245 : i32 to index
        %get3A_247 = tpu.vector_load %arg11[%get3A_246] {strides = array<i32>} : memref<4096xi32, #tpu.memory_space<vmem>>, vector<16xi32>,
        %shift_right_arithmetic3A_248 = arith.constant 10 : i32
        %shift_right_arithmetic3A_249 = vector.broadcast %shift_right_arithmetic3A_248 : i32 to vector<16xi32>
        %shift_right_arithmetic3A_250 = arith.shrsi %get3A_243, %shift_right_arithmetic3A_249 : vector<16xi32>
        %and3A_251 = arith.constant 1023 : i32
        %and3A_252 = vector.broadcast %and3A_251 : i32 to vector<16xi32>
        %and3A_253 = arith.andi %shift_right_arithmetic3A_250, %and3A_252 : vector<16xi32>
        %broadcast_in_dim3A_254 = arith.constant true
        %broadcast_in_dim3A_255 = vector.broadcast %broadcast_in_dim3A_254 : i1 to vector<16xi1>
        %unique3A_256, %unique3A_257 = tpu.scan_count mask(%broadcast_in_dim3A_255 : vector<16xi1>) value(%and3A_253 : vector<16xi32>) : vector<16xi1>, vector<16xi32>
        %gather3A_258 = tpu.vector_load_idx %arg7[%and3A_253] : memref<1024xi32, #tpu.memory_space<vmem>>[vector<16xi32>], vector<16xi32>,
        %add3A_259 = arith.addi %gather3A_258, %unique3A_257 : vector<16xi32>
        %sub3A_260 = arith.constant 1 : i32
        %sub3A_261 = vector.broadcast %sub3A_260 : i32 to vector<16xi32>
        %sub3A_262 = arith.subi %add3A_259, %sub3A_261 : vector<16xi32>
        tpu.vector_store_idx %arg8[%sub3A_262], %get3A_243 : memref<4096xi32, #tpu.memory_space<vmem>>[vector<16xi32>], vector<16xi32>,
        tpu.vector_store_idx %arg9[%sub3A_262], %get3A_247 : memref<4096xi32, #tpu.memory_space<vmem>>[vector<16xi32>], vector<16xi32>,
        tpu.vector_store_idx %arg7[%and3A_253], %unique3A_257 masked %unique3A_256 {add = true} : memref<1024xi32, #tpu.memory_space<vmem>>[vector<16xi32>], vector<16xi32>, vector<16xi1>
        %mul3A_263 = arith.constant 4 : i32
        %mul3A_264 = arith.muli %while3A_184, %mul3A_263 : i32
        %add3A_265 = arith.constant 3 : i32
        %add3A_266 = arith.addi %mul3A_264, %add3A_265 : i32
        %mul3A_267 = arith.constant 16 : i32
        %mul3A_268 = arith.muli %add3A_266, %mul3A_267 : i32
        %get3A_269 = arith.index_cast %mul3A_268 : i32 to index
        %get3A_270 = tpu.vector_load %arg10[%get3A_269] {strides = array<i32>} : memref<4096xi32, #tpu.memory_space<vmem>>, vector<16xi32>,
        %mul3A_271 = arith.constant 16 : i32
        %mul3A_272 = arith.muli %add3A_266, %mul3A_271 : i32
        %get3A_273 = arith.index_cast %mul3A_272 : i32 to index
        %get3A_274 = tpu.vector_load %arg11[%get3A_273] {strides = array<i32>} : memref<4096xi32, #tpu.memory_space<vmem>>, vector<16xi32>,
        %shift_right_arithmetic3A_275 = arith.constant 10 : i32
        %shift_right_arithmetic3A_276 = vector.broadcast %shift_right_arithmetic3A_275 : i32 to vector<16xi32>
        %shift_right_arithmetic3A_277 = arith.shrsi %get3A_270, %shift_right_arithmetic3A_276 : vector<16xi32>
        %and3A_278 = arith.constant 1023 : i32
        %and3A_279 = vector.broadcast %and3A_278 : i32 to vector<16xi32>
        %and3A_280 = arith.andi %shift_right_arithmetic3A_277, %and3A_279 : vector<16xi32>
        %broadcast_in_dim3A_281 = arith.constant true
        %broadcast_in_dim3A_282 = vector.broadcast %broadcast_in_dim3A_281 : i1 to vector<16xi1>
        %unique3A_283, %unique3A_284 = tpu.scan_count mask(%broadcast_in_dim3A_282 : vector<16xi1>) value(%and3A_280 : vector<16xi32>) : vector<16xi1>, vector<16xi32>
        %gather3A_285 = tpu.vector_load_idx %arg7[%and3A_280] : memref<1024xi32, #tpu.memory_space<vmem>>[vector<16xi32>], vector<16xi32>,
        %add3A_286 = arith.addi %gather3A_285, %unique3A_284 : vector<16xi32>
        %sub3A_287 = arith.constant 1 : i32
        %sub3A_288 = vector.broadcast %sub3A_287 : i32 to vector<16xi32>
        %sub3A_289 = arith.subi %add3A_286, %sub3A_288 : vector<16xi32>
        tpu.vector_store_idx %arg8[%sub3A_289], %get3A_270 : memref<4096xi32, #tpu.memory_space<vmem>>[vector<16xi32>], vector<16xi32>,
        tpu.vector_store_idx %arg9[%sub3A_289], %get3A_274 : memref<4096xi32, #tpu.memory_space<vmem>>[vector<16xi32>], vector<16xi32>,
        tpu.vector_store_idx %arg7[%and3A_280], %unique3A_284 masked %unique3A_283 {add = true} : memref<1024xi32, #tpu.memory_space<vmem>>[vector<16xi32>], vector<16xi32>, vector<16xi1>
        %while3A_290 = arith.constant 0 : i32
        scf.yield %while3A_290 : i32
      }
      %scan3A_146 = arith.constant 0 : i32
      %scan3A_147 = arith.constant 0 : i32
      %scan3A_148 = arith.constant 64 : i32
      %scan3A_149 = arith.addi %scan3A_147, %scan3A_148 : i32
      %scan3A_150 = arith.constant 1 : i32
      %scan3A_151 = scf.for %scan3A_184 = %scan3A_147 to %scan3A_149 step %scan3A_150 iter_args(%scan3A_185 = %scan3A_146) -> (i32)  : i32 {
        %mul3A_186 = arith.constant 4 : i32
        %mul3A_187 = arith.muli %scan3A_184, %mul3A_186 : i32
        %add3A_188 = arith.constant 0 : i32
        %add3A_189 = arith.addi %mul3A_187, %add3A_188 : i32
        %mul3A_190 = arith.constant 16 : i32
        %mul3A_191 = arith.muli %add3A_189, %mul3A_190 : i32
        %swap3A = arith.index_cast %mul3A_191 : i32 to index
        %swap3A_192 = tpu.vector_load %arg5[%swap3A] {strides = array<i32>} : memref<4096xi32, #tpu.memory_space<vmem>>, vector<16xi32>,
        tpu.vector_store %arg5[%swap3A], %broadcast_in_dim3A_3 {strides = array<i32>} : memref<4096xi32, #tpu.memory_space<vmem>>, vector<16xi32>,
        %mul3A_193 = arith.constant 4 : i32
        %mul3A_194 = arith.muli %scan3A_184, %mul3A_193 : i32
        %add3A_195 = arith.constant 1 : i32
        %add3A_196 = arith.addi %mul3A_194, %add3A_195 : i32
        %mul3A_197 = arith.constant 16 : i32
        %mul3A_198 = arith.muli %add3A_196, %mul3A_197 : i32
        %swap3A_199 = arith.index_cast %mul3A_198 : i32 to index
        %swap3A_200 = tpu.vector_load %arg5[%swap3A_199] {strides = array<i32>} : memref<4096xi32, #tpu.memory_space<vmem>>, vector<16xi32>,
        tpu.vector_store %arg5[%swap3A_199], %broadcast_in_dim3A_3 {strides = array<i32>} : memref<4096xi32, #tpu.memory_space<vmem>>, vector<16xi32>,
        %mul3A_201 = arith.constant 4 : i32
        %mul3A_202 = arith.muli %scan3A_184, %mul3A_201 : i32
        %add3A_203 = arith.constant 2 : i32
        %add3A_204 = arith.addi %mul3A_202, %add3A_203 : i32
        %mul3A_205 = arith.constant 16 : i32
        %mul3A_206 = arith.muli %add3A_204, %mul3A_205 : i32
        %swap3A_207 = arith.index_cast %mul3A_206 : i32 to index
        %swap3A_208 = tpu.vector_load %arg5[%swap3A_207] {strides = array<i32>} : memref<4096xi32, #tpu.memory_space<vmem>>, vector<16xi32>,
        tpu.vector_store %arg5[%swap3A_207], %broadcast_in_dim3A_3 {strides = array<i32>} : memref<4096xi32, #tpu.memory_space<vmem>>, vector<16xi32>,
        %mul3A_209 = arith.constant 4 : i32
        %mul3A_210 = arith.muli %scan3A_184, %mul3A_209 : i32
        %add3A_211 = arith.constant 3 : i32
        %add3A_212 = arith.addi %mul3A_210, %add3A_211 : i32
        %mul3A_213 = arith.constant 16 : i32
        %mul3A_214 = arith.muli %add3A_212, %mul3A_213 : i32
        %swap3A_215 = arith.index_cast %mul3A_214 : i32 to index
        %swap3A_216 = tpu.vector_load %arg5[%swap3A_215] {strides = array<i32>} : memref<4096xi32, #tpu.memory_space<vmem>>, vector<16xi32>,
        tpu.vector_store %arg5[%swap3A_215], %broadcast_in_dim3A_3 {strides = array<i32>} : memref<4096xi32, #tpu.memory_space<vmem>>, vector<16xi32>,
        %scan3A_217 = arith.constant 0 : i32
        scf.yield %scan3A_217 : i32
      }
      %scan3A_152 = arith.constant 64 : i32
      %while3A_153 = arith.constant 0 : i32
      %while3A_154 = arith.constant 0 : i32
      %while3A_155 = arith.subi %select_n3A, %while3A_153 : i32
      %while3A_156 = arith.addi %while3A_153, %while3A_155 : i32
      %while3A_157 = arith.constant 1 : i32
      %while3A_158 = arith.divsi %while3A_155, %while3A_157 : i32
      %while3A_159 = arith.muli %while3A_158, %while3A_157 : i32
      %while3A_160 = arith.addi %while3A_153, %while3A_159 : i32
      %while3A_161 = arith.constant 1 : i32
      %while3A_162 = scf.for %while3A_184 = %while3A_153 to %while3A_160 step %while3A_161 iter_args(%while3A_185 = %while3A_154) -> (i32)  : i32 {
        %mul3A_186 = arith.constant 4 : i32
        %mul3A_187 = arith.muli %while3A_184, %mul3A_186 : i32
        %add3A_188 = arith.constant 0 : i32
        %add3A_189 = arith.addi %mul3A_187, %add3A_188 : i32
        %mul3A_190 = arith.constant 16 : i32
        %mul3A_191 = arith.muli %add3A_189, %mul3A_190 : i32
        %get3A = arith.index_cast %mul3A_191 : i32 to index
        %get3A_192 = tpu.vector_load %arg8[%get3A] {strides = array<i32>} : memref<4096xi32, #tpu.memory_space<vmem>>, vector<16xi32>,
        %shift_right_arithmetic3A = arith.constant 20 : i32
        %shift_right_arithmetic3A_193 = vector.broadcast %shift_right_arithmetic3A : i32 to vector<16xi32>
        %shift_right_arithmetic3A_194 = arith.shrsi %get3A_192, %shift_right_arithmetic3A_193 : vector<16xi32>
        %and3A_195 = arith.constant 1023 : i32
        %and3A_196 = vector.broadcast %and3A_195 : i32 to vector<16xi32>
        %and3A_197 = arith.andi %shift_right_arithmetic3A_194, %and3A_196 : vector<16xi32>
        %broadcast_in_dim3A_198 = arith.constant true
        %broadcast_in_dim3A_199 = vector.broadcast %broadcast_in_dim3A_198 : i1 to vector<16xi1>
        %unique3A, %unique3A_200 = tpu.scan_count mask(%broadcast_in_dim3A_199 : vector<16xi1>) value(%and3A_197 : vector<16xi32>) : vector<16xi1>, vector<16xi32>
        %add3A_201 = arith.constant 0 : i32
        %add3A_202 = vector.broadcast %add3A_201 : i32 to vector<16xi32>
        %add3A_203 = arith.addi %add3A_202, %and3A_197 : vector<16xi32>
        tpu.vector_store_idx %arg5[%add3A_203], %unique3A_200 masked %unique3A {add = true} : memref<4096xi32, #tpu.memory_space<vmem>>[vector<16xi32>], vector<16xi32>, vector<16xi1>
        %mul3A_204 = arith.constant 4 : i32
        %mul3A_205 = arith.muli %while3A_184, %mul3A_204 : i32
        %add3A_206 = arith.constant 1 : i32
        %add3A_207 = arith.addi %mul3A_205, %add3A_206 : i32
        %mul3A_208 = arith.constant 16 : i32
        %mul3A_209 = arith.muli %add3A_207, %mul3A_208 : i32
        %get3A_210 = arith.index_cast %mul3A_209 : i32 to index
        %get3A_211 = tpu.vector_load %arg8[%get3A_210] {strides = array<i32>} : memref<4096xi32, #tpu.memory_space<vmem>>, vector<16xi32>,
        %shift_right_arithmetic3A_212 = arith.constant 20 : i32
        %shift_right_arithmetic3A_213 = vector.broadcast %shift_right_arithmetic3A_212 : i32 to vector<16xi32>
        %shift_right_arithmetic3A_214 = arith.shrsi %get3A_211, %shift_right_arithmetic3A_213 : vector<16xi32>
        %and3A_215 = arith.constant 1023 : i32
        %and3A_216 = vector.broadcast %and3A_215 : i32 to vector<16xi32>
        %and3A_217 = arith.andi %shift_right_arithmetic3A_214, %and3A_216 : vector<16xi32>
        %broadcast_in_dim3A_218 = arith.constant true
        %broadcast_in_dim3A_219 = vector.broadcast %broadcast_in_dim3A_218 : i1 to vector<16xi1>
        %unique3A_220, %unique3A_221 = tpu.scan_count mask(%broadcast_in_dim3A_219 : vector<16xi1>) value(%and3A_217 : vector<16xi32>) : vector<16xi1>, vector<16xi32>
        %add3A_222 = arith.constant 1024 : i32
        %add3A_223 = vector.broadcast %add3A_222 : i32 to vector<16xi32>
        %add3A_224 = arith.addi %add3A_223, %and3A_217 : vector<16xi32>
        tpu.vector_store_idx %arg5[%add3A_224], %unique3A_221 masked %unique3A_220 {add = true} : memref<4096xi32, #tpu.memory_space<vmem>>[vector<16xi32>], vector<16xi32>, vector<16xi1>
        %mul3A_225 = arith.constant 4 : i32
        %mul3A_226 = arith.muli %while3A_184, %mul3A_225 : i32
        %add3A_227 = arith.constant 2 : i32
        %add3A_228 = arith.addi %mul3A_226, %add3A_227 : i32
        %mul3A_229 = arith.constant 16 : i32
        %mul3A_230 = arith.muli %add3A_228, %mul3A_229 : i32
        %get3A_231 = arith.index_cast %mul3A_230 : i32 to index
        %get3A_232 = tpu.vector_load %arg8[%get3A_231] {strides = array<i32>} : memref<4096xi32, #tpu.memory_space<vmem>>, vector<16xi32>,
        %shift_right_arithmetic3A_233 = arith.constant 20 : i32
        %shift_right_arithmetic3A_234 = vector.broadcast %shift_right_arithmetic3A_233 : i32 to vector<16xi32>
        %shift_right_arithmetic3A_235 = arith.shrsi %get3A_232, %shift_right_arithmetic3A_234 : vector<16xi32>
        %and3A_236 = arith.constant 1023 : i32
        %and3A_237 = vector.broadcast %and3A_236 : i32 to vector<16xi32>
        %and3A_238 = arith.andi %shift_right_arithmetic3A_235, %and3A_237 : vector<16xi32>
        %broadcast_in_dim3A_239 = arith.constant true
        %broadcast_in_dim3A_240 = vector.broadcast %broadcast_in_dim3A_239 : i1 to vector<16xi1>
        %unique3A_241, %unique3A_242 = tpu.scan_count mask(%broadcast_in_dim3A_240 : vector<16xi1>) value(%and3A_238 : vector<16xi32>) : vector<16xi1>, vector<16xi32>
        %add3A_243 = arith.constant 2048 : i32
        %add3A_244 = vector.broadcast %add3A_243 : i32 to vector<16xi32>
        %add3A_245 = arith.addi %add3A_244, %and3A_238 : vector<16xi32>
        tpu.vector_store_idx %arg5[%add3A_245], %unique3A_242 masked %unique3A_241 {add = true} : memref<4096xi32, #tpu.memory_space<vmem>>[vector<16xi32>], vector<16xi32>, vector<16xi1>
        %mul3A_246 = arith.constant 4 : i32
        %mul3A_247 = arith.muli %while3A_184, %mul3A_246 : i32
        %add3A_248 = arith.constant 3 : i32
        %add3A_249 = arith.addi %mul3A_247, %add3A_248 : i32
        %mul3A_250 = arith.constant 16 : i32
        %mul3A_251 = arith.muli %add3A_249, %mul3A_250 : i32
        %get3A_252 = arith.index_cast %mul3A_251 : i32 to index
        %get3A_253 = tpu.vector_load %arg8[%get3A_252] {strides = array<i32>} : memref<4096xi32, #tpu.memory_space<vmem>>, vector<16xi32>,
        %shift_right_arithmetic3A_254 = arith.constant 20 : i32
        %shift_right_arithmetic3A_255 = vector.broadcast %shift_right_arithmetic3A_254 : i32 to vector<16xi32>
        %shift_right_arithmetic3A_256 = arith.shrsi %get3A_253, %shift_right_arithmetic3A_255 : vector<16xi32>
        %and3A_257 = arith.constant 1023 : i32
        %and3A_258 = vector.broadcast %and3A_257 : i32 to vector<16xi32>
        %and3A_259 = arith.andi %shift_right_arithmetic3A_256, %and3A_258 : vector<16xi32>
        %broadcast_in_dim3A_260 = arith.constant true
        %broadcast_in_dim3A_261 = vector.broadcast %broadcast_in_dim3A_260 : i1 to vector<16xi1>
        %unique3A_262, %unique3A_263 = tpu.scan_count mask(%broadcast_in_dim3A_261 : vector<16xi1>) value(%and3A_259 : vector<16xi32>) : vector<16xi1>, vector<16xi32>
        %add3A_264 = arith.constant 3072 : i32
        %add3A_265 = vector.broadcast %add3A_264 : i32 to vector<16xi32>
        %add3A_266 = arith.addi %add3A_265, %and3A_259 : vector<16xi32>
        tpu.vector_store_idx %arg5[%add3A_266], %unique3A_263 masked %unique3A_262 {add = true} : memref<4096xi32, #tpu.memory_space<vmem>>[vector<16xi32>], vector<16xi32>, vector<16xi1>
        %while3A_267 = arith.constant 0 : i32
        scf.yield %while3A_267 : i32
      }
      %while3A_163 = arith.constant 1 : i32
      %while3A_164 = scf.for %while3A_184 = %while3A_160 to %while3A_156 step %while3A_163 iter_args(%while3A_185 = %while3A_162) -> (i32)  : i32 {
        %mul3A_186 = arith.constant 4 : i32
        %mul3A_187 = arith.muli %while3A_184, %mul3A_186 : i32
        %add3A_188 = arith.constant 0 : i32
        %add3A_189 = arith.addi %mul3A_187, %add3A_188 : i32
        %mul3A_190 = arith.constant 16 : i32
        %mul3A_191 = arith.muli %add3A_189, %mul3A_190 : i32
        %get3A = arith.index_cast %mul3A_191 : i32 to index
        %get3A_192 = tpu.vector_load %arg8[%get3A] {strides = array<i32>} : memref<4096xi32, #tpu.memory_space<vmem>>, vector<16xi32>,
        %shift_right_arithmetic3A = arith.constant 20 : i32
        %shift_right_arithmetic3A_193 = vector.broadcast %shift_right_arithmetic3A : i32 to vector<16xi32>
        %shift_right_arithmetic3A_194 = arith.shrsi %get3A_192, %shift_right_arithmetic3A_193 : vector<16xi32>
        %and3A_195 = arith.constant 1023 : i32
        %and3A_196 = vector.broadcast %and3A_195 : i32 to vector<16xi32>
        %and3A_197 = arith.andi %shift_right_arithmetic3A_194, %and3A_196 : vector<16xi32>
        %broadcast_in_dim3A_198 = arith.constant true
        %broadcast_in_dim3A_199 = vector.broadcast %broadcast_in_dim3A_198 : i1 to vector<16xi1>
        %unique3A, %unique3A_200 = tpu.scan_count mask(%broadcast_in_dim3A_199 : vector<16xi1>) value(%and3A_197 : vector<16xi32>) : vector<16xi1>, vector<16xi32>
        %add3A_201 = arith.constant 0 : i32
        %add3A_202 = vector.broadcast %add3A_201 : i32 to vector<16xi32>
        %add3A_203 = arith.addi %add3A_202, %and3A_197 : vector<16xi32>
        tpu.vector_store_idx %arg5[%add3A_203], %unique3A_200 masked %unique3A {add = true} : memref<4096xi32, #tpu.memory_space<vmem>>[vector<16xi32>], vector<16xi32>, vector<16xi1>
        %mul3A_204 = arith.constant 4 : i32
        %mul3A_205 = arith.muli %while3A_184, %mul3A_204 : i32
        %add3A_206 = arith.constant 1 : i32
        %add3A_207 = arith.addi %mul3A_205, %add3A_206 : i32
        %mul3A_208 = arith.constant 16 : i32
        %mul3A_209 = arith.muli %add3A_207, %mul3A_208 : i32
        %get3A_210 = arith.index_cast %mul3A_209 : i32 to index
        %get3A_211 = tpu.vector_load %arg8[%get3A_210] {strides = array<i32>} : memref<4096xi32, #tpu.memory_space<vmem>>, vector<16xi32>,
        %shift_right_arithmetic3A_212 = arith.constant 20 : i32
        %shift_right_arithmetic3A_213 = vector.broadcast %shift_right_arithmetic3A_212 : i32 to vector<16xi32>
        %shift_right_arithmetic3A_214 = arith.shrsi %get3A_211, %shift_right_arithmetic3A_213 : vector<16xi32>
        %and3A_215 = arith.constant 1023 : i32
        %and3A_216 = vector.broadcast %and3A_215 : i32 to vector<16xi32>
        %and3A_217 = arith.andi %shift_right_arithmetic3A_214, %and3A_216 : vector<16xi32>
        %broadcast_in_dim3A_218 = arith.constant true
        %broadcast_in_dim3A_219 = vector.broadcast %broadcast_in_dim3A_218 : i1 to vector<16xi1>
        %unique3A_220, %unique3A_221 = tpu.scan_count mask(%broadcast_in_dim3A_219 : vector<16xi1>) value(%and3A_217 : vector<16xi32>) : vector<16xi1>, vector<16xi32>
        %add3A_222 = arith.constant 1024 : i32
        %add3A_223 = vector.broadcast %add3A_222 : i32 to vector<16xi32>
        %add3A_224 = arith.addi %add3A_223, %and3A_217 : vector<16xi32>
        tpu.vector_store_idx %arg5[%add3A_224], %unique3A_221 masked %unique3A_220 {add = true} : memref<4096xi32, #tpu.memory_space<vmem>>[vector<16xi32>], vector<16xi32>, vector<16xi1>
        %mul3A_225 = arith.constant 4 : i32
        %mul3A_226 = arith.muli %while3A_184, %mul3A_225 : i32
        %add3A_227 = arith.constant 2 : i32
        %add3A_228 = arith.addi %mul3A_226, %add3A_227 : i32
        %mul3A_229 = arith.constant 16 : i32
        %mul3A_230 = arith.muli %add3A_228, %mul3A_229 : i32
        %get3A_231 = arith.index_cast %mul3A_230 : i32 to index
        %get3A_232 = tpu.vector_load %arg8[%get3A_231] {strides = array<i32>} : memref<4096xi32, #tpu.memory_space<vmem>>, vector<16xi32>,
        %shift_right_arithmetic3A_233 = arith.constant 20 : i32
        %shift_right_arithmetic3A_234 = vector.broadcast %shift_right_arithmetic3A_233 : i32 to vector<16xi32>
        %shift_right_arithmetic3A_235 = arith.shrsi %get3A_232, %shift_right_arithmetic3A_234 : vector<16xi32>
        %and3A_236 = arith.constant 1023 : i32
        %and3A_237 = vector.broadcast %and3A_236 : i32 to vector<16xi32>
        %and3A_238 = arith.andi %shift_right_arithmetic3A_235, %and3A_237 : vector<16xi32>
        %broadcast_in_dim3A_239 = arith.constant true
        %broadcast_in_dim3A_240 = vector.broadcast %broadcast_in_dim3A_239 : i1 to vector<16xi1>
        %unique3A_241, %unique3A_242 = tpu.scan_count mask(%broadcast_in_dim3A_240 : vector<16xi1>) value(%and3A_238 : vector<16xi32>) : vector<16xi1>, vector<16xi32>
        %add3A_243 = arith.constant 2048 : i32
        %add3A_244 = vector.broadcast %add3A_243 : i32 to vector<16xi32>
        %add3A_245 = arith.addi %add3A_244, %and3A_238 : vector<16xi32>
        tpu.vector_store_idx %arg5[%add3A_245], %unique3A_242 masked %unique3A_241 {add = true} : memref<4096xi32, #tpu.memory_space<vmem>>[vector<16xi32>], vector<16xi32>, vector<16xi1>
        %mul3A_246 = arith.constant 4 : i32
        %mul3A_247 = arith.muli %while3A_184, %mul3A_246 : i32
        %add3A_248 = arith.constant 3 : i32
        %add3A_249 = arith.addi %mul3A_247, %add3A_248 : i32
        %mul3A_250 = arith.constant 16 : i32
        %mul3A_251 = arith.muli %add3A_249, %mul3A_250 : i32
        %get3A_252 = arith.index_cast %mul3A_251 : i32 to index
        %get3A_253 = tpu.vector_load %arg8[%get3A_252] {strides = array<i32>} : memref<4096xi32, #tpu.memory_space<vmem>>, vector<16xi32>,
        %shift_right_arithmetic3A_254 = arith.constant 20 : i32
        %shift_right_arithmetic3A_255 = vector.broadcast %shift_right_arithmetic3A_254 : i32 to vector<16xi32>
        %shift_right_arithmetic3A_256 = arith.shrsi %get3A_253, %shift_right_arithmetic3A_255 : vector<16xi32>
        %and3A_257 = arith.constant 1023 : i32
        %and3A_258 = vector.broadcast %and3A_257 : i32 to vector<16xi32>
        %and3A_259 = arith.andi %shift_right_arithmetic3A_256, %and3A_258 : vector<16xi32>
        %broadcast_in_dim3A_260 = arith.constant true
        %broadcast_in_dim3A_261 = vector.broadcast %broadcast_in_dim3A_260 : i1 to vector<16xi1>
        %unique3A_262, %unique3A_263 = tpu.scan_count mask(%broadcast_in_dim3A_261 : vector<16xi1>) value(%and3A_259 : vector<16xi32>) : vector<16xi1>, vector<16xi32>
        %add3A_264 = arith.constant 3072 : i32
        %add3A_265 = vector.broadcast %add3A_264 : i32 to vector<16xi32>
        %add3A_266 = arith.addi %add3A_265, %and3A_259 : vector<16xi32>
        tpu.vector_store_idx %arg5[%add3A_266], %unique3A_263 masked %unique3A_262 {add = true} : memref<4096xi32, #tpu.memory_space<vmem>>[vector<16xi32>], vector<16xi32>, vector<16xi1>
        %while3A_267 = arith.constant 0 : i32
        scf.yield %while3A_267 : i32
      }
      %scan3A_165 = arith.constant 0 : i32
      %scan3A_166 = arith.constant 0 : i32
      %scan3A_167 = arith.constant 64 : i32
      %scan3A_168 = arith.addi %scan3A_166, %scan3A_167 : i32
      %scan3A_169 = arith.constant 1 : i32
      %scan3A_170 = scf.for %scan3A_184 = %scan3A_166 to %scan3A_168 step %scan3A_169 iter_args(%scan3A_185 = %scan3A_165) -> (i32)  : i32 {
        %mul3A_186 = arith.constant 16 : i32
        %mul3A_187 = arith.muli %scan3A_184, %mul3A_186 : i32
        %get3A = arith.index_cast %mul3A_187 : i32 to index
        %get3A_188 = tpu.vector_load %arg5[%get3A] {strides = array<i32>} : memref<4096xi32, #tpu.memory_space<vmem>>, vector<16xi32>,
        %mul3A_189 = arith.constant 16 : i32
        %mul3A_190 = arith.muli %scan3A_184, %mul3A_189 : i32
        %add3A_191 = arith.constant 1024 : i32
        %add3A_192 = arith.addi %add3A_191, %mul3A_190 : i32
        %get3A_193 = arith.index_cast %add3A_192 : i32 to index
        %get3A_194 = tpu.vector_load %arg5[%get3A_193] {strides = array<i32>} : memref<4096xi32, #tpu.memory_space<vmem>>, vector<16xi32>,
        %add3A_195 = arith.addi %get3A_188, %get3A_194 : vector<16xi32>
        %mul3A_196 = arith.constant 16 : i32
        %mul3A_197 = arith.muli %scan3A_184, %mul3A_196 : i32
        %add3A_198 = arith.constant 2048 : i32
        %add3A_199 = arith.addi %add3A_198, %mul3A_197 : i32
        %get3A_200 = arith.index_cast %add3A_199 : i32 to index
        %get3A_201 = tpu.vector_load %arg5[%get3A_200] {strides = array<i32>} : memref<4096xi32, #tpu.memory_space<vmem>>, vector<16xi32>,
        %add3A_202 = arith.addi %add3A_195, %get3A_201 : vector<16xi32>
        %mul3A_203 = arith.constant 16 : i32
        %mul3A_204 = arith.muli %scan3A_184, %mul3A_203 : i32
        %add3A_205 = arith.constant 3072 : i32
        %add3A_206 = arith.addi %add3A_205, %mul3A_204 : i32
        %get3A_207 = arith.index_cast %add3A_206 : i32 to index
        %get3A_208 = tpu.vector_load %arg5[%get3A_207] {strides = array<i32>} : memref<4096xi32, #tpu.memory_space<vmem>>, vector<16xi32>,
        %add3A_209 = arith.addi %add3A_202, %get3A_208 : vector<16xi32>
        %broadcast_in_dim3A_210 = arith.constant true
        %broadcast_in_dim3A_211 = vector.broadcast %broadcast_in_dim3A_210 : i1 to vector<16xi1>
        %masked_cumsum3A = tpu.scan <sum>, %add3A_209 masked %broadcast_in_dim3A_211 : vector<16xi32>, vector<16xi1> -> vector<16xi32>
        %sub3A_212 = arith.subi %masked_cumsum3A, %add3A_209 : vector<16xi32>
        %add3A_213 = vector.broadcast %scan3A_185 : i32 to vector<16xi32>
        %add3A_214 = arith.addi %sub3A_212, %add3A_213 : vector<16xi32>
        %mul3A_215 = arith.constant 16 : i32
        %mul3A_216 = arith.muli %scan3A_184, %mul3A_215 : i32
        %swap3A = arith.index_cast %mul3A_216 : i32 to index
        %swap3A_217 = tpu.vector_load %arg7[%swap3A] {strides = array<i32>} : memref<1024xi32, #tpu.memory_space<vmem>>, vector<16xi32>,
        tpu.vector_store %arg7[%swap3A], %add3A_214 {strides = array<i32>} : memref<1024xi32, #tpu.memory_space<vmem>>, vector<16xi32>,
        %reduce_sum3A = arith.constant true
        %reduce_sum3A_218 = vector.broadcast %reduce_sum3A : i1 to vector<16xi1>
        %reduce_sum3A_219 = tpu.scan <sum>, %add3A_209 masked %reduce_sum3A_218 : vector<16xi32>, vector<16xi1> -> vector<16xi32>
        %reduce_sum3A_220 = vector.extract %reduce_sum3A_219[15] : i32 from vector<16xi32>
        %add3A_221 = arith.addi %scan3A_185, %reduce_sum3A_220 : i32
        scf.yield %add3A_221 : i32
      }
      %scan3A_171 = arith.constant 64 : i32
      %while3A_172 = arith.constant 0 : i32
      %while3A_173 = arith.constant 0 : i32
      %while3A_174 = arith.subi %select_n3A, %while3A_172 : i32
      %while3A_175 = arith.addi %while3A_172, %while3A_174 : i32
      %while3A_176 = arith.constant 1 : i32
      %while3A_177 = arith.divsi %while3A_174, %while3A_176 : i32
      %while3A_178 = arith.muli %while3A_177, %while3A_176 : i32
      %while3A_179 = arith.addi %while3A_172, %while3A_178 : i32
      %while3A_180 = arith.constant 1 : i32
      %while3A_181 = scf.for %while3A_184 = %while3A_172 to %while3A_179 step %while3A_180 iter_args(%while3A_185 = %while3A_173) -> (i32)  : i32 {
        %mul3A_186 = arith.constant 4 : i32
        %mul3A_187 = arith.muli %while3A_184, %mul3A_186 : i32
        %add3A_188 = arith.constant 0 : i32
        %add3A_189 = arith.addi %mul3A_187, %add3A_188 : i32
        %mul3A_190 = arith.constant 16 : i32
        %mul3A_191 = arith.muli %add3A_189, %mul3A_190 : i32
        %get3A = arith.index_cast %mul3A_191 : i32 to index
        %get3A_192 = tpu.vector_load %arg8[%get3A] {strides = array<i32>} : memref<4096xi32, #tpu.memory_space<vmem>>, vector<16xi32>,
        %mul3A_193 = arith.constant 16 : i32
        %mul3A_194 = arith.muli %add3A_189, %mul3A_193 : i32
        %get3A_195 = arith.index_cast %mul3A_194 : i32 to index
        %get3A_196 = tpu.vector_load %arg9[%get3A_195] {strides = array<i32>} : memref<4096xi32, #tpu.memory_space<vmem>>, vector<16xi32>,
        %shift_right_arithmetic3A = arith.constant 20 : i32
        %shift_right_arithmetic3A_197 = vector.broadcast %shift_right_arithmetic3A : i32 to vector<16xi32>
        %shift_right_arithmetic3A_198 = arith.shrsi %get3A_192, %shift_right_arithmetic3A_197 : vector<16xi32>
        %and3A_199 = arith.constant 1023 : i32
        %and3A_200 = vector.broadcast %and3A_199 : i32 to vector<16xi32>
        %and3A_201 = arith.andi %shift_right_arithmetic3A_198, %and3A_200 : vector<16xi32>
        %broadcast_in_dim3A_202 = arith.constant true
        %broadcast_in_dim3A_203 = vector.broadcast %broadcast_in_dim3A_202 : i1 to vector<16xi1>
        %unique3A, %unique3A_204 = tpu.scan_count mask(%broadcast_in_dim3A_203 : vector<16xi1>) value(%and3A_201 : vector<16xi32>) : vector<16xi1>, vector<16xi32>
        %gather3A = tpu.vector_load_idx %arg7[%and3A_201] : memref<1024xi32, #tpu.memory_space<vmem>>[vector<16xi32>], vector<16xi32>,
        %add3A_205 = arith.addi %gather3A, %unique3A_204 : vector<16xi32>
        %sub3A_206 = arith.constant 1 : i32
        %sub3A_207 = vector.broadcast %sub3A_206 : i32 to vector<16xi32>
        %sub3A_208 = arith.subi %add3A_205, %sub3A_207 : vector<16xi32>
        tpu.vector_store_idx %arg10[%sub3A_208], %get3A_192 : memref<4096xi32, #tpu.memory_space<vmem>>[vector<16xi32>], vector<16xi32>,
        tpu.vector_store_idx %arg11[%sub3A_208], %get3A_196 : memref<4096xi32, #tpu.memory_space<vmem>>[vector<16xi32>], vector<16xi32>,
        tpu.vector_store_idx %arg7[%and3A_201], %unique3A_204 masked %unique3A {add = true} : memref<1024xi32, #tpu.memory_space<vmem>>[vector<16xi32>], vector<16xi32>, vector<16xi1>
        %mul3A_209 = arith.constant 4 : i32
        %mul3A_210 = arith.muli %while3A_184, %mul3A_209 : i32
        %add3A_211 = arith.constant 1 : i32
        %add3A_212 = arith.addi %mul3A_210, %add3A_211 : i32
        %mul3A_213 = arith.constant 16 : i32
        %mul3A_214 = arith.muli %add3A_212, %mul3A_213 : i32
        %get3A_215 = arith.index_cast %mul3A_214 : i32 to index
        %get3A_216 = tpu.vector_load %arg8[%get3A_215] {strides = array<i32>} : memref<4096xi32, #tpu.memory_space<vmem>>, vector<16xi32>,
        %mul3A_217 = arith.constant 16 : i32
        %mul3A_218 = arith.muli %add3A_212, %mul3A_217 : i32
        %get3A_219 = arith.index_cast %mul3A_218 : i32 to index
        %get3A_220 = tpu.vector_load %arg9[%get3A_219] {strides = array<i32>} : memref<4096xi32, #tpu.memory_space<vmem>>, vector<16xi32>,
        %shift_right_arithmetic3A_221 = arith.constant 20 : i32
        %shift_right_arithmetic3A_222 = vector.broadcast %shift_right_arithmetic3A_221 : i32 to vector<16xi32>
        %shift_right_arithmetic3A_223 = arith.shrsi %get3A_216, %shift_right_arithmetic3A_222 : vector<16xi32>
        %and3A_224 = arith.constant 1023 : i32
        %and3A_225 = vector.broadcast %and3A_224 : i32 to vector<16xi32>
        %and3A_226 = arith.andi %shift_right_arithmetic3A_223, %and3A_225 : vector<16xi32>
        %broadcast_in_dim3A_227 = arith.constant true
        %broadcast_in_dim3A_228 = vector.broadcast %broadcast_in_dim3A_227 : i1 to vector<16xi1>
        %unique3A_229, %unique3A_230 = tpu.scan_count mask(%broadcast_in_dim3A_228 : vector<16xi1>) value(%and3A_226 : vector<16xi32>) : vector<16xi1>, vector<16xi32>
        %gather3A_231 = tpu.vector_load_idx %arg7[%and3A_226] : memref<1024xi32, #tpu.memory_space<vmem>>[vector<16xi32>], vector<16xi32>,
        %add3A_232 = arith.addi %gather3A_231, %unique3A_230 : vector<16xi32>
        %sub3A_233 = arith.constant 1 : i32
        %sub3A_234 = vector.broadcast %sub3A_233 : i32 to vector<16xi32>
        %sub3A_235 = arith.subi %add3A_232, %sub3A_234 : vector<16xi32>
        tpu.vector_store_idx %arg10[%sub3A_235], %get3A_216 : memref<4096xi32, #tpu.memory_space<vmem>>[vector<16xi32>], vector<16xi32>,
        tpu.vector_store_idx %arg11[%sub3A_235], %get3A_220 : memref<4096xi32, #tpu.memory_space<vmem>>[vector<16xi32>], vector<16xi32>,
        tpu.vector_store_idx %arg7[%and3A_226], %unique3A_230 masked %unique3A_229 {add = true} : memref<1024xi32, #tpu.memory_space<vmem>>[vector<16xi32>], vector<16xi32>, vector<16xi1>
        %mul3A_236 = arith.constant 4 : i32
        %mul3A_237 = arith.muli %while3A_184, %mul3A_236 : i32
        %add3A_238 = arith.constant 2 : i32
        %add3A_239 = arith.addi %mul3A_237, %add3A_238 : i32
        %mul3A_240 = arith.constant 16 : i32
        %mul3A_241 = arith.muli %add3A_239, %mul3A_240 : i32
        %get3A_242 = arith.index_cast %mul3A_241 : i32 to index
        %get3A_243 = tpu.vector_load %arg8[%get3A_242] {strides = array<i32>} : memref<4096xi32, #tpu.memory_space<vmem>>, vector<16xi32>,
        %mul3A_244 = arith.constant 16 : i32
        %mul3A_245 = arith.muli %add3A_239, %mul3A_244 : i32
        %get3A_246 = arith.index_cast %mul3A_245 : i32 to index
        %get3A_247 = tpu.vector_load %arg9[%get3A_246] {strides = array<i32>} : memref<4096xi32, #tpu.memory_space<vmem>>, vector<16xi32>,
        %shift_right_arithmetic3A_248 = arith.constant 20 : i32
        %shift_right_arithmetic3A_249 = vector.broadcast %shift_right_arithmetic3A_248 : i32 to vector<16xi32>
        %shift_right_arithmetic3A_250 = arith.shrsi %get3A_243, %shift_right_arithmetic3A_249 : vector<16xi32>
        %and3A_251 = arith.constant 1023 : i32
        %and3A_252 = vector.broadcast %and3A_251 : i32 to vector<16xi32>
        %and3A_253 = arith.andi %shift_right_arithmetic3A_250, %and3A_252 : vector<16xi32>
        %broadcast_in_dim3A_254 = arith.constant true
        %broadcast_in_dim3A_255 = vector.broadcast %broadcast_in_dim3A_254 : i1 to vector<16xi1>
        %unique3A_256, %unique3A_257 = tpu.scan_count mask(%broadcast_in_dim3A_255 : vector<16xi1>) value(%and3A_253 : vector<16xi32>) : vector<16xi1>, vector<16xi32>
        %gather3A_258 = tpu.vector_load_idx %arg7[%and3A_253] : memref<1024xi32, #tpu.memory_space<vmem>>[vector<16xi32>], vector<16xi32>,
        %add3A_259 = arith.addi %gather3A_258, %unique3A_257 : vector<16xi32>
        %sub3A_260 = arith.constant 1 : i32
        %sub3A_261 = vector.broadcast %sub3A_260 : i32 to vector<16xi32>
        %sub3A_262 = arith.subi %add3A_259, %sub3A_261 : vector<16xi32>
        tpu.vector_store_idx %arg10[%sub3A_262], %get3A_243 : memref<4096xi32, #tpu.memory_space<vmem>>[vector<16xi32>], vector<16xi32>,
        tpu.vector_store_idx %arg11[%sub3A_262], %get3A_247 : memref<4096xi32, #tpu.memory_space<vmem>>[vector<16xi32>], vector<16xi32>,
        tpu.vector_store_idx %arg7[%and3A_253], %unique3A_257 masked %unique3A_256 {add = true} : memref<1024xi32, #tpu.memory_space<vmem>>[vector<16xi32>], vector<16xi32>, vector<16xi1>
        %mul3A_263 = arith.constant 4 : i32
        %mul3A_264 = arith.muli %while3A_184, %mul3A_263 : i32
        %add3A_265 = arith.constant 3 : i32
        %add3A_266 = arith.addi %mul3A_264, %add3A_265 : i32
        %mul3A_267 = arith.constant 16 : i32
        %mul3A_268 = arith.muli %add3A_266, %mul3A_267 : i32
        %get3A_269 = arith.index_cast %mul3A_268 : i32 to index
        %get3A_270 = tpu.vector_load %arg8[%get3A_269] {strides = array<i32>} : memref<4096xi32, #tpu.memory_space<vmem>>, vector<16xi32>,
        %mul3A_271 = arith.constant 16 : i32
        %mul3A_272 = arith.muli %add3A_266, %mul3A_271 : i32
        %get3A_273 = arith.index_cast %mul3A_272 : i32 to index
        %get3A_274 = tpu.vector_load %arg9[%get3A_273] {strides = array<i32>} : memref<4096xi32, #tpu.memory_space<vmem>>, vector<16xi32>,
        %shift_right_arithmetic3A_275 = arith.constant 20 : i32
        %shift_right_arithmetic3A_276 = vector.broadcast %shift_right_arithmetic3A_275 : i32 to vector<16xi32>
        %shift_right_arithmetic3A_277 = arith.shrsi %get3A_270, %shift_right_arithmetic3A_276 : vector<16xi32>
        %and3A_278 = arith.constant 1023 : i32
        %and3A_279 = vector.broadcast %and3A_278 : i32 to vector<16xi32>
        %and3A_280 = arith.andi %shift_right_arithmetic3A_277, %and3A_279 : vector<16xi32>
        %broadcast_in_dim3A_281 = arith.constant true
        %broadcast_in_dim3A_282 = vector.broadcast %broadcast_in_dim3A_281 : i1 to vector<16xi1>
        %unique3A_283, %unique3A_284 = tpu.scan_count mask(%broadcast_in_dim3A_282 : vector<16xi1>) value(%and3A_280 : vector<16xi32>) : vector<16xi1>, vector<16xi32>
        %gather3A_285 = tpu.vector_load_idx %arg7[%and3A_280] : memref<1024xi32, #tpu.memory_space<vmem>>[vector<16xi32>], vector<16xi32>,
        %add3A_286 = arith.addi %gather3A_285, %unique3A_284 : vector<16xi32>
        %sub3A_287 = arith.constant 1 : i32
        %sub3A_288 = vector.broadcast %sub3A_287 : i32 to vector<16xi32>
        %sub3A_289 = arith.subi %add3A_286, %sub3A_288 : vector<16xi32>
        tpu.vector_store_idx %arg10[%sub3A_289], %get3A_270 : memref<4096xi32, #tpu.memory_space<vmem>>[vector<16xi32>], vector<16xi32>,
        tpu.vector_store_idx %arg11[%sub3A_289], %get3A_274 : memref<4096xi32, #tpu.memory_space<vmem>>[vector<16xi32>], vector<16xi32>,
        tpu.vector_store_idx %arg7[%and3A_280], %unique3A_284 masked %unique3A_283 {add = true} : memref<1024xi32, #tpu.memory_space<vmem>>[vector<16xi32>], vector<16xi32>, vector<16xi1>
        %while3A_290 = arith.constant 0 : i32
        scf.yield %while3A_290 : i32
      }
      %while3A_182 = arith.constant 1 : i32
      %while3A_183 = scf.for %while3A_184 = %while3A_179 to %while3A_175 step %while3A_182 iter_args(%while3A_185 = %while3A_181) -> (i32)  : i32 {
        %mul3A_186 = arith.constant 4 : i32
        %mul3A_187 = arith.muli %while3A_184, %mul3A_186 : i32
        %add3A_188 = arith.constant 0 : i32
        %add3A_189 = arith.addi %mul3A_187, %add3A_188 : i32
        %mul3A_190 = arith.constant 16 : i32
        %mul3A_191 = arith.muli %add3A_189, %mul3A_190 : i32
        %get3A = arith.index_cast %mul3A_191 : i32 to index
        %get3A_192 = tpu.vector_load %arg8[%get3A] {strides = array<i32>} : memref<4096xi32, #tpu.memory_space<vmem>>, vector<16xi32>,
        %mul3A_193 = arith.constant 16 : i32
        %mul3A_194 = arith.muli %add3A_189, %mul3A_193 : i32
        %get3A_195 = arith.index_cast %mul3A_194 : i32 to index
        %get3A_196 = tpu.vector_load %arg9[%get3A_195] {strides = array<i32>} : memref<4096xi32, #tpu.memory_space<vmem>>, vector<16xi32>,
        %shift_right_arithmetic3A = arith.constant 20 : i32
        %shift_right_arithmetic3A_197 = vector.broadcast %shift_right_arithmetic3A : i32 to vector<16xi32>
        %shift_right_arithmetic3A_198 = arith.shrsi %get3A_192, %shift_right_arithmetic3A_197 : vector<16xi32>
        %and3A_199 = arith.constant 1023 : i32
        %and3A_200 = vector.broadcast %and3A_199 : i32 to vector<16xi32>
        %and3A_201 = arith.andi %shift_right_arithmetic3A_198, %and3A_200 : vector<16xi32>
        %broadcast_in_dim3A_202 = arith.constant true
        %broadcast_in_dim3A_203 = vector.broadcast %broadcast_in_dim3A_202 : i1 to vector<16xi1>
        %unique3A, %unique3A_204 = tpu.scan_count mask(%broadcast_in_dim3A_203 : vector<16xi1>) value(%and3A_201 : vector<16xi32>) : vector<16xi1>, vector<16xi32>
        %gather3A = tpu.vector_load_idx %arg7[%and3A_201] : memref<1024xi32, #tpu.memory_space<vmem>>[vector<16xi32>], vector<16xi32>,
        %add3A_205 = arith.addi %gather3A, %unique3A_204 : vector<16xi32>
        %sub3A_206 = arith.constant 1 : i32
        %sub3A_207 = vector.broadcast %sub3A_206 : i32 to vector<16xi32>
        %sub3A_208 = arith.subi %add3A_205, %sub3A_207 : vector<16xi32>
        tpu.vector_store_idx %arg10[%sub3A_208], %get3A_192 : memref<4096xi32, #tpu.memory_space<vmem>>[vector<16xi32>], vector<16xi32>,
        tpu.vector_store_idx %arg11[%sub3A_208], %get3A_196 : memref<4096xi32, #tpu.memory_space<vmem>>[vector<16xi32>], vector<16xi32>,
        tpu.vector_store_idx %arg7[%and3A_201], %unique3A_204 masked %unique3A {add = true} : memref<1024xi32, #tpu.memory_space<vmem>>[vector<16xi32>], vector<16xi32>, vector<16xi1>
        %mul3A_209 = arith.constant 4 : i32
        %mul3A_210 = arith.muli %while3A_184, %mul3A_209 : i32
        %add3A_211 = arith.constant 1 : i32
        %add3A_212 = arith.addi %mul3A_210, %add3A_211 : i32
        %mul3A_213 = arith.constant 16 : i32
        %mul3A_214 = arith.muli %add3A_212, %mul3A_213 : i32
        %get3A_215 = arith.index_cast %mul3A_214 : i32 to index
        %get3A_216 = tpu.vector_load %arg8[%get3A_215] {strides = array<i32>} : memref<4096xi32, #tpu.memory_space<vmem>>, vector<16xi32>,
        %mul3A_217 = arith.constant 16 : i32
        %mul3A_218 = arith.muli %add3A_212, %mul3A_217 : i32
        %get3A_219 = arith.index_cast %mul3A_218 : i32 to index
        %get3A_220 = tpu.vector_load %arg9[%get3A_219] {strides = array<i32>} : memref<4096xi32, #tpu.memory_space<vmem>>, vector<16xi32>,
        %shift_right_arithmetic3A_221 = arith.constant 20 : i32
        %shift_right_arithmetic3A_222 = vector.broadcast %shift_right_arithmetic3A_221 : i32 to vector<16xi32>
        %shift_right_arithmetic3A_223 = arith.shrsi %get3A_216, %shift_right_arithmetic3A_222 : vector<16xi32>
        %and3A_224 = arith.constant 1023 : i32
        %and3A_225 = vector.broadcast %and3A_224 : i32 to vector<16xi32>
        %and3A_226 = arith.andi %shift_right_arithmetic3A_223, %and3A_225 : vector<16xi32>
        %broadcast_in_dim3A_227 = arith.constant true
        %broadcast_in_dim3A_228 = vector.broadcast %broadcast_in_dim3A_227 : i1 to vector<16xi1>
        %unique3A_229, %unique3A_230 = tpu.scan_count mask(%broadcast_in_dim3A_228 : vector<16xi1>) value(%and3A_226 : vector<16xi32>) : vector<16xi1>, vector<16xi32>
        %gather3A_231 = tpu.vector_load_idx %arg7[%and3A_226] : memref<1024xi32, #tpu.memory_space<vmem>>[vector<16xi32>], vector<16xi32>,
        %add3A_232 = arith.addi %gather3A_231, %unique3A_230 : vector<16xi32>
        %sub3A_233 = arith.constant 1 : i32
        %sub3A_234 = vector.broadcast %sub3A_233 : i32 to vector<16xi32>
        %sub3A_235 = arith.subi %add3A_232, %sub3A_234 : vector<16xi32>
        tpu.vector_store_idx %arg10[%sub3A_235], %get3A_216 : memref<4096xi32, #tpu.memory_space<vmem>>[vector<16xi32>], vector<16xi32>,
        tpu.vector_store_idx %arg11[%sub3A_235], %get3A_220 : memref<4096xi32, #tpu.memory_space<vmem>>[vector<16xi32>], vector<16xi32>,
        tpu.vector_store_idx %arg7[%and3A_226], %unique3A_230 masked %unique3A_229 {add = true} : memref<1024xi32, #tpu.memory_space<vmem>>[vector<16xi32>], vector<16xi32>, vector<16xi1>
        %mul3A_236 = arith.constant 4 : i32
        %mul3A_237 = arith.muli %while3A_184, %mul3A_236 : i32
        %add3A_238 = arith.constant 2 : i32
        %add3A_239 = arith.addi %mul3A_237, %add3A_238 : i32
        %mul3A_240 = arith.constant 16 : i32
        %mul3A_241 = arith.muli %add3A_239, %mul3A_240 : i32
        %get3A_242 = arith.index_cast %mul3A_241 : i32 to index
        %get3A_243 = tpu.vector_load %arg8[%get3A_242] {strides = array<i32>} : memref<4096xi32, #tpu.memory_space<vmem>>, vector<16xi32>,
        %mul3A_244 = arith.constant 16 : i32
        %mul3A_245 = arith.muli %add3A_239, %mul3A_244 : i32
        %get3A_246 = arith.index_cast %mul3A_245 : i32 to index
        %get3A_247 = tpu.vector_load %arg9[%get3A_246] {strides = array<i32>} : memref<4096xi32, #tpu.memory_space<vmem>>, vector<16xi32>,
        %shift_right_arithmetic3A_248 = arith.constant 20 : i32
        %shift_right_arithmetic3A_249 = vector.broadcast %shift_right_arithmetic3A_248 : i32 to vector<16xi32>
        %shift_right_arithmetic3A_250 = arith.shrsi %get3A_243, %shift_right_arithmetic3A_249 : vector<16xi32>
        %and3A_251 = arith.constant 1023 : i32
        %and3A_252 = vector.broadcast %and3A_251 : i32 to vector<16xi32>
        %and3A_253 = arith.andi %shift_right_arithmetic3A_250, %and3A_252 : vector<16xi32>
        %broadcast_in_dim3A_254 = arith.constant true
        %broadcast_in_dim3A_255 = vector.broadcast %broadcast_in_dim3A_254 : i1 to vector<16xi1>
        %unique3A_256, %unique3A_257 = tpu.scan_count mask(%broadcast_in_dim3A_255 : vector<16xi1>) value(%and3A_253 : vector<16xi32>) : vector<16xi1>, vector<16xi32>
        %gather3A_258 = tpu.vector_load_idx %arg7[%and3A_253] : memref<1024xi32, #tpu.memory_space<vmem>>[vector<16xi32>], vector<16xi32>,
        %add3A_259 = arith.addi %gather3A_258, %unique3A_257 : vector<16xi32>
        %sub3A_260 = arith.constant 1 : i32
        %sub3A_261 = vector.broadcast %sub3A_260 : i32 to vector<16xi32>
        %sub3A_262 = arith.subi %add3A_259, %sub3A_261 : vector<16xi32>
        tpu.vector_store_idx %arg10[%sub3A_262], %get3A_243 : memref<4096xi32, #tpu.memory_space<vmem>>[vector<16xi32>], vector<16xi32>,
        tpu.vector_store_idx %arg11[%sub3A_262], %get3A_247 : memref<4096xi32, #tpu.memory_space<vmem>>[vector<16xi32>], vector<16xi32>,
        tpu.vector_store_idx %arg7[%and3A_253], %unique3A_257 masked %unique3A_256 {add = true} : memref<1024xi32, #tpu.memory_space<vmem>>[vector<16xi32>], vector<16xi32>, vector<16xi1>
        %mul3A_263 = arith.constant 4 : i32
        %mul3A_264 = arith.muli %while3A_184, %mul3A_263 : i32
        %add3A_265 = arith.constant 3 : i32
        %add3A_266 = arith.addi %mul3A_264, %add3A_265 : i32
        %mul3A_267 = arith.constant 16 : i32
        %mul3A_268 = arith.muli %add3A_266, %mul3A_267 : i32
        %get3A_269 = arith.index_cast %mul3A_268 : i32 to index
        %get3A_270 = tpu.vector_load %arg8[%get3A_269] {strides = array<i32>} : memref<4096xi32, #tpu.memory_space<vmem>>, vector<16xi32>,
        %mul3A_271 = arith.constant 16 : i32
        %mul3A_272 = arith.muli %add3A_266, %mul3A_271 : i32
        %get3A_273 = arith.index_cast %mul3A_272 : i32 to index
        %get3A_274 = tpu.vector_load %arg9[%get3A_273] {strides = array<i32>} : memref<4096xi32, #tpu.memory_space<vmem>>, vector<16xi32>,
        %shift_right_arithmetic3A_275 = arith.constant 20 : i32
        %shift_right_arithmetic3A_276 = vector.broadcast %shift_right_arithmetic3A_275 : i32 to vector<16xi32>
        %shift_right_arithmetic3A_277 = arith.shrsi %get3A_270, %shift_right_arithmetic3A_276 : vector<16xi32>
        %and3A_278 = arith.constant 1023 : i32
        %and3A_279 = vector.broadcast %and3A_278 : i32 to vector<16xi32>
        %and3A_280 = arith.andi %shift_right_arithmetic3A_277, %and3A_279 : vector<16xi32>
        %broadcast_in_dim3A_281 = arith.constant true
        %broadcast_in_dim3A_282 = vector.broadcast %broadcast_in_dim3A_281 : i1 to vector<16xi1>
        %unique3A_283, %unique3A_284 = tpu.scan_count mask(%broadcast_in_dim3A_282 : vector<16xi1>) value(%and3A_280 : vector<16xi32>) : vector<16xi1>, vector<16xi32>
        %gather3A_285 = tpu.vector_load_idx %arg7[%and3A_280] : memref<1024xi32, #tpu.memory_space<vmem>>[vector<16xi32>], vector<16xi32>,
        %add3A_286 = arith.addi %gather3A_285, %unique3A_284 : vector<16xi32>
        %sub3A_287 = arith.constant 1 : i32
        %sub3A_288 = vector.broadcast %sub3A_287 : i32 to vector<16xi32>
        %sub3A_289 = arith.subi %add3A_286, %sub3A_288 : vector<16xi32>
        tpu.vector_store_idx %arg10[%sub3A_289], %get3A_270 : memref<4096xi32, #tpu.memory_space<vmem>>[vector<16xi32>], vector<16xi32>,
        tpu.vector_store_idx %arg11[%sub3A_289], %get3A_274 : memref<4096xi32, #tpu.memory_space<vmem>>[vector<16xi32>], vector<16xi32>,
        tpu.vector_store_idx %arg7[%and3A_280], %unique3A_284 masked %unique3A_283 {add = true} : memref<1024xi32, #tpu.memory_space<vmem>>[vector<16xi32>], vector<16xi32>, vector<16xi1>
        %while3A_290 = arith.constant 0 : i32
        scf.yield %while3A_290 : i32
      }
      "tpu.region"() ({
        %run_scoped3A = tpu.sem_alloc : memref<!tpu.dma_semaphore, #tpu.memory_space<semaphore_mem>>
        %dma_start3A = arith.constant 0 : i32
        %dma_start3A_184 = tpu.memref_slice %arg11[%dma_start3A] : memref<4096xi32, #tpu.memory_space<vmem>> -> memref<2048xi32, #tpu.memory_space<vmem>>
        %dma_start3A_185 = arith.constant 0 : i32
        %dma_start3A_186 = tpu.memref_slice %arg3[%add3A, %dma_start3A_185] : memref<8x2048xi32, #tpu.memory_space<hbm>> -> memref<1x2048xi32, #tpu.memory_space<hbm>>
        %dma_start3A_187 = tpu.memref_squeeze %dma_start3A_186 : memref<1x2048xi32, #tpu.memory_space<hbm>> -> memref<2048xi32, #tpu.memory_space<hbm>>
        %dma_start3A_188 = arith.constant 0 : i32
        %dma_start3A_189 = tpu.memref_slice %arg3[%add3A, %dma_start3A_188] : memref<8x2048xi32, #tpu.memory_space<hbm>> -> memref<1x2048xi32, #tpu.memory_space<hbm>>
        %dma_start3A_190 = tpu.memref_squeeze %dma_start3A_189 : memref<1x2048xi32, #tpu.memory_space<hbm>> -> memref<2048xi32, #tpu.memory_space<hbm>>
        %dma_start3A_191 = arith.constant 0 : i32
        %dma_start3A_192 = tpu.memref_slice %arg11[%dma_start3A_191] : memref<4096xi32, #tpu.memory_space<vmem>> -> memref<2048xi32, #tpu.memory_space<vmem>>
        tpu.enqueue_dma source(%dma_start3A_192 : memref<2048xi32, #tpu.memory_space<vmem>>) target(%dma_start3A_190 : memref<2048xi32, #tpu.memory_space<hbm>>) target_semaphore(%run_scoped3A : memref<!tpu.dma_semaphore, #tpu.memory_space<semaphore_mem>>)
        %dma_wait3A = arith.constant 0 : i32
        %dma_wait3A_193 = tpu.memref_slice %arg11[%dma_wait3A] : memref<4096xi32, #tpu.memory_space<vmem>> -> memref<2048xi32, #tpu.memory_space<vmem>>
        %dma_wait3A_194 = arith.constant 0 : i32
        %dma_wait3A_195 = tpu.memref_slice %arg3[%add3A, %dma_wait3A_194] : memref<8x2048xi32, #tpu.memory_space<hbm>> -> memref<1x2048xi32, #tpu.memory_space<hbm>>
        %dma_wait3A_196 = tpu.memref_squeeze %dma_wait3A_195 : memref<1x2048xi32, #tpu.memory_space<hbm>> -> memref<2048xi32, #tpu.memory_space<hbm>>
        %dma_wait3A_197 = arith.constant 0 : i32
        %dma_wait3A_198 = tpu.memref_slice %arg3[%add3A, %dma_wait3A_197] : memref<8x2048xi32, #tpu.memory_space<hbm>> -> memref<1x2048xi32, #tpu.memory_space<hbm>>
        %dma_wait3A_199 = tpu.memref_squeeze %dma_wait3A_198 : memref<1x2048xi32, #tpu.memory_space<hbm>> -> memref<2048xi32, #tpu.memory_space<hbm>>
        %dma_wait3A_200 = arith.constant 0 : i32
        %dma_wait3A_201 = tpu.memref_slice %arg11[%dma_wait3A_200] : memref<4096xi32, #tpu.memory_space<vmem>> -> memref<2048xi32, #tpu.memory_space<vmem>>
        tpu.wait_dma2 semaphore(%run_scoped3A : memref<!tpu.dma_semaphore, #tpu.memory_space<semaphore_mem>>) src(%dma_wait3A_201 : memref<2048xi32, #tpu.memory_space<vmem>>) dst(%dma_wait3A_199 : memref<2048xi32, #tpu.memory_space<hbm>>)
        tpu.yield
      }) : () -> ()
    } else {
    }
    return
  }
}

module attributes {stable_mosaic.version = 14 : i64} {
  func.func @_imp_body(%arg0: i32, %arg1: i32, %arg2: memref<1x128x4096xf32, #tpu.memory_space<vmem>>, %arg3: memref<64x128xf32, #tpu.memory_space<vmem>>, %arg4: memref<1x64xf32, #tpu.memory_space<vmem>>, %arg5: memref<64x64xf32, #tpu.memory_space<vmem>>, %arg6: memref<1x64xf32, #tpu.memory_space<vmem>>, %arg7: memref<1x64xf32, #tpu.memory_space<vmem>>, %arg8: memref<1x1xf32, #tpu.memory_space<vmem>>, %arg9: memref<1x1x4096xf32, #tpu.memory_space<vmem>>) attributes {dimension_semantics = [#tpu.dimension_semantics<arbitrary>, #tpu.dimension_semantics<arbitrary>], iteration_bounds = array<i64: 8, 16>, scalar_prefetch = 0 : i64, scratch_operands = 0 : i64, tpu.core_type = #tpu.core_type<tc>, window_params = [{transform_indices = @transform_0, window_bounds = array<i64: 1, 128, 4096>}, {pipeline_mode = #tpu.pipeline_mode<synchronous>, transform_indices = @transform_1, window_bounds = array<i64: 64, 128>}, {pipeline_mode = #tpu.pipeline_mode<synchronous>, transform_indices = @transform_2, window_bounds = array<i64: 1, 64>}, {pipeline_mode = #tpu.pipeline_mode<synchronous>, transform_indices = @transform_3, window_bounds = array<i64: 64, 64>}, {pipeline_mode = #tpu.pipeline_mode<synchronous>, transform_indices = @transform_4, window_bounds = array<i64: 1, 64>}, {pipeline_mode = #tpu.pipeline_mode<synchronous>, transform_indices = @transform_5, window_bounds = array<i64: 1, 64>}, {pipeline_mode = #tpu.pipeline_mode<synchronous>, transform_indices = @transform_6, window_bounds = array<i64: 1, 1>}, {transform_indices = @transform_7, window_bounds = array<i64: 1, 1, 4096>}]} {
    %get3A = arith.constant 0 : index
    %get3A_0 = arith.constant 0 : index
    %get3A_1 = arith.constant 0 : index
    %get3A_2 = vector.load %arg2[%get3A, %get3A_0, %get3A_1] : memref<1x128x4096xf32, #tpu.memory_space<vmem>>, vector<1x128x4096xf32>
    %get3A_3 = vector.shape_cast %get3A_2 : vector<1x128x4096xf32> to vector<128x4096xf32>
    %get3A_4 = arith.constant 0 : index
    %get3A_5 = arith.constant 0 : index
    %get3A_6 = vector.load %arg3[%get3A_4, %get3A_5] : memref<64x128xf32, #tpu.memory_space<vmem>>, vector<64x128xf32>
    %dot_general3A = arith.constant dense<0.000000e+00> : vector<64x4096xf32>
    %dot_general3A_7 = tpu.matmul %get3A_6, %get3A_3, %dot_general3A {dimension_numbers = #tpu.dot_dimension_numbers<[1], [0], [0], [1], [0, 0, 1, 1], [], []>, transpose_lhs_hint = false} : vector<64x128xf32>, vector<128x4096xf32>, vector<64x4096xf32> -> vector<64x4096xf32>
    %get3A_8 = arith.constant 0 : index
    %get3A_9 = arith.constant 0 : index
    %get3A_10 = vector.load %arg4[%get3A_8, %get3A_9] : memref<1x64xf32, #tpu.memory_space<vmem>>, vector<1x64xf32>
    %transpose3A = tpu.transpose %get3A_10, [1, 0] : vector<1x64xf32> -> vector<64x1xf32>
    %add3A = vector.broadcast %transpose3A : vector<64x1xf32> to vector<64x4096xf32>
    %add3A_11 = arith.addf %dot_general3A_7, %add3A : vector<64x4096xf32>
    %ge3A = arith.constant 0.000000e+00 : f32
    %ge3A_12 = vector.broadcast %ge3A : f32 to vector<64x4096xf32>
    %ge3A_13 = arith.cmpf oge, %add3A_11, %ge3A_12 : vector<64x4096xf32>
    %mul3A = arith.constant 1.000000e-01 : f32
    %mul3A_14 = vector.broadcast %mul3A : f32 to vector<64x4096xf32>
    %mul3A_15 = arith.mulf %mul3A_14, %add3A_11 : vector<64x4096xf32>
    %select_n3A = arith.select %ge3A_13, %add3A_11, %mul3A_15 : vector<64x4096xi1>, vector<64x4096xf32>
    %get3A_16 = arith.constant 0 : index
    %get3A_17 = arith.constant 0 : index
    %get3A_18 = vector.load %arg5[%get3A_16, %get3A_17] : memref<64x64xf32, #tpu.memory_space<vmem>>, vector<64x64xf32>
    %dot_general3A_19 = arith.constant dense<0.000000e+00> : vector<64x4096xf32>
    %dot_general3A_20 = tpu.matmul %get3A_18, %select_n3A, %dot_general3A_19 {dimension_numbers = #tpu.dot_dimension_numbers<[1], [0], [0], [1], [0, 0, 1, 1], [], []>, transpose_lhs_hint = false} : vector<64x64xf32>, vector<64x4096xf32>, vector<64x4096xf32> -> vector<64x4096xf32>
    %get3A_21 = arith.constant 0 : index
    %get3A_22 = arith.constant 0 : index
    %get3A_23 = vector.load %arg6[%get3A_21, %get3A_22] : memref<1x64xf32, #tpu.memory_space<vmem>>, vector<1x64xf32>
    %transpose3A_24 = tpu.transpose %get3A_23, [1, 0] : vector<1x64xf32> -> vector<64x1xf32>
    %add3A_25 = vector.broadcast %transpose3A_24 : vector<64x1xf32> to vector<64x4096xf32>
    %add3A_26 = arith.addf %dot_general3A_20, %add3A_25 : vector<64x4096xf32>
    %ge3A_27 = arith.constant 0.000000e+00 : f32
    %ge3A_28 = vector.broadcast %ge3A_27 : f32 to vector<64x4096xf32>
    %ge3A_29 = arith.cmpf oge, %add3A_26, %ge3A_28 : vector<64x4096xf32>
    %mul3A_30 = arith.constant 1.000000e-01 : f32
    %mul3A_31 = vector.broadcast %mul3A_30 : f32 to vector<64x4096xf32>
    %mul3A_32 = arith.mulf %mul3A_31, %add3A_26 : vector<64x4096xf32>
    %select_n3A_33 = arith.select %ge3A_29, %add3A_26, %mul3A_32 : vector<64x4096xi1>, vector<64x4096xf32>
    %get3A_34 = arith.constant 0 : index
    %get3A_35 = arith.constant 0 : index
    %get3A_36 = vector.load %arg7[%get3A_34, %get3A_35] : memref<1x64xf32, #tpu.memory_space<vmem>>, vector<1x64xf32>
    %dot_general3A_37 = arith.constant dense<0.000000e+00> : vector<1x4096xf32>
    %dot_general3A_38 = tpu.matmul %get3A_36, %select_n3A_33, %dot_general3A_37 {dimension_numbers = #tpu.dot_dimension_numbers<[1], [0], [0], [1], [0, 0, 1, 1], [], []>, transpose_lhs_hint = false} : vector<1x64xf32>, vector<64x4096xf32>, vector<1x4096xf32> -> vector<1x4096xf32>
    %get3A_39 = arith.constant 0 : index
    %get3A_40 = arith.constant 0 : index
    %get3A_41 = vector.load %arg8[%get3A_39, %get3A_40] : memref<1x1xf32, #tpu.memory_space<vmem>>, vector<1x1xf32>
    %add3A_42 = vector.broadcast %get3A_41 : vector<1x1xf32> to vector<1x4096xf32>
    %add3A_43 = arith.addf %dot_general3A_38, %add3A_42 : vector<1x4096xf32>
    %logistic3A = arith.negf %add3A_43 : vector<1x4096xf32>
    %logistic3A_44 = math.exp %logistic3A : vector<1x4096xf32>
    %logistic3A_45 = arith.constant 1.000000e+00 : f32
    %logistic3A_46 = vector.broadcast %logistic3A_45 : f32 to vector<1x4096xf32>
    %logistic3A_47 = arith.addf %logistic3A_46, %logistic3A_44 : vector<1x4096xf32>
    %logistic3A_48 = arith.divf %logistic3A_46, %logistic3A_47 : vector<1x4096xf32>
    %jit3A = arith.constant 0.000000e+00 : f32
    %jit3A_49 = arith.constant 1.000000e+00 : f32
    %max3A = vector.broadcast %jit3A : f32 to vector<1x4096xf32>
    %max3A_50 = arith.maximumf %max3A, %logistic3A_48 : vector<1x4096xf32>
    %min3A = vector.broadcast %jit3A_49 : f32 to vector<1x4096xf32>
    %min3A_51 = arith.minimumf %min3A, %max3A_50 : vector<1x4096xf32>
    %broadcast_in_dim3A = vector.shape_cast %min3A_51 : vector<1x4096xf32> to vector<1x1x4096xf32>
    %swap3A = arith.constant 0 : index
    %swap3A_52 = arith.constant 0 : index
    %swap3A_53 = arith.constant 0 : index
    %swap3A_54 = vector.load %arg9[%swap3A, %swap3A_52, %swap3A_53] : memref<1x1x4096xf32, #tpu.memory_space<vmem>>, vector<1x1x4096xf32>
    tpu.vector_store %arg9[%swap3A, %swap3A_52, %swap3A_53], %broadcast_in_dim3A {strides = array<i32>} : memref<1x1x4096xf32, #tpu.memory_space<vmem>>, vector<1x1x4096xf32>,
    return
  }
  func.func @transform_0(%arg0: i32, %arg1: i32) -> (i32, i32, i32) {
    %c0_i32 = arith.constant 0 : i32
    %c0_i32_0 = arith.constant 0 : i32
    return %arg0, %c0_i32, %arg1 : i32, i32, i32
  }
  func.func @transform_1(%arg0: i32, %arg1: i32) -> (i32, i32) {
    %c0_i32 = arith.constant 0 : i32
    %c0_i32_0 = arith.constant 0 : i32
    %c0_i32_1 = arith.constant 0 : i32
    return %c0_i32, %c0_i32_0 : i32, i32
  }
  func.func @transform_2(%arg0: i32, %arg1: i32) -> (i32, i32) {
    %c0_i32 = arith.constant 0 : i32
    %c0_i32_0 = arith.constant 0 : i32
    %c0_i32_1 = arith.constant 0 : i32
    return %c0_i32, %c0_i32_0 : i32, i32
  }
  func.func @transform_3(%arg0: i32, %arg1: i32) -> (i32, i32) {
    %c0_i32 = arith.constant 0 : i32
    %c0_i32_0 = arith.constant 0 : i32
    %c0_i32_1 = arith.constant 0 : i32
    return %c0_i32, %c0_i32_0 : i32, i32
  }
  func.func @transform_4(%arg0: i32, %arg1: i32) -> (i32, i32) {
    %c0_i32 = arith.constant 0 : i32
    %c0_i32_0 = arith.constant 0 : i32
    %c0_i32_1 = arith.constant 0 : i32
    return %c0_i32, %c0_i32_0 : i32, i32
  }
  func.func @transform_5(%arg0: i32, %arg1: i32) -> (i32, i32) {
    %c0_i32 = arith.constant 0 : i32
    %c0_i32_0 = arith.constant 0 : i32
    %c0_i32_1 = arith.constant 0 : i32
    return %c0_i32, %c0_i32_0 : i32, i32
  }
  func.func @transform_6(%arg0: i32, %arg1: i32) -> (i32, i32) {
    %c0_i32 = arith.constant 0 : i32
    %c0_i32_0 = arith.constant 0 : i32
    %c0_i32_1 = arith.constant 0 : i32
    return %c0_i32, %c0_i32_0 : i32, i32
  }
  func.func @transform_7(%arg0: i32, %arg1: i32) -> (i32, i32, i32) {
    %c0_i32 = arith.constant 0 : i32
    %c0_i32_0 = arith.constant 0 : i32
    return %arg0, %c0_i32, %arg1 : i32, i32, i32
  }
}

module attributes {stable_mosaic.version = 14 : i64} {
  func.func @_fc_body(%arg0: i32, %arg1: memref<1x128x2048xf32, #tpu.memory_space<vmem>>, %arg2: memref<144x128xf32, #tpu.memory_space<vmem>>, %arg3: memref<1x144xf32, #tpu.memory_space<vmem>>, %arg4: memref<1x2048x144xf32, #tpu.memory_space<vmem>>) attributes {dimension_semantics = [#tpu.dimension_semantics<arbitrary>], iteration_bounds = array<i64: 8>, scalar_prefetch = 0 : i64, scratch_operands = 0 : i64, tpu.core_type = #tpu.core_type<tc>, window_params = [{transform_indices = @transform_0, window_bounds = array<i64: 1, 128, 2048>}, {pipeline_mode = #tpu.pipeline_mode<synchronous>, transform_indices = @transform_1, window_bounds = array<i64: 144, 128>}, {pipeline_mode = #tpu.pipeline_mode<synchronous>, transform_indices = @transform_2, window_bounds = array<i64: 1, 144>}, {transform_indices = @transform_3, window_bounds = array<i64: 1, 2048, 144>}]} {
    %get3A = arith.constant 0 : index
    %get3A_0 = arith.constant 0 : index
    %get3A_1 = arith.constant 0 : index
    %get3A_2 = vector.load %arg1[%get3A, %get3A_0, %get3A_1] : memref<1x128x2048xf32, #tpu.memory_space<vmem>>, vector<1x128x2048xf32>
    %get3A_3 = vector.shape_cast %get3A_2 : vector<1x128x2048xf32> to vector<128x2048xf32>
    %get3A_4 = arith.constant 0 : index
    %get3A_5 = arith.constant 0 : index
    %get3A_6 = vector.load %arg2[%get3A_4, %get3A_5] : memref<144x128xf32, #tpu.memory_space<vmem>>, vector<144x128xf32>
    %dot_general3A = arith.constant dense<0.000000e+00> : vector<2048x144xf32>
    %dot_general3A_7 = tpu.matmul %get3A_3, %get3A_6, %dot_general3A {dimension_numbers = #tpu.dot_dimension_numbers<[0], [1], [1], [0], [0, 1, 1, 0], [], []>, transpose_lhs_hint = false} : vector<128x2048xf32>, vector<144x128xf32>, vector<2048x144xf32> -> vector<2048x144xf32>
    %get3A_8 = arith.constant 0 : index
    %get3A_9 = arith.constant 0 : index
    %get3A_10 = vector.load %arg3[%get3A_8, %get3A_9] : memref<1x144xf32, #tpu.memory_space<vmem>>, vector<1x144xf32>
    %add3A = vector.broadcast %get3A_10 : vector<1x144xf32> to vector<2048x144xf32>
    %add3A_11 = arith.addf %dot_general3A_7, %add3A : vector<2048x144xf32>
    %broadcast_in_dim3A = vector.shape_cast %add3A_11 : vector<2048x144xf32> to vector<1x2048x144xf32>
    %swap3A = arith.constant 0 : index
    %swap3A_12 = arith.constant 0 : index
    %swap3A_13 = arith.constant 0 : index
    %swap3A_14 = vector.load %arg4[%swap3A, %swap3A_12, %swap3A_13] : memref<1x2048x144xf32, #tpu.memory_space<vmem>>, vector<1x2048x144xf32>
    tpu.vector_store %arg4[%swap3A, %swap3A_12, %swap3A_13], %broadcast_in_dim3A {strides = array<i32>} : memref<1x2048x144xf32, #tpu.memory_space<vmem>>, vector<1x2048x144xf32>,
    return
  }
  func.func @transform_0(%arg0: i32) -> (i32, i32, i32) {
    %c0_i32 = arith.constant 0 : i32
    %c0_i32_0 = arith.constant 0 : i32
    %c0_i32_1 = arith.constant 0 : i32
    return %arg0, %c0_i32, %c0_i32_0 : i32, i32, i32
  }
  func.func @transform_1(%arg0: i32) -> (i32, i32) {
    %c0_i32 = arith.constant 0 : i32
    %c0_i32_0 = arith.constant 0 : i32
    %c0_i32_1 = arith.constant 0 : i32
    return %c0_i32, %c0_i32_0 : i32, i32
  }
  func.func @transform_2(%arg0: i32) -> (i32, i32) {
    %c0_i32 = arith.constant 0 : i32
    %c0_i32_0 = arith.constant 0 : i32
    %c0_i32_1 = arith.constant 0 : i32
    return %c0_i32, %c0_i32_0 : i32, i32
  }
  func.func @transform_3(%arg0: i32) -> (i32, i32, i32) {
    %c0_i32 = arith.constant 0 : i32
    %c0_i32_0 = arith.constant 0 : i32
    %c0_i32_1 = arith.constant 0 : i32
    return %arg0, %c0_i32, %c0_i32_0 : i32, i32, i32
  }
}

</mosaic_0001>

<sc_bundles>
// kernel: gather_offload_async_start
scs
__scs_entry_jumppad:
0x0: {  	(pc) =	sbr.rel $0x88, $3  }
0x1: {  	(tag) =	ssettag $0x0;
	lr =	simm.s32 $0x1  }
0x2: {  	[smem:$0x3F98] =	sst lr;
	_ =	strace $0xD0000000  }
0x3: {  	_ = 	snop  }
0x4: {  	_ = 	snop  }
0x5: {  	_ = 	snop  }
0x6: {  	_ = 	snop  }
0x7: {  	_ = 	snop  }
__scs_overlays_trampoline_lowered:
0x8: {  	[smem:$0x3FA7] =	sst s0  }
0x9: {  	[smem:$0x3FA8] =	sst s1  }
0xa: {  	[smem:$0x3FA9] =	sst s2  }
0xb: {  	[smem:$0x3FAA] =	sst s3  }
0xc: {  	[smem:$0x3FAB] =	sst s4  }
0xd: {  	[smem:$0x3FAC] =	sst s5  }
0xe: {  	[smem:$0x3FAD] =	sst s6  }
0xf: {  	[smem:$0x3FAE] =	sst s7  }
0x10: {  	[smem:$0x3FAF] =	sst s8  }
0x11: {  	[smem:$0x3FB0] =	sst s9;
	s0 =	simm.s32 @!p0 $0x0  }
0x12: {  	s1 =	sld [smem:$0x3F96];
	s0 =	simm.s32 @p0 $0x1  }
0x13: {  	[smem:$0x3FB1] =	sst s0;
	s0 =	simm.s32 @!p1 $0x0  }
0x14: {  	s2 =	sld [smem:$0x3F95];
	s0 =	simm.s32 @p1 $0x1  }
0x15: {  	[smem:$0x3FB2] =	sst s0;
	s0 =	simm.s32 @!p2 $0x0  }
0x16: {  	s3 =	sld [smem:$0x3FDB];
	s0 =	simm.s32 @p2 $0x1  }
0x17: {  	s4 =	simm.s32 $0x1BF5;
	[smem:$0x3FB4] =	sst s0  }
0x18: {  	s0 =	sld [smem:$0x3F97];
	_ =	swait.ge [sflag:s4], $0x0  }
0x19: {  	s7 =	sld [smem:$0x3F98]  }
0x1a: {  	s8 =	sadd.s32 $0xFFFFE003, lr  }
0x1b: {  	s9 =	sadd.s32 $0xFFFFFEF7, lr;
	s5 =	simm.s32 $0xFFFFFFFF;
	p2 =	slt.u32 s8, $0xFFFFF086  }
0x1c: {  	p1 =	slt.u32 s9, $0xF7A;
	s5 =	simm.s32 @!p2 $0x0  }
0x1d: {  	s5 =	simm.s32 @p1 $0x1;
	p0 =	seq.s32 s7, s2  }
0x1e: {  	s7 =	smul.u32 @!p0 $0xF7A, s2;
	p2 =	seq.s32 @!p0 s5, $0x0  }
0x1f: {  	s9 =	smul.u32 $0xF7A, s1;
	s8 =	simm.s32 @!p0 $0x1BF5;
	p2 =	por !p2, p0  }
0x20: {  	[sflag:s8] =	ssyncset.s32 @!p0 $0xFFFFF086;
	s6 =	sadd.s32 @!p0 s3, s7;
	s7 =	simm.s32 @!p0 $0x108  }
0x21: {  	s3 =	sadd.s32 s3, s9;
	s6 =	sadd.s32 @!p0 $0x88, s6;
	s7 =	simm.s32 @p2 $0x1082  }
0x22: {  	[simem:s7], [sflag:s8] =	dma.local @!p0 [hbm:s6], $0xF7A  }
0x23: {  	s9 =	sor.u32 $0xD0000000, s2;
	s6 =	simm.s32 $0x108;
	_ =	swait.ge @!p0 [sflag:s8], $0x0  }
0x24: {  	s3 =	sadd.s32 $0x88, s3;
	s6 =	simm.s32 @!p1 $0x1082;
	[sflag:s4] =	ssyncset.s32 $0xFFFFF086  }
0x25: {  	[simem:s6], [sflag:s4] =	dma.local [hbm:s3], $0xF7A  }
0x26: {  	[smem:$0x3F98] =	sst s1;
	(tag) =	ssettag s2;
	_ =	strace s9  }
0x27: {  	s1 =	sld [smem:$0x3FA8]  }
0x28: {  	s2 =	sld [smem:$0x3FA9]  }
0x29: {  	s4 =	sld [smem:$0x3FAB]  }
0x2a: {  	p0 =	seq.s32 s5, $0x0;
	s5 =	sld [smem:$0x3FAC]  }
0x2b: {  	s6 =	sld [smem:$0x3FAD]  }
0x2c: {  	s7 =	sld [smem:$0x3FAE]  }
0x2d: {  	s3 =	simm.s32 $0x108;
	s8 =	sld [smem:$0x3FAF]  }
0x2e: {  	s3 =	simm.s32 @!p0 $0x1082;
	s9 =	sld [smem:$0x3FB0]  }
0x2f: {  	lr =	sadd.s32 s0, s3;
	s0 =	sld [smem:$0x3FA7]  }
0x30: {  	s3 =	sld [smem:$0x3FAA]  }
0x31: {  	[smem:$0x3FB3] =	sst s10  }
0x32: {  	s10 =	sld [smem:$0x3FB1];
	_ =	sdelay $0x3  }
0x33: {  	p0 =	seq.s32 s10, $0x1;
	s10 =	sld [smem:$0x3FB3];
	_ =	sdelay $0x3  }
0x34: {  	[smem:$0x3FB3] =	sst s10  }
0x35: {  	s10 =	sld [smem:$0x3FB2];
	_ =	sdelay $0x3  }
0x36: {  	p1 =	seq.s32 s10, $0x1;
	s10 =	sld [smem:$0x3FB3];
	_ =	sdelay $0x3  }
0x37: {  	[smem:$0x3FB3] =	sst s10  }
0x38: {  	s10 =	sld [smem:$0x3FB4]  }
0x39: {  	_ = 	snop;
	(pc) =	sbr.ind lr, $3  }
0x3a: {  	_ = 	snop  }
0x3b: {  	_ = 	snop  }
0x3c: {  	p2 =	seq.s32 s10, $0x1;
	s10 =	sld [smem:$0x3FB3]  }
0x3d: {  	_ =	shalt  }
0x3e: {  	_ =	shalt  }
0x3f: {  	_ =	shalt  }
0x40: {  	_ =	shalt  }
0x41: {  	_ =	shalt  }
0x42: {  	_ =	shalt  }
0x43: {  	_ =	shalt  }
0x44: {  	_ =	shalt  }
0x45: {  	_ =	shalt  }
0x46: {  	_ =	shalt  }
0x47: {  	_ =	shalt  }
0x48: {  	_ =	shalt  }
0x49: {  	_ =	shalt  }
0x4a: {  	_ =	shalt  }
0x4b: {  	_ =	shalt  }
0x4c: {  	_ =	shalt  }
0x4d: {  	_ =	shalt  }
0x4e: {  	_ =	shalt  }
0x4f: {  	_ =	shalt  }
0x50: {  	_ =	shalt  }
0x51: {  	_ =	shalt  }
0x52: {  	_ =	shalt  }
0x53: {  	_ =	shalt  }
0x54: {  	_ =	shalt  }
0x55: {  	_ =	shalt  }
0x56: {  	_ =	shalt  }
0x57: {  	_ =	shalt  }
0x58: {  	_ =	shalt  }
0x59: {  	_ =	shalt  }
0x5a: {  	_ =	shalt  }
0x5b: {  	_ =	shalt  }
0x5c: {  	_ =	shalt  }
0x5d: {  	_ =	shalt  }
0x5e: {  	_ =	shalt  }
0x5f: {  	_ =	shalt  }
0x60: {  	_ =	shalt  }
0x61: {  	_ =	shalt  }
0x62: {  	_ =	shalt  }
0x63: {  	_ =	shalt  }
0x64: {  	_ =	shalt  }
0x65: {  	_ =	shalt  }
0x66: {  	_ =	shalt  }
0x67: {  	_ =	shalt  }
0x68: {  	_ =	shalt  }
0x69: {  	_ =	shalt  }
0x6a: {  	_ =	shalt  }
0x6b: {  	_ =	shalt  }
0x6c: {  	_ =	shalt  }
0x6d: {  	_ =	shalt  }
0x6e: {  	_ =	shalt  }
0x6f: {  	_ =	shalt  }
0x70: {  	_ =	shalt  }
0x71: {  	_ =	shalt  }
0x72: {  	_ =	shalt  }
0x73: {  	_ =	shalt  }
0x74: {  	_ =	shalt  }
0x75: {  	_ =	shalt  }
0x76: {  	_ =	shalt  }
0x77: {  	_ =	shalt  }
0x78: {  	_ =	shalt  }
0x79: {  	_ =	shalt  }
0x7a: {  	_ =	shalt  }
0x7b: {  	_ =	shalt  }
0x7c: {  	_ =	shalt  }
0x7d: {  	_ =	shalt  }
0x7e: {  	_ =	shalt  }
0x7f: {  	_ =	shalt  }
0x80: {  	_ =	shalt  }
0x81: {  	_ =	shalt  }
0x82: {  	_ =	shalt  }
0x83: {  	_ =	shalt  }
0x84: {  	_ =	shalt  }
0x85: {  	_ =	shalt  }
0x86: {  	_ =	shalt  }
0x87: {  	_ =	shalt  }
.Lfunc_end0:
.L_simem_size_0:
called_computation_lowered:
.L_overlay_start_0:
0x88: {  	s2 =	sld [smem:$0x3FD9]  }
0x89: {  	s3 =	sld [smem:$0x3FFE];
	_ =	sdelay $0x1  }
0x8a: {  	s1 =	srdreg.scid  }
0x8b: {  	s0 =	sand.u32 $0x1, s1  }
0x8c: {  	s14 =	sshll.u32 s0, $0xA;
	s2 =	sadd.s32 s3, s2  }
0x8d: {  	s2 =	sadd.s32 s2, s14  }
0x8e: {  	[smem:$0x3FBF] =	sst s2  }
0x8f: {  	_ = 	snop  }
0x90: {  	s2 =	sld [smem:$0x3FD0];
	_ =	sdelay $0x2  }
0x91: {  	s15 =	simm.s32 $0xA;
	s4 =	simm.s32 $0x10  }
0x92: {  	[smem:s4], [sflag:s15] =	dma.local [hbm:s2], $0x1  }
0x93: {  	_ =	swait.eq [sflag:s15], $0x1  }
0x94: {  	[sflag:s15] =	ssyncset.done $0x0  }
0x95: {  	[sflag:s15] =	ssyncadd.s32 $0xFFFFFFFF  }
0x96: {  	s16 =	sld [smem:$0x10];
	(tm) =	ssettm $0x1  }
0x97: {  	s17 =	sld [smem:$0x3FFB];
	_ =	sdelay $0x3  }
0x98: {  	_ =	strace s17  }
0x99: {  	s3 =	sld [smem:$0x3FFC];
	_ =	sdelay $0x3  }
0x9a: {  	_ =	strace s3  }
0x9b: {  	s3 =	sld [smem:$0x3FFD];
	_ =	sdelay $0x3  }
0x9c: {  	_ =	strace s3  }
0x9d: {  	_ =	strace $0x8FFFFFFF  }
0x9e: {  	s18 =	sld [smem:$0x3FDB];
	_ =	sdelay $0x1  }
0x9f: {  	s19 =	simm.s32 $_scs_section_size  }
0xa0: {  	s5 =	simm.s32 $_size__tile_overlayer_lowered;
	s6 =	simm.s32 $_tile_overlayer_lowered  }
0xa1: {  	s22 =	simm.s32 $0x1BFF;
	s21 =	sshll.u32 s6, $0x1;
	s3 =	sadd.s32 s19, s18  }
0xa2: {  	s7 =	simm.s32 $0x0;
	s20 =	sshll.u32 s5, $0x1;
	s5 =	sadd.s32 s21, s3  }
0xa3: {  	[timem:s7], [sflag:s22] =	dma.local [hbm:s5], s20  }
0xa4: {  	_ =	swait.ge [sflag:s22], s20  }
0xa5: {  	s4 =	ssub.s32 $0x0, s20;
	[sflag:s22] =	ssyncset.done $0x0  }
0xa6: {  	[sflag:s22] =	ssyncadd.s32 s4;
	_ =	sdelay $0x1  }
0xa7: {  	s23 =	simm.s32 $0x1B8B  }
0xa8: {  	_ =	swait.ge [sflag:s23], $0x1  }
0xa9: {  	[sflag:s23] =	ssyncset.done $0x0  }
0xaa: {  	s25 =	simm.s32 $0x1B8E;
	s24 =	sld [smem:$0x3FFE];
	[sflag:s23] =	ssyncadd.s32 $0xFFFFFFFF  }
0xab: {  	s26 =	simm.s32 $execute0_lowered;
	[smem:$0x3FD2] =	sst s25  }
0xac: {  	s5 =	sshll.u32 s26, $0x1;
	_ =	strace $0x80000049;
	[dreg:$0x1] =	wrdreg $0xFFFFFFFF  }
0xad: {  	s28 =	simm.s32 $_size_execute0_lowered;
	s3 =	sadd.s32 s3, s5;
	[dreg:$0x0] =	wrdreg $0x0  }
0xae: {  	s5 =	sshll.u32 s28, $0x1;
	[dreg:$0x2] =	wrdreg s3  }
0xaf: {  	[dreg:$0x3] =	wrdreg s5  }
0xb0: {  	[dreg:$0x4] =	wrdreg $0xC0  }
0xb1: {  	_ =	task [dreg:s7], $0x5FFFF  }
0xb2: {  	[dreg:$0x1] =	wrdreg $0xFFFFFFFF  }
0xb3: {  	[dreg:$0x0] =	wrdreg $0x60  }
0xb4: {  	[dreg:$0x2] =	wrdreg s24  }
0xb5: {  	[dreg:$0x3] =	wrdreg s16  }
0xb6: {  	[dreg:$0x4] =	wrdreg $0x9  }
0xb7: {  	_ =	task.clear_ibuf [dreg:s7], $0x5FFFF;
	_ =	strace $0x90000049  }
0xb8: {  	s29 =	simm.s32 $0x9;
	_ =	strace $0x8000004B  }
0xb9: {  	_ =	swait.ge [sflag:s29], $0x1  }
0xba: {  	[sflag:s29] =	ssyncadd.s32 $0xFFFFFFFF  }
0xbb: {  	_ =	strace $0x9000004B  }
0xbc: {  	_ =	sfence  }
0xbd: {  	s30 =	sld [smem:$0x0];
	_ =	sdelay $0x2  }
0xbe: {  	s31 =	sshll.u32 s1, $0xD;
	s1 =	sshrl.u32 s1, $0x2  }
0xbf: {  	s3 =	sand.u32 $0x4000, s31;
	s1 =	sadd.s32 s1, s30  }
0xc0: {  	s0 =	sor.u32 s3, s0;
	s1 =	sshll.u32 s1, $0x11  }
0xc1: {  	s0 =	sor.u32 s1, s0  }
0xc2: {  	s0 =	sadd.s32 $0x8F2B, s0  }
0xc3: {  	[sflag:s0] =	ssyncadd.remote.s32 $0x1  }
0xc4: {  	_ =	sfence.sel $0xFFFF  }
0xc5: {  	[dreg:$0x0] =	wrdreg $0xFFFFFFFF;
	(pc) =	sbr.abs _section_cstart, $3  }
0xc6: {  	[dreg:$0x1] =	wrdreg $0xFFFFFFFF  }
0xc7: {  	_ =	task.clear_ibuf [dreg:s7], $0x2FFFF;
	_ =	strace $0x9FFFFFFF  }
0xc8: {  	(tm) =	ssettm $0x7FFFFFFF  }
0xc9: {  	_ =	shalt  }
tec
execute0_lowered:
.L_overlay_start_1:
0x0: {  	(tag) =	ssettag $0x1  }
0x1: {  	s7 =	rddreg [dreg:$0x0]  }
0x2: {  	s2 =	rddreg [dreg:$0x1]  }
0x3: {  	s0 =	rddreg [dreg:$0x2]  }
0x4: {  	s1 =	srdreg.scid;
	_ =	strace $0x8000004A;
	s4 =	simm.s32 $0x1  }
0x5: {  	s9 =	simm.s32 $0x3;
	s11 =	simm.s32 $0x0;
	s5 =	sshll.u32 s1, $0x4  }
.Ltmp0:
0x6: {  	s1 =	stileid.u32;
	s5 =	sand.u32 $0x10, s5;
	(pc) =	sbr.rel .LBB2_1-.Ltmp0, $4  }
0x7: {  	p0 =	por $0x0, $0x0;
	s3 =	sadd.s32 $0x1600, s7;
	s6 =	sor.u32 s1, s5  }
0x8: {  	[sflag:s4] =	ssyncpa.u1 $0x0;
	s5 =	simm.s32 $0x2;
	s6 =	sshll.u32 s6, $0x9  }
0x9: {  	s7 =	sadd.s32 $0x801600, s7;
	[sflag:s5] =	ssyncpa.u1 $0x0;
	s8 =	sadd.s32 $0x200, s6  }
0xa: {  	vm0 =	vmmov $0xff;
	vm1 =	vcmask $0x3F20;
	[sflag:s9] =	ssyncpa.u1 $0x0;
	s10 =	smov.u32 s6;
	s9 =	simm.s32 $0x0  }
.LBB2_7:
0xb: {  	p1 =	slt.u32 s9, $0x2;
	s11 =	sadd.s32 $0x100, s10  }
0xc: {  	s13 =	smov.u32 s6;
	s9 =	sadd.s32 $0x1, s9;
	p2 =	slt.s32 s11, s8  }
0xd: {  	s13 =	smov.u32 @p2 s11;
	p2 =	sne.s32 s9, $0x4  }
.Ltmp1:
0xe: {  	_ = 	snop;
	(pc) =	sbr.rel @!p2 .LBB2_8-.Ltmp1, $4  }
0xf: {  	s12 =	simm.s32 @!p1 $0x3  }
0x10: {  	_ =	swait.ge @!p1 [sflag:s12], $0x8000  }
0x11: {  	p0 =	por !p0, !p0;
	[sflag:s12] =	ssyncset.done @!p1 $0x0  }
0x12: {  	s11 =	smov.u32 s10;
	s10 =	smov.u32 s13;
	[sflag:s12] =	ssyncadd.s32 @!p1 $0xFFFF8000  }
.LBB2_1:
0x13: {  	p1 =	sgt.u32 s9, $0x1  }
0x14: {  	s12 =	sshll.u32 @!p1 s9, $0x8;
	s13 =	sshrl.u32 @!p1 s10, $0x3  }
0x15: {  	s14 =	sand.u32 @!p1 $0x7, s10;
	s12 =	sxor.u32 @!p1 $0x100, s12;
	s13 =	sadd.s32 @!p1 s7, s13  }
0x16: {  	[tilespmem:s12], [sflag:$0x2] =	stream.linear.gather @!p1 [hbm4b:s13+s14], $0x100, $0x38;
	[tilespmem:$0x10200] =	vst v63  }
0x17: {  	p1 =	seq.s32 s9, $0x0  }
0x18: {  	p2 =	seq.s32 @!p1 s9, $0x3  }
0x19: {  	p1 =	por p1, p2  }
.Ltmp2:
0x1a: {  	_ = 	snop;
	(pc) =	sbr.rel @p1 .LBB2_7-.Ltmp2, $1  }
0x1b: {  	_ =	sdelay $0x3  }
0x1c: {  	s12 =	simm.s32 $0x1  }
0x1d: {  	_ =	swait.ge [sflag:s5], $0x100;
	s12 =	simm.s32 @!p0 $0x0  }
0x1e: {  	[sflag:s5] =	ssyncset.done $0x0;
	s14 =	sshll.u32 s12, $0x8  }
0x1f: {  	[sflag:s5] =	ssyncadd.s32 $0xFFFFFF00;
	s13 =	sadd.s32 $0x0, s14  }
0x20: {  	v0 =	vld.msk [tilespmem:s13+$0x0 ss:$0x1], $0xffff;
	_ =	sdelay $0x4  }
0x21: {  	v1 =	vshll.u32 v0, $0x4  }
0x22: {  	vm2 =	veq.s32 v0, $0x80000000;
	v0 =	vshll.u32 v0, $0x17;
	v1 =	vand.u32 $0x7FFF80, v1  }
0x23: {  	v0 =	vand.u32 $0x3800000, v0;
	v1 =	vsel vm2, $0xFFFFFF80, v1  }
0x24: {  	v0 =	vsel vm2, $0xFF800000, v0;
	v2 =	vand.u32 $0xFFFFFC00, v1  }
0x25: {  	v1 =	vand.u32 $0x380, v1;
	v0 =	vadd.s32 v0, v2  }
0x26: {  	v0 =	vor.u32 v1, v0  }
0x27: {  	v0 =	vshrl.u32 v0, $0x3;
	_ =	sdelay $0x2  }
0x28: {  	s12 =	sshll.u32 s12, $0xF  }
0x29: {  	s12 =	sor.u32 $0x200, s12  }
0x2a: {  	[tilespmem:s12], [sflag:$0x1] =	stream.indirect_vreg.gather [hbm:s3], $0x80, v0, vm0, $0x38;
	[tilespmem:$0x10200] =	vst v63  }
0x2b: {  	s15 =	sadd.s32 $0x10, s14;
	s13 =	sadd.s32 $0x400, s12  }
0x2c: {  	[tilespmem:s13], [sflag:$0x1] =	stream.indirect_vreg.gather [hbm:s3], $0x80, v0, vm1, $0x38;
	[tilespmem:$0x10200] =	vst v63  }
0x2d: {  	s16 =	simm.s32 $0x80;
	v0 =	vld.msk [tilespmem:s15+$0x0 ss:$0x1], $0xffff;
	s15 =	smov.u32 s12  }
.LBB2_3:
0x2e: {  	p1 =	sne.s32 s16, $0x3C0;
	_ =	sdelay $0x4  }
0x2f: {  	v1 =	vshll.u32 v0, $0x4  }
0x30: {  	vm2 =	veq.s32 v0, $0x80000000;
	v0 =	vshll.u32 v0, $0x17;
	v1 =	vand.u32 $0x7FFF80, v1  }
0x31: {  	v0 =	vand.u32 $0x3800000, v0;
	v1 =	vsel vm2, $0xFFFFFF80, v1  }
0x32: {  	v0 =	vsel vm2, $0xFF800000, v0;
	v2 =	vand.u32 $0xFFFFFC00, v1  }
0x33: {  	v1 =	vand.u32 $0x380, v1;
	v0 =	vadd.s32 v0, v2  }
0x34: {  	v0 =	vor.u32 v1, v0  }
0x35: {  	v0 =	vshrl.u32 v0, $0x3;
	_ =	sdelay $0x3  }
.Ltmp3:
0x36: {  	s17 =	sshra.s32 s16, $0x2;
	s15 =	sadd.s32 $0x800, s15;
	(pc) =	sbr.rel @p1 .LBB2_3-.Ltmp3, $4  }
0x37: {  	[tilespmem:s15], [sflag:$0x1] =	stream.indirect_vreg.gather [hbm:s3], $0x80, v0, vm0, $0x38;
	[tilespmem:$0x10200] =	vst v63  }
0x38: {  	s17 =	sadd.s32 s17, s14;
	s18 =	sadd.s32 $0x400, s15  }
0x39: {  	[tilespmem:s18], [sflag:$0x1] =	stream.indirect_vreg.gather [hbm:s3], $0x80, v0, vm1, $0x38;
	[tilespmem:$0x10200] =	vst v63  }
0x3a: {  	s16 =	sadd.s32 $0x40, s16;
	v0 =	vld.msk [tilespmem:s17+$0x0 ss:$0x1], $0xffff  }
0x3b: {  	_ =	sdelay $0x3  }
0x3c: {  	v1 =	vshll.u32 v0, $0x4  }
0x3d: {  	vm2 =	veq.s32 v0, $0x80000000;
	v63 =	vshll.u32 v0, $0x17;
	v1 =	vand.u32 $0x7FFF80, v1  }
0x3e: {  	v0 =	vand.u32 $0x3800000, v63;
	v1 =	vsel vm2, $0xFFFFFF80, v1  }
0x3f: {  	v0 =	vsel vm2, $0xFF800000, v0;
	v2 =	vand.u32 $0xFFFFFC00, v1  }
0x40: {  	v1 =	vand.u32 $0x380, v1;
	v0 =	vadd.s32 v0, v2  }
0x41: {  	v0 =	vor.u32 v1, v0  }
0x42: {  	v0 =	vshrl.u32 v0, $0x3;
	_ =	sdelay $0x3  }
0x43: {  	s14 =	sadd.s32 $0x800, s15  }
0x44: {  	[tilespmem:s14], [sflag:$0x1] =	stream.indirect_vreg.gather [hbm:s3], $0x80, v0, vm0, $0x38;
	[tilespmem:$0x10200] =	vst v63  }
0x45: {  	s14 =	sadd.s32 $0x400, s14  }
0x46: {  	[tilespmem:s14], [sflag:$0x1] =	stream.indirect_vreg.gather [hbm:s3], $0x80, v0, vm1, $0x38;
	[tilespmem:$0x10200] =	vst v63  }
0x47: {  	s11 =	sshll.u32 s11, $0x4;
	_ =	swait.ge [sflag:s4], $0x8000  }
0x48: {  	s11 =	sadd.s32 s11, s2;
	[sflag:s4] =	ssyncset.done $0x0  }
0x49: {  	s15 =	sadd.s32 $0x0, s11;
	s14 =	simm.s32 $0x80;
	[sflag:s4] =	ssyncadd.s32 $0xFFFF8000  }
.LBB2_5:
0x4a: {  	[hbm:s15] =	stream.linear.scatter [tilespmem:s12], [sflag:$0x3], $0x400, $0x38;
	[tilespmem:$0x10200] =	vst v63  }
0x4b: {  	s15 =	smov.u32 s14;
	s12 =	smov.u32 s13;
	p1 =	sne.s32 s14, $0xF80  }
.Ltmp4:
0x4c: {  	s14 =	sadd.s32 $0x80, s14;
	(pc) =	sbr.rel @p1 .LBB2_5-.Ltmp4, $2  }
0x4d: {  	_ =	sdelay $0x2  }
0x4e: {  	s13 =	sadd.s32 $0x400, s13;
	s15 =	sadd.s32 s15, s11  }
.Ltmp5:
0x4f: {  	(pc) =	sbr.rel .LBB2_7-.Ltmp5, $2  }
0x50: {  	_ =	sdelay $0x2  }
0x51: {  	[hbm:s15] =	stream.linear.scatter [tilespmem:s12], [sflag:$0x3], $0x400, $0x38;
	[tilespmem:$0x10200] =	vst v63  }
.LBB2_8:
0x52: {  	_ =	sfence.sel $0x180000  }
0x53: {  	s2 =	simm.s32 $0x2;
	[bflag:$0x0] =	sbarrier.arrive $0xFFFF  }
0x54: {  	s30 =	simm.s32 $0x3;
	[sflag:s2] =	ssyncpa.u1 $0x1  }
0x55: {  	s31 =	simm.s32 $0x1;
	[sflag:s30] =	ssyncpa.u1 $0x1  }
0x56: {  	[sflag:s31] =	ssyncpa.u1 $0x1  }
0x57: {  	p0 =	sne.s32 s1, $0x0;
	_ =	strace $0x9000004A  }
0x58: {  	s0 =	sadd.s32 @!p0 $0x100000, s0;
	[bflag:$0x2] =	sbarrier.arrive $0xFFFF  }
0x59: {  	[sflag:s0] =	ssyncadd.tile.s32 @!p0 $0x1;
	_ =	shalt  }
.Lfunc_end2:
_tile_overlayer_lowered:
.L_overlay_start_2:
0x5a: {  	(tag) =	ssettag $0x2  }
0x5b: {  	s0 =	rddreg [dreg:$0x0];
	s2 =	stileid.u32  }
0x5c: {  	s1 =	rddreg [dreg:$0x1];
	p0 =	sne.s32 s2, $0x0  }
0x5d: {  	s3 =	rddreg [dreg:$0x2];
	[bflag:$0x3] =	sbarrier.arrive $0xFFFF;
	s2 =	simm.s32 @!p0 $0x1C01  }
0x5e: {  	[timem:s3], [sflag:s2] =	dma.local @!p0 [hbm:s0], s1  }
0x5f: {  	s0 =	simm.s32 @!p0 $0x1  }
0x60: {  	_ =	swait.ge @!p0 [sflag:s0], s1  }
0x61: {  	s1 =	ssub.s32 @!p0 $0x0, s1;
	[sflag:s0] =	ssyncset.done @!p0 $0x0  }
0x62: {  	[sflag:s0] =	ssyncadd.s32 @!p0 s1  }
0x63: {  	[bflag:$0x3] =	sbarrier.arrive $0xFFFF  }
0x64: {  	_ =	shalt  }

// kernel: kernel.5.cloned.1.call-start
scs
__scs_entry_jumppad:
0x0: {  	(pc) =	sbr.rel $0x88, $3  }
0x1: {  	(tag) =	ssettag $0x0;
	lr =	simm.s32 $0x1  }
0x2: {  	[smem:$0x3F98] =	sst lr;
	_ =	strace $0xD0000000  }
0x3: {  	_ = 	snop  }
0x4: {  	_ = 	snop  }
0x5: {  	_ = 	snop  }
0x6: {  	_ = 	snop  }
0x7: {  	_ = 	snop  }
__scs_overlays_trampoline_lowered:
0x8: {  	[smem:$0x3FA7] =	sst s0  }
0x9: {  	[smem:$0x3FA8] =	sst s1  }
0xa: {  	[smem:$0x3FA9] =	sst s2  }
0xb: {  	[smem:$0x3FAA] =	sst s3  }
0xc: {  	[smem:$0x3FAB] =	sst s4  }
0xd: {  	[smem:$0x3FAC] =	sst s5  }
0xe: {  	[smem:$0x3FAD] =	sst s6  }
0xf: {  	[smem:$0x3FAE] =	sst s7  }
0x10: {  	[smem:$0x3FAF] =	sst s8  }
0x11: {  	[smem:$0x3FB0] =	sst s9;
	s0 =	simm.s32 @!p0 $0x0  }
0x12: {  	s1 =	sld [smem:$0x3F96];
	s0 =	simm.s32 @p0 $0x1  }
0x13: {  	[smem:$0x3FB1] =	sst s0;
	s0 =	simm.s32 @!p1 $0x0  }
0x14: {  	s2 =	sld [smem:$0x3F95];
	s0 =	simm.s32 @p1 $0x1  }
0x15: {  	[smem:$0x3FB2] =	sst s0;
	s0 =	simm.s32 @!p2 $0x0  }
0x16: {  	s3 =	sld [smem:$0x3FDB];
	s0 =	simm.s32 @p2 $0x1  }
0x17: {  	s4 =	simm.s32 $0x1BF5;
	[smem:$0x3FB4] =	sst s0  }
0x18: {  	s0 =	sld [smem:$0x3F97];
	_ =	swait.ge [sflag:s4], $0x0  }
0x19: {  	s7 =	sld [smem:$0x3F98]  }
0x1a: {  	s8 =	sadd.s32 $0xFFFFE003, lr  }
0x1b: {  	s9 =	sadd.s32 $0xFFFFFEF7, lr;
	s5 =	simm.s32 $0xFFFFFFFF;
	p2 =	slt.u32 s8, $0xFFFFF086  }
0x1c: {  	p1 =	slt.u32 s9, $0xF7A;
	s5 =	simm.s32 @!p2 $0x0  }
0x1d: {  	s5 =	simm.s32 @p1 $0x1;
	p0 =	seq.s32 s7, s2  }
0x1e: {  	s7 =	smul.u32 @!p0 $0xF7A, s2;
	p2 =	seq.s32 @!p0 s5, $0x0  }
0x1f: {  	s9 =	smul.u32 $0xF7A, s1;
	s8 =	simm.s32 @!p0 $0x1BF5;
	p2 =	por !p2, p0  }
0x20: {  	[sflag:s8] =	ssyncset.s32 @!p0 $0xFFFFF086;
	s6 =	sadd.s32 @!p0 s3, s7;
	s7 =	simm.s32 @!p0 $0x108  }
0x21: {  	s3 =	sadd.s32 s3, s9;
	s6 =	sadd.s32 @!p0 $0x88, s6;
	s7 =	simm.s32 @p2 $0x1082  }
0x22: {  	[simem:s7], [sflag:s8] =	dma.local @!p0 [hbm:s6], $0xF7A  }
0x23: {  	s9 =	sor.u32 $0xD0000000, s2;
	s6 =	simm.s32 $0x108;
	_ =	swait.ge @!p0 [sflag:s8], $0x0  }
0x24: {  	s3 =	sadd.s32 $0x88, s3;
	s6 =	simm.s32 @!p1 $0x1082;
	[sflag:s4] =	ssyncset.s32 $0xFFFFF086  }
0x25: {  	[simem:s6], [sflag:s4] =	dma.local [hbm:s3], $0xF7A  }
0x26: {  	[smem:$0x3F98] =	sst s1;
	(tag) =	ssettag s2;
	_ =	strace s9  }
0x27: {  	s1 =	sld [smem:$0x3FA8]  }
0x28: {  	s2 =	sld [smem:$0x3FA9]  }
0x29: {  	s4 =	sld [smem:$0x3FAB]  }
0x2a: {  	p0 =	seq.s32 s5, $0x0;
	s5 =	sld [smem:$0x3FAC]  }
0x2b: {  	s6 =	sld [smem:$0x3FAD]  }
0x2c: {  	s7 =	sld [smem:$0x3FAE]  }
0x2d: {  	s3 =	simm.s32 $0x108;
	s8 =	sld [smem:$0x3FAF]  }
0x2e: {  	s3 =	simm.s32 @!p0 $0x1082;
	s9 =	sld [smem:$0x3FB0]  }
0x2f: {  	lr =	sadd.s32 s0, s3;
	s0 =	sld [smem:$0x3FA7]  }
0x30: {  	s3 =	sld [smem:$0x3FAA]  }
0x31: {  	[smem:$0x3FB3] =	sst s10  }
0x32: {  	s10 =	sld [smem:$0x3FB1];
	_ =	sdelay $0x3  }
0x33: {  	p0 =	seq.s32 s10, $0x1;
	s10 =	sld [smem:$0x3FB3];
	_ =	sdelay $0x3  }
0x34: {  	[smem:$0x3FB3] =	sst s10  }
0x35: {  	s10 =	sld [smem:$0x3FB2];
	_ =	sdelay $0x3  }
0x36: {  	p1 =	seq.s32 s10, $0x1;
	s10 =	sld [smem:$0x3FB3];
	_ =	sdelay $0x3  }
0x37: {  	[smem:$0x3FB3] =	sst s10  }
0x38: {  	s10 =	sld [smem:$0x3FB4]  }
0x39: {  	_ = 	snop;
	(pc) =	sbr.ind lr, $3  }
0x3a: {  	_ = 	snop  }
0x3b: {  	_ = 	snop  }
0x3c: {  	p2 =	seq.s32 s10, $0x1;
	s10 =	sld [smem:$0x3FB3]  }
0x3d: {  	_ =	shalt  }
0x3e: {  	_ =	shalt  }
0x3f: {  	_ =	shalt  }
0x40: {  	_ =	shalt  }
0x41: {  	_ =	shalt  }
0x42: {  	_ =	shalt  }
0x43: {  	_ =	shalt  }
0x44: {  	_ =	shalt  }
0x45: {  	_ =	shalt  }
0x46: {  	_ =	shalt  }
0x47: {  	_ =	shalt  }
0x48: {  	_ =	shalt  }
0x49: {  	_ =	shalt  }
0x4a: {  	_ =	shalt  }
0x4b: {  	_ =	shalt  }
0x4c: {  	_ =	shalt  }
0x4d: {  	_ =	shalt  }
0x4e: {  	_ =	shalt  }
0x4f: {  	_ =	shalt  }
0x50: {  	_ =	shalt  }
0x51: {  	_ =	shalt  }
0x52: {  	_ =	shalt  }
0x53: {  	_ =	shalt  }
0x54: {  	_ =	shalt  }
0x55: {  	_ =	shalt  }
0x56: {  	_ =	shalt  }
0x57: {  	_ =	shalt  }
0x58: {  	_ =	shalt  }
0x59: {  	_ =	shalt  }
0x5a: {  	_ =	shalt  }
0x5b: {  	_ =	shalt  }
0x5c: {  	_ =	shalt  }
0x5d: {  	_ =	shalt  }
0x5e: {  	_ =	shalt  }
0x5f: {  	_ =	shalt  }
0x60: {  	_ =	shalt  }
0x61: {  	_ =	shalt  }
0x62: {  	_ =	shalt  }
0x63: {  	_ =	shalt  }
0x64: {  	_ =	shalt  }
0x65: {  	_ =	shalt  }
0x66: {  	_ =	shalt  }
0x67: {  	_ =	shalt  }
0x68: {  	_ =	shalt  }
0x69: {  	_ =	shalt  }
0x6a: {  	_ =	shalt  }
0x6b: {  	_ =	shalt  }
0x6c: {  	_ =	shalt  }
0x6d: {  	_ =	shalt  }
0x6e: {  	_ =	shalt  }
0x6f: {  	_ =	shalt  }
0x70: {  	_ =	shalt  }
0x71: {  	_ =	shalt  }
0x72: {  	_ =	shalt  }
0x73: {  	_ =	shalt  }
0x74: {  	_ =	shalt  }
0x75: {  	_ =	shalt  }
0x76: {  	_ =	shalt  }
0x77: {  	_ =	shalt  }
0x78: {  	_ =	shalt  }
0x79: {  	_ =	shalt  }
0x7a: {  	_ =	shalt  }
0x7b: {  	_ =	shalt  }
0x7c: {  	_ =	shalt  }
0x7d: {  	_ =	shalt  }
0x7e: {  	_ =	shalt  }
0x7f: {  	_ =	shalt  }
0x80: {  	_ =	shalt  }
0x81: {  	_ =	shalt  }
0x82: {  	_ =	shalt  }
0x83: {  	_ =	shalt  }
0x84: {  	_ =	shalt  }
0x85: {  	_ =	shalt  }
0x86: {  	_ =	shalt  }
0x87: {  	_ =	shalt  }
.Lfunc_end0:
.L_simem_size_0:
called_computation.1_lowered:
.L_overlay_start_0:
0x88: {  	s2 =	sld [smem:$0x3FD9]  }
0x89: {  	s3 =	sld [smem:$0x3FFE];
	_ =	sdelay $0x1  }
0x8a: {  	s1 =	srdreg.scid  }
0x8b: {  	s0 =	sand.u32 $0x1, s1  }
0x8c: {  	s15 =	sshll.u32 s0, $0xA;
	s2 =	sadd.s32 s3, s2  }
0x8d: {  	s2 =	sadd.s32 s2, s15  }
0x8e: {  	[smem:$0x3FBF] =	sst s2  }
0x8f: {  	_ = 	snop  }
0x90: {  	s2 =	sld [smem:$0x3FD0];
	_ =	sdelay $0x2  }
0x91: {  	s16 =	simm.s32 $0xA;
	s4 =	simm.s32 $0x10  }
0x92: {  	[smem:s4], [sflag:s16] =	dma.local [hbm:s2], $0x1  }
0x93: {  	_ =	swait.eq [sflag:s16], $0x1  }
0x94: {  	[sflag:s16] =	ssyncset.done $0x0  }
0x95: {  	s17 =	sld [smem:$0x11];
	[sflag:s16] =	ssyncadd.s32 $0xFFFFFFFF  }
0x96: {  	s18 =	sld [smem:$0x12];
	(tm) =	ssettm $0x1  }
0x97: {  	s19 =	sld [smem:$0x3FFB];
	_ =	sdelay $0x3  }
0x98: {  	_ =	strace s19  }
0x99: {  	s4 =	sld [smem:$0x3FFC];
	_ =	sdelay $0x3  }
0x9a: {  	_ =	strace s4  }
0x9b: {  	s4 =	sld [smem:$0x3FFD];
	_ =	sdelay $0x3  }
0x9c: {  	_ =	strace s4  }
0x9d: {  	_ =	strace $0x8FFFFFFF  }
0x9e: {  	s20 =	sld [smem:$0x3FDB];
	_ =	sdelay $0x1  }
0x9f: {  	s5 =	simm.s32 $_scs_section_size  }
0xa0: {  	s6 =	simm.s32 $_size__tile_overlayer_lowered;
	s7 =	simm.s32 $_tile_overlayer_lowered  }
0xa1: {  	s23 =	simm.s32 $0x1BFF;
	s22 =	sshll.u32 s7, $0x1;
	s4 =	sadd.s32 s5, s20  }
0xa2: {  	s8 =	simm.s32 $0x0;
	s21 =	sshll.u32 s6, $0x1;
	s6 =	sadd.s32 s22, s4  }
0xa3: {  	[timem:s8], [sflag:s23] =	dma.local [hbm:s6], s21  }
0xa4: {  	_ =	swait.ge [sflag:s23], s21  }
0xa5: {  	s5 =	ssub.s32 $0x0, s21;
	[sflag:s23] =	ssyncset.done $0x0  }
0xa6: {  	[sflag:s23] =	ssyncadd.s32 s5;
	_ =	sdelay $0x1  }
0xa7: {  	s24 =	simm.s32 $0x1B8B  }
0xa8: {  	_ =	swait.ge [sflag:s24], $0x1  }
0xa9: {  	[sflag:s24] =	ssyncset.done $0x0  }
0xaa: {  	s25 =	simm.s32 $0x1B8E;
	[sflag:s24] =	ssyncadd.s32 $0xFFFFFFFF  }
0xab: {  	s26 =	simm.s32 $execute0_lowered;
	[smem:$0x3FD2] =	sst s25  }
0xac: {  	s5 =	sshll.u32 s26, $0x1;
	_ =	strace $0x80000046;
	[dreg:$0x1] =	wrdreg $0xFFFFFFFF  }
0xad: {  	s28 =	simm.s32 $_size_execute0_lowered;
	s4 =	sadd.s32 s4, s5;
	[dreg:$0x0] =	wrdreg $0x0  }
0xae: {  	s5 =	sshll.u32 s28, $0x1;
	[dreg:$0x2] =	wrdreg s4  }
0xaf: {  	[dreg:$0x3] =	wrdreg s5  }
0xb0: {  	[dreg:$0x4] =	wrdreg $0xC0  }
0xb1: {  	_ =	task [dreg:s8], $0x5FFFF  }
0xb2: {  	[dreg:$0x1] =	wrdreg $0xFFFFFFFF  }
0xb3: {  	[dreg:$0x0] =	wrdreg $0x60  }
0xb4: {  	[dreg:$0x2] =	wrdreg s18  }
0xb5: {  	[dreg:$0x3] =	wrdreg s17  }
0xb6: {  	[dreg:$0x4] =	wrdreg $0x9  }
0xb7: {  	_ =	task.clear_ibuf [dreg:s8], $0x5FFFF;
	_ =	strace $0x90000046  }
0xb8: {  	s29 =	simm.s32 $0x9;
	_ =	strace $0x80000048  }
0xb9: {  	_ =	swait.ge [sflag:s29], $0x1  }
0xba: {  	[sflag:s29] =	ssyncadd.s32 $0xFFFFFFFF  }
0xbb: {  	_ =	strace $0x90000048  }
0xbc: {  	_ =	sfence  }
0xbd: {  	s30 =	sld [smem:$0x0];
	_ =	sdelay $0x2  }
0xbe: {  	s31 =	sshll.u32 s1, $0xD;
	s1 =	sshrl.u32 s1, $0x2  }
0xbf: {  	s3 =	sand.u32 $0x4000, s31;
	s1 =	sadd.s32 s1, s30  }
0xc0: {  	s0 =	sor.u32 s3, s0;
	s1 =	sshll.u32 s1, $0x11  }
0xc1: {  	s0 =	sor.u32 s1, s0  }
0xc2: {  	s0 =	sadd.s32 $0x8F2B, s0  }
0xc3: {  	[sflag:s0] =	ssyncadd.remote.s32 $0x1  }
0xc4: {  	_ =	sfence.sel $0xFFFF  }
0xc5: {  	[dreg:$0x0] =	wrdreg $0xFFFFFFFF;
	(pc) =	sbr.abs _section_cstart, $3  }
0xc6: {  	[dreg:$0x1] =	wrdreg $0xFFFFFFFF  }
0xc7: {  	_ =	task.clear_ibuf [dreg:s8], $0x2FFFF;
	_ =	strace $0x9FFFFFFF  }
0xc8: {  	(tm) =	ssettm $0x7FFFFFFF  }
0xc9: {  	_ =	shalt  }
tec
execute0_lowered:
.L_overlay_start_1:
0x0: {  	(tag) =	ssettag $0x1  }
0x1: {  	s2 =	stileid.u32  }
0x2: {  	p0 =	sgt.u32 s2, $0x3  }
.Ltmp0:
0x3: {  	_ = 	snop;
	(pc) =	sbr.rel @p0 .LBB2_49-.Ltmp0, $4  }
0x4: {  	_ = 	snop  }
0x5: {  	s0 =	rddreg [dreg:$0x0];
	s5 =	simm.s32 $0x0  }
0x6: {  	[smem:$0x7FF] =	sst s5  }
0x7: {  	s1 =	rddreg [dreg:$0x1];
	_ =	strace $0x80000047  }
0x8: {  	s2 =	srdreg.scid;
	s4 =	stileid.u32;
	s9 =	simm.s32 $0x10000  }
0x9: {  	s11 =	simm.s32 $0x15000;
	s12 =	simm.s32 $0x17400;
	s2 =	sand.u32 $0x1, s2  }
0xa: {  	s13 =	simm.s32 $0x18400;
	s4 =	sshll.u32 s4, $0x4;
	s3 =	sshll.u32 s2, $0x6  }
.Ltmp1:
0xb: {  	s2 =	ssub.s32 $0x2, s2;
	s3 =	sadd.s32 s4, s3;
	(pc) =	sbr.rel .LBB2_2-.Ltmp1, $4  }
0xc: {  	v0 =	vlaneseq.u32;
	s15 =	simm.s32 $0x16400;
	s29 =	sshrl.u32 s2, $0x1;
	s1 =	sadd.s32 s1, s3  }
0xd: {  	v2 =	vmul.u32 $0xFFFFFFFF, v0;
	s30 =	ssub.s32 s2, s29;
	s0 =	sadd.s32 s0, s3;
	[dreg:$0x4] =	wrdreg s1  }
0xe: {  	s4 =	simm.s32 $0x1;
	[dreg:$0x5] =	wrdreg s0;
	s31 =	smax.u32 s30, $0x1  }
0xf: {  	v1 =	vimm.s32 $0x0;
	v3 =	vimm.s32 $0x3FFFFFFF;
	v2 =	vadd.s32 $0xF, v2;
	s2 =	simm.s32 $0x80;
	s3 =	simm.s32 $0x400;
	[dreg:$0x6] =	wrdreg s31  }
.LBB2_48:
0x10: {  	s0 =	rddreg [dreg:$0x4]  }
0x11: {  	[hbm4b:s0+s2] =	stream.strided.scatter [tilespmem:s13], [sflag:$0x1], $0x800, s3, s2, $0x38;
	[tilespmem:$0x19400] =	vst v63  }
0x12: {  	_ =	swait.ge [sflag:s4], $0x800  }
0x13: {  	s5 =	sadd.s32 $0x1, s5;
	s31 =	rddreg [dreg:$0x6]  }
0x14: {  	p0 =	sne.s32 s5, s31  }
.Ltmp2:
0x15: {  	_ = 	snop;
	(pc) =	sbr.rel @!p0 .LBB2_49-.Ltmp2, $3  }
0x16: {  	_ =	sdelay $0x1  }
0x17: {  	[sflag:s4] =	ssyncset.done $0x0  }
0x18: {  	[sflag:s4] =	ssyncadd.s32 $0xFFFFF800  }
.LBB2_2:
0x19: {  	s0 =	simm.s32 $0x0;
	s1 =	rddreg [dreg:$0x5]  }
0x1a: {  	[tilespmem:s0], [sflag:$0x1] =	stream.strided.gather [hbm4b:s1+s2], $0x10000, s3, s2, $0x38;
	[tilespmem:$0x19400] =	vst v63  }
0x1b: {  	_ =	swait.ge [sflag:s4], $0x10000  }
0x1c: {  	[sflag:s4] =	ssyncset.done $0x0  }
0x1d: {  	s2 =	simm.s32 $0x100;
	s1 =	simm.s32 $0x0;
	[sflag:s4] =	ssyncadd.s32 $0xFFFF0000  }
.LBB2_3:
0x1e: {  	p0 =	sne.s32 s2, $0x3F00;
	[tilespmem:s1+$0x10030] =	vst v1;
	s3 =	smov.u32 s2;
	s2 =	sadd.s32 $0x100, s2  }
.Ltmp3:
0x1f: {  	[tilespmem:s1+$0x10020] =	vst v1;
	(pc) =	sbr.rel @p0 .LBB2_3-.Ltmp3, $3  }
0x20: {  	[tilespmem:s1+$0x10000] =	vst v1  }
0x21: {  	[tilespmem:s1+$0x10010] =	vst v1;
	_ =	sdelay $0x1  }
0x22: {  	s1 =	sshra.s32 s3, $0x2  }
0x23: {  	[tilespmem:s1+$0x10030] =	vst v1  }
0x24: {  	[tilespmem:s1+$0x10020] =	vst v1  }
0x25: {  	[tilespmem:s1+$0x10000] =	vst v1  }
0x26: {  	[tilespmem:s1+$0x10010] =	vst v1  }
.LBB2_5:
0x27: {  	s1 =	sshra.s32 s0, $0x2  }
0x28: {  	v4 =	vld [tilespmem:s1+$0x0];
	_ =	sdelay $0x4  }
0x29: {  	v4 =	vshra.s32 v4, $0x14  }
0x2a: {  	vm0 =	vlt.s32 v4, $0x3FF  }
0x2b: {  	v4 =	vnsel vm0, $0x3FF, v4  }
0x2c: {  	(xrf1) =	vunique.msk.u32 $0xffff, v4;
	_ =	sdelay $0xd  }
0x2d: {  	_, v5, vm9 =	vpop (xrf1);
	_ =	sdelay $0x5  }
0x2e: {  	[tilespmem:v4+s9+$0x0] =	vst.idx.add.s32.msk vm9, v5  }
0x2f: {  	v4 =	vld [tilespmem:s1+$0x10];
	_ =	sdelay $0x4  }
0x30: {  	v4 =	vshra.s32 v4, $0x14  }
0x31: {  	vm10 =	vlt.s32 v4, $0x3FF  }
0x32: {  	v4 =	vnsel vm10, $0x3FF, v4  }
0x33: {  	(xrf1) =	vunique.msk.u32 $0xffff, v4;
	_ =	sdelay $0xd  }
0x34: {  	_, v5, vm11 =	vpop (xrf1)  }
0x35: {  	v4 =	vadd.s32 $0x400, v4;
	_ =	sdelay $0x4  }
0x36: {  	[tilespmem:v4+s9+$0x0] =	vst.idx.add.s32.msk vm11, v5  }
0x37: {  	v4 =	vld [tilespmem:s1+$0x20];
	_ =	sdelay $0x4  }
0x38: {  	v4 =	vshra.s32 v4, $0x14  }
0x39: {  	vm12 =	vlt.s32 v4, $0x3FF  }
0x3a: {  	v4 =	vnsel vm12, $0x3FF, v4  }
0x3b: {  	(xrf1) =	vunique.msk.u32 $0xffff, v4;
	_ =	sdelay $0xd  }
0x3c: {  	_, v5, vm13 =	vpop (xrf1)  }
0x3d: {  	v4 =	vadd.s32 $0x800, v4;
	_ =	sdelay $0x4  }
0x3e: {  	[tilespmem:v4+s9+$0x0] =	vst.idx.add.s32.msk vm13, v5  }
0x3f: {  	v4 =	vld [tilespmem:s1+$0x30];
	_ =	sdelay $0x4  }
0x40: {  	v4 =	vshra.s32 v4, $0x14  }
0x41: {  	vm14 =	vlt.s32 v4, $0x3FF  }
0x42: {  	v4 =	vnsel vm14, $0x3FF, v4  }
0x43: {  	(xrf1) =	vunique.msk.u32 $0xffff, v4;
	_ =	sdelay $0xd  }
0x44: {  	_, v5, vm15 =	vpop (xrf1)  }
0x45: {  	p0 =	sne.s32 s0, $0x3FF00;
	v4 =	vadd.s32 $0xC00, v4  }
.Ltmp4:
0x46: {  	_ = 	snop;
	(pc) =	sbr.rel @p0 .LBB2_5-.Ltmp4, $2  }
0x47: {  	_ =	sdelay $0x2  }
0x48: {  	s0 =	sadd.s32 $0x100, s0;
	[tilespmem:v4+s9+$0x0] =	vst.idx.add.s32.msk vm15, v5  }
0x49: {  	s0 =	simm.s32 $0x10BF0  }
0x4a: {  	v4 =	vld [tilespmem:s0+$0xFFFFF800]  }
0x4b: {  	v5 =	vld [tilespmem:s0+$0xFFFFFC00]  }
0x4c: {  	v6 =	vld [tilespmem:s0+$0x0]  }
0x4d: {  	v7 =	vld [tilespmem:s0+$0x400];
	_ =	sdelay $0x2  }
0x4e: {  	v4 =	vadd.s32 v4, v5  }
0x4f: {  	v4 =	vadd.s32 v6, v4  }
0x50: {  	s16 =	simm.s32 $0x10BE0;
	v6 =	vadd.s32 v7, v4  }
0x51: {  	v5 =	vld [tilespmem:s16+$0xFFFFFC00];
	(xrf0) =	vadd.scan.msk.s32 $0xffff, v6  }
0x52: {  	v4 =	vld [tilespmem:s16+$0xFFFFF800]  }
0x53: {  	v7 =	vld [tilespmem:s16+$0x0];
	v8 =	vperm.xlane v6, v2;
	_ =	sdelay $0x1  }
0x54: {  	v9 =	vld [tilespmem:s16+$0x400];
	(xrf0) =	vadd.scan.msk.s32 $0xffff, v8;
	_ =	sdelay $0x1  }
0x55: {  	v4 =	vadd.s32 v4, v5;
	v8, _, _ =	vpop (xrf0)  }
0x56: {  	v4 =	vadd.s32 v7, v4;
	(v2sf) =	vpush v8, $0xF;
	_ =	sdelay $0x1  }
0x57: {  	v7 =	vadd.s32 v9, v4  }
0x58: {  	(xrf0) =	vadd.scan.msk.s32 $0xffff, v7;
	v4, _, _ =	vpop (xrf0)  }
0x59: {  	v4 =	vperm.xlane v4, v2  }
0x5a: {  	s17 =	simm.s32 $0x10BD0;
	s16 =	simm.s32 $0x0  }
0x5b: {  	v5 =	vperm.xlane v7, v2;
	v8 =	vld [tilespmem:s17+$0xFFFFF800];
	v9 =	vadd.s32 s16, v4  }
0x5c: {  	v4 =	vld [tilespmem:s17+$0xFFFFFC00];
	vm0 =	vgt.s32 v9, $0x7FF  }
0x5d: {  	(xrf0) =	vadd.scan.msk.s32 $0xffff, v5;
	v5 =	vld [tilespmem:s17+$0x0];
	v11 =	vsel vm0, $0x1, v1  }
0x5e: {  	v12 =	vld [tilespmem:s17+$0x400];
	v10, _, _ =	vpop (xrf0);
	(xrf0) =	vadd.scan.msk.s32 $0xffff, v11  }
0x5f: {  	(v2sf) =	vpush v10, $0xF;
	_ =	sdelay $0x1  }
0x60: {  	s18 =	simm.s32 $0x10BC0;
	v4 =	vadd.s32 v8, v4  }
0x61: {  	v4 =	vadd.s32 v5, v4;
	v5 =	vld [tilespmem:s18+$0xFFFFF800]  }
0x62: {  	v8, _, _ =	vpop (xrf0);
	v10 =	vadd.s32 v12, v4;
	v4 =	vld [tilespmem:s18+$0xFFFFFC00]  }
0x63: {  	v11 =	vld [tilespmem:s18+$0x0];
	v8 =	vperm.xlane v8, v2;
	v13, _, _ =	vpop (xrf0);
	s1 =	spop (v2sf)  }
0x64: {  	v14 =	vld [tilespmem:s18+$0x400];
	v12 =	vperm.xlane v10, v2;
	(v2sf) =	vpush v13, $0xF;
	s1 =	sadd.s32 $0x0, s1  }
0x65: {  	(xrf0) =	vadd.scan.msk.s32 $0xffff, v10;
	v8 =	vadd.s32 s1, v8  }
0x66: {  	(xrf0) =	vadd.scan.msk.s32 $0xffff, v12;
	vm0 =	vgt.s32 v8, $0x7FF  }
0x67: {  	v4 =	vadd.s32 v5, v4;
	v12 =	vsel vm0, $0x1, v1  }
0x68: {  	v4 =	vadd.s32 v11, v4;
	(xrf0) =	vadd.scan.msk.s32 $0xffff, v12  }
0x69: {  	v5 =	vadd.s32 v14, v4  }
0x6a: {  	(xrf0) =	vadd.scan.msk.s32 $0xffff, v5  }
0x6b: {  	v4, _, _ =	vpop (xrf0)  }
0x6c: {  	s19 =	simm.s32 $0x10BB0;
	(v2sf) =	vpush v4, $0xF;
	v12, _, _ =	vpop (xrf0)  }
0x6d: {  	v11 =	vld [tilespmem:s19+$0xFFFFF800];
	s2 =	spop (v2sf);
	v12 =	vperm.xlane v12, v2  }
0x6e: {  	v4 =	vld [tilespmem:s19+$0xFFFFFC00];
	s1 =	sadd.s32 s1, s2;
	v14, _, _ =	vpop (xrf0)  }
0x6f: {  	v13 =	vld [tilespmem:s19+$0x0];
	v15 =	vperm.xlane v5, v2;
	v12 =	vadd.s32 s1, v12;
	(v2sf) =	vpush v14, $0xF  }
0x70: {  	v16 =	vld [tilespmem:s19+$0x400];
	vm0 =	vgt.s32 v12, $0x7FF;
	v14, _, _ =	vpop (xrf0)  }
0x71: {  	(xrf0) =	vadd.scan.msk.s32 $0xffff, v15;
	v15 =	vsel vm0, $0x1, v1;
	(v2sf) =	vpush v14, $0xF  }
0x72: {  	(xrf0) =	vadd.scan.msk.s32 $0xffff, v15  }
0x73: {  	v4 =	vadd.s32 v11, v4;
	s6 =	spop (v2sf)  }
0x74: {  	v4 =	vadd.s32 v13, v4;
	s20 =	sadd.s32 $0xFFFFFFFF, s6  }
0x75: {  	v4 =	vadd.s32 v16, v4;
	v11 =	vmov s20  }
0x76: {  	(xrf0) =	vadd.scan.msk.s32 $0xffff, v4;
	vm0 =	veq.s32 v11, v0  }
0x77: {  	s21 =	simm.s32 $0x10BA0;
	v13, _, _ =	vpop (xrf0);
	v11 =	vperm.xlane v4, v2;
	v15 =	vnsel vm0, $0x0, v6  }
0x78: {  	v16 =	vld [tilespmem:s21+$0xFFFFF800];
	v14, _, _ =	vpop (xrf0);
	(xrf0) =	vadd.scan.msk.s32 $0xffff, v15  }
0x79: {  	(v2sf) =	vpush v14, $0xF;
	v14 =	vld [tilespmem:s21+$0xFFFFFC00];
	(xrf0) =	vadd.scan.msk.s32 $0xffff, v11  }
0x7a: {  	v11 =	vld [tilespmem:s21+$0x0]  }
0x7b: {  	v17 =	vld [tilespmem:s21+$0x400];
	v13 =	vperm.xlane v13, v2;
	s22 =	spop (v2sf)  }
0x7c: {  	v15, _, _ =	vpop (xrf0);
	s23 =	sadd.s32 s1, s22  }
0x7d: {  	v6 =	vsub.s32 v9, v6;
	(v2sf) =	vpush v15, $0xF;
	v9 =	vadd.s32 s23, v13  }
0x7e: {  	v6 =	vnsel vm0, $0x0, v6;
	vm0 =	vgt.s32 v9, $0x7FF;
	v13 =	vadd.s32 v16, v14;
	v14, _, _ =	vpop (xrf0);
	s20 =	spop (v2sf)  }
0x7f: {  	(xrf0) =	vadd.scan.msk.s32 $0xffff, v6;
	v15 =	vsel vm0, $0x1, v1;
	v6 =	vadd.s32 v11, v13;
	v11, _, _ =	vpop (xrf0);
	s24 =	sadd.s32 $0xFFFFFFFF, s20  }
0x80: {  	v6 =	vadd.s32 v17, v6;
	v11 =	vperm.xlane v11, v2;
	s25 =	spop (v2sf);
	v13 =	vmov s24  }
0x81: {  	(xrf0) =	vadd.scan.msk.s32 $0xffff, v15;
	s0 =	sadd.s32 s23, s25;
	vm0 =	veq.s32 v13, v0;
	v13 =	vperm.xlane v6, v2  }
0x82: {  	s26 =	simm.s32 $0x10B90;
	(xrf0) =	vadd.scan.msk.s32 $0xffff, v6;
	v15 =	vnsel vm0, $0x0, v7;
	v7 =	vsub.s32 v8, v7;
	v8 =	vadd.s32 s0, v11  }
0x83: {  	v16 =	vld [tilespmem:s26+$0xFFFFF800];
	(xrf0) =	vadd.scan.msk.s32 $0xffff, v15;
	v7 =	vnsel vm0, $0x0, v7;
	vm0 =	vgt.s32 v8, $0x7FF  }
0x84: {  	v11 =	vld [tilespmem:s26+$0xFFFFFC00];
	(xrf0) =	vadd.scan.msk.s32 $0xffff, v13;
	v15 =	vsel vm0, $0x1, v1  }
0x85: {  	(v2sf) =	vpush v14, $0xF;
	v13 =	vld [tilespmem:s26+$0x0];
	(xrf0) =	vadd.scan.msk.s32 $0xffff, v7  }
0x86: {  	v17 =	vld [tilespmem:s26+$0x400];
	v7, _, _ =	vpop (xrf0);
	(xrf0) =	vadd.scan.msk.s32 $0xffff, v15  }
0x87: {  	v15, _, _ =	vpop (xrf0)  }
0x88: {  	v14 =	vsub.s32 v12, v10;
	(v2sf) =	vpush v15, $0xF;
	v12, _, _ =	vpop (xrf0)  }
0x89: {  	(v2sf) =	vpush v7, $0xF;
	v7 =	vadd.s32 v16, v11;
	v15, _, _ =	vpop (xrf0)  }
0x8a: {  	(v2sf) =	vpush v12, $0xF;
	v7 =	vadd.s32 v13, v7;
	v12, _, _ =	vpop (xrf0)  }
0x8b: {  	s25 =	spop (v2sf);
	v7 =	vadd.s32 v17, v7;
	v17, _, _ =	vpop (xrf0)  }
0x8c: {  	s31 =	spop (v2sf);
	(v2sf) =	vpush v15, $0xF;
	v19, _, _ =	vpop (xrf0)  }
0x8d: {  	[dreg:$0x3] =	wrdreg s5;
	(v2sf) =	vpush v19, $0xF  }
0x8e: {  	p0 =	por $0x0, $0x0;
	s1 =	simm.s32 $0x10B80;
	s30 =	sadd.s32 $0xFFFFFFFF, s25;
	(xrf0) =	vadd.scan.msk.s32 $0xffff, v7;
	(v2sf) =	vpush v17, $0xF  }
0x8f: {  	s3 =	simm.s32 $0x36F;
	p2 =	por !p0, !p0;
	s17 =	simm.s32 $0x38F;
	v11 =	vld [tilespmem:s1+$0xFFFFF800];
	v13 =	vmov s30  }
0x90: {  	s18 =	simm.s32 $0x39F;
	s19 =	simm.s32 $0x37F;
	p1 =	sgt.s32 s6, $0x0;
	v16 =	vperm.xlane v12, v2;
	vm0 =	veq.s32 v13, v0;
	v12 =	vld [tilespmem:s1+$0xFFFFFC00]  }
0x91: {  	s28 =	sadd.s32 $0x3EF, s6;
	p2 =	por !p1, !p2;
	s0 =	sadd.s32 s0, s31;
	v13 =	vld [tilespmem:s1+$0x0];
	v18 =	vperm.xlane v7, v2;
	v10 =	vnsel vm0, $0x0, v10  }
0x92: {  	s21 =	simm.s32 $0x0;
	s22 =	simm.s32 $0x3AF;
	v9 =	vsub.s32 v9, v5;
	s24 =	simm.s32 $0x3BF;
	v15 =	vnsel vm0, $0x0, v14;
	v14 =	vld [tilespmem:s1+$0x400];
	v16 =	vadd.s32 s0, v16;
	(xrf0) =	vadd.scan.msk.s32 $0xffff, v10  }
0x93: {  	s23 =	simm.s32 $0x0;
	v8 =	vsub.s32 v8, v4;
	s26 =	sadd.s32 $0x3DF, s20;
	s29 =	sadd.s32 $0x3CF, s25;
	(xrf0) =	vadd.scan.msk.s32 $0xffff, v18;
	v10 =	vsub.s32 v16, v6;
	vm0 =	vgt.s32 v16, $0x7FF  }
.LBB2_7:
0x94: {  	p3 =	sne.s32 s3, $0xFFFFFFFF;
	v16, _, _ =	vpop (xrf0);
	v17 =	vsel vm0, $0x1, v1;
	(xrf0) =	vadd.scan.msk.s32 $0xffff, v15;
	p2 =	por !p2, !p2;
	s2 =	spop (v2sf);
	v18 =	vmov v7;
	v15 =	vmov v9  }
0x95: {  	v9 =	vmovc v8;
	v8 =	vmov v10;
	v7 =	vadd.s32 v11, v12;
	(v2sf) =	vpush v16, $0xF;
	(xrf0) =	vadd.scan.msk.s32 $0xffff, v17;
	s16 =	smov.u32 @p2 s28;
	s23 =	smov.u32 @p2 s2;
	s28 =	smov.u32 s26  }
0x96: {  	s26 =	smov.u32 s29;
	s2 =	smov.u32 s17;
	s17 =	smov.u32 s19;
	v7 =	vadd.s32 v13, v7  }
0x97: {  	s19 =	smov.u32 s3;
	v7 =	vadd.s32 v14, v7;
	s4 =	spop (v2sf)  }
0x98: {  	s1 =	sadd.s32 $0xFFFFFFF0, s1;
	(xrf0) =	vadd.scan.msk.s32 $0xffff, v7;
	s6 =	sadd.s32 $0xFFFFFFFF, s4;
	v10, _, _ =	vpop (xrf0);
	s7 =	spop (v2sf)  }
.Ltmp5:
0x99: {  	s29 =	sadd.s32 s24, s4;
	v11 =	vld [tilespmem:s1+$0xFFFFF800];
	v13, _, _ =	vpop (xrf0);
	v14 =	vmov s6;
	(v2sf) =	vpush v10, $0xF;
	s21 =	smov.u32 @p2 s7;
	(pc) =	sbr.rel @p3 .LBB2_7-.Ltmp5, $4  }
0x9a: {  	s24 =	smov.u32 s22;
	s22 =	smov.u32 s18;
	v12 =	vld [tilespmem:s1+$0xFFFFFC00];
	v10 =	vperm.xlane v13, v2;
	s6 =	spop (v2sf);
	vm0 =	veq.s32 v14, v0;
	v16, _, _ =	vpop (xrf0)  }
0x9b: {  	p0 =	por p0, p1;
	v17 =	vperm.xlane v7, v2;
	s18 =	smov.u32 s2;
	v13 =	vld [tilespmem:s1+$0x0];
	s0 =	sadd.s32 s0, s6;
	v19, _, _ =	vpop (xrf0);
	v15 =	vnsel vm0, $0x0, v15;
	v21 =	vnsel vm0, $0x0, v5  }
0x9c: {  	p1 =	sgt.s32 s20, $0x0;
	s20 =	smov.u32 s25;
	p2 =	por !p0, !p0;
	v5 =	vmovc v4;
	v4 =	vmov v6;
	v14 =	vld [tilespmem:s1+$0x400];
	v20 =	vadd.s32 s0, v10;
	(v2sf) =	vpush v19, $0xF;
	(xrf0) =	vadd.scan.msk.s32 $0xffff, v21  }
0x9d: {  	s3 =	sadd.s32 $0xFFFFFFF0, s3;
	s25 =	smov.u32 s4;
	p2 =	por !p1, !p2;
	v6 =	vmovc v18;
	(xrf0) =	vadd.scan.msk.s32 $0xffff, v17;
	v10 =	vsub.s32 v20, v18;
	vm0 =	vgt.s32 v20, $0x7FF;
	(v2sf) =	vpush v16, $0xF  }
0x9e: {  	v16, _, _ =	vpop (xrf0)  }
0x9f: {  	s1 =	spop (v2sf);
	(v2sf) =	vpush v16, $0xF  }
0xa0: {  	s30 =	spop (v2sf)  }
0xa1: {  	s7 =	sadd.s32 $0xFFFFFFFF, s30  }
0xa2: {  	v11 =	vadd.s32 v11, v12;
	v51 =	vmov s7  }
0xa3: {  	v50 =	vsel vm0, $0x1, v1;
	(xrf0) =	vadd.scan.msk.s32 $0xffff, v15;
	v11 =	vadd.s32 v13, v11;
	vm9 =	veq.s32 v51, v0  }
0xa4: {  	(xrf0) =	vadd.scan.msk.s32 $0xffff, v50;
	v11 =	vadd.s32 v14, v11;
	v5 =	vnsel vm9, $0x0, v5  }
0xa5: {  	(xrf0) =	vadd.scan.msk.s32 $0xffff, v11;
	v52 =	vperm.xlane v11, v2  }
0xa6: {  	(xrf0) =	vadd.scan.msk.s32 $0xffff, v5  }
0xa7: {  	v5, _, _ =	vpop (xrf0);
	(xrf0) =	vadd.scan.msk.s32 $0xffff, v52  }
0xa8: {  	v53, _, _ =	vpop (xrf0)  }
0xa9: {  	s8 =	spop (v2sf);
	v54, _, _ =	vpop (xrf0)  }
0xaa: {  	s10 =	spop (v2sf);
	v55, _, _ =	vpop (xrf0)  }
0xab: {  	v12 =	vperm.xlane v53, v2;
	s4 =	spop (v2sf);
	v56, _, _ =	vpop (xrf0)  }
0xac: {  	[dreg:$0x7] =	wrdreg s1;
	s1 =	sadd.s32 s0, s10;
	s0 =	spop (v2sf);
	v57, _, _ =	vpop (xrf0)  }
0xad: {  	v9 =	vnsel vm9, $0x0, v9;
	v12 =	vadd.s32 s1, v12;
	s2 =	sadd.s32 $0xFFFFFFFF, s0;
	s3 =	spop (v2sf);
	v17, _, _ =	vpop (xrf0)  }
0xae: {  	vm10 =	vgt.s32 v12, $0x7FF;
	v18 =	vmov s2;
	v17 =	vperm.xlane v17, v2;
	s14 =	spop (v2sf)  }
0xaf: {  	(xrf0) =	vadd.scan.msk.s32 $0xffff, v9;
	v58 =	vsel vm10, $0x1, v1;
	vm11 =	veq.s32 v18, v0;
	s1 =	sadd.s32 s1, s14  }
0xb0: {  	(xrf0) =	vadd.scan.msk.s32 $0xffff, v58;
	v4 =	vnsel vm11, $0x0, v4;
	v59 =	vadd.s32 s1, v17  }
0xb1: {  	v8 =	vnsel vm11, $0x0, v8;
	(xrf0) =	vadd.scan.msk.s32 $0xffff, v4;
	vm12 =	vgt.s32 v59, $0x7FF  }
0xb2: {  	(v2sf) =	vpush v5, $0xF;
	(xrf0) =	vadd.scan.msk.s32 $0xffff, v8;
	v4 =	vsel vm12, $0x1, v1  }
0xb3: {  	(v2sf) =	vpush v55, $0xF;
	(xrf0) =	vadd.scan.msk.s32 $0xffff, v4  }
0xb4: {  	(v2sf) =	vpush v54, $0xF  }
0xb5: {  	(v2sf) =	vpush v56, $0xF;
	v4, _, _ =	vpop (xrf0)  }
0xb6: {  	(v2sf) =	vpush v57, $0xF;
	v5, _, _ =	vpop (xrf0)  }
0xb7: {  	(v2sf) =	vpush v5, $0xF;
	v5, _, _ =	vpop (xrf0)  }
0xb8: {  	(v2sf) =	vpush v4, $0xF;
	v4, _, _ =	vpop (xrf0)  }
0xb9: {  	(v2sf) =	vpush v5, $0xF;
	v5, _, _ =	vpop (xrf0)  }
0xba: {  	(v2sf) =	vpush v5, $0xF;
	_ =	sdelay $0x6  }
0xbb: {  	s5 =	spop (v2sf)  }
0xbc: {  	s1 =	spop (v2sf)  }
0xbd: {  	s14 =	spop (v2sf)  }
0xbe: {  	s31 =	spop (v2sf)  }
0xbf: {  	s7 =	sadd.s32 $0xFFFFFFFF, s1;
	s2 =	spop (v2sf)  }
0xc0: {  	v5 =	vmov s7;
	s31 =	spop (v2sf)  }
0xc1: {  	vm13 =	veq.s32 v5, v0;
	s10 =	spop (v2sf)  }
0xc2: {  	[dreg:$0x8] =	wrdreg s8;
	v5 =	vnsel vm13, $0x0, v6;
	s6 =	sadd.s32 $0xFFFFFFFF, s31;
	s8 =	spop (v2sf)  }
0xc3: {  	(xrf0) =	vadd.scan.msk.s32 $0xffff, v5;
	v5 =	vmov s6;
	s7 =	spop (v2sf)  }
0xc4: {  	v60 =	vnsel vm13, $0x0, v10;
	vm14 =	veq.s32 v5, v0;
	s6 =	sadd.s32 $0xFFFFFFFF, s7  }
0xc5: {  	v61 =	vsub.s32 v12, v7;
	(xrf0) =	vadd.scan.msk.s32 $0xffff, v60;
	v62 =	vnsel vm14, $0x0, v7;
	v5 =	vmov s6  }
0xc6: {  	v6 =	vnsel vm14, $0x0, v61;
	(xrf0) =	vadd.scan.msk.s32 $0xffff, v62;
	vm15 =	veq.s32 v5, v0;
	v5 =	vsub.s32 v59, v11  }
0xc7: {  	(xrf0) =	vadd.scan.msk.s32 $0xffff, v6;
	v63 =	vnsel vm15, $0x0, v11  }
0xc8: {  	(v2sf) =	vpush v4, $0xF;
	v4 =	vnsel vm15, $0x0, v5;
	(xrf0) =	vadd.scan.msk.s32 $0xffff, v63  }
0xc9: {  	v5, _, _ =	vpop (xrf0);
	(xrf0) =	vadd.scan.msk.s32 $0xffff, v4  }
0xca: {  	p2 =	por !p2, !p2;
	p0 =	por p0, p1;
	p4 =	sgt.s32 s20, $0x0  }
0xcb: {  	p1 =	sgt.s32 s25, $0x0;
	p3 =	por !p0, !p0;
	p0 =	por p0, p4;
	(v2sf) =	vpush v5, $0xF;
	v4, _, _ =	vpop (xrf0)  }
0xcc: {  	p3 =	por !p4, !p3;
	p4 =	por !p0, !p0;
	p0 =	por p0, p1;
	(v2sf) =	vpush v4, $0xF;
	v4, _, _ =	vpop (xrf0)  }
0xcd: {  	p6 =	sgt.s32 s30, $0x0;
	p5 =	por !p1, !p4;
	p1 =	por !p0, !p0;
	(v2sf) =	vpush v4, $0xF;
	v4, _, _ =	vpop (xrf0)  }
0xce: {  	s16 =	smov.u32 @p2 s28;
	p3 =	por !p3, !p3;
	p1 =	por !p6, !p1;
	(v2sf) =	vpush v4, $0xF;
	v4, _, _ =	vpop (xrf0)  }
0xcf: {  	p0 =	por p0, p6;
	s16 =	smov.u32 @p3 s26;
	p1 =	por !p1, !p1;
	(v2sf) =	vpush v4, $0xF;
	v4, _, _ =	vpop (xrf0)  }
0xd0: {  	p4 =	sgt.s32 s0, $0x0;
	s0 =	sadd.s32 s22, s0;
	s6 =	rddreg [dreg:$0x7];
	(v2sf) =	vpush v4, $0xF  }
0xd1: {  	p6 =	sgt.s32 s1, $0x0;
	s23 =	smov.u32 @p2 s6;
	s6 =	rddreg [dreg:$0x8]  }
0xd2: {  	s21 =	smov.u32 @p2 s6;
	s23 =	smov.u32 @p3 s4;
	p2 =	por !p5, !p5  }
0xd3: {  	p5 =	por p0, p4;
	s21 =	smov.u32 @p3 s3;
	s16 =	smov.u32 @p2 s29  }
0xd4: {  	s23 =	smov.u32 @p2 s5;
	s3 =	sadd.s32 s24, s30;
	p3 =	por !p0, !p0  }
0xd5: {  	p0 =	por !p5, !p5;
	s21 =	smov.u32 @p2 s14;
	p2 =	por !p4, !p3  }
0xd6: {  	s16 =	smov.u32 @p1 s3;
	s23 =	smov.u32 @p1 s2;
	p0 =	por !p6, !p0  }
0xd7: {  	p4 =	por p5, p6;
	p5 =	sgt.s32 s31, $0x0;
	p6 =	sgt.s32 s7, $0x0  }
0xd8: {  	p2 =	por !p2, !p2;
	s21 =	smov.u32 @p1 s10;
	p0 =	por !p0, !p0  }
0xd9: {  	p1 =	por !p4, !p4;
	s16 =	smov.u32 @p2 s0;
	s0 =	spop (v2sf)  }
0xda: {  	p1 =	por !p5, !p1;
	s21 =	smov.u32 @p2 s0;
	s0 =	spop (v2sf)  }
0xdb: {  	s23 =	smov.u32 @p2 s8;
	p1 =	por !p1, !p1;
	s2 =	spop (v2sf)  }
0xdc: {  	p2 =	por p4, p5;
	s23 =	smov.u32 @p0 s0;
	s0 =	spop (v2sf)  }
0xdd: {  	p2 =	por !p2, !p2;
	s21 =	smov.u32 @p0 s2;
	s2 =	spop (v2sf)  }
0xde: {  	p2 =	por !p6, !p2;
	s23 =	smov.u32 @p1 s0;
	s0 =	spop (v2sf)  }
0xdf: {  	p2 =	por !p2, !p2;
	s21 =	smov.u32 @p1 s2;
	s2 =	spop (v2sf)  }
0xe0: {  	s23 =	smov.u32 @p2 s0;
	s21 =	smov.u32 @p2 s2  }
0xe1: {  	s1 =	sadd.s32 s18, s1;
	s0 =	sadd.s32 s17, s31;
	s31 =	sadd.s32 s21, s23  }
0xe2: {  	s16 =	smov.u32 @p0 s1;
	p0 =	sgt.s32 s31, $0xFC0  }
.Ltmp6:
0xe3: {  	_ = 	snop;
	(pc) =	sbr.rel @!p0 .LBB2_20-.Ltmp6, $3  }
0xe4: {  	_ =	sdelay $0x1  }
0xe5: {  	s2 =	sadd.s32 s19, s7;
	s16 =	smov.u32 @p1 s0  }
0xe6: {  	s16 =	smov.u32 @p2 s2  }
0xe7: {  	s14 =	ssub.s32 $0x800, s21;
	s1 =	simm.s32 $0x100;
	s0 =	simm.s32 $0x0  }
.LBB2_10:
0xe8: {  	p0 =	seq.s32 s1, $0xFF00;
	[tilespmem:s0+$0x11030] =	vst v1;
	s2 =	smov.u32 s1;
	s1 =	sadd.s32 $0x100, s1  }
.Ltmp7:
0xe9: {  	[tilespmem:s0+$0x11020] =	vst v1;
	(pc) =	sbr.rel @!p0 .LBB2_10-.Ltmp7, $3  }
0xea: {  	[tilespmem:s0+$0x11000] =	vst v1  }
0xeb: {  	[tilespmem:s0+$0x11010] =	vst v1;
	_ =	sdelay $0x1  }
0xec: {  	s0 =	sshra.s32 s2, $0x2  }
0xed: {  	[tilespmem:s0+$0x11030] =	vst v1  }
0xee: {  	[tilespmem:s0+$0x11020] =	vst v1  }
0xef: {  	[tilespmem:s0+$0x11000] =	vst v1  }
0xf0: {  	[tilespmem:s0+$0x11010] =	vst v1;
	v4 =	vmov s16;
	s0 =	simm.s32 $0x0;
	s2 =	simm.s32 $0x11000  }
.LBB2_12:
0xf1: {  	s1 =	sshra.s32 s0, $0x2  }
0xf2: {  	v5 =	vld [tilespmem:s1+$0x0];
	_ =	sdelay $0x4  }
0xf3: {  	v6 =	vshra.s32 v5, $0x14;
	v5 =	vshrl.u32 v5, $0x8  }
0xf4: {  	vm0 =	veq.s32 v6, v4;
	v5 =	vand.u32 $0xFFF, v5  }
0xf5: {  	(xrf1) =	vunique.msk.u32 vm0, v5;
	_ =	sdelay $0xd  }
0xf6: {  	_, v6, vm1 =	vpop (xrf1)  }
0xf7: {  	vm0 =	vmand vm0, vm1;
	_ =	sdelay $0x5  }
0xf8: {  	[tilespmem:v5+s2+$0x0] =	vst.idx.add.s32.msk vm0, v6  }
0xf9: {  	v5 =	vld [tilespmem:s1+$0x10];
	_ =	sdelay $0x4  }
0xfa: {  	v6 =	vshra.s32 v5, $0x14;
	v5 =	vshrl.u32 v5, $0x8  }
0xfb: {  	vm10 =	veq.s32 v6, v4;
	v5 =	vand.u32 $0xFFF, v5  }
0xfc: {  	(xrf1) =	vunique.msk.u32 vm10, v5;
	_ =	sdelay $0xd  }
0xfd: {  	_, v6, vm11 =	vpop (xrf1)  }
0xfe: {  	vm0 =	vmand vm10, vm11  }
0xff: {  	v5 =	vor.u32 $0x1000, v5;
	_ =	sdelay $0x4  }
0x100: {  	[tilespmem:v5+s2+$0x0] =	vst.idx.add.s32.msk vm0, v6  }
0x101: {  	v5 =	vld [tilespmem:s1+$0x20];
	_ =	sdelay $0x4  }
0x102: {  	v6 =	vshra.s32 v5, $0x14;
	v5 =	vshrl.u32 v5, $0x8  }
0x103: {  	vm12 =	veq.s32 v6, v4;
	v5 =	vand.u32 $0xFFF, v5  }
0x104: {  	(xrf1) =	vunique.msk.u32 vm12, v5;
	_ =	sdelay $0xd  }
0x105: {  	_, v6, vm13 =	vpop (xrf1)  }
0x106: {  	vm0 =	vmand vm12, vm13  }
0x107: {  	v5 =	vor.u32 $0x2000, v5;
	_ =	sdelay $0x4  }
0x108: {  	[tilespmem:v5+s2+$0x0] =	vst.idx.add.s32.msk vm0, v6  }
0x109: {  	v5 =	vld [tilespmem:s1+$0x30];
	_ =	sdelay $0x4  }
0x10a: {  	v6 =	vshra.s32 v5, $0x14;
	v5 =	vshrl.u32 v5, $0x8  }
0x10b: {  	vm14 =	veq.s32 v6, v4;
	v5 =	vand.u32 $0xFFF, v5  }
0x10c: {  	(xrf1) =	vunique.msk.u32 vm14, v5;
	_ =	sdelay $0xd  }
0x10d: {  	_, v6, vm15 =	vpop (xrf1)  }
0x10e: {  	vm0 =	vmand vm14, vm15  }
0x10f: {  	p0 =	seq.s32 s0, $0x3FF00;
	v5 =	vor.u32 $0x3000, v5  }
.Ltmp8:
0x110: {  	_ = 	snop;
	(pc) =	sbr.rel @!p0 .LBB2_12-.Ltmp8, $2  }
0x111: {  	_ =	sdelay $0x2  }
0x112: {  	s0 =	sadd.s32 $0x100, s0;
	[tilespmem:v5+s2+$0x0] =	vst.idx.add.s32.msk vm0, v6  }
0x113: {  	s0 =	simm.s32 $0x13FF0  }
0x114: {  	v5 =	vld [tilespmem:s0+$0xFFFFE000]  }
0x115: {  	v6 =	vld [tilespmem:s0+$0xFFFFF000]  }
0x116: {  	v7 =	vld [tilespmem:s0+$0x0]  }
0x117: {  	v8 =	vld [tilespmem:s0+$0x1000];
	_ =	sdelay $0x2  }
0x118: {  	v5 =	vadd.s32 v5, v6  }
0x119: {  	s6 =	simm.s32 $0x13FE0;
	v5 =	vadd.s32 v7, v5  }
0x11a: {  	v6 =	vld [tilespmem:s6+$0xFFFFE000];
	v5 =	vadd.s32 v8, v5  }
0x11b: {  	v7 =	vld [tilespmem:s6+$0xFFFFF000];
	(xrf0) =	vadd.scan.msk.s32 $0xffff, v5  }
0x11c: {  	v8 =	vld [tilespmem:s6+$0x0]  }
0x11d: {  	v10 =	vld [tilespmem:s6+$0x1000];
	v9 =	vperm.xlane v5, v2;
	_ =	sdelay $0x2  }
0x11e: {  	(xrf0) =	vadd.scan.msk.s32 $0xffff, v9;
	v6 =	vadd.s32 v6, v7  }
0x11f: {  	v6 =	vadd.s32 v8, v6;
	v9, _, _ =	vpop (xrf0)  }
0x120: {  	v6 =	vadd.s32 v10, v6;
	(v2sf) =	vpush v9, $0xF  }
0x121: {  	(xrf0) =	vadd.scan.msk.s32 $0xffff, v6;
	_ =	sdelay $0x1  }
0x122: {  	v8 =	vperm.xlane v6, v2  }
0x123: {  	s7 =	simm.s32 $0x13FD0;
	v7, _, _ =	vpop (xrf0)  }
0x124: {  	v10 =	vld [tilespmem:s7+$0xFFFFF000];
	v7 =	vperm.xlane v7, v2  }
0x125: {  	s18 =	simm.s32 $0x0;
	v9 =	vld [tilespmem:s7+$0xFFFFE000]  }
0x126: {  	v4 =	vmov s14;
	(xrf0) =	vadd.scan.msk.s32 $0xffff, v8;
	v11 =	vadd.s32 s18, v7;
	v7 =	vld [tilespmem:s7+$0x0];
	v8, _, _ =	vpop (xrf0)  }
0x127: {  	v12 =	vld [tilespmem:s7+$0x1000];
	vm0 =	vge.s32 v11, v4;
	(v2sf) =	vpush v8, $0xF  }
0x128: {  	v13 =	vsel vm0, $0x1, v1  }
0x129: {  	(xrf0) =	vadd.scan.msk.s32 $0xffff, v13  }
0x12a: {  	v8 =	vadd.s32 v9, v10  }
0x12b: {  	v7 =	vadd.s32 v7, v8  }
0x12c: {  	v9 =	vadd.s32 v12, v7  }
0x12d: {  	s8 =	simm.s32 $0x13FC0;
	v8, _, _ =	vpop (xrf0);
	v12 =	vperm.xlane v9, v2  }
0x12e: {  	v10 =	vld [tilespmem:s8+$0xFFFFF000];
	v8 =	vperm.xlane v8, v2;
	(xrf0) =	vadd.scan.msk.s32 $0xffff, v9;
	s1 =	spop (v2sf)  }
0x12f: {  	v7 =	vld [tilespmem:s8+$0xFFFFE000];
	v14, _, _ =	vpop (xrf0);
	(xrf0) =	vadd.scan.msk.s32 $0xffff, v12;
	s1 =	sadd.s32 $0x0, s1  }
0x130: {  	v15 =	vadd.s32 s1, v8  }
0x131: {  	v13 =	vld [tilespmem:s8+$0x0];
	vm0 =	vge.s32 v15, v4  }
0x132: {  	(v2sf) =	vpush v14, $0xF;
	v8 =	vld [tilespmem:s8+$0x1000];
	v12 =	vsel vm0, $0x1, v1;
	_ =	sdelay $0x1  }
0x133: {  	v7 =	vadd.s32 v7, v10;
	v10, _, _ =	vpop (xrf0);
	(xrf0) =	vadd.scan.msk.s32 $0xffff, v12  }
0x134: {  	v12, _, _ =	vpop (xrf0)  }
0x135: {  	v7 =	vadd.s32 v13, v7;
	s2 =	spop (v2sf);
	v12 =	vperm.xlane v12, v2  }
0x136: {  	s10 =	simm.s32 $0x13FB0;
	(v2sf) =	vpush v10, $0xF;
	v7 =	vadd.s32 v8, v7;
	s1 =	sadd.s32 s1, s2  }
0x137: {  	v10 =	vld [tilespmem:s10+$0xFFFFF000];
	(xrf0) =	vadd.scan.msk.s32 $0xffff, v7;
	v16 =	vperm.xlane v7, v2;
	v18 =	vadd.s32 s1, v12  }
0x138: {  	v8 =	vld [tilespmem:s10+$0xFFFFE000];
	vm0 =	vge.s32 v18, v4  }
0x139: {  	v13 =	vld [tilespmem:s10+$0x0];
	v14, _, _ =	vpop (xrf0);
	(xrf0) =	vadd.scan.msk.s32 $0xffff, v16;
	v12 =	vsel vm0, $0x1, v1  }
0x13a: {  	v17 =	vld [tilespmem:s10+$0x1000];
	(xrf0) =	vadd.scan.msk.s32 $0xffff, v12  }
0x13b: {  	(v2sf) =	vpush v14, $0xF;
	_ =	sdelay $0x1  }
0x13c: {  	v8 =	vadd.s32 v8, v10;
	v14, _, _ =	vpop (xrf0)  }
0x13d: {  	v8 =	vadd.s32 v13, v8;
	(v2sf) =	vpush v14, $0xF  }
0x13e: {  	v8 =	vadd.s32 v17, v8;
	v10, _, _ =	vpop (xrf0)  }
0x13f: {  	v5 =	vsub.s32 v11, v5;
	s3 =	spop (v2sf);
	(xrf0) =	vadd.scan.msk.s32 $0xffff, v8;
	v11, _, _ =	vpop (xrf0)  }
0x140: {  	s17 =	sadd.s32 $0xFFFFFFFF, s3;
	(v2sf) =	vpush v11, $0xF  }
0x141: {  	s19 =	simm.s32 $0x13FA0;
	v12 =	vmov s17  }
0x142: {  	v14 =	vld [tilespmem:s19+$0xFFFFF000];
	vm0 =	veq.s32 v12, v0  }
0x143: {  	v13 =	vperm.xlane v8, v2;
	v12 =	vld [tilespmem:s19+$0xFFFFE000];
	v5 =	vnsel vm0, $0x0, v5  }
0x144: {  	v10 =	vperm.xlane v10, v2;
	s20 =	spop (v2sf);
	(xrf0) =	vadd.scan.msk.s32 $0xffff, v5  }
0x145: {  	s21 =	sadd.s32 s1, s20;
	(xrf0) =	vadd.scan.msk.s32 $0xffff, v13;
	v11, _, _ =	vpop (xrf0)  }
0x146: {  	v5 =	vld [tilespmem:s19+$0x0];
	(v2sf) =	vpush v11, $0xF;
	v11 =	vadd.s32 s21, v10  }
0x147: {  	vm0 =	vge.s32 v11, v4  }
0x148: {  	v13 =	vld [tilespmem:s19+$0x1000];
	v10 =	vadd.s32 v12, v14;
	v12 =	vsel vm0, $0x1, v1  }
0x149: {  	s23 =	spop (v2sf)  }
0x14a: {  	v14, _, _ =	vpop (xrf0);
	s22 =	sadd.s32 $0xFFFFFFFF, s23  }
0x14b: {  	v5 =	vadd.s32 v5, v10;
	(xrf0) =	vadd.scan.msk.s32 $0xffff, v12;
	v12, _, _ =	vpop (xrf0);
	v10 =	vmov s22  }
0x14c: {  	s24 =	simm.s32 $0x13F90;
	vm0 =	veq.s32 v10, v0;
	v10 =	vperm.xlane v12, v2;
	s25 =	spop (v2sf)  }
0x14d: {  	v6 =	vsub.s32 v15, v6;
	v15 =	vld [tilespmem:s24+$0xFFFFF000];
	v5 =	vadd.s32 v13, v5;
	s2 =	sadd.s32 s21, s25  }
0x14e: {  	v13 =	vld [tilespmem:s24+$0xFFFFE000];
	(xrf0) =	vadd.scan.msk.s32 $0xffff, v5;
	v12 =	vperm.xlane v5, v2;
	v6 =	vnsel vm0, $0x0, v6;
	v10 =	vadd.s32 s2, v10  }
0x14f: {  	(xrf0) =	vadd.scan.msk.s32 $0xffff, v6;
	vm0 =	vge.s32 v10, v4;
	s29 =	spop (v2sf);
	(v2sf) =	vpush v14, $0xF  }
0x150: {  	(xrf0) =	vadd.scan.msk.s32 $0xffff, v12;
	v16 =	vsel vm0, $0x1, v1  }
0x151: {  	v17, _, _ =	vpop (xrf0);
	v6 =	vld [tilespmem:s24+$0x0];
	(xrf0) =	vadd.scan.msk.s32 $0xffff, v16  }
0x152: {  	v12 =	vld [tilespmem:s24+$0x1000];
	(v2sf) =	vpush v17, $0xF  }
0x153: {  	v13 =	vadd.s32 v13, v15  }
0x154: {  	v16, _, _ =	vpop (xrf0)  }
0x155: {  	v14, _, _ =	vpop (xrf0);
	(v2sf) =	vpush v16, $0xF  }
0x156: {  	v6 =	vadd.s32 v6, v13;
	v13, _, _ =	vpop (xrf0)  }
0x157: {  	p0 =	por $0x0, $0x0;
	v6 =	vadd.s32 v12, v6;
	(v2sf) =	vpush v14, $0xF;
	v63, _, _ =	vpop (xrf0)  }
0x158: {  	s0 =	simm.s32 $0x13F80;
	s26 =	sadd.s32 $0xFFFFFFFF, s29;
	s31 =	spop (v2sf);
	(xrf0) =	vadd.scan.msk.s32 $0xffff, v6;
	(v2sf) =	vpush v63, $0xF  }
0x159: {  	p2 =	por !p0, !p0;
	p1 =	sgt.s32 s3, $0x0;
	v15 =	vmov s26;
	v12 =	vld [tilespmem:s0+$0xFFFFE000]  }
0x15a: {  	v9 =	vsub.s32 v18, v9;
	p2 =	por !p1, !p2;
	s20 =	simm.s32 $0xF8F;
	s19 =	simm.s32 $0x0;
	vm0 =	veq.s32 v15, v0;
	v17 =	vperm.xlane v13, v2;
	v13 =	vld [tilespmem:s0+$0xFFFFF000]  }
0x15b: {  	s28 =	sadd.s32 $0xFDF, s23;
	s22 =	simm.s32 $0xF7F;
	s1 =	sadd.s32 s2, s31;
	v16 =	vperm.xlane v6, v2;
	v15 =	vnsel vm0, $0x0, v9;
	v14 =	vld [tilespmem:s0+$0x0]  }
0x15c: {  	s25 =	simm.s32 $0xFBF;
	s21 =	simm.s32 $0xF9F;
	s24 =	simm.s32 $0xFAF;
	(xrf0) =	vadd.scan.msk.s32 $0xffff, v15;
	v15 =	vld [tilespmem:s0+$0x1000];
	v9 =	vadd.s32 s1, v17  }
0x15d: {  	s30 =	sadd.s32 $0xFCF, s29;
	s26 =	sadd.s32 $0xFEF, s3;
	s3 =	simm.s32 $0xF6F;
	(xrf0) =	vadd.scan.msk.s32 $0xffff, v16;
	vm0 =	vge.s32 v9, v4  }
.LBB2_14:
0x15e: {  	p3 =	sne.s32 s3, $0xFFFFFFFF;
	v16, _, _ =	vpop (xrf0);
	v17 =	vsel vm0, $0x1, v1;
	p2 =	por !p2, !p2;
	s2 =	spop (v2sf)  }
0x15f: {  	v12 =	vadd.s32 v12, v13;
	(v2sf) =	vpush v16, $0xF;
	(xrf0) =	vadd.scan.msk.s32 $0xffff, v17;
	s18 =	smov.u32 @p2 s26;
	s19 =	smov.u32 @p2 s2;
	s26 =	smov.u32 s28  }
0x160: {  	s28 =	smov.u32 s30;
	v12 =	vadd.s32 v14, v12  }
0x161: {  	v16 =	vadd.s32 v15, v12;
	s2 =	spop (v2sf)  }
0x162: {  	s0 =	sadd.s32 $0xFFFFFFF0, s0;
	(xrf0) =	vadd.scan.msk.s32 $0xffff, v16;
	s4 =	sadd.s32 $0xFFFFFFFF, s2;
	s30 =	sadd.s32 s25, s2;
	v13, _, _ =	vpop (xrf0)  }
.Ltmp9:
0x163: {  	s25 =	smov.u32 s24;
	s24 =	smov.u32 s21;
	v12 =	vld [tilespmem:s0+$0xFFFFE000];
	v14, _, _ =	vpop (xrf0);
	v15 =	vmov s4;
	(v2sf) =	vpush v13, $0xF;
	(pc) =	sbr.rel @p3 .LBB2_14-.Ltmp9, $4  }
0x164: {  	v11 =	vsub.s32 v11, v7;
	v7 =	vmovc v8;
	s21 =	smov.u32 s20;
	s20 =	smov.u32 s22;
	v13 =	vld [tilespmem:s0+$0xFFFFF000];
	v17 =	vperm.xlane v14, v2;
	s4 =	spop (v2sf);
	vm0 =	veq.s32 v15, v0  }
0x165: {  	p0 =	por p0, p1;
	v8 =	vmov v5;
	v18 =	vperm.xlane v16, v2;
	s22 =	smov.u32 s3;
	v14 =	vld [tilespmem:s0+$0x0];
	s1 =	sadd.s32 s1, s4;
	v19, _, _ =	vpop (xrf0);
	v20 =	vnsel vm0, $0x0, v11  }
0x166: {  	p1 =	sgt.s32 s23, $0x0;
	v5 =	vmovc v6;
	s23 =	smov.u32 s29;
	p2 =	por !p0, !p0;
	v6 =	vmov v16;
	v15 =	vld [tilespmem:s0+$0x1000];
	v17 =	vadd.s32 s1, v17;
	(v2sf) =	vpush v19, $0xF;
	(xrf0) =	vadd.scan.msk.s32 $0xffff, v20  }
0x167: {  	p2 =	por !p1, !p2;
	s3 =	sadd.s32 $0xFFFFFFF0, s3;
	s29 =	smov.u32 s2;
	v11 =	vmovc v10;
	v10 =	vmov v9;
	(xrf0) =	vadd.scan.msk.s32 $0xffff, v18;
	vm0 =	vge.s32 v17, v4;
	v9 =	vmov v17  }
0x168: {  	v16, _, _ =	vpop (xrf0)  }
0x169: {  	(v2sf) =	vpush v16, $0xF  }
0x16a: {  	s0 =	spop (v2sf)  }
0x16b: {  	s31 =	spop (v2sf)  }
0x16c: {  	v12 =	vadd.s32 v12, v13;
	s2 =	sadd.s32 $0xFFFFFFFF, s31  }
0x16d: {  	v55 =	vsel vm0, $0x1, v1;
	v12 =	vadd.s32 v14, v12;
	v56 =	vmov s2  }
0x16e: {  	v7 =	vsub.s32 v11, v7;
	(xrf0) =	vadd.scan.msk.s32 $0xffff, v55;
	v12 =	vadd.s32 v15, v12;
	vm9 =	veq.s32 v56, v0  }
0x16f: {  	[tilespmem:$0x15000] =	vst v1;
	(xrf0) =	vadd.scan.msk.s32 $0xffff, v12;
	v57 =	vperm.xlane v12, v2;
	v7 =	vnsel vm9, $0x0, v7  }
0x170: {  	[tilespmem:$0x15010] =	vst v1;
	(xrf0) =	vadd.scan.msk.s32 $0xffff, v7  }
0x171: {  	[tilespmem:$0x15020] =	vst v1;
	(xrf0) =	vadd.scan.msk.s32 $0xffff, v57  }
0x172: {  	[tilespmem:$0x15030] =	vst v1;
	v7, _, _ =	vpop (xrf0)  }
0x173: {  	[tilespmem:$0x15040] =	vst v1;
	v58, _, _ =	vpop (xrf0)  }
0x174: {  	[tilespmem:$0x15050] =	vst v1;
	v13, _, _ =	vpop (xrf0)  }
0x175: {  	[tilespmem:$0x15060] =	vst v1;
	s4 =	spop (v2sf);
	v59, _, _ =	vpop (xrf0)  }
0x176: {  	[tilespmem:$0x15070] =	vst v1;
	v11 =	vperm.xlane v58, v2;
	s6 =	spop (v2sf);
	v60, _, _ =	vpop (xrf0)  }
0x177: {  	[tilespmem:$0x15080] =	vst v1;
	s2 =	sadd.s32 s1, s4;
	s1 =	spop (v2sf);
	v61, _, _ =	vpop (xrf0)  }
0x178: {  	[tilespmem:$0x15090] =	vst v1;
	v11 =	vadd.s32 s2, v11;
	s3 =	sadd.s32 $0xFFFFFFFF, s1;
	v16 =	vperm.xlane v61, v2;
	s4 =	spop (v2sf)  }
0x179: {  	v8 =	vsub.s32 v10, v8;
	[tilespmem:$0x150A0] =	vst v1;
	vm10 =	vge.s32 v11, v4;
	v62 =	vmov s3;
	s2 =	sadd.s32 s2, s4  }
0x17a: {  	[tilespmem:$0x150B0] =	vst v1;
	v17 =	vsel vm10, $0x1, v1;
	vm11 =	veq.s32 v62, v0;
	v63 =	vadd.s32 s2, v16  }
0x17b: {  	[tilespmem:$0x150C0] =	vst v1;
	(xrf0) =	vadd.scan.msk.s32 $0xffff, v17;
	v8 =	vnsel vm11, $0x0, v8;
	vm12 =	vge.s32 v63, v4  }
0x17c: {  	[tilespmem:$0x150D0] =	vst v1;
	(xrf0) =	vadd.scan.msk.s32 $0xffff, v8;
	v4 =	vsel vm12, $0x1, v1  }
0x17d: {  	[tilespmem:$0x150E0] =	vst v1;
	(xrf0) =	vadd.scan.msk.s32 $0xffff, v4  }
0x17e: {  	[tilespmem:$0x150F0] =	vst v1;
	(v2sf) =	vpush v7, $0xF  }
0x17f: {  	[tilespmem:$0x15100] =	vst v1;
	(v2sf) =	vpush v13, $0xF  }
0x180: {  	[tilespmem:$0x15110] =	vst v1;
	(v2sf) =	vpush v59, $0xF  }
0x181: {  	[tilespmem:$0x15120] =	vst v1;
	(v2sf) =	vpush v60, $0xF;
	v4, _, _ =	vpop (xrf0)  }
0x182: {  	[tilespmem:$0x15130] =	vst v1;
	(v2sf) =	vpush v4, $0xF;
	v4, _, _ =	vpop (xrf0)  }
0x183: {  	[tilespmem:$0x15140] =	vst v1;
	(v2sf) =	vpush v4, $0xF;
	v4, _, _ =	vpop (xrf0)  }
0x184: {  	[tilespmem:$0x15150] =	vst v1;
	(v2sf) =	vpush v4, $0xF  }
0x185: {  	[tilespmem:$0x15160] =	vst v1  }
0x186: {  	[tilespmem:$0x15170] =	vst v1  }
0x187: {  	[tilespmem:$0x15180] =	vst v1  }
0x188: {  	[tilespmem:$0x15190] =	vst v1  }
0x189: {  	[tilespmem:$0x151A0] =	vst v1  }
0x18a: {  	[tilespmem:$0x151B0] =	vst v1  }
0x18b: {  	[tilespmem:$0x151C0] =	vst v1  }
0x18c: {  	[tilespmem:$0x151D0] =	vst v1  }
0x18d: {  	[tilespmem:$0x151E0] =	vst v1;
	s8 =	spop (v2sf)  }
0x18e: {  	[tilespmem:$0x151F0] =	vst v1;
	s7 =	spop (v2sf)  }
0x18f: {  	[tilespmem:$0x15200] =	vst v1;
	s5 =	spop (v2sf)  }
0x190: {  	[tilespmem:$0x15210] =	vst v1;
	s17 =	spop (v2sf)  }
0x191: {  	[tilespmem:$0x15220] =	vst v1;
	s10 =	sadd.s32 $0xFFFFFFFF, s7;
	s3 =	spop (v2sf)  }
0x192: {  	[tilespmem:$0x15230] =	vst v1;
	v4 =	vmov s10;
	s2 =	spop (v2sf)  }
0x193: {  	v5 =	vsub.s32 v9, v5;
	[tilespmem:$0x15240] =	vst v1;
	vm13 =	veq.s32 v4, v0;
	s5 =	sadd.s32 $0xFFFFFFFF, s3;
	s4 =	spop (v2sf)  }
0x194: {  	[tilespmem:$0x15250] =	vst v1;
	v5 =	vnsel vm13, $0x0, v5;
	v4 =	vmov s5;
	s10 =	sadd.s32 $0xFFFFFFFF, s4  }
0x195: {  	(xrf0) =	vadd.scan.msk.s32 $0xffff, v5;
	v5 =	vsub.s32 v11, v6;
	vm14 =	veq.s32 v4, v0;
	v7 =	vmov s10  }
0x196: {  	[tilespmem:$0x15260] =	vst v1;
	v4 =	vnsel vm14, $0x0, v5;
	v5 =	vsub.s32 v63, v12;
	vm15 =	veq.s32 v7, v0  }
0x197: {  	[tilespmem:$0x15270] =	vst v1;
	(xrf0) =	vadd.scan.msk.s32 $0xffff, v4;
	v4 =	vnsel vm15, $0x0, v5  }
0x198: {  	[tilespmem:$0x15280] =	vst v1;
	(xrf0) =	vadd.scan.msk.s32 $0xffff, v4  }
0x199: {  	[tilespmem:$0x15290] =	vst v1  }
0x19a: {  	p3 =	sgt.s32 s23, $0x0;
	[tilespmem:$0x152A0] =	vst v1  }
0x19b: {  	p1 =	por p0, p1;
	p5 =	sgt.s32 s29, $0x0;
	[tilespmem:$0x152B0] =	vst v1;
	p2 =	por !p2, !p2;
	v4, _, _ =	vpop (xrf0)  }
0x19c: {  	[tilespmem:$0x152C0] =	vst v1;
	p4 =	por !p1, !p1;
	p1 =	por p1, p3;
	s18 =	smov.u32 @p2 s26;
	(v2sf) =	vpush v4, $0xF  }
0x19d: {  	[tilespmem:$0x152D0] =	vst v1;
	s19 =	smov.u32 @p2 s0;
	p3 =	por !p3, !p4;
	p6 =	por !p1, !p1;
	v4, _, _ =	vpop (xrf0)  }
0x19e: {  	[tilespmem:$0x152E0] =	vst v1;
	p0 =	por p1, p5;
	p3 =	por !p3, !p3;
	p4 =	por !p5, !p6;
	(v2sf) =	vpush v4, $0xF;
	v4, _, _ =	vpop (xrf0)  }
0x19f: {  	[tilespmem:$0x152F0] =	vst v1;
	p1 =	por !p0, !p0;
	p2 =	por !p4, !p4;
	p4 =	sgt.s32 s31, $0x0;
	(v2sf) =	vpush v4, $0xF  }
0x1a0: {  	[tilespmem:$0x15300] =	vst v1;
	s0 =	sadd.s32 s25, s31;
	s18 =	smov.u32 @p3 s28;
	p1 =	por !p4, !p1  }
0x1a1: {  	[tilespmem:$0x15310] =	vst v1;
	s18 =	smov.u32 @p2 s30;
	p0 =	por p0, p4;
	p1 =	por !p1, !p1  }
0x1a2: {  	[tilespmem:$0x15320] =	vst v1;
	p5 =	por !p0, !p0;
	s18 =	smov.u32 @p1 s0;
	p6 =	sgt.s32 s1, $0x0  }
0x1a3: {  	[tilespmem:$0x15330] =	vst v1;
	s19 =	smov.u32 @p3 s6;
	p3 =	por !p6, !p5;
	p0 =	por p0, p6  }
0x1a4: {  	[tilespmem:$0x15340] =	vst v1;
	p6 =	por !p0, !p0;
	s19 =	smov.u32 @p2 s8;
	p5 =	sgt.s32 s7, $0x0  }
0x1a5: {  	[tilespmem:$0x15350] =	vst v1;
	s0 =	sadd.s32 s21, s7;
	p0 =	por p0, p5;
	s19 =	smov.u32 @p1 s17  }
0x1a6: {  	[tilespmem:$0x15360] =	vst v1;
	p1 =	por !p3, !p3;
	p4 =	sgt.s32 s3, $0x0;
	s5 =	sadd.s32 s24, s1  }
0x1a7: {  	[tilespmem:$0x15370] =	vst v1;
	s19 =	smov.u32 @p1 s2;
	s1 =	sadd.s32 s20, s3;
	s18 =	smov.u32 @p1 s5  }
0x1a8: {  	[tilespmem:$0x15380] =	vst v1;
	p1 =	por !p5, !p6;
	p5 =	por p0, p4;
	p0 =	por !p0, !p0  }
0x1a9: {  	[tilespmem:$0x15390] =	vst v1;
	p2 =	por !p5, !p5;
	p0 =	por !p4, !p0;
	p1 =	por !p1, !p1  }
0x1aa: {  	[tilespmem:$0x153A0] =	vst v1;
	p6 =	sgt.s32 s4, $0x0;
	s2 =	sadd.s32 s22, s4;
	s18 =	smov.u32 @p1 s0  }
0x1ab: {  	[tilespmem:$0x153B0] =	vst v1;
	p0 =	por !p0, !p0;
	p2 =	por !p6, !p2;
	s3 =	spop (v2sf)  }
0x1ac: {  	[tilespmem:$0x153C0] =	vst v1;
	s18 =	smov.u32 @p0 s1;
	s19 =	smov.u32 @p1 s3;
	p1 =	por !p2, !p2  }
0x1ad: {  	[tilespmem:$0x153D0] =	vst v1;
	s31 =	sshll.u32 s16, $0xC;
	s0 =	spop (v2sf);
	s18 =	smov.u32 @p1 s2  }
0x1ae: {  	[tilespmem:$0x153E0] =	vst v1;
	s19 =	smov.u32 @p0 s0;
	s16 =	sor.u32 s31, s18;
	s0 =	spop (v2sf)  }
0x1af: {  	[tilespmem:$0x153F0] =	vst v1;
	v4 =	vmov s16;
	s19 =	smov.u32 @p1 s0;
	s0 =	simm.s32 $0x0  }
.LBB2_16:
0x1b0: {  	s1 =	sshra.s32 s0, $0x2  }
0x1b1: {  	v5 =	vld [tilespmem:s1+$0x0];
	_ =	sdelay $0x4  }
0x1b2: {  	v6 =	vshra.s32 v5, $0x8  }
0x1b3: {  	v5 =	vand.u32 $0xFF, v5;
	vm0 =	veq.s32 v6, v4  }
0x1b4: {  	(xrf1) =	vunique.msk.u32 vm0, v5;
	_ =	sdelay $0xd  }
0x1b5: {  	_, v6, vm1 =	vpop (xrf1)  }
0x1b6: {  	vm0 =	vmand vm0, vm1;
	_ =	sdelay $0x5  }
0x1b7: {  	[tilespmem:v5+s11+$0x0] =	vst.idx.add.s32.msk vm0, v6  }
0x1b8: {  	v5 =	vld [tilespmem:s1+$0x10];
	_ =	sdelay $0x4  }
0x1b9: {  	v6 =	vshra.s32 v5, $0x8  }
0x1ba: {  	v5 =	vand.u32 $0xFF, v5;
	vm10 =	veq.s32 v6, v4  }
0x1bb: {  	(xrf1) =	vunique.msk.u32 vm10, v5;
	_ =	sdelay $0xd  }
0x1bc: {  	_, v6, vm11 =	vpop (xrf1)  }
0x1bd: {  	vm0 =	vmand vm10, vm11  }
0x1be: {  	v5 =	vor.u32 $0x100, v5;
	_ =	sdelay $0x4  }
0x1bf: {  	[tilespmem:v5+s11+$0x0] =	vst.idx.add.s32.msk vm0, v6  }
0x1c0: {  	v5 =	vld [tilespmem:s1+$0x20];
	_ =	sdelay $0x4  }
0x1c1: {  	v6 =	vshra.s32 v5, $0x8  }
0x1c2: {  	v5 =	vand.u32 $0xFF, v5;
	vm12 =	veq.s32 v6, v4  }
0x1c3: {  	(xrf1) =	vunique.msk.u32 vm12, v5;
	_ =	sdelay $0xd  }
0x1c4: {  	_, v6, vm13 =	vpop (xrf1)  }
0x1c5: {  	vm0 =	vmand vm12, vm13  }
0x1c6: {  	v5 =	vor.u32 $0x200, v5;
	_ =	sdelay $0x4  }
0x1c7: {  	[tilespmem:v5+s11+$0x0] =	vst.idx.add.s32.msk vm0, v6  }
0x1c8: {  	v5 =	vld [tilespmem:s1+$0x30];
	_ =	sdelay $0x4  }
0x1c9: {  	v6 =	vshra.s32 v5, $0x8  }
0x1ca: {  	v5 =	vand.u32 $0xFF, v5;
	vm14 =	veq.s32 v6, v4  }
0x1cb: {  	(xrf1) =	vunique.msk.u32 vm14, v5;
	_ =	sdelay $0xd  }
0x1cc: {  	_, v6, vm15 =	vpop (xrf1)  }
0x1cd: {  	vm0 =	vmand vm14, vm15  }
0x1ce: {  	p0 =	seq.s32 s0, $0x3FF00;
	v5 =	vor.u32 $0x300, v5  }
.Ltmp10:
0x1cf: {  	_ = 	snop;
	(pc) =	sbr.rel @!p0 .LBB2_16-.Ltmp10, $2  }
0x1d0: {  	_ =	sdelay $0x2  }
0x1d1: {  	s0 =	sadd.s32 $0x100, s0;
	[tilespmem:v5+s11+$0x0] =	vst.idx.add.s32.msk vm0, v6  }
0x1d2: {  	s23 =	simm.s32 $0x152F0  }
0x1d3: {  	v5 =	vld [tilespmem:s23+$0xFFFFFE00]  }
0x1d4: {  	v6 =	vld [tilespmem:s23+$0xFFFFFF00]  }
0x1d5: {  	v7 =	vld [tilespmem:s23+$0x0]  }
0x1d6: {  	v8 =	vld [tilespmem:s23+$0x100];
	_ =	sdelay $0x2  }
0x1d7: {  	v5 =	vadd.s32 v5, v6  }
0x1d8: {  	s24 =	simm.s32 $0x152E0;
	v5 =	vadd.s32 v7, v5  }
0x1d9: {  	v6 =	vld [tilespmem:s24+$0xFFFFFE00];
	v5 =	vadd.s32 v8, v5  }
0x1da: {  	v7 =	vld [tilespmem:s24+$0xFFFFFF00];
	(xrf0) =	vadd.scan.msk.s32 $0xffff, v5  }
0x1db: {  	v8 =	vld [tilespmem:s24+$0x0]  }
0x1dc: {  	v9 =	vld [tilespmem:s24+$0x100];
	_ =	sdelay $0x1  }
0x1dd: {  	v5 =	vperm.xlane v5, v2  }
0x1de: {  	v6 =	vadd.s32 v6, v7  }
0x1df: {  	s25 =	simm.s32 $0x152D0;
	(xrf0) =	vadd.scan.msk.s32 $0xffff, v5;
	v5 =	vadd.s32 v8, v6;
	v8, _, _ =	vpop (xrf0)  }
0x1e0: {  	v7 =	vld [tilespmem:s25+$0xFFFFFF00];
	v5 =	vadd.s32 v9, v5;
	(v2sf) =	vpush v8, $0xF  }
0x1e1: {  	v6 =	vld [tilespmem:s25+$0xFFFFFE00];
	(xrf0) =	vadd.scan.msk.s32 $0xffff, v5  }
0x1e2: {  	v9 =	vld [tilespmem:s25+$0x0];
	_ =	sdelay $0x3  }
0x1e3: {  	v5 =	vperm.xlane v5, v2;
	v8 =	vld [tilespmem:s25+$0x100];
	v10, _, _ =	vpop (xrf0);
	v6 =	vadd.s32 v6, v7  }
0x1e4: {  	v6 =	vadd.s32 v9, v6;
	v9, _, _ =	vpop (xrf0)  }
0x1e5: {  	(xrf0) =	vadd.scan.msk.s32 $0xffff, v5;
	v7 =	vperm.xlane v10, v2;
	(v2sf) =	vpush v9, $0xF  }
0x1e6: {  	s0 =	ssub.s32 s14, s19;
	s17 =	simm.s32 $0x0  }
0x1e7: {  	v4 =	vmov s0;
	v5 =	vadd.s32 s17, v7  }
0x1e8: {  	s26 =	simm.s32 $0x152C0;
	v6 =	vadd.s32 v8, v6;
	vm0 =	vge.s32 v5, v4  }
0x1e9: {  	v7 =	vld [tilespmem:s26+$0xFFFFFF00];
	(xrf0) =	vadd.scan.msk.s32 $0xffff, v6;
	v5 =	vsel vm0, $0x1, v1  }
0x1ea: {  	(xrf0) =	vadd.scan.msk.s32 $0xffff, v5;
	v5 =	vld [tilespmem:s26+$0xFFFFFE00]  }
0x1eb: {  	v9 =	vld [tilespmem:s26+$0x0];
	v6 =	vperm.xlane v6, v2;
	v8, _, _ =	vpop (xrf0)  }
0x1ec: {  	v11 =	vld [tilespmem:s26+$0x100];
	v8 =	vperm.xlane v8, v2;
	s1 =	spop (v2sf)  }
0x1ed: {  	(xrf0) =	vadd.scan.msk.s32 $0xffff, v6;
	s1 =	sadd.s32 $0x0, s1  }
0x1ee: {  	v8 =	vadd.s32 s1, v8  }
0x1ef: {  	s28 =	simm.s32 $0x152B0;
	v10, _, _ =	vpop (xrf0);
	v5 =	vadd.s32 v5, v7;
	vm13 =	vge.s32 v8, v4  }
0x1f0: {  	v7 =	vld [tilespmem:s28+$0xFFFFFF00];
	(v2sf) =	vpush v10, $0xF;
	v6, _, _ =	vpop (xrf0);
	v5 =	vadd.s32 v9, v5;
	v10 =	vsel vm13, $0x1, v1  }
0x1f1: {  	(v2sf) =	vpush v6, $0xF;
	v6 =	vld [tilespmem:s28+$0xFFFFFE00];
	v5 =	vadd.s32 v11, v5  }
0x1f2: {  	v9 =	vld [tilespmem:s28+$0x0];
	(xrf0) =	vadd.scan.msk.s32 $0xffff, v5  }
0x1f3: {  	v8 =	vld [tilespmem:s28+$0x100];
	(xrf0) =	vadd.scan.msk.s32 $0xffff, v10;
	v10, _, _ =	vpop (xrf0)  }
0x1f4: {  	v5 =	vperm.xlane v5, v2;
	s29 =	spop (v2sf);
	v10 =	vperm.xlane v10, v2  }
0x1f5: {  	s0 =	sadd.s32 s1, s29  }
0x1f6: {  	(xrf0) =	vadd.scan.msk.s32 $0xffff, v5;
	v5 =	vadd.s32 v6, v7;
	v7 =	vadd.s32 s0, v10  }
0x1f7: {  	v5 =	vadd.s32 v9, v5  }
0x1f8: {  	v5 =	vadd.s32 v8, v5;
	vm14 =	vge.s32 v7, v4  }
0x1f9: {  	s2 =	simm.s32 $0x152A0;
	(xrf0) =	vadd.scan.msk.s32 $0xffff, v5;
	v10 =	vsel vm14, $0x1, v1;
	v7, _, _ =	vpop (xrf0)  }
0x1fa: {  	v6 =	vld [tilespmem:s2+$0xFFFFFE00];
	v11, _, _ =	vpop (xrf0);
	(xrf0) =	vadd.scan.msk.s32 $0xffff, v10;
	(v2sf) =	vpush v7, $0xF  }
0x1fb: {  	v8 =	vld [tilespmem:s2+$0xFFFFFF00]  }
0x1fc: {  	v9 =	vld [tilespmem:s2+$0x0]  }
0x1fd: {  	v12 =	vld [tilespmem:s2+$0x100];
	(v2sf) =	vpush v11, $0xF  }
0x1fe: {  	v10, _, _ =	vpop (xrf0)  }
0x1ff: {  	v5 =	vperm.xlane v5, v2;
	v7, _, _ =	vpop (xrf0)  }
0x200: {  	s30 =	spop (v2sf);
	v6 =	vadd.s32 v6, v8;
	(v2sf) =	vpush v7, $0xF;
	v7, _, _ =	vpop (xrf0)  }
0x201: {  	s3 =	simm.s32 $0x15290;
	v6 =	vadd.s32 v9, v6;
	s31 =	spop (v2sf);
	(xrf0) =	vadd.scan.msk.s32 $0xffff, v5;
	v5 =	vperm.xlane v10, v2;
	(v2sf) =	vpush v7, $0xF  }
0x202: {  	v13 =	vld [tilespmem:s3+$0xFFFFFE00];
	s4 =	sadd.s32 s0, s30;
	v9 =	vadd.s32 v12, v6  }
0x203: {  	v10 =	vld [tilespmem:s3+$0xFFFFFF00];
	(xrf0) =	vadd.scan.msk.s32 $0xffff, v9;
	v5 =	vadd.s32 s4, v5  }
0x204: {  	vm15 =	vge.s32 v5, v4;
	v5 =	vld [tilespmem:s3+$0x0]  }
0x205: {  	p0 =	por $0x0, $0x0;
	s21 =	simm.s32 $0xDF;
	s20 =	simm.s32 $0xBF;
	v6 =	vld [tilespmem:s3+$0x100];
	v8 =	vsel vm15, $0x1, v1  }
0x206: {  	s19 =	simm.s32 $0x9F;
	s18 =	simm.s32 $0x8F;
	s5 =	sadd.s32 $0xEF, s31;
	(xrf0) =	vadd.scan.msk.s32 $0xffff, v8  }
0x207: {  	s1 =	simm.s32 $0xCF;
	p1 =	sgt.s32 s31, $0x0;
	s5 =	smov.u32 @p0 s17  }
0x208: {  	s2 =	simm.s32 $0x7F;
	s0 =	simm.s32 $0xAF;
	s17 =	smov.u32 @p1 s5;
	v8 =	vadd.s32 v13, v10;
	v7 =	vperm.xlane v9, v2;
	v9, _, _ =	vpop (xrf0)  }
.LBB2_18:
0x209: {  	p2 =	sne.s32 s2, $0xFFFFFFFF;
	v5 =	vadd.s32 v5, v8;
	s3 =	sadd.s32 $0xFFFFFFF0, s3;
	v8, _, _ =	vpop (xrf0);
	v9 =	vperm.xlane v9, v2;
	s5 =	spop (v2sf)  }
0x20a: {  	v10 =	vld [tilespmem:s3+$0xFFFFFE00];
	v11 =	vadd.s32 v6, v5;
	(xrf0) =	vadd.scan.msk.s32 $0xffff, v7;
	(v2sf) =	vpush v8, $0xF;
	s4 =	sadd.s32 s4, s5  }
0x20b: {  	v7 =	vld [tilespmem:s3+$0xFFFFFF00];
	(xrf0) =	vadd.scan.msk.s32 $0xffff, v11;
	v6 =	vadd.s32 s4, v9  }
.Ltmp11:
0x20c: {  	v5 =	vld [tilespmem:s3+$0x0];
	vm0 =	vge.s32 v6, v4;
	v8, _, _ =	vpop (xrf0);
	s5 =	spop (v2sf);
	(pc) =	sbr.rel @p2 .LBB2_18-.Ltmp11, $4  }
0x20d: {  	p0 =	por p0, p1;
	v6 =	vld [tilespmem:s3+$0x100];
	v9 =	vsel vm0, $0x1, v1;
	(v2sf) =	vpush v8, $0xF;
	s6 =	sadd.s32 s21, s5;
	s21 =	smov.u32 s1  }
0x20e: {  	p1 =	sgt.s32 s5, $0x0;
	s1 =	smov.u32 s20;
	(xrf0) =	vadd.scan.msk.s32 $0xffff, v9;
	s6 =	smov.u32 @p0 s17  }
0x20f: {  	s20 =	smov.u32 s0;
	s0 =	smov.u32 s19;
	s17 =	smov.u32 @p1 s6  }
0x210: {  	s19 =	smov.u32 s18;
	s18 =	smov.u32 s2;
	s2 =	sadd.s32 $0xFFFFFFF0, s2;
	v8 =	vadd.s32 v10, v7;
	v7 =	vperm.xlane v11, v2;
	v9, _, _ =	vpop (xrf0)  }
0x211: {  	v10, _, _ =	vpop (xrf0)  }
0x212: {  	(v2sf) =	vpush v10, $0xF;
	_ =	sdelay $0x1  }
0x213: {  	v9 =	vperm.xlane v9, v2;
	s2 =	spop (v2sf)  }
0x214: {  	s2 =	sadd.s32 s4, s2  }
0x215: {  	v5 =	vadd.s32 v5, v8;
	v56 =	vadd.s32 s2, v9  }
0x216: {  	v5 =	vadd.s32 v6, v5;
	(xrf0) =	vadd.scan.msk.s32 $0xffff, v7;
	vm0 =	vge.s32 v56, v4  }
0x217: {  	(xrf0) =	vadd.scan.msk.s32 $0xffff, v5;
	v5 =	vperm.xlane v5, v2;
	v57 =	vsel vm0, $0x1, v1  }
0x218: {  	(xrf0) =	vadd.scan.msk.s32 $0xffff, v57  }
0x219: {  	(xrf0) =	vadd.scan.msk.s32 $0xffff, v5;
	_ =	sdelay $0x1  }
0x21a: {  	v5, _, _ =	vpop (xrf0)  }
0x21b: {  	v58, _, _ =	vpop (xrf0)  }
0x21c: {  	s3 =	spop (v2sf);
	v59, _, _ =	vpop (xrf0)  }
0x21d: {  	v6 =	vperm.xlane v58, v2;
	s23 =	spop (v2sf);
	v60, _, _ =	vpop (xrf0)  }
0x21e: {  	s2 =	sadd.s32 s2, s23;
	s24 =	spop (v2sf);
	v61, _, _ =	vpop (xrf0)  }
0x21f: {  	v6 =	vadd.s32 s2, v6;
	v9 =	vperm.xlane v61, v2;
	s5 =	spop (v2sf)  }
0x220: {  	vm14 =	vge.s32 v6, v4;
	s2 =	sadd.s32 s2, s5  }
0x221: {  	v63 =	vsel vm14, $0x1, v1;
	v62 =	vadd.s32 s2, v9  }
0x222: {  	(xrf0) =	vadd.scan.msk.s32 $0xffff, v63;
	vm15 =	vge.s32 v62, v4  }
0x223: {  	v4 =	vsel vm15, $0x1, v1  }
0x224: {  	(xrf0) =	vadd.scan.msk.s32 $0xffff, v4  }
0x225: {  	(v2sf) =	vpush v5, $0xF  }
0x226: {  	(v2sf) =	vpush v59, $0xF  }
0x227: {  	(v2sf) =	vpush v60, $0xF  }
0x228: {  	v4, _, _ =	vpop (xrf0)  }
0x229: {  	(v2sf) =	vpush v4, $0xF  }
0x22a: {  	v4, _, _ =	vpop (xrf0)  }
0x22b: {  	(v2sf) =	vpush v4, $0xF;
	_ =	sdelay $0x4  }
0x22c: {  	p0 =	por p0, p1;
	s2 =	sadd.s32 s21, s3  }
0x22d: {  	p1 =	sgt.s32 s3, $0x0;
	s2 =	smov.u32 @p0 s17  }
0x22e: {  	s1 =	sadd.s32 s1, s24;
	p0 =	por p0, p1;
	s17 =	smov.u32 @p1 s2  }
0x22f: {  	p1 =	sgt.s32 s24, $0x0;
	s1 =	smov.u32 @p0 s17  }
0x230: {  	p0 =	por p0, p1;
	s25 =	spop (v2sf);
	s17 =	smov.u32 @p1 s1  }
0x231: {  	s1 =	sadd.s32 s20, s25;
	p1 =	sgt.s32 s25, $0x0;
	s26 =	spop (v2sf)  }
0x232: {  	s1 =	smov.u32 @p0 s17;
	p0 =	por p0, p1;
	s28 =	spop (v2sf)  }
0x233: {  	s17 =	smov.u32 @p1 s1;
	s0 =	sadd.s32 s0, s28;
	p1 =	sgt.s32 s28, $0x0  }
0x234: {  	s0 =	smov.u32 @p0 s17;
	p0 =	por p0, p1;
	s29 =	spop (v2sf)  }
0x235: {  	s17 =	smov.u32 @p1 s0;
	s0 =	sadd.s32 s19, s29;
	p1 =	sgt.s32 s29, $0x0  }
.Ltmp12:
0x236: {  	s0 =	smov.u32 @p0 s17;
	s30 =	spop (v2sf);
	(pc) =	sbr.rel .LBB2_21-.Ltmp12, $4  }
0x237: {  	p0 =	por p0, p1;
	s17 =	smov.u32 @p1 s0;
	s0 =	sadd.s32 s18, s30  }
0x238: {  	p1 =	sgt.s32 s30, $0x0;
	s0 =	smov.u32 @p0 s17  }
0x239: {  	s31 =	sshll.u32 s16, $0x8;
	s17 =	smov.u32 @p1 s0  }
0x23a: {  	s6 =	simm.s32 $0x15400;
	s1 =	simm.s32 $0x0;
	s0 =	sor.u32 s31, s17  }
.LBB2_20:
0x23b: {  	s0 =	sshll.u32 s16, $0x14;
	s1 =	simm.s32 $0x0;
	s6 =	simm.s32 $0x15400  }
.LBB2_21:
0x23c: {  	p0 =	seq.s32 s1, $0x3FC0  }
.Ltmp13:
0x23d: {  	_ = 	snop;
	(pc) =	sbr.rel @!p0 .LBB2_21-.Ltmp13, $3  }
0x23e: {  	_ =	sdelay $0x1  }
0x23f: {  	s2 =	sshra.s32 s1, $0x2  }
0x240: {  	s1 =	sadd.s32 $0x40, s1;
	[tilespmem:s2+$0x15400] =	vst v3  }
0x241: {  	s16 =	simm.s32 $0x20;
	p0 =	por $0x0, $0x0  }
0x242: {  	v5 =	vld @!p0 [tilespmem:s16+$0xFFFFFFE0];
	_ =	sdelay $0x1  }
0x243: {  	v6 =	vld @!p0 [tilespmem:s16+$0xFFFFFFF0]  }
0x244: {  	v7 =	vld @!p0 [tilespmem:s16+$0x0]  }
0x245: {  	v4 =	vmov s0;
	v8 =	vld @!p0 [tilespmem:s16+$0x10]  }
0x246: {  	v9 =	vimm.s32 @!p0 $0x0;
	vm3 =	vge.s32 @!p0 v5, v4  }
0x247: {  	v10 =	vsel @!p0 vm3, $0x1, v9  }
0x248: {  	vm2 =	vge.s32 @!p0 v6, v4;
	(xrf0) =	vadd.scan.msk.s32 @!p0 $0xffff, v10  }
0x249: {  	vm1 =	vge.s32 @!p0 v7, v4;
	v10 =	vsel @!p0 vm2, $0x1, v9  }
0x24a: {  	vm0 =	vge.s32 @!p0 v8, v4;
	v11 =	vsel @!p0 vm1, $0x1, v9;
	(xrf0) =	vadd.scan.msk.s32 @!p0 $0xffff, v10  }
0x24b: {  	v9 =	vsel @!p0 vm0, $0x1, v9;
	(xrf0) =	vadd.scan.msk.s32 @!p0 $0xffff, v11  }
0x24c: {  	(xrf0) =	vadd.scan.msk.s32 @!p0 $0xffff, v9;
	_ =	sdelay $0x1  }
0x24d: {  	v9, _, _ =	vpop @!p0 (xrf0)  }
0x24e: {  	(v2sf) =	vpush @!p0 v9, $0xF  }
0x24f: {  	v9, _, _ =	vpop @!p0 (xrf0)  }
0x250: {  	(v2sf) =	vpush @!p0 v9, $0xF;
	v9, _, _ =	vpop @!p0 (xrf0)  }
0x251: {  	(v2sf) =	vpush @!p0 v9, $0xF;
	v9, _, _ =	vpop @!p0 (xrf0)  }
0x252: {  	(v2sf) =	vpush @!p0 v9, $0xF;
	_ =	sdelay $0x9  }
0x253: {  	s1 =	simm.s32 $0x0;
	v5 =	vsub.s32 @!p0 $0x3FFFFFFF, v5;
	v9 =	vlaneseq.u32 @!p0  }
0x254: {  	[tilespmem:s1+$0x15400] =	vst.msk @!p0 vm3, v5;
	v10 =	vor.u32 @!p0 s1, v9;
	s0 =	spop @!p0 (v2sf)  }
0x255: {  	s2 =	simm.s32 @!p0 $0x10;
	v5 =	vsub.s32 @!p0 $0x3FFFFFFF, v6;
	[tilespmem:s1+$0x16400] =	vst.msk @!p0 vm3, v10;
	s0 =	sadd.s32 @!p0 $0x0, s0  }
0x256: {  	v6 =	vor.u32 @!p0 s2, v9;
	s2 =	spop @!p0 (v2sf);
	[tilespmem:s0+$0x15400] =	vst.msk @!p0 vm2, v5  }
0x257: {  	s3 =	simm.s32 @!p0 $0x20;
	v5 =	vsub.s32 @!p0 $0x3FFFFFFF, v7;
	s4 =	sadd.s32 @!p0 s2, s0;
	s2 =	spop @!p0 (v2sf);
	[tilespmem:s0+$0x16400] =	vst.msk @!p0 vm2, v6  }
0x258: {  	v6 =	vor.u32 @!p0 s3, v9;
	s3 =	sadd.s32 @!p0 s2, s4;
	s0 =	spop @!p0 (v2sf);
	[tilespmem:s4+$0x15400] =	vst.msk @!p0 vm1, v5  }
0x259: {  	s5 =	simm.s32 @!p0 $0x30;
	v7 =	vsub.s32 @!p0 $0x3FFFFFFF, v8;
	s2 =	sadd.s32 @!p0 s0, s3;
	[tilespmem:s4+$0x16400] =	vst.msk @!p0 vm1, v6  }
0x25a: {  	s0 =	simm.s32 $0x40;
	v5 =	vor.u32 @!p0 s5, v9;
	s2 =	smov.u32 @p0 s1;
	[tilespmem:s3+$0x15400] =	vst.msk @!p0 vm0, v7  }
.LBB2_23:
0x25b: {  	s1 =	smov.u32 s2;
	s16 =	sadd.s32 $0x40, s16  }
0x25c: {  	[tilespmem:s3+$0x16400] =	vst.msk @!p0 vm0, v5;
	p0 =	sgt.s32 s2, $0xFC0;
	s2 =	smov.u32 s0;
	s0 =	sadd.s32 $0x40, s0  }
0x25d: {  	v6 =	vld @!p0 [tilespmem:s16+$0xFFFFFFE0];
	s3 =	sadd.s32 @!p0 $0x10, s2;
	s4 =	sadd.s32 @!p0 $0x20, s2;
	v5 =	vlaneseq.u32 @!p0;
	p1 =	seq.s32 s0, $0x10000  }
0x25e: {  	s5 =	sadd.s32 @!p0 $0x30, s2;
	v7 =	vld @!p0 [tilespmem:s16+$0xFFFFFFF0];
	v8 =	vor.u32 @!p0 s2, v5;
	v9 =	vor.u32 @!p0 s3, v5;
	v10 =	vor.u32 @!p0 s4, v5  }
0x25f: {  	v5 =	vor.u32 @!p0 s5, v5;
	v11 =	vld @!p0 [tilespmem:s16+$0x0]  }
0x260: {  	v12 =	vld @!p0 [tilespmem:s16+$0x10];
	_ =	sdelay $0x1  }
0x261: {  	v13 =	vimm.s32 @!p0 $0x0;
	vm3 =	vge.s32 @!p0 v6, v4;
	v6 =	vsub.s32 @!p0 $0x3FFFFFFF, v6  }
0x262: {  	v14 =	vsel @!p0 vm3, $0x1, v13;
	vm2 =	vge.s32 @!p0 v7, v4;
	v7 =	vsub.s32 @!p0 $0x3FFFFFFF, v7;
	[tilespmem:s1+$0x15400] =	vst.msk @!p0 vm3, v6  }
0x263: {  	v6 =	vsel @!p0 vm2, $0x1, v13;
	vm1 =	vge.s32 @!p0 v11, v4;
	v11 =	vsub.s32 @!p0 $0x3FFFFFFF, v11;
	(xrf0) =	vadd.scan.msk.s32 @!p0 $0xffff, v14  }
0x264: {  	v14 =	vsel @!p0 vm1, $0x1, v13;
	vm0 =	vge.s32 @!p0 v12, v4;
	[tilespmem:s1+$0x16400] =	vst.msk @!p0 vm3, v8;
	(xrf0) =	vadd.scan.msk.s32 @!p0 $0xffff, v6  }
0x265: {  	v6 =	vsub.s32 @!p0 $0x3FFFFFFF, v12;
	v8 =	vsel @!p0 vm0, $0x1, v13;
	(xrf0) =	vadd.scan.msk.s32 @!p0 $0xffff, v14  }
0x266: {  	(xrf0) =	vadd.scan.msk.s32 @!p0 $0xffff, v8;
	_ =	sdelay $0x2  }
0x267: {  	v8, _, _ =	vpop @!p0 (xrf0)  }
0x268: {  	(v2sf) =	vpush @!p0 v8, $0xF;
	v8, _, _ =	vpop @!p0 (xrf0)  }
0x269: {  	(v2sf) =	vpush @!p0 v8, $0xF;
	v8, _, _ =	vpop @!p0 (xrf0)  }
0x26a: {  	(v2sf) =	vpush @!p0 v8, $0xF;
	v8, _, _ =	vpop @!p0 (xrf0)  }
0x26b: {  	(v2sf) =	vpush @!p0 v8, $0xF;
	_ =	sdelay $0xb  }
0x26c: {  	s2 =	spop @!p0 (v2sf)  }
0x26d: {  	s2 =	sadd.s32 @!p0 s1, s2;
	s3 =	spop @!p0 (v2sf)  }
.Ltmp14:
0x26e: {  	[tilespmem:s2+$0x15400] =	vst.msk @!p0 vm2, v7;
	s4 =	sadd.s32 @!p0 s3, s2;
	s3 =	spop @!p0 (v2sf);
	(pc) =	sbr.rel @!p1 .LBB2_23-.Ltmp14, $4  }
0x26f: {  	[tilespmem:s2+$0x16400] =	vst.msk @!p0 vm2, v9;
	s3 =	sadd.s32 @!p0 s3, s4;
	s2 =	spop @!p0 (v2sf)  }
0x270: {  	[tilespmem:s4+$0x15400] =	vst.msk @!p0 vm1, v11;
	s2 =	sadd.s32 @!p0 s2, s3  }
0x271: {  	[tilespmem:s4+$0x16400] =	vst.msk @!p0 vm1, v10;
	s2 =	smov.u32 @p0 s1  }
0x272: {  	[tilespmem:s3+$0x15400] =	vst.msk @!p0 vm0, v6  }
0x273: {  	[tilespmem:s3+$0x16400] =	vst.msk @!p0 vm0, v5;
	s1 =	simm.s32 $0x100;
	s0 =	simm.s32 $0x0;
	s5 =	rddreg [dreg:$0x3]  }
.LBB2_25:
0x274: {  	p0 =	seq.s32 s1, $0x3F00;
	[tilespmem:s0+$0x10030] =	vst v1;
	s3 =	smov.u32 s1;
	s1 =	sadd.s32 $0x100, s1  }
.Ltmp15:
0x275: {  	[tilespmem:s0+$0x10020] =	vst v1;
	(pc) =	sbr.rel @!p0 .LBB2_25-.Ltmp15, $3  }
0x276: {  	[tilespmem:s0+$0x10000] =	vst v1  }
0x277: {  	[tilespmem:s0+$0x10010] =	vst v1;
	_ =	sdelay $0x1  }
0x278: {  	s0 =	sshra.s32 s3, $0x2  }
0x279: {  	s30 =	sadd.s32 $0x3F, s2  }
0x27a: {  	[tilespmem:s0+$0x10030] =	vst v1;
	s1 =	sand.u32 $0x3F, s30  }
0x27b: {  	[tilespmem:s0+$0x10020] =	vst v1;
	s2 =	sshra.s32 s30, $0x1F;
	p0 =	slt.s32 s30, $0x1;
	p1 =	sne.s32 s1, $0x0  }
0x27c: {  	[tilespmem:s0+$0x10000] =	vst v1;
	s31 =	sshrl.u32 s2, $0x1A;
	p0 =	por !p0, !p1  }
0x27d: {  	[tilespmem:s0+$0x10010] =	vst v1;
	s1 =	simm.s32 $0x1;
	s0 =	sadd.s32 s31, s30;
	p0 =	por !p0, !p0  }
0x27e: {  	s0 =	sshra.s32 s0, $0x6;
	s1 =	simm.s32 @!p0 $0x0  }
0x27f: {  	s16 =	ssub.s32 s0, s1  }
0x280: {  	p0 =	sgt.s32 s16, $0x0  }
.Ltmp16:
0x281: {  	_ = 	snop;
	(pc) =	sbr.rel @!p0 .LBB2_27-.Ltmp16, $2  }
0x282: {  	_ =	sdelay $0x2  }
0x283: {  	s0 =	simm.s32 $0x15420;
	s1 =	smov.u32 s16  }
.LBB2_50:
0x284: {  	v4 =	vld [tilespmem:s0+$0xFFFFFFE0];
	_ =	sdelay $0x4  }
0x285: {  	v4 =	vand.u32 $0x3FF, v4  }
0x286: {  	(xrf1) =	vunique.msk.u32 $0xffff, v4;
	_ =	sdelay $0xd  }
0x287: {  	_, v5, vm0 =	vpop (xrf1);
	_ =	sdelay $0x5  }
0x288: {  	[tilespmem:v4+s9+$0x0] =	vst.idx.add.s32.msk vm0, v5  }
0x289: {  	v4 =	vld [tilespmem:s0+$0xFFFFFFF0];
	_ =	sdelay $0x4  }
0x28a: {  	v4 =	vand.u32 $0x3FF, v4  }
0x28b: {  	(xrf1) =	vunique.msk.u32 $0xffff, v4;
	_ =	sdelay $0xd  }
0x28c: {  	_, v5, vm0 =	vpop (xrf1)  }
0x28d: {  	v4 =	vor.u32 $0x400, v4;
	_ =	sdelay $0x4  }
0x28e: {  	[tilespmem:v4+s9+$0x0] =	vst.idx.add.s32.msk vm0, v5  }
0x28f: {  	v4 =	vld [tilespmem:s0+$0x0];
	_ =	sdelay $0x4  }
0x290: {  	v4 =	vand.u32 $0x3FF, v4  }
0x291: {  	(xrf1) =	vunique.msk.u32 $0xffff, v4;
	_ =	sdelay $0xd  }
0x292: {  	_, v5, vm0 =	vpop (xrf1)  }
0x293: {  	v4 =	vor.u32 $0x800, v4;
	_ =	sdelay $0x4  }
0x294: {  	[tilespmem:v4+s9+$0x0] =	vst.idx.add.s32.msk vm0, v5  }
0x295: {  	v4 =	vld [tilespmem:s0+$0x10];
	_ =	sdelay $0x4  }
0x296: {  	v4 =	vand.u32 $0x3FF, v4  }
0x297: {  	(xrf1) =	vunique.msk.u32 $0xffff, v4;
	_ =	sdelay $0xd  }
0x298: {  	_, v5, vm0 =	vpop (xrf1)  }
0x299: {  	p1 =	seq.s32 s1, $0x1;
	v4 =	vor.u32 $0xC00, v4  }
.Ltmp17:
0x29a: {  	_ = 	snop;
	(pc) =	sbr.rel @!p1 .LBB2_50-.Ltmp17, $2  }
0x29b: {  	_ =	sdelay $0x2  }
0x29c: {  	s1 =	sadd.s32 $0xFFFFFFFF, s1;
	s0 =	sadd.s32 $0x40, s0;
	[tilespmem:v4+s9+$0x0] =	vst.idx.add.s32.msk vm0, v5  }
.LBB2_27:
0x29d: {  	s1 =	simm.s32 $0x0;
	s2 =	simm.s32 $0x10000  }
0x29e: {  	s3 =	sand.u32 $0x3F0, s1;
	v5 =	vld [tilespmem:s2+$0x0]  }
0x29f: {  	v4 =	vld [tilespmem:s3+$0x10400]  }
0x2a0: {  	v6 =	vld [tilespmem:s3+$0x10800]  }
0x2a1: {  	v7 =	vld [tilespmem:s3+$0x10C00];
	_ =	sdelay $0x2  }
0x2a2: {  	v4 =	vadd.s32 v5, v4  }
0x2a3: {  	v4 =	vadd.s32 v6, v4  }
0x2a4: {  	v4 =	vadd.s32 v7, v4  }
0x2a5: {  	(xrf0) =	vadd.scan.msk.s32 $0xffff, v4;
	_ =	sdelay $0x5  }
0x2a6: {  	v4 =	vsub.s32 s1, v4;
	v5, _, _ =	vpop (xrf0)  }
0x2a7: {  	s0 =	simm.s32 $0x15000;
	s31 =	simm.s32 $0x10;
	v4 =	vadd.s32 v5, v4;
	(v2sf) =	vpush v5, $0xF  }
0x2a8: {  	s4 =	sand.u32 $0x3F0, s31;
	[tilespmem:s0+$0x0] =	vst v4  }
0x2a9: {  	s2 =	simm.s32 $0x10010;
	s3 =	simm.s32 $0x20;
	v4 =	vld [tilespmem:s4+$0x10400]  }
.LBB2_28:
0x2aa: {  	p1 =	seq.s32 s3, $0x3F0;
	v5 =	vld [tilespmem:s2+$0x0]  }
0x2ab: {  	v6 =	vld [tilespmem:s4+$0x10800]  }
0x2ac: {  	v7 =	vld [tilespmem:s4+$0x10C00];
	_ =	sdelay $0x2  }
0x2ad: {  	v4 =	vadd.s32 v5, v4  }
0x2ae: {  	v4 =	vadd.s32 v6, v4  }
0x2af: {  	v4 =	vadd.s32 v7, v4  }
0x2b0: {  	(xrf0) =	vadd.scan.msk.s32 $0xffff, v4;
	_ =	sdelay $0x3  }
0x2b1: {  	s4 =	spop (v2sf)  }
.Ltmp18:
0x2b2: {  	s1 =	sadd.s32 s1, s4;
	(pc) =	sbr.rel @!p1 .LBB2_28-.Ltmp18, $4  }
0x2b3: {  	v4 =	vsub.s32 s1, v4;
	v5, _, _ =	vpop (xrf0)  }
0x2b4: {  	s0 =	sadd.s32 $0x10, s0;
	v4 =	vadd.s32 v5, v4;
	(v2sf) =	vpush v5, $0xF  }
0x2b5: {  	s4 =	sand.u32 $0x3F0, s3;
	[tilespmem:s0+$0x0] =	vst v4  }
0x2b6: {  	s2 =	sadd.s32 $0x10, s2;
	s3 =	sadd.s32 $0x10, s3;
	v4 =	vld [tilespmem:s4+$0x10400]  }
0x2b7: {  	v5 =	vld [tilespmem:s2+$0x0]  }
0x2b8: {  	v6 =	vld [tilespmem:s4+$0x10800]  }
0x2b9: {  	v7 =	vld [tilespmem:s4+$0x10C00];
	_ =	sdelay $0x2  }
0x2ba: {  	v4 =	vadd.s32 v5, v4  }
0x2bb: {  	v4 =	vadd.s32 v6, v4  }
0x2bc: {  	v4 =	vadd.s32 v7, v4  }
0x2bd: {  	(xrf0) =	vadd.scan.msk.s32 $0xffff, v4;
	_ =	sdelay $0x5  }
0x2be: {  	v5, _, _ =	vpop (xrf0)  }
0x2bf: {  	(v2sf) =	vpush v5, $0xF;
	_ =	sdelay $0xa  }
.Ltmp19:
0x2c0: {  	s30 =	spop (v2sf);
	(pc) =	sbr.rel @!p0 .LBB2_32-.Ltmp19, $4  }
0x2c1: {  	s1 =	sadd.s32 s1, s30  }
0x2c2: {  	v4 =	vsub.s32 s1, v4  }
0x2c3: {  	s0 =	sadd.s32 $0x10, s0;
	v4 =	vadd.s32 v5, v4  }
0x2c4: {  	[tilespmem:s0+$0x0] =	vst v4;
	s31 =	spop (v2sf)  }
0x2c5: {  	s0 =	simm.s32 $0x16420;
	s1 =	simm.s32 $0x15420;
	s2 =	smov.u32 s16  }
.LBB2_31:
0x2c6: {  	v4 =	vld [tilespmem:s1+$0xFFFFFFE0];
	_ =	sdelay $0x4  }
0x2c7: {  	v5 =	vand.u32 $0x3FF, v4  }
0x2c8: {  	(xrf1) =	vunique.msk.u32 $0xffff, v5;
	_ =	sdelay $0x9  }
0x2c9: {  	v6 =	vld.idx.msk [tilespmem:v5+s11+$0x0], $0xffff;
	_ =	sdelay $0x3  }
0x2ca: {  	_, v7, vm0 =	vpop (xrf1)  }
0x2cb: {  	v6 =	vadd.s32 v7, v6  }
0x2cc: {  	v6 =	vadd.s32 $0xFFFFFFFF, v6  }
0x2cd: {  	v8 =	vld [tilespmem:s0+$0xFFFFFFE0];
	_ =	sdelay $0x3  }
0x2ce: {  	[tilespmem:v6+s12+$0x0] =	vst.idx.msk $0xffff, v4  }
0x2cf: {  	[tilespmem:v6+s13+$0x0] =	vst.idx.msk $0xffff, v8  }
0x2d0: {  	[tilespmem:v5+s11+$0x0] =	vst.idx.add.s32.msk vm0, v7  }
0x2d1: {  	v4 =	vld [tilespmem:s1+$0xFFFFFFF0];
	_ =	sdelay $0x4  }
0x2d2: {  	v5 =	vand.u32 $0x3FF, v4  }
0x2d3: {  	(xrf1) =	vunique.msk.u32 $0xffff, v5;
	_ =	sdelay $0x9  }
0x2d4: {  	v6 =	vld.idx.msk [tilespmem:v5+s11+$0x0], $0xffff;
	_ =	sdelay $0x3  }
0x2d5: {  	_, v7, vm0 =	vpop (xrf1)  }
0x2d6: {  	v6 =	vadd.s32 v7, v6  }
0x2d7: {  	v6 =	vadd.s32 $0xFFFFFFFF, v6  }
0x2d8: {  	v8 =	vld [tilespmem:s0+$0xFFFFFFF0];
	_ =	sdelay $0x3  }
0x2d9: {  	[tilespmem:v6+s12+$0x0] =	vst.idx.msk $0xffff, v4  }
0x2da: {  	[tilespmem:v6+s13+$0x0] =	vst.idx.msk $0xffff, v8  }
0x2db: {  	[tilespmem:v5+s11+$0x0] =	vst.idx.add.s32.msk vm0, v7  }
0x2dc: {  	v4 =	vld [tilespmem:s1+$0x0];
	_ =	sdelay $0x4  }
0x2dd: {  	v5 =	vand.u32 $0x3FF, v4  }
0x2de: {  	(xrf1) =	vunique.msk.u32 $0xffff, v5;
	_ =	sdelay $0x9  }
0x2df: {  	v6 =	vld.idx.msk [tilespmem:v5+s11+$0x0], $0xffff;
	_ =	sdelay $0x3  }
0x2e0: {  	_, v7, vm0 =	vpop (xrf1)  }
0x2e1: {  	v6 =	vadd.s32 v7, v6  }
0x2e2: {  	v6 =	vadd.s32 $0xFFFFFFFF, v6  }
0x2e3: {  	v8 =	vld [tilespmem:s0+$0x0];
	_ =	sdelay $0x3  }
0x2e4: {  	[tilespmem:v6+s12+$0x0] =	vst.idx.msk $0xffff, v4  }
0x2e5: {  	[tilespmem:v6+s13+$0x0] =	vst.idx.msk $0xffff, v8  }
0x2e6: {  	[tilespmem:v5+s11+$0x0] =	vst.idx.add.s32.msk vm0, v7  }
0x2e7: {  	v4 =	vld [tilespmem:s1+$0x10];
	_ =	sdelay $0x4  }
0x2e8: {  	v5 =	vand.u32 $0x3FF, v4  }
0x2e9: {  	(xrf1) =	vunique.msk.u32 $0xffff, v5;
	_ =	sdelay $0x9  }
0x2ea: {  	v6 =	vld.idx.msk [tilespmem:v5+s11+$0x0], $0xffff;
	_ =	sdelay $0x3  }
0x2eb: {  	_, v7, vm0 =	vpop (xrf1)  }
0x2ec: {  	v6 =	vadd.s32 v7, v6  }
0x2ed: {  	v6 =	vadd.s32 $0xFFFFFFFF, v6  }
0x2ee: {  	v8 =	vld [tilespmem:s0+$0x10]  }
0x2ef: {  	p1 =	seq.s32 s2, $0x1  }
.Ltmp20:
0x2f0: {  	_ = 	snop;
	(pc) =	sbr.rel @!p1 .LBB2_31-.Ltmp20, $4  }
0x2f1: {  	_ = 	snop  }
0x2f2: {  	[tilespmem:v6+s12+$0x0] =	vst.idx.msk $0xffff, v4  }
0x2f3: {  	[tilespmem:v6+s13+$0x0] =	vst.idx.msk $0xffff, v8  }
0x2f4: {  	s2 =	sadd.s32 $0xFFFFFFFF, s2;
	s0 =	sadd.s32 $0x40, s0;
	s1 =	sadd.s32 $0x40, s1;
	[tilespmem:v5+s11+$0x0] =	vst.idx.add.s32.msk vm0, v7  }
.LBB2_32:
0x2f5: {  	s1 =	simm.s32 $0x100;
	s0 =	simm.s32 $0x0  }
.LBB2_33:
0x2f6: {  	p1 =	seq.s32 s1, $0x3F00;
	[tilespmem:s0+$0x10030] =	vst v1;
	s2 =	smov.u32 s1;
	s1 =	sadd.s32 $0x100, s1  }
.Ltmp21:
0x2f7: {  	[tilespmem:s0+$0x10020] =	vst v1;
	(pc) =	sbr.rel @!p1 .LBB2_33-.Ltmp21, $3  }
0x2f8: {  	[tilespmem:s0+$0x10000] =	vst v1  }
0x2f9: {  	[tilespmem:s0+$0x10010] =	vst v1;
	_ =	sdelay $0x1  }
0x2fa: {  	s0 =	sshra.s32 s2, $0x2  }
.Ltmp22:
0x2fb: {  	(pc) =	sbr.rel @!p0 .LBB2_35-.Ltmp22, $4  }
0x2fc: {  	[tilespmem:s0+$0x10030] =	vst v1  }
0x2fd: {  	[tilespmem:s0+$0x10020] =	vst v1  }
0x2fe: {  	[tilespmem:s0+$0x10000] =	vst v1  }
0x2ff: {  	[tilespmem:s0+$0x10010] =	vst v1;
	s0 =	simm.s32 $0x17420;
	s1 =	smov.u32 s16  }
.LBB2_51:
0x300: {  	v4 =	vld [tilespmem:s0+$0xFFFFFFE0];
	_ =	sdelay $0x4  }
0x301: {  	v4 =	vshrl.u32 v4, $0xA  }
0x302: {  	v4 =	vand.u32 $0x3FF, v4  }
0x303: {  	(xrf1) =	vunique.msk.u32 $0xffff, v4;
	_ =	sdelay $0xd  }
0x304: {  	_, v5, vm0 =	vpop (xrf1);
	_ =	sdelay $0x5  }
0x305: {  	[tilespmem:v4+s9+$0x0] =	vst.idx.add.s32.msk vm0, v5  }
0x306: {  	v4 =	vld [tilespmem:s0+$0xFFFFFFF0];
	_ =	sdelay $0x4  }
0x307: {  	v4 =	vshrl.u32 v4, $0xA  }
0x308: {  	v4 =	vand.u32 $0x3FF, v4  }
0x309: {  	(xrf1) =	vunique.msk.u32 $0xffff, v4;
	_ =	sdelay $0xd  }
0x30a: {  	_, v5, vm0 =	vpop (xrf1)  }
0x30b: {  	v4 =	vor.u32 $0x400, v4;
	_ =	sdelay $0x4  }
0x30c: {  	[tilespmem:v4+s9+$0x0] =	vst.idx.add.s32.msk vm0, v5  }
0x30d: {  	v4 =	vld [tilespmem:s0+$0x0];
	_ =	sdelay $0x4  }
0x30e: {  	v4 =	vshrl.u32 v4, $0xA  }
0x30f: {  	v4 =	vand.u32 $0x3FF, v4  }
0x310: {  	(xrf1) =	vunique.msk.u32 $0xffff, v4;
	_ =	sdelay $0xd  }
0x311: {  	_, v5, vm0 =	vpop (xrf1)  }
0x312: {  	v4 =	vor.u32 $0x800, v4;
	_ =	sdelay $0x4  }
0x313: {  	[tilespmem:v4+s9+$0x0] =	vst.idx.add.s32.msk vm0, v5  }
0x314: {  	v4 =	vld [tilespmem:s0+$0x10];
	_ =	sdelay $0x4  }
0x315: {  	v4 =	vshrl.u32 v4, $0xA  }
0x316: {  	v4 =	vand.u32 $0x3FF, v4  }
0x317: {  	(xrf1) =	vunique.msk.u32 $0xffff, v4;
	_ =	sdelay $0xd  }
0x318: {  	_, v5, vm0 =	vpop (xrf1)  }
0x319: {  	p1 =	seq.s32 s1, $0x1;
	v4 =	vor.u32 $0xC00, v4  }
.Ltmp23:
0x31a: {  	_ = 	snop;
	(pc) =	sbr.rel @!p1 .LBB2_51-.Ltmp23, $2  }
0x31b: {  	_ =	sdelay $0x2  }
0x31c: {  	s1 =	sadd.s32 $0xFFFFFFFF, s1;
	s0 =	sadd.s32 $0x40, s0;
	[tilespmem:v4+s9+$0x0] =	vst.idx.add.s32.msk vm0, v5  }
.LBB2_35:
0x31d: {  	s1 =	simm.s32 $0x0;
	s2 =	simm.s32 $0x10000  }
0x31e: {  	s3 =	sand.u32 $0x3F0, s1;
	v5 =	vld [tilespmem:s2+$0x0]  }
0x31f: {  	v4 =	vld [tilespmem:s3+$0x10400]  }
0x320: {  	v6 =	vld [tilespmem:s3+$0x10800]  }
0x321: {  	v7 =	vld [tilespmem:s3+$0x10C00];
	_ =	sdelay $0x2  }
0x322: {  	v4 =	vadd.s32 v5, v4  }
0x323: {  	v4 =	vadd.s32 v6, v4  }
0x324: {  	v4 =	vadd.s32 v7, v4  }
0x325: {  	(xrf0) =	vadd.scan.msk.s32 $0xffff, v4;
	_ =	sdelay $0x5  }
0x326: {  	v4 =	vsub.s32 s1, v4;
	v5, _, _ =	vpop (xrf0)  }
0x327: {  	s0 =	simm.s32 $0x15000;
	s31 =	simm.s32 $0x10;
	v4 =	vadd.s32 v5, v4;
	(v2sf) =	vpush v5, $0xF  }
0x328: {  	s4 =	sand.u32 $0x3F0, s31;
	[tilespmem:s0+$0x0] =	vst v4  }
0x329: {  	s2 =	simm.s32 $0x10010;
	s3 =	simm.s32 $0x20;
	v4 =	vld [tilespmem:s4+$0x10400]  }
.LBB2_36:
0x32a: {  	p1 =	seq.s32 s3, $0x3F0;
	v5 =	vld [tilespmem:s2+$0x0]  }
0x32b: {  	v6 =	vld [tilespmem:s4+$0x10800]  }
0x32c: {  	v7 =	vld [tilespmem:s4+$0x10C00];
	_ =	sdelay $0x2  }
0x32d: {  	v4 =	vadd.s32 v5, v4  }
0x32e: {  	v4 =	vadd.s32 v6, v4  }
0x32f: {  	v4 =	vadd.s32 v7, v4  }
0x330: {  	(xrf0) =	vadd.scan.msk.s32 $0xffff, v4;
	_ =	sdelay $0x3  }
0x331: {  	s4 =	spop (v2sf)  }
.Ltmp24:
0x332: {  	s1 =	sadd.s32 s1, s4;
	(pc) =	sbr.rel @!p1 .LBB2_36-.Ltmp24, $4  }
0x333: {  	v4 =	vsub.s32 s1, v4;
	v5, _, _ =	vpop (xrf0)  }
0x334: {  	s0 =	sadd.s32 $0x10, s0;
	v4 =	vadd.s32 v5, v4;
	(v2sf) =	vpush v5, $0xF  }
0x335: {  	s4 =	sand.u32 $0x3F0, s3;
	[tilespmem:s0+$0x0] =	vst v4  }
0x336: {  	s2 =	sadd.s32 $0x10, s2;
	s3 =	sadd.s32 $0x10, s3;
	v4 =	vld [tilespmem:s4+$0x10400]  }
0x337: {  	v5 =	vld [tilespmem:s2+$0x0]  }
0x338: {  	v6 =	vld [tilespmem:s4+$0x10800]  }
0x339: {  	v7 =	vld [tilespmem:s4+$0x10C00];
	_ =	sdelay $0x2  }
0x33a: {  	v4 =	vadd.s32 v5, v4  }
0x33b: {  	v4 =	vadd.s32 v6, v4  }
0x33c: {  	v4 =	vadd.s32 v7, v4  }
0x33d: {  	(xrf0) =	vadd.scan.msk.s32 $0xffff, v4;
	_ =	sdelay $0x5  }
0x33e: {  	v5, _, _ =	vpop (xrf0)  }
0x33f: {  	(v2sf) =	vpush v5, $0xF;
	_ =	sdelay $0xa  }
.Ltmp25:
0x340: {  	s30 =	spop (v2sf);
	(pc) =	sbr.rel @!p0 .LBB2_40-.Ltmp25, $4  }
0x341: {  	s1 =	sadd.s32 s1, s30  }
0x342: {  	v4 =	vsub.s32 s1, v4  }
0x343: {  	s0 =	sadd.s32 $0x10, s0;
	v4 =	vadd.s32 v5, v4  }
0x344: {  	[tilespmem:s0+$0x0] =	vst v4;
	s31 =	spop (v2sf)  }
0x345: {  	s0 =	simm.s32 $0x18420;
	s1 =	simm.s32 $0x17420;
	s2 =	smov.u32 s16  }
.LBB2_39:
0x346: {  	v4 =	vld [tilespmem:s1+$0xFFFFFFE0];
	_ =	sdelay $0x4  }
0x347: {  	v5 =	vshrl.u32 v4, $0xA  }
0x348: {  	v5 =	vand.u32 $0x3FF, v5  }
0x349: {  	(xrf1) =	vunique.msk.u32 $0xffff, v5;
	_ =	sdelay $0x9  }
0x34a: {  	v6 =	vld.idx.msk [tilespmem:v5+s11+$0x0], $0xffff;
	_ =	sdelay $0x3  }
0x34b: {  	_, v7, vm0 =	vpop (xrf1)  }
0x34c: {  	v6 =	vadd.s32 v7, v6  }
0x34d: {  	v6 =	vadd.s32 $0xFFFFFFFF, v6  }
0x34e: {  	v8 =	vld [tilespmem:s0+$0xFFFFFFE0];
	_ =	sdelay $0x3  }
0x34f: {  	[tilespmem:v6+s6+$0x0] =	vst.idx.msk $0xffff, v4  }
0x350: {  	[tilespmem:v6+s15+$0x0] =	vst.idx.msk $0xffff, v8  }
0x351: {  	[tilespmem:v5+s11+$0x0] =	vst.idx.add.s32.msk vm0, v7  }
0x352: {  	v4 =	vld [tilespmem:s1+$0xFFFFFFF0];
	_ =	sdelay $0x4  }
0x353: {  	v5 =	vshrl.u32 v4, $0xA  }
0x354: {  	v5 =	vand.u32 $0x3FF, v5  }
0x355: {  	(xrf1) =	vunique.msk.u32 $0xffff, v5;
	_ =	sdelay $0x9  }
0x356: {  	v6 =	vld.idx.msk [tilespmem:v5+s11+$0x0], $0xffff;
	_ =	sdelay $0x3  }
0x357: {  	_, v7, vm0 =	vpop (xrf1)  }
0x358: {  	v6 =	vadd.s32 v7, v6  }
0x359: {  	v6 =	vadd.s32 $0xFFFFFFFF, v6  }
0x35a: {  	v8 =	vld [tilespmem:s0+$0xFFFFFFF0];
	_ =	sdelay $0x3  }
0x35b: {  	[tilespmem:v6+s6+$0x0] =	vst.idx.msk $0xffff, v4  }
0x35c: {  	[tilespmem:v6+s15+$0x0] =	vst.idx.msk $0xffff, v8  }
0x35d: {  	[tilespmem:v5+s11+$0x0] =	vst.idx.add.s32.msk vm0, v7  }
0x35e: {  	v4 =	vld [tilespmem:s1+$0x0];
	_ =	sdelay $0x4  }
0x35f: {  	v5 =	vshrl.u32 v4, $0xA  }
0x360: {  	v5 =	vand.u32 $0x3FF, v5  }
0x361: {  	(xrf1) =	vunique.msk.u32 $0xffff, v5;
	_ =	sdelay $0x9  }
0x362: {  	v6 =	vld.idx.msk [tilespmem:v5+s11+$0x0], $0xffff;
	_ =	sdelay $0x3  }
0x363: {  	_, v7, vm0 =	vpop (xrf1)  }
0x364: {  	v6 =	vadd.s32 v7, v6  }
0x365: {  	v6 =	vadd.s32 $0xFFFFFFFF, v6  }
0x366: {  	v8 =	vld [tilespmem:s0+$0x0];
	_ =	sdelay $0x3  }
0x367: {  	[tilespmem:v6+s6+$0x0] =	vst.idx.msk $0xffff, v4  }
0x368: {  	[tilespmem:v6+s15+$0x0] =	vst.idx.msk $0xffff, v8  }
0x369: {  	[tilespmem:v5+s11+$0x0] =	vst.idx.add.s32.msk vm0, v7  }
0x36a: {  	v4 =	vld [tilespmem:s1+$0x10];
	_ =	sdelay $0x4  }
0x36b: {  	v5 =	vshrl.u32 v4, $0xA  }
0x36c: {  	v5 =	vand.u32 $0x3FF, v5  }
0x36d: {  	(xrf1) =	vunique.msk.u32 $0xffff, v5;
	_ =	sdelay $0x9  }
0x36e: {  	v6 =	vld.idx.msk [tilespmem:v5+s11+$0x0], $0xffff;
	_ =	sdelay $0x3  }
0x36f: {  	_, v7, vm0 =	vpop (xrf1)  }
0x370: {  	v6 =	vadd.s32 v7, v6  }
0x371: {  	v6 =	vadd.s32 $0xFFFFFFFF, v6  }
0x372: {  	v8 =	vld [tilespmem:s0+$0x10]  }
0x373: {  	p1 =	seq.s32 s2, $0x1  }
.Ltmp26:
0x374: {  	_ = 	snop;
	(pc) =	sbr.rel @!p1 .LBB2_39-.Ltmp26, $4  }
0x375: {  	_ = 	snop  }
0x376: {  	[tilespmem:v6+s6+$0x0] =	vst.idx.msk $0xffff, v4  }
0x377: {  	[tilespmem:v6+s15+$0x0] =	vst.idx.msk $0xffff, v8  }
0x378: {  	s2 =	sadd.s32 $0xFFFFFFFF, s2;
	s0 =	sadd.s32 $0x40, s0;
	s1 =	sadd.s32 $0x40, s1;
	[tilespmem:v5+s11+$0x0] =	vst.idx.add.s32.msk vm0, v7  }
.LBB2_40:
0x379: {  	s1 =	simm.s32 $0x100;
	s0 =	simm.s32 $0x0  }
.LBB2_41:
0x37a: {  	p1 =	seq.s32 s1, $0x3F00;
	[tilespmem:s0+$0x10030] =	vst v1;
	s2 =	smov.u32 s1;
	s1 =	sadd.s32 $0x100, s1  }
.Ltmp27:
0x37b: {  	[tilespmem:s0+$0x10020] =	vst v1;
	(pc) =	sbr.rel @!p1 .LBB2_41-.Ltmp27, $3  }
0x37c: {  	[tilespmem:s0+$0x10000] =	vst v1  }
0x37d: {  	[tilespmem:s0+$0x10010] =	vst v1;
	_ =	sdelay $0x1  }
0x37e: {  	s0 =	sshra.s32 s2, $0x2  }
.Ltmp28:
0x37f: {  	(pc) =	sbr.rel @!p0 .LBB2_43-.Ltmp28, $4  }
0x380: {  	[tilespmem:s0+$0x10030] =	vst v1  }
0x381: {  	[tilespmem:s0+$0x10020] =	vst v1  }
0x382: {  	[tilespmem:s0+$0x10000] =	vst v1  }
0x383: {  	[tilespmem:s0+$0x10010] =	vst v1;
	s0 =	simm.s32 $0x15420;
	s1 =	smov.u32 s16  }
.LBB2_52:
0x384: {  	v4 =	vld [tilespmem:s0+$0xFFFFFFE0];
	_ =	sdelay $0x4  }
0x385: {  	v4 =	vshrl.u32 v4, $0x14  }
0x386: {  	v4 =	vand.u32 $0x3FF, v4  }
0x387: {  	(xrf1) =	vunique.msk.u32 $0xffff, v4;
	_ =	sdelay $0xd  }
0x388: {  	_, v5, vm0 =	vpop (xrf1);
	_ =	sdelay $0x5  }
0x389: {  	[tilespmem:v4+s9+$0x0] =	vst.idx.add.s32.msk vm0, v5  }
0x38a: {  	v4 =	vld [tilespmem:s0+$0xFFFFFFF0];
	_ =	sdelay $0x4  }
0x38b: {  	v4 =	vshrl.u32 v4, $0x14  }
0x38c: {  	v4 =	vand.u32 $0x3FF, v4  }
0x38d: {  	(xrf1) =	vunique.msk.u32 $0xffff, v4;
	_ =	sdelay $0xd  }
0x38e: {  	_, v5, vm0 =	vpop (xrf1)  }
0x38f: {  	v4 =	vor.u32 $0x400, v4;
	_ =	sdelay $0x4  }
0x390: {  	[tilespmem:v4+s9+$0x0] =	vst.idx.add.s32.msk vm0, v5  }
0x391: {  	v4 =	vld [tilespmem:s0+$0x0];
	_ =	sdelay $0x4  }
0x392: {  	v4 =	vshrl.u32 v4, $0x14  }
0x393: {  	v4 =	vand.u32 $0x3FF, v4  }
0x394: {  	(xrf1) =	vunique.msk.u32 $0xffff, v4;
	_ =	sdelay $0xd  }
0x395: {  	_, v5, vm0 =	vpop (xrf1)  }
0x396: {  	v4 =	vor.u32 $0x800, v4;
	_ =	sdelay $0x4  }
0x397: {  	[tilespmem:v4+s9+$0x0] =	vst.idx.add.s32.msk vm0, v5  }
0x398: {  	v4 =	vld [tilespmem:s0+$0x10];
	_ =	sdelay $0x4  }
0x399: {  	v4 =	vshrl.u32 v4, $0x14  }
0x39a: {  	v5 =	vand.u32 $0x3FF, v4  }
0x39b: {  	(xrf1) =	vunique.msk.u32 $0xffff, v5;
	_ =	sdelay $0xd  }
0x39c: {  	_, v5, vm15 =	vpop (xrf1)  }
0x39d: {  	p1 =	seq.s32 s1, $0x1;
	v4 =	vor.u32 $0xC00, v4  }
.Ltmp29:
0x39e: {  	_ = 	snop;
	(pc) =	sbr.rel @!p1 .LBB2_52-.Ltmp29, $2  }
0x39f: {  	_ =	sdelay $0x2  }
0x3a0: {  	s1 =	sadd.s32 $0xFFFFFFFF, s1;
	s0 =	sadd.s32 $0x40, s0;
	[tilespmem:v4+s9+$0x0] =	vst.idx.add.s32.msk vm15, v5  }
.LBB2_43:
0x3a1: {  	s1 =	simm.s32 $0x0;
	s2 =	simm.s32 $0x10000  }
0x3a2: {  	s3 =	sand.u32 $0x3F0, s1;
	v5 =	vld [tilespmem:s2+$0x0]  }
0x3a3: {  	v4 =	vld [tilespmem:s3+$0x10400]  }
0x3a4: {  	v6 =	vld [tilespmem:s3+$0x10800]  }
0x3a5: {  	v7 =	vld [tilespmem:s3+$0x10C00];
	_ =	sdelay $0x2  }
0x3a6: {  	v4 =	vadd.s32 v5, v4  }
0x3a7: {  	v4 =	vadd.s32 v6, v4  }
0x3a8: {  	v4 =	vadd.s32 v7, v4  }
0x3a9: {  	(xrf0) =	vadd.scan.msk.s32 $0xffff, v4;
	_ =	sdelay $0x5  }
0x3aa: {  	v4 =	vsub.s32 s1, v4;
	v5, _, _ =	vpop (xrf0)  }
0x3ab: {  	s0 =	simm.s32 $0x15000;
	s31 =	simm.s32 $0x10;
	v4 =	vadd.s32 v5, v4;
	(v2sf) =	vpush v5, $0xF  }
0x3ac: {  	s4 =	sand.u32 $0x3F0, s31;
	[tilespmem:s0+$0x0] =	vst v4  }
0x3ad: {  	s2 =	simm.s32 $0x10010;
	s3 =	simm.s32 $0x20;
	v4 =	vld [tilespmem:s4+$0x10400]  }
.LBB2_44:
0x3ae: {  	p1 =	seq.s32 s3, $0x3F0;
	v5 =	vld [tilespmem:s2+$0x0]  }
0x3af: {  	v6 =	vld [tilespmem:s4+$0x10800]  }
0x3b0: {  	v7 =	vld [tilespmem:s4+$0x10C00];
	_ =	sdelay $0x2  }
0x3b1: {  	v4 =	vadd.s32 v5, v4  }
0x3b2: {  	v4 =	vadd.s32 v6, v4  }
0x3b3: {  	v4 =	vadd.s32 v7, v4  }
0x3b4: {  	(xrf0) =	vadd.scan.msk.s32 $0xffff, v4;
	_ =	sdelay $0x3  }
0x3b5: {  	s4 =	spop (v2sf)  }
.Ltmp30:
0x3b6: {  	s1 =	sadd.s32 s1, s4;
	(pc) =	sbr.rel @!p1 .LBB2_44-.Ltmp30, $4  }
0x3b7: {  	v4 =	vsub.s32 s1, v4;
	v5, _, _ =	vpop (xrf0)  }
0x3b8: {  	s0 =	sadd.s32 $0x10, s0;
	v4 =	vadd.s32 v5, v4;
	(v2sf) =	vpush v5, $0xF  }
0x3b9: {  	s4 =	sand.u32 $0x3F0, s3;
	[tilespmem:s0+$0x0] =	vst v4  }
0x3ba: {  	s2 =	sadd.s32 $0x10, s2;
	s3 =	sadd.s32 $0x10, s3;
	v4 =	vld [tilespmem:s4+$0x10400]  }
0x3bb: {  	v5 =	vld [tilespmem:s2+$0x0]  }
0x3bc: {  	v6 =	vld [tilespmem:s4+$0x10800]  }
0x3bd: {  	v7 =	vld [tilespmem:s4+$0x10C00];
	_ =	sdelay $0x2  }
0x3be: {  	v4 =	vadd.s32 v5, v4  }
0x3bf: {  	v4 =	vadd.s32 v6, v4  }
0x3c0: {  	v4 =	vadd.s32 v7, v4  }
0x3c1: {  	(xrf0) =	vadd.scan.msk.s32 $0xffff, v4;
	_ =	sdelay $0x5  }
0x3c2: {  	v5, _, _ =	vpop (xrf0)  }
0x3c3: {  	(v2sf) =	vpush v5, $0xF;
	_ =	sdelay $0xa  }
.Ltmp31:
0x3c4: {  	s30 =	spop (v2sf);
	(pc) =	sbr.rel @!p0 .LBB2_48-.Ltmp31, $4  }
0x3c5: {  	s1 =	sadd.s32 s1, s30  }
0x3c6: {  	v4 =	vsub.s32 s1, v4  }
0x3c7: {  	s0 =	sadd.s32 $0x10, s0;
	s2 =	simm.s32 $0x80;
	v4 =	vadd.s32 v5, v4  }
0x3c8: {  	s3 =	simm.s32 $0x400;
	s4 =	simm.s32 $0x1;
	[tilespmem:s0+$0x0] =	vst v4;
	s31 =	spop (v2sf)  }
0x3c9: {  	s0 =	simm.s32 $0x16420;
	s1 =	simm.s32 $0x15420  }
.LBB2_47:
0x3ca: {  	v4 =	vld [tilespmem:s1+$0xFFFFFFE0];
	_ =	sdelay $0x4  }
0x3cb: {  	v5 =	vshrl.u32 v4, $0x14  }
0x3cc: {  	v5 =	vand.u32 $0x3FF, v5  }
0x3cd: {  	(xrf1) =	vunique.msk.u32 $0xffff, v5;
	_ =	sdelay $0x9  }
0x3ce: {  	v6 =	vld.idx.msk [tilespmem:v5+s11+$0x0], $0xffff;
	_ =	sdelay $0x3  }
0x3cf: {  	_, v7, vm0 =	vpop (xrf1)  }
0x3d0: {  	v6 =	vadd.s32 v7, v6  }
0x3d1: {  	v6 =	vadd.s32 $0xFFFFFFFF, v6  }
0x3d2: {  	v8 =	vld [tilespmem:s0+$0xFFFFFFE0];
	_ =	sdelay $0x3  }
0x3d3: {  	[tilespmem:v6+s12+$0x0] =	vst.idx.msk $0xffff, v4  }
0x3d4: {  	[tilespmem:v6+s13+$0x0] =	vst.idx.msk $0xffff, v8  }
0x3d5: {  	[tilespmem:v5+s11+$0x0] =	vst.idx.add.s32.msk vm0, v7  }
0x3d6: {  	v4 =	vld [tilespmem:s1+$0xFFFFFFF0];
	_ =	sdelay $0x4  }
0x3d7: {  	v5 =	vshrl.u32 v4, $0x14  }
0x3d8: {  	v5 =	vand.u32 $0x3FF, v5  }
0x3d9: {  	(xrf1) =	vunique.msk.u32 $0xffff, v5;
	_ =	sdelay $0x9  }
0x3da: {  	v6 =	vld.idx.msk [tilespmem:v5+s11+$0x0], $0xffff;
	_ =	sdelay $0x3  }
0x3db: {  	_, v7, vm0 =	vpop (xrf1)  }
0x3dc: {  	v6 =	vadd.s32 v7, v6  }
0x3dd: {  	v6 =	vadd.s32 $0xFFFFFFFF, v6  }
0x3de: {  	v8 =	vld [tilespmem:s0+$0xFFFFFFF0];
	_ =	sdelay $0x3  }
0x3df: {  	[tilespmem:v6+s12+$0x0] =	vst.idx.msk $0xffff, v4  }
0x3e0: {  	[tilespmem:v6+s13+$0x0] =	vst.idx.msk $0xffff, v8  }
0x3e1: {  	[tilespmem:v5+s11+$0x0] =	vst.idx.add.s32.msk vm0, v7  }
0x3e2: {  	v4 =	vld [tilespmem:s1+$0x0];
	_ =	sdelay $0x4  }
0x3e3: {  	v5 =	vshrl.u32 v4, $0x14  }
0x3e4: {  	v5 =	vand.u32 $0x3FF, v5  }
0x3e5: {  	(xrf1) =	vunique.msk.u32 $0xffff, v5;
	_ =	sdelay $0x9  }
0x3e6: {  	v6 =	vld.idx.msk [tilespmem:v5+s11+$0x0], $0xffff;
	_ =	sdelay $0x3  }
0x3e7: {  	_, v7, vm0 =	vpop (xrf1)  }
0x3e8: {  	v6 =	vadd.s32 v7, v6  }
0x3e9: {  	v6 =	vadd.s32 $0xFFFFFFFF, v6  }
0x3ea: {  	v8 =	vld [tilespmem:s0+$0x0];
	_ =	sdelay $0x3  }
0x3eb: {  	[tilespmem:v6+s12+$0x0] =	vst.idx.msk $0xffff, v4  }
0x3ec: {  	[tilespmem:v6+s13+$0x0] =	vst.idx.msk $0xffff, v8  }
0x3ed: {  	[tilespmem:v5+s11+$0x0] =	vst.idx.add.s32.msk vm0, v7  }
0x3ee: {  	v4 =	vld [tilespmem:s1+$0x10];
	_ =	sdelay $0x4  }
0x3ef: {  	v5 =	vshrl.u32 v4, $0x14  }
0x3f0: {  	v5 =	vand.u32 $0x3FF, v5  }
0x3f1: {  	(xrf1) =	vunique.msk.u32 $0xffff, v5;
	_ =	sdelay $0x9  }
0x3f2: {  	v6 =	vld.idx.msk [tilespmem:v5+s11+$0x0], $0xffff;
	_ =	sdelay $0x3  }
0x3f3: {  	_, v7, vm0 =	vpop (xrf1)  }
0x3f4: {  	v6 =	vadd.s32 v7, v6  }
0x3f5: {  	v6 =	vadd.s32 $0xFFFFFFFF, v6  }
0x3f6: {  	v8 =	vld [tilespmem:s0+$0x10]  }
0x3f7: {  	p0 =	sne.s32 s16, $0x1  }
.Ltmp32:
0x3f8: {  	_ = 	snop;
	(pc) =	sbr.rel @p0 .LBB2_47-.Ltmp32, $4  }
0x3f9: {  	_ = 	snop  }
0x3fa: {  	[tilespmem:v6+s12+$0x0] =	vst.idx.msk $0xffff, v4  }
0x3fb: {  	[tilespmem:v6+s13+$0x0] =	vst.idx.msk $0xffff, v8  }
0x3fc: {  	s16 =	sadd.s32 $0xFFFFFFFF, s16;
	s0 =	sadd.s32 $0x40, s0;
	s1 =	sadd.s32 $0x40, s1;
	[tilespmem:v5+s11+$0x0] =	vst.idx.add.s32.msk vm0, v7  }
.Ltmp33:
0x3fd: {  	_ = 	snop;
	(pc) =	sbr.rel .LBB2_48-.Ltmp33, $1  }
0x3fe: {  	_ =	sdelay $0x3  }
.LBB2_49:
0x3ff: {  	_ =	sfence.sel $0x180000  }
0x400: {  	[bflag:$0x0] =	sbarrier.arrive $0xFFFF  }
0x401: {  	_ =	strace $0x90000047  }
0x402: {  	s0 =	stileid.u32;
	[bflag:$0x2] =	sbarrier.arrive $0xFFFF  }
0x403: {  	p0 =	sne.s32 s0, $0x0;
	s0 =	rddreg [dreg:$0x2]  }
0x404: {  	s0 =	sadd.s32 @!p0 $0x100000, s0  }
0x405: {  	[sflag:s0] =	ssyncadd.tile.s32 @!p0 $0x1;
	_ =	shalt  }
.Lfunc_end2:
_tile_overlayer_lowered:
.L_overlay_start_2:
0x406: {  	(tag) =	ssettag $0x2  }
0x407: {  	s0 =	rddreg [dreg:$0x0];
	s2 =	stileid.u32  }
0x408: {  	s1 =	rddreg [dreg:$0x1];
	p0 =	sne.s32 s2, $0x0  }
0x409: {  	s3 =	rddreg [dreg:$0x2];
	[bflag:$0x3] =	sbarrier.arrive $0xFFFF;
	s2 =	simm.s32 @!p0 $0x1C01  }
0x40a: {  	[timem:s3], [sflag:s2] =	dma.local @!p0 [hbm:s0], s1  }
0x40b: {  	s0 =	simm.s32 @!p0 $0x1  }
0x40c: {  	_ =	swait.ge @!p0 [sflag:s0], s1  }
0x40d: {  	s1 =	ssub.s32 @!p0 $0x0, s1;
	[sflag:s0] =	ssyncset.done @!p0 $0x0  }
0x40e: {  	[sflag:s0] =	ssyncadd.s32 @!p0 s1  }
0x40f: {  	[bflag:$0x3] =	sbarrier.arrive $0xFFFF  }
0x410: {  	_ =	shalt  }

</sc_bundles>
